<compile_context>
chip_gen: v7x
topology: tpu7x:2x2x1
jax: 0.10.2.dev20260603
libtpu: 0.0.44.dev20260713+nightly
codegen_flags: <defaults>
</compile_context>

<pallas_src>
import functools

import numpy as np
import jax
import jax.numpy as jnp
from jax import lax
from jax.experimental import pallas as pl
from jax.experimental.pallas import tpu as pltpu
from jax.experimental.pallas import tpu_sc as plsc

_N_POINTS = 524288
_N_LEVELS = 16
_F = 2
_TABLE_SIZE = 1 << 19
_BASE_RES = 16
_SCALE = 1.447269237440378
_PRIMES = (1, 2654435761, 805459861)
_NC, _NS = 2, 16
_NW = _NC * _NS
_PB = 128
_PPT = _N_POINTS // _NW
_NBLK = _PPT // _PB
_NBLK_TOT = _N_POINTS // _PB

_CORNERS = [(i, j, k) for i in (0, 1) for j in (0, 1) for k in (0, 1)]


def _level_params():
    res, mulb, mulc, dense, offs = [], [], [], [], []
    for l in range(_N_LEVELS):
        r = int(np.floor(_BASE_RES * (_SCALE ** l)))
        d = (r + 1) ** 3 <= _TABLE_SIZE
        res.append(float(r))
        if d:
            mulb.append(r + 1)
            mulc.append((r + 1) * (r + 1))
        else:
            mulb.append(int(np.uint32(_PRIMES[1]).view(np.int32)))
            mulc.append(int(np.uint32(_PRIMES[2]).view(np.int32)))
        dense.append(1 if d else 0)
        offs.append(l * _TABLE_SIZE)
    f = lambda a, dt: np.broadcast_to(np.asarray(a, dt)[:, None], (_N_LEVELS, 16)).copy()
    return (f(res, np.float32), f(mulb, np.int32), f(mulc, np.int32),
            f(dense, np.int32), f(offs, np.int32))


_RESF, _MULB, _MULC, _DENSE, _OFFS = _level_params()


def _enc_body(xs_hbm, ys_hbm, zs_hbm, tab_hbm, resf_hbm, mulb_hbm, mulc_hbm,
              dense_hbm, offs_hbm, out_hbm,
              xs_v, ys_v, zs_v, frac_v, idx_v, dst_v, enc_v,
              resf_v, mulb_v, mulc_v, dense_v, offs_v, sem):
    wid = lax.axis_index("c") * _NS + lax.axis_index("s")
    pltpu.sync_copy(resf_hbm, resf_v)
    pltpu.sync_copy(mulb_hbm, mulb_v)
    pltpu.sync_copy(mulc_hbm, mulc_v)
    pltpu.sync_copy(dense_hbm, dense_v)
    pltpu.sync_copy(offs_hbm, offs_v)
    maskv = jnp.full((16,), _TABLE_SIZE - 1, jnp.int32)
    sh16 = jnp.full((16,), 16, jnp.int32)
    mhi = jnp.full((16,), -65536, jnp.int32)

    def block_body(pb, carry):
        base = wid * _PPT + pb * _PB
        pltpu.sync_copy(xs_hbm.at[pl.ds(base, _PB)], xs_v)
        pltpu.sync_copy(ys_hbm.at[pl.ds(base, _PB)], ys_v)
        pltpu.sync_copy(zs_hbm.at[pl.ds(base, _PB)], zs_v)

        def issue_body(l, lcarry):
            resv = resf_v[l]
            bmul = mulb_v[l]
            cmul = mulc_v[l]
            dns = dense_v[l]
            offv = offs_v[l]
            for g in range(_PB // 16):
                sl = pl.ds(g * 16, 16)
                x = (xs_v[sl] + 1.0) * 0.5 * resv
                y = (ys_v[sl] + 1.0) * 0.5 * resv
                z = (zs_v[sl] + 1.0) * 0.5 * resv
                xi = x.astype(jnp.int32)
                yi = y.astype(jnp.int32)
                zi = z.astype(jnp.int32)
                frac_v[3 * l, sl] = x - xi.astype(jnp.float32)
                frac_v[3 * l + 1, sl] = y - yi.astype(jnp.float32)
                frac_v[3 * l + 2, sl] = z - zi.astype(jnp.float32)
                a0, a1 = xi, xi + 1
                b0, b1 = yi * bmul, (yi + 1) * bmul
                c0, c1 = zi * cmul, (zi + 1) * cmul
                for ci, (di, dj, dk) in enumerate(_CORNERS):
                    av = a1 if di else a0
                    bv = b1 if dj else b0
                    cv = c1 if dk else c0
                    h = (av ^ bv ^ cv) & maskv
                    dsum = av + bv + cv
                    idx_v[8 * l + ci, sl] = jnp.where(dns != 0, dsum, h) + offv
            for ci in range(8):
                pltpu.async_copy(tab_hbm.at[idx_v.at[8 * l + ci]],
                                 dst_v.at[8 * l + ci], sem.at[l])
            return lcarry

        lax.fori_loop(0, _N_LEVELS, issue_body, 0)

        def drain_body(l, lcarry):
            for ci in range(8):
                pltpu.make_async_copy(tab_hbm.at[idx_v.at[8 * l + ci]],
                                      dst_v.at[8 * l + ci], sem.at[l]).wait()
            for g in range(_PB // 16):
                sl = pl.ds(g * 16, 16)
                fx = frac_v[3 * l, sl]
                fy = frac_v[3 * l + 1, sl]
                fz = frac_v[3 * l + 2, sl]
                gx = (1.0 - fx, fx)
                gy = (1.0 - fy, fy)
                gz = (1.0 - fz, fz)
                acc0 = jnp.full((16,), 0.0, jnp.float32)
                acc1 = jnp.full((16,), 0.0, jnp.float32)
                for ci, (di, dj, dk) in enumerate(_CORNERS):
                    w = gx[di] * gy[dj] * gz[dk]
                    ab = dst_v[8 * l + ci, sl]
                    f0 = plsc.bitcast(ab << sh16, jnp.float32)
                    f1 = plsc.bitcast(ab & mhi, jnp.float32)
                    acc0 = acc0 + w * f0
                    acc1 = acc1 + w * f1
                enc_v[2 * l, sl] = acc0
                enc_v[2 * l + 1, sl] = acc1
            return lcarry

        lax.fori_loop(0, _N_LEVELS, drain_body, 0)
        pltpu.sync_copy(enc_v, out_hbm.at[wid * _NBLK + pb])
        return carry

    lax.fori_loop(0, _NBLK, block_body, 0)


@functools.lru_cache(maxsize=1)
def _make_encode():
    return pl.kernel(
        _enc_body,
        out_type=jax.ShapeDtypeStruct((_NBLK_TOT, 2 * _N_LEVELS, _PB), jnp.float32),
        mesh=plsc.VectorSubcoreMesh(core_axis_name="c", subcore_axis_name="s",
                                    num_cores=_NC, num_subcores=_NS),
        compiler_params=pltpu.CompilerParams(needs_layout_passes=False),
        scratch_types=[
            pltpu.VMEM((_PB,), jnp.float32),
            pltpu.VMEM((_PB,), jnp.float32),
            pltpu.VMEM((_PB,), jnp.float32),
            pltpu.VMEM((3 * _N_LEVELS, _PB), jnp.float32),
            pltpu.VMEM((8 * _N_LEVELS, _PB), jnp.int32),
            pltpu.VMEM((8 * _N_LEVELS, _PB), jnp.int32),
            pltpu.VMEM((2 * _N_LEVELS, _PB), jnp.float32),
            pltpu.VMEM((_N_LEVELS, 16), jnp.float32),
            pltpu.VMEM((_N_LEVELS, 16), jnp.int32),
            pltpu.VMEM((_N_LEVELS, 16), jnp.int32),
            pltpu.VMEM((_N_LEVELS, 16), jnp.int32),
            pltpu.VMEM((_N_LEVELS, 16), jnp.int32),
            pltpu.SemaphoreType.DMA((_N_LEVELS,)),
        ],
    )


_MLP_BLK = 8


def _mlp_body(enc_ref, w1_ref, w2_ref, out_ref):
    w1 = w1_ref[...]
    w2 = w2_ref[...]
    for j in range(_MLP_BLK):
        e = enc_ref[j]
        h = lax.dot_general(e, w1, (((0,), (0,)), ((), ())),
                            preferred_element_type=jnp.float32)
        h = jnp.maximum(h, 0.0)
        f = lax.dot_general(h, w2, (((1,), (0,)), ((), ())),
                            preferred_element_type=jnp.float32)
        out_ref[j] = 1.0 / (1.0 + jnp.exp(-f))


_mlp = pl.pallas_call(
    _mlp_body,
    grid=(_NBLK_TOT // _MLP_BLK,),
    in_specs=[
        pl.BlockSpec((_MLP_BLK, 2 * _N_LEVELS, _PB), lambda i: (i, 0, 0)),
        pl.BlockSpec((2 * _N_LEVELS, 64), lambda i: (0, 0)),
        pl.BlockSpec((64, 3), lambda i: (0, 0)),
    ],
    out_specs=pl.BlockSpec((_MLP_BLK, _PB, 3), lambda i: (i, 0, 0)),
    out_shape=jax.ShapeDtypeStruct((_NBLK_TOT, _PB, 3), jnp.float32),
)


def kernel(positions, table, W1, W2):
    xs = positions[:, 0]
    ys = positions[:, 1]
    zs = positions[:, 2]
    tab = lax.bitcast_convert_type(table.astype(jnp.bfloat16),
                                   jnp.int32).reshape(_N_LEVELS * _TABLE_SIZE)
    enc = _make_encode()(xs, ys, zs, tab,
                  jnp.asarray(_RESF), jnp.asarray(_MULB), jnp.asarray(_MULC),
                  jnp.asarray(_DENSE), jnp.asarray(_OFFS))
    color = _mlp(enc, W1, W2)
    return color.reshape(_N_POINTS, 3)

# --- scband reference (transcript-rebuilt; emitter-appended) ---
"""Pipeline reference for scband-explicit-material-77738908058081 (READ-ONLY COPY).

The authoritative reference and input builder live on the scoring server;
editing this copy changes nothing except your own understanding.
"""

import jax, jax.numpy as jnp
import numpy as np

N_POINTS = 524288
N_LEVELS = 16
F_PER_LEVEL = 2
LOG2_HASHMAP = 19
TABLE_SIZE = 1 << LOG2_HASHMAP
BASE_RES = 16
PER_LEVEL_SCALE = 1.447269237440378
ENC_DIM = N_LEVELS * F_PER_LEVEL
N_NEURONS = 64
N_OUT = 3
PRIMES = (1, 2654435761, 805459861)
CORNERS = np.array([[i, j, k] for i in (0, 1) for j in (0, 1) for k in (0, 1)], dtype=np.int32)


def _level_res(l):
    return int(np.floor(BASE_RES * (PER_LEVEL_SCALE ** l)))


def _corner_index(coords, res):
    # coords: int32 [..., 3] with values in [0, res]
    if (res + 1) ** 3 <= TABLE_SIZE:
        # dense (non-hashed) level, tcnn-style
        stride = res + 1
        return (coords[..., 0] + coords[..., 1] * stride + coords[..., 2] * stride * stride).astype(jnp.int32)
    c = coords.astype(jnp.uint32)
    h = (c[..., 0] * jnp.uint32(PRIMES[0])) ^ (c[..., 1] * jnp.uint32(PRIMES[1])) ^ (c[..., 2] * jnp.uint32(PRIMES[2]))
    return (h & jnp.uint32(TABLE_SIZE - 1)).astype(jnp.int32)


def _hash_encode(positions, table):
    # positions [N,3] in [0,1]; table [L, T, F]
    outs = []
    for l in range(N_LEVELS):
        res = _level_res(l)
        x = positions * res
        x0 = jnp.floor(x)
        frac = x - x0
        x0i = x0.astype(jnp.int32)
        feat = jnp.zeros((positions.shape[0], F_PER_LEVEL), dtype=positions.dtype)
        for c in CORNERS:
            cj = jnp.asarray(c)[None, :]
            idx = _corner_index(x0i + cj, res)
            w = jnp.prod(jnp.where(cj == 1, frac, 1.0 - frac), axis=-1)
            feat = feat + w[:, None] * jnp.take(table[l], idx, axis=0)
        outs.append(feat)
    return jnp.concatenate(outs, axis=-1)


def _forward(positions, table, W1, W2):
    # contract_to_unisphere (bounded branch): scale from bbox [-1,1]^3 to [0,1]
    p = (positions + 1.0) * 0.5
    enc = _hash_encode(p, table)
    h = jax.nn.relu(enc @ W1)  # VanillaMLP hidden layer, bias-free
    feat = h @ W2              # output layer, 'none' output activation
    color = jax.nn.sigmoid(feat)  # material_activation
    return color


def setup_inputs(seed: int = 0):
    key = jax.random.key(seed)
    k1, k2, k3, k4 = jax.random.split(key, 4)
    positions = jax.random.uniform(k1, (N_POINTS, 3), dtype=jnp.float32, minval=-1.0, maxval=1.0)
    table = jax.random.uniform(k2, (N_LEVELS, TABLE_SIZE, F_PER_LEVEL), dtype=jnp.float32, minval=-1e-4, maxval=1e-4)
    W1 = jax.random.normal(k3, (ENC_DIM, N_NEURONS), dtype=jnp.float32) * np.sqrt(2.0 / ENC_DIM).astype(np.float32)
    W2 = jax.random.normal(k4, (N_NEURONS, N_OUT), dtype=jnp.float32) * np.sqrt(2.0 / N_NEURONS).astype(np.float32)
    return {"positions": positions, "table": table, "W1": W1, "W2": W2}


def reference(positions, table, W1, W2):
    return _forward(positions, table, W1, W2)

if __name__ == "__main__":
    import jax
    _d = setup_inputs()
    print(jax.jit(kernel)(*tuple(_d.values())))

</pallas_src>

<mosaic_0001>
#map = affine_map<(d0, d1) -> (0)>
#map1 = affine_map<(d0, d1) -> (0, 0)>
#map2 = affine_map<(d0, d1) -> (0, 0, 0)>
module attributes {stable_mosaic.version = 14 : i64} {
  func.func @_enc_body(%arg0: i32, %arg1: i32, %arg2: memref<524288xf32, #tpu.memory_space<hbm>>, %arg3: memref<524288xf32, #tpu.memory_space<hbm>>, %arg4: memref<524288xf32, #tpu.memory_space<hbm>>, %arg5: memref<8388608xi32, #tpu.memory_space<hbm>>, %arg6: memref<16x16xf32, #tpu.memory_space<hbm>>, %arg7: memref<16x16xi32, #tpu.memory_space<hbm>>, %arg8: memref<16x16xi32, #tpu.memory_space<hbm>>, %arg9: memref<16x16xi32, #tpu.memory_space<hbm>>, %arg10: memref<16x16xi32, #tpu.memory_space<hbm>>, %arg11: memref<4096x32x128xf32, #tpu.memory_space<hbm>>, %arg12: memref<128xf32, #tpu.memory_space<vmem>>, %arg13: memref<128xf32, #tpu.memory_space<vmem>>, %arg14: memref<128xf32, #tpu.memory_space<vmem>>, %arg15: memref<48x128xf32, #tpu.memory_space<vmem>>, %arg16: memref<128x128xi32, #tpu.memory_space<vmem>>, %arg17: memref<128x128xi32, #tpu.memory_space<vmem>>, %arg18: memref<32x128xf32, #tpu.memory_space<vmem>>, %arg19: memref<16x16xf32, #tpu.memory_space<vmem>>, %arg20: memref<16x16xi32, #tpu.memory_space<vmem>>, %arg21: memref<16x16xi32, #tpu.memory_space<vmem>>, %arg22: memref<16x16xi32, #tpu.memory_space<vmem>>, %arg23: memref<16x16xi32, #tpu.memory_space<vmem>>, %arg24: memref<16x!tpu.dma_semaphore, #tpu.memory_space<semaphore_mem>>) attributes {dimension_semantics = [#tpu.dimension_semantics<core_parallel>, #tpu.dimension_semantics<subcore_parallel>], iteration_bounds = array<i64: 2, 16>, scalar_prefetch = 0 : i64, scratch_operands = 13 : i64, tpu.core_type = #tpu.core_type<sc_vector_subcore>, window_params = [{transform_indices = #map}, {transform_indices = #map}, {transform_indices = #map}, {transform_indices = #map}, {transform_indices = #map1}, {transform_indices = #map1}, {transform_indices = #map1}, {transform_indices = #map1}, {transform_indices = #map1}, {transform_indices = #map2}]} {
    %mul3A = arith.constant 16 : i32
    %mul3A_0 = arith.muli %arg0, %mul3A : i32
    %add3A = arith.addi %mul3A_0, %arg1 : i32
    "tpu.region"() ({
      %run_scoped3A = tpu.sem_alloc : memref<!tpu.dma_semaphore, #tpu.memory_space<semaphore_mem>>
      tpu.enqueue_dma source(%arg6 : memref<16x16xf32, #tpu.memory_space<hbm>>) target(%arg19 : memref<16x16xf32, #tpu.memory_space<vmem>>) target_semaphore(%run_scoped3A : memref<!tpu.dma_semaphore, #tpu.memory_space<semaphore_mem>>)
      tpu.wait_dma2 semaphore(%run_scoped3A : memref<!tpu.dma_semaphore, #tpu.memory_space<semaphore_mem>>) src(%arg6 : memref<16x16xf32, #tpu.memory_space<hbm>>) dst(%arg19 : memref<16x16xf32, #tpu.memory_space<vmem>>)
      tpu.yield
    }) : () -> ()
    "tpu.region"() ({
      %run_scoped3A = tpu.sem_alloc : memref<!tpu.dma_semaphore, #tpu.memory_space<semaphore_mem>>
      tpu.enqueue_dma source(%arg7 : memref<16x16xi32, #tpu.memory_space<hbm>>) target(%arg20 : memref<16x16xi32, #tpu.memory_space<vmem>>) target_semaphore(%run_scoped3A : memref<!tpu.dma_semaphore, #tpu.memory_space<semaphore_mem>>)
      tpu.wait_dma2 semaphore(%run_scoped3A : memref<!tpu.dma_semaphore, #tpu.memory_space<semaphore_mem>>) src(%arg7 : memref<16x16xi32, #tpu.memory_space<hbm>>) dst(%arg20 : memref<16x16xi32, #tpu.memory_space<vmem>>)
      tpu.yield
    }) : () -> ()
    "tpu.region"() ({
      %run_scoped3A = tpu.sem_alloc : memref<!tpu.dma_semaphore, #tpu.memory_space<semaphore_mem>>
      tpu.enqueue_dma source(%arg8 : memref<16x16xi32, #tpu.memory_space<hbm>>) target(%arg21 : memref<16x16xi32, #tpu.memory_space<vmem>>) target_semaphore(%run_scoped3A : memref<!tpu.dma_semaphore, #tpu.memory_space<semaphore_mem>>)
      tpu.wait_dma2 semaphore(%run_scoped3A : memref<!tpu.dma_semaphore, #tpu.memory_space<semaphore_mem>>) src(%arg8 : memref<16x16xi32, #tpu.memory_space<hbm>>) dst(%arg21 : memref<16x16xi32, #tpu.memory_space<vmem>>)
      tpu.yield
    }) : () -> ()
    "tpu.region"() ({
      %run_scoped3A = tpu.sem_alloc : memref<!tpu.dma_semaphore, #tpu.memory_space<semaphore_mem>>
      tpu.enqueue_dma source(%arg9 : memref<16x16xi32, #tpu.memory_space<hbm>>) target(%arg22 : memref<16x16xi32, #tpu.memory_space<vmem>>) target_semaphore(%run_scoped3A : memref<!tpu.dma_semaphore, #tpu.memory_space<semaphore_mem>>)
      tpu.wait_dma2 semaphore(%run_scoped3A : memref<!tpu.dma_semaphore, #tpu.memory_space<semaphore_mem>>) src(%arg9 : memref<16x16xi32, #tpu.memory_space<hbm>>) dst(%arg22 : memref<16x16xi32, #tpu.memory_space<vmem>>)
      tpu.yield
    }) : () -> ()
    "tpu.region"() ({
      %run_scoped3A = tpu.sem_alloc : memref<!tpu.dma_semaphore, #tpu.memory_space<semaphore_mem>>
      tpu.enqueue_dma source(%arg10 : memref<16x16xi32, #tpu.memory_space<hbm>>) target(%arg23 : memref<16x16xi32, #tpu.memory_space<vmem>>) target_semaphore(%run_scoped3A : memref<!tpu.dma_semaphore, #tpu.memory_space<semaphore_mem>>)
      tpu.wait_dma2 semaphore(%run_scoped3A : memref<!tpu.dma_semaphore, #tpu.memory_space<semaphore_mem>>) src(%arg10 : memref<16x16xi32, #tpu.memory_space<hbm>>) dst(%arg23 : memref<16x16xi32, #tpu.memory_space<vmem>>)
      tpu.yield
    }) : () -> ()
    %broadcast_in_dim3A = arith.constant 524287 : i32
    %broadcast_in_dim3A_1 = vector.broadcast %broadcast_in_dim3A : i32 to vector<16xi32>
    %broadcast_in_dim3A_2 = arith.constant 16 : i32
    %broadcast_in_dim3A_3 = vector.broadcast %broadcast_in_dim3A_2 : i32 to vector<16xi32>
    %broadcast_in_dim3A_4 = arith.constant -65536 : i32
    %broadcast_in_dim3A_5 = vector.broadcast %broadcast_in_dim3A_4 : i32 to vector<16xi32>
    %scan3A = arith.constant 0 : i32
    %scan3A_6 = arith.constant 0 : i32
    %scan3A_7 = arith.constant 128 : i32
    %scan3A_8 = arith.addi %scan3A_6, %scan3A_7 : i32
    %scan3A_9 = arith.constant 1 : i32
    scf.for %scan3A_11 = %scan3A_6 to %scan3A_8 step %scan3A_9  : i32 {
      %mul3A_12 = arith.constant 16384 : i32
      %mul3A_13 = arith.muli %add3A, %mul3A_12 : i32
      %mul3A_14 = arith.constant 128 : i32
      %mul3A_15 = arith.muli %scan3A_11, %mul3A_14 : i32
      %add3A_16 = arith.addi %mul3A_13, %mul3A_15 : i32
      "tpu.region"() ({
        %run_scoped3A = tpu.sem_alloc : memref<!tpu.dma_semaphore, #tpu.memory_space<semaphore_mem>>
        %dma_start3A = tpu.memref_slice %arg2[%add3A_16] : memref<524288xf32, #tpu.memory_space<hbm>> -> memref<128xf32, #tpu.memory_space<hbm>>
        %dma_start3A_32 = tpu.memref_slice %arg2[%add3A_16] : memref<524288xf32, #tpu.memory_space<hbm>> -> memref<128xf32, #tpu.memory_space<hbm>>
        tpu.enqueue_dma source(%dma_start3A_32 : memref<128xf32, #tpu.memory_space<hbm>>) target(%arg12 : memref<128xf32, #tpu.memory_space<vmem>>) target_semaphore(%run_scoped3A : memref<!tpu.dma_semaphore, #tpu.memory_space<semaphore_mem>>)
        %dma_wait3A = tpu.memref_slice %arg2[%add3A_16] : memref<524288xf32, #tpu.memory_space<hbm>> -> memref<128xf32, #tpu.memory_space<hbm>>
        %dma_wait3A_33 = tpu.memref_slice %arg2[%add3A_16] : memref<524288xf32, #tpu.memory_space<hbm>> -> memref<128xf32, #tpu.memory_space<hbm>>
        tpu.wait_dma2 semaphore(%run_scoped3A : memref<!tpu.dma_semaphore, #tpu.memory_space<semaphore_mem>>) src(%dma_wait3A_33 : memref<128xf32, #tpu.memory_space<hbm>>) dst(%arg12 : memref<128xf32, #tpu.memory_space<vmem>>)
        tpu.yield
      }) : () -> ()
      "tpu.region"() ({
        %run_scoped3A = tpu.sem_alloc : memref<!tpu.dma_semaphore, #tpu.memory_space<semaphore_mem>>
        %dma_start3A = tpu.memref_slice %arg3[%add3A_16] : memref<524288xf32, #tpu.memory_space<hbm>> -> memref<128xf32, #tpu.memory_space<hbm>>
        %dma_start3A_32 = tpu.memref_slice %arg3[%add3A_16] : memref<524288xf32, #tpu.memory_space<hbm>> -> memref<128xf32, #tpu.memory_space<hbm>>
        tpu.enqueue_dma source(%dma_start3A_32 : memref<128xf32, #tpu.memory_space<hbm>>) target(%arg13 : memref<128xf32, #tpu.memory_space<vmem>>) target_semaphore(%run_scoped3A : memref<!tpu.dma_semaphore, #tpu.memory_space<semaphore_mem>>)
        %dma_wait3A = tpu.memref_slice %arg3[%add3A_16] : memref<524288xf32, #tpu.memory_space<hbm>> -> memref<128xf32, #tpu.memory_space<hbm>>
        %dma_wait3A_33 = tpu.memref_slice %arg3[%add3A_16] : memref<524288xf32, #tpu.memory_space<hbm>> -> memref<128xf32, #tpu.memory_space<hbm>>
        tpu.wait_dma2 semaphore(%run_scoped3A : memref<!tpu.dma_semaphore, #tpu.memory_space<semaphore_mem>>) src(%dma_wait3A_33 : memref<128xf32, #tpu.memory_space<hbm>>) dst(%arg13 : memref<128xf32, #tpu.memory_space<vmem>>)
        tpu.yield
      }) : () -> ()
      "tpu.region"() ({
        %run_scoped3A = tpu.sem_alloc : memref<!tpu.dma_semaphore, #tpu.memory_space<semaphore_mem>>
        %dma_start3A = tpu.memref_slice %arg4[%add3A_16] : memref<524288xf32, #tpu.memory_space<hbm>> -> memref<128xf32, #tpu.memory_space<hbm>>
        %dma_start3A_32 = tpu.memref_slice %arg4[%add3A_16] : memref<524288xf32, #tpu.memory_space<hbm>> -> memref<128xf32, #tpu.memory_space<hbm>>
        tpu.enqueue_dma source(%dma_start3A_32 : memref<128xf32, #tpu.memory_space<hbm>>) target(%arg14 : memref<128xf32, #tpu.memory_space<vmem>>) target_semaphore(%run_scoped3A : memref<!tpu.dma_semaphore, #tpu.memory_space<semaphore_mem>>)
        %dma_wait3A = tpu.memref_slice %arg4[%add3A_16] : memref<524288xf32, #tpu.memory_space<hbm>> -> memref<128xf32, #tpu.memory_space<hbm>>
        %dma_wait3A_33 = tpu.memref_slice %arg4[%add3A_16] : memref<524288xf32, #tpu.memory_space<hbm>> -> memref<128xf32, #tpu.memory_space<hbm>>
        tpu.wait_dma2 semaphore(%run_scoped3A : memref<!tpu.dma_semaphore, #tpu.memory_space<semaphore_mem>>) src(%dma_wait3A_33 : memref<128xf32, #tpu.memory_space<hbm>>) dst(%arg14 : memref<128xf32, #tpu.memory_space<vmem>>)
        tpu.yield
      }) : () -> ()
      %scan3A_17 = arith.constant 0 : i32
      %scan3A_18 = arith.constant 0 : i32
      %scan3A_19 = arith.constant 16 : i32
      %scan3A_20 = arith.addi %scan3A_18, %scan3A_19 : i32
      %scan3A_21 = arith.constant 1 : i32
      scf.for %scan3A_32 = %scan3A_18 to %scan3A_20 step %scan3A_21  : i32 {
        %get3A = arith.index_cast %scan3A_32 : i32 to index
        %get3A_33 = arith.constant 0 : index
        %get3A_34 = tpu.vector_load %arg19[%get3A, %get3A_33] {strides = array<i32>} : memref<16x16xf32, #tpu.memory_space<vmem>>, vector<16xf32>,
        %get3A_35 = arith.index_cast %scan3A_32 : i32 to index
        %get3A_36 = arith.constant 0 : index
        %get3A_37 = tpu.vector_load %arg20[%get3A_35, %get3A_36] {strides = array<i32>} : memref<16x16xi32, #tpu.memory_space<vmem>>, vector<16xi32>,
        %get3A_38 = arith.index_cast %scan3A_32 : i32 to index
        %get3A_39 = arith.constant 0 : index
        %get3A_40 = tpu.vector_load %arg21[%get3A_38, %get3A_39] {strides = array<i32>} : memref<16x16xi32, #tpu.memory_space<vmem>>, vector<16xi32>,
        %get3A_41 = arith.index_cast %scan3A_32 : i32 to index
        %get3A_42 = arith.constant 0 : index
        %get3A_43 = tpu.vector_load %arg22[%get3A_41, %get3A_42] {strides = array<i32>} : memref<16x16xi32, #tpu.memory_space<vmem>>, vector<16xi32>,
        %get3A_44 = arith.index_cast %scan3A_32 : i32 to index
        %get3A_45 = arith.constant 0 : index
        %get3A_46 = tpu.vector_load %arg23[%get3A_44, %get3A_45] {strides = array<i32>} : memref<16x16xi32, #tpu.memory_space<vmem>>, vector<16xi32>,
        %get3A_47 = arith.constant 0 : index
        %get3A_48 = tpu.vector_load %arg12[%get3A_47] {strides = array<i32>} : memref<128xf32, #tpu.memory_space<vmem>>, vector<16xf32>,
        %add3A_49 = arith.constant 1.000000e+00 : f32
        %add3A_50 = vector.broadcast %add3A_49 : f32 to vector<16xf32>
        %add3A_51 = arith.addf %get3A_48, %add3A_50 : vector<16xf32>
        %mul3A_52 = arith.constant 5.000000e-01 : f32
        %mul3A_53 = vector.broadcast %mul3A_52 : f32 to vector<16xf32>
        %mul3A_54 = arith.mulf %add3A_51, %mul3A_53 : vector<16xf32>
        %mul3A_55 = arith.mulf %mul3A_54, %get3A_34 : vector<16xf32>
        %get3A_56 = arith.constant 0 : index
        %get3A_57 = tpu.vector_load %arg13[%get3A_56] {strides = array<i32>} : memref<128xf32, #tpu.memory_space<vmem>>, vector<16xf32>,
        %add3A_58 = arith.constant 1.000000e+00 : f32
        %add3A_59 = vector.broadcast %add3A_58 : f32 to vector<16xf32>
        %add3A_60 = arith.addf %get3A_57, %add3A_59 : vector<16xf32>
        %mul3A_61 = arith.constant 5.000000e-01 : f32
        %mul3A_62 = vector.broadcast %mul3A_61 : f32 to vector<16xf32>
        %mul3A_63 = arith.mulf %add3A_60, %mul3A_62 : vector<16xf32>
        %mul3A_64 = arith.mulf %mul3A_63, %get3A_34 : vector<16xf32>
        %get3A_65 = arith.constant 0 : index
        %get3A_66 = tpu.vector_load %arg14[%get3A_65] {strides = array<i32>} : memref<128xf32, #tpu.memory_space<vmem>>, vector<16xf32>,
        %add3A_67 = arith.constant 1.000000e+00 : f32
        %add3A_68 = vector.broadcast %add3A_67 : f32 to vector<16xf32>
        %add3A_69 = arith.addf %get3A_66, %add3A_68 : vector<16xf32>
        %mul3A_70 = arith.constant 5.000000e-01 : f32
        %mul3A_71 = vector.broadcast %mul3A_70 : f32 to vector<16xf32>
        %mul3A_72 = arith.mulf %add3A_69, %mul3A_71 : vector<16xf32>
        %mul3A_73 = arith.mulf %mul3A_72, %get3A_34 : vector<16xf32>
        %convert_element_type3A = arith.fptosi %mul3A_55 : vector<16xf32> to vector<16xi32>
        %convert_element_type3A_74 = arith.fptosi %mul3A_64 : vector<16xf32> to vector<16xi32>
        %convert_element_type3A_75 = arith.fptosi %mul3A_73 : vector<16xf32> to vector<16xi32>
        %convert_element_type3A_76 = arith.sitofp %convert_element_type3A : vector<16xi32> to vector<16xf32>
        %sub3A = arith.subf %mul3A_55, %convert_element_type3A_76 : vector<16xf32>
        %mul3A_77 = arith.constant 3 : i32
        %mul3A_78 = arith.muli %mul3A_77, %scan3A_32 : i32
        %swap3A = arith.index_cast %mul3A_78 : i32 to index
        %swap3A_79 = arith.constant 0 : index
        %swap3A_80 = tpu.vector_load %arg15[%swap3A, %swap3A_79] {strides = array<i32>} : memref<48x128xf32, #tpu.memory_space<vmem>>, vector<16xf32>,
        tpu.vector_store %arg15[%swap3A, %swap3A_79], %sub3A {strides = array<i32>} : memref<48x128xf32, #tpu.memory_space<vmem>>, vector<16xf32>,
        %convert_element_type3A_81 = arith.sitofp %convert_element_type3A_74 : vector<16xi32> to vector<16xf32>
        %sub3A_82 = arith.subf %mul3A_64, %convert_element_type3A_81 : vector<16xf32>
        %mul3A_83 = arith.constant 3 : i32
        %mul3A_84 = arith.muli %mul3A_83, %scan3A_32 : i32
        %add3A_85 = arith.constant 1 : i32
        %add3A_86 = arith.addi %mul3A_84, %add3A_85 : i32
        %swap3A_87 = arith.index_cast %add3A_86 : i32 to index
        %swap3A_88 = arith.constant 0 : index
        %swap3A_89 = tpu.vector_load %arg15[%swap3A_87, %swap3A_88] {strides = array<i32>} : memref<48x128xf32, #tpu.memory_space<vmem>>, vector<16xf32>,
        tpu.vector_store %arg15[%swap3A_87, %swap3A_88], %sub3A_82 {strides = array<i32>} : memref<48x128xf32, #tpu.memory_space<vmem>>, vector<16xf32>,
        %convert_element_type3A_90 = arith.sitofp %convert_element_type3A_75 : vector<16xi32> to vector<16xf32>
        %sub3A_91 = arith.subf %mul3A_73, %convert_element_type3A_90 : vector<16xf32>
        %mul3A_92 = arith.constant 3 : i32
        %mul3A_93 = arith.muli %mul3A_92, %scan3A_32 : i32
        %add3A_94 = arith.constant 2 : i32
        %add3A_95 = arith.addi %mul3A_93, %add3A_94 : i32
        %swap3A_96 = arith.index_cast %add3A_95 : i32 to index
        %swap3A_97 = arith.constant 0 : index
        %swap3A_98 = tpu.vector_load %arg15[%swap3A_96, %swap3A_97] {strides = array<i32>} : memref<48x128xf32, #tpu.memory_space<vmem>>, vector<16xf32>,
        tpu.vector_store %arg15[%swap3A_96, %swap3A_97], %sub3A_91 {strides = array<i32>} : memref<48x128xf32, #tpu.memory_space<vmem>>, vector<16xf32>,
        %add3A_99 = arith.constant 1 : i32
        %add3A_100 = vector.broadcast %add3A_99 : i32 to vector<16xi32>
        %add3A_101 = arith.addi %convert_element_type3A, %add3A_100 : vector<16xi32>
        %mul3A_102 = arith.muli %convert_element_type3A_74, %get3A_37 : vector<16xi32>
        %add3A_103 = arith.constant 1 : i32
        %add3A_104 = vector.broadcast %add3A_103 : i32 to vector<16xi32>
        %add3A_105 = arith.addi %convert_element_type3A_74, %add3A_104 : vector<16xi32>
        %mul3A_106 = arith.muli %add3A_105, %get3A_37 : vector<16xi32>
        %mul3A_107 = arith.muli %convert_element_type3A_75, %get3A_40 : vector<16xi32>
        %add3A_108 = arith.constant 1 : i32
        %add3A_109 = vector.broadcast %add3A_108 : i32 to vector<16xi32>
        %add3A_110 = arith.addi %convert_element_type3A_75, %add3A_109 : vector<16xi32>
        %mul3A_111 = arith.muli %add3A_110, %get3A_40 : vector<16xi32>
        %xor3A = arith.xori %convert_element_type3A, %mul3A_102 : vector<16xi32>
        %xor3A_112 = arith.xori %xor3A, %mul3A_107 : vector<16xi32>
        %and3A = arith.andi %xor3A_112, %broadcast_in_dim3A_1 : vector<16xi32>
        %add3A_113 = arith.addi %convert_element_type3A, %mul3A_102 : vector<16xi32>
        %add3A_114 = arith.addi %add3A_113, %mul3A_107 : vector<16xi32>
        %ne3A = arith.constant 0 : i32
        %ne3A_115 = vector.broadcast %ne3A : i32 to vector<16xi32>
        %ne3A_116 = arith.cmpi ne, %get3A_43, %ne3A_115 : vector<16xi32>
        %select_n3A = arith.select %ne3A_116, %add3A_114, %and3A : vector<16xi1>, vector<16xi32>
        %add3A_117 = arith.addi %select_n3A, %get3A_46 : vector<16xi32>
        %mul3A_118 = arith.constant 8 : i32
        %mul3A_119 = arith.muli %mul3A_118, %scan3A_32 : i32
        %add3A_120 = arith.constant 0 : i32
        %add3A_121 = arith.addi %mul3A_119, %add3A_120 : i32
        %swap3A_122 = arith.index_cast %add3A_121 : i32 to index
        %swap3A_123 = arith.constant 0 : index
        %swap3A_124 = tpu.vector_load %arg16[%swap3A_122, %swap3A_123] {strides = array<i32>} : memref<128x128xi32, #tpu.memory_space<vmem>>, vector<16xi32>,
        tpu.vector_store %arg16[%swap3A_122, %swap3A_123], %add3A_117 {strides = array<i32>} : memref<128x128xi32, #tpu.memory_space<vmem>>, vector<16xi32>,
        %xor3A_125 = arith.xori %convert_element_type3A, %mul3A_102 : vector<16xi32>
        %xor3A_126 = arith.xori %xor3A_125, %mul3A_111 : vector<16xi32>
        %and3A_127 = arith.andi %xor3A_126, %broadcast_in_dim3A_1 : vector<16xi32>
        %add3A_128 = arith.addi %convert_element_type3A, %mul3A_102 : vector<16xi32>
        %add3A_129 = arith.addi %add3A_128, %mul3A_111 : vector<16xi32>
        %ne3A_130 = arith.constant 0 : i32
        %ne3A_131 = vector.broadcast %ne3A_130 : i32 to vector<16xi32>
        %ne3A_132 = arith.cmpi ne, %get3A_43, %ne3A_131 : vector<16xi32>
        %select_n3A_133 = arith.select %ne3A_132, %add3A_129, %and3A_127 : vector<16xi1>, vector<16xi32>
        %add3A_134 = arith.addi %select_n3A_133, %get3A_46 : vector<16xi32>
        %mul3A_135 = arith.constant 8 : i32
        %mul3A_136 = arith.muli %mul3A_135, %scan3A_32 : i32
        %add3A_137 = arith.constant 1 : i32
        %add3A_138 = arith.addi %mul3A_136, %add3A_137 : i32
        %swap3A_139 = arith.index_cast %add3A_138 : i32 to index
        %swap3A_140 = arith.constant 0 : index
        %swap3A_141 = tpu.vector_load %arg16[%swap3A_139, %swap3A_140] {strides = array<i32>} : memref<128x128xi32, #tpu.memory_space<vmem>>, vector<16xi32>,
        tpu.vector_store %arg16[%swap3A_139, %swap3A_140], %add3A_134 {strides = array<i32>} : memref<128x128xi32, #tpu.memory_space<vmem>>, vector<16xi32>,
        %xor3A_142 = arith.xori %convert_element_type3A, %mul3A_106 : vector<16xi32>
        %xor3A_143 = arith.xori %xor3A_142, %mul3A_107 : vector<16xi32>
        %and3A_144 = arith.andi %xor3A_143, %broadcast_in_dim3A_1 : vector<16xi32>
        %add3A_145 = arith.addi %convert_element_type3A, %mul3A_106 : vector<16xi32>
        %add3A_146 = arith.addi %add3A_145, %mul3A_107 : vector<16xi32>
        %ne3A_147 = arith.constant 0 : i32
        %ne3A_148 = vector.broadcast %ne3A_147 : i32 to vector<16xi32>
        %ne3A_149 = arith.cmpi ne, %get3A_43, %ne3A_148 : vector<16xi32>
        %select_n3A_150 = arith.select %ne3A_149, %add3A_146, %and3A_144 : vector<16xi1>, vector<16xi32>
        %add3A_151 = arith.addi %select_n3A_150, %get3A_46 : vector<16xi32>
        %mul3A_152 = arith.constant 8 : i32
        %mul3A_153 = arith.muli %mul3A_152, %scan3A_32 : i32
        %add3A_154 = arith.constant 2 : i32
        %add3A_155 = arith.addi %mul3A_153, %add3A_154 : i32
        %swap3A_156 = arith.index_cast %add3A_155 : i32 to index
        %swap3A_157 = arith.constant 0 : index
        %swap3A_158 = tpu.vector_load %arg16[%swap3A_156, %swap3A_157] {strides = array<i32>} : memref<128x128xi32, #tpu.memory_space<vmem>>, vector<16xi32>,
        tpu.vector_store %arg16[%swap3A_156, %swap3A_157], %add3A_151 {strides = array<i32>} : memref<128x128xi32, #tpu.memory_space<vmem>>, vector<16xi32>,
        %xor3A_159 = arith.xori %convert_element_type3A, %mul3A_106 : vector<16xi32>
        %xor3A_160 = arith.xori %xor3A_159, %mul3A_111 : vector<16xi32>
        %and3A_161 = arith.andi %xor3A_160, %broadcast_in_dim3A_1 : vector<16xi32>
        %add3A_162 = arith.addi %convert_element_type3A, %mul3A_106 : vector<16xi32>
        %add3A_163 = arith.addi %add3A_162, %mul3A_111 : vector<16xi32>
        %ne3A_164 = arith.constant 0 : i32
        %ne3A_165 = vector.broadcast %ne3A_164 : i32 to vector<16xi32>
        %ne3A_166 = arith.cmpi ne, %get3A_43, %ne3A_165 : vector<16xi32>
        %select_n3A_167 = arith.select %ne3A_166, %add3A_163, %and3A_161 : vector<16xi1>, vector<16xi32>
        %add3A_168 = arith.addi %select_n3A_167, %get3A_46 : vector<16xi32>
        %mul3A_169 = arith.constant 8 : i32
        %mul3A_170 = arith.muli %mul3A_169, %scan3A_32 : i32
        %add3A_171 = arith.constant 3 : i32
        %add3A_172 = arith.addi %mul3A_170, %add3A_171 : i32
        %swap3A_173 = arith.index_cast %add3A_172 : i32 to index
        %swap3A_174 = arith.constant 0 : index
        %swap3A_175 = tpu.vector_load %arg16[%swap3A_173, %swap3A_174] {strides = array<i32>} : memref<128x128xi32, #tpu.memory_space<vmem>>, vector<16xi32>,
        tpu.vector_store %arg16[%swap3A_173, %swap3A_174], %add3A_168 {strides = array<i32>} : memref<128x128xi32, #tpu.memory_space<vmem>>, vector<16xi32>,
        %xor3A_176 = arith.xori %add3A_101, %mul3A_102 : vector<16xi32>
        %xor3A_177 = arith.xori %xor3A_176, %mul3A_107 : vector<16xi32>
        %and3A_178 = arith.andi %xor3A_177, %broadcast_in_dim3A_1 : vector<16xi32>
        %add3A_179 = arith.addi %add3A_101, %mul3A_102 : vector<16xi32>
        %add3A_180 = arith.addi %add3A_179, %mul3A_107 : vector<16xi32>
        %ne3A_181 = arith.constant 0 : i32
        %ne3A_182 = vector.broadcast %ne3A_181 : i32 to vector<16xi32>
        %ne3A_183 = arith.cmpi ne, %get3A_43, %ne3A_182 : vector<16xi32>
        %select_n3A_184 = arith.select %ne3A_183, %add3A_180, %and3A_178 : vector<16xi1>, vector<16xi32>
        %add3A_185 = arith.addi %select_n3A_184, %get3A_46 : vector<16xi32>
        %mul3A_186 = arith.constant 8 : i32
        %mul3A_187 = arith.muli %mul3A_186, %scan3A_32 : i32
        %add3A_188 = arith.constant 4 : i32
        %add3A_189 = arith.addi %mul3A_187, %add3A_188 : i32
        %swap3A_190 = arith.index_cast %add3A_189 : i32 to index
        %swap3A_191 = arith.constant 0 : index
        %swap3A_192 = tpu.vector_load %arg16[%swap3A_190, %swap3A_191] {strides = array<i32>} : memref<128x128xi32, #tpu.memory_space<vmem>>, vector<16xi32>,
        tpu.vector_store %arg16[%swap3A_190, %swap3A_191], %add3A_185 {strides = array<i32>} : memref<128x128xi32, #tpu.memory_space<vmem>>, vector<16xi32>,
        %xor3A_193 = arith.xori %add3A_101, %mul3A_102 : vector<16xi32>
        %xor3A_194 = arith.xori %xor3A_193, %mul3A_111 : vector<16xi32>
        %and3A_195 = arith.andi %xor3A_194, %broadcast_in_dim3A_1 : vector<16xi32>
        %add3A_196 = arith.addi %add3A_101, %mul3A_102 : vector<16xi32>
        %add3A_197 = arith.addi %add3A_196, %mul3A_111 : vector<16xi32>
        %ne3A_198 = arith.constant 0 : i32
        %ne3A_199 = vector.broadcast %ne3A_198 : i32 to vector<16xi32>
        %ne3A_200 = arith.cmpi ne, %get3A_43, %ne3A_199 : vector<16xi32>
        %select_n3A_201 = arith.select %ne3A_200, %add3A_197, %and3A_195 : vector<16xi1>, vector<16xi32>
        %add3A_202 = arith.addi %select_n3A_201, %get3A_46 : vector<16xi32>
        %mul3A_203 = arith.constant 8 : i32
        %mul3A_204 = arith.muli %mul3A_203, %scan3A_32 : i32
        %add3A_205 = arith.constant 5 : i32
        %add3A_206 = arith.addi %mul3A_204, %add3A_205 : i32
        %swap3A_207 = arith.index_cast %add3A_206 : i32 to index
        %swap3A_208 = arith.constant 0 : index
        %swap3A_209 = tpu.vector_load %arg16[%swap3A_207, %swap3A_208] {strides = array<i32>} : memref<128x128xi32, #tpu.memory_space<vmem>>, vector<16xi32>,
        tpu.vector_store %arg16[%swap3A_207, %swap3A_208], %add3A_202 {strides = array<i32>} : memref<128x128xi32, #tpu.memory_space<vmem>>, vector<16xi32>,
        %xor3A_210 = arith.xori %add3A_101, %mul3A_106 : vector<16xi32>
        %xor3A_211 = arith.xori %xor3A_210, %mul3A_107 : vector<16xi32>
        %and3A_212 = arith.andi %xor3A_211, %broadcast_in_dim3A_1 : vector<16xi32>
        %add3A_213 = arith.addi %add3A_101, %mul3A_106 : vector<16xi32>
        %add3A_214 = arith.addi %add3A_213, %mul3A_107 : vector<16xi32>
        %ne3A_215 = arith.constant 0 : i32
        %ne3A_216 = vector.broadcast %ne3A_215 : i32 to vector<16xi32>
        %ne3A_217 = arith.cmpi ne, %get3A_43, %ne3A_216 : vector<16xi32>
        %select_n3A_218 = arith.select %ne3A_217, %add3A_214, %and3A_212 : vector<16xi1>, vector<16xi32>
        %add3A_219 = arith.addi %select_n3A_218, %get3A_46 : vector<16xi32>
        %mul3A_220 = arith.constant 8 : i32
        %mul3A_221 = arith.muli %mul3A_220, %scan3A_32 : i32
        %add3A_222 = arith.constant 6 : i32
        %add3A_223 = arith.addi %mul3A_221, %add3A_222 : i32
        %swap3A_224 = arith.index_cast %add3A_223 : i32 to index
        %swap3A_225 = arith.constant 0 : index
        %swap3A_226 = tpu.vector_load %arg16[%swap3A_224, %swap3A_225] {strides = array<i32>} : memref<128x128xi32, #tpu.memory_space<vmem>>, vector<16xi32>,
        tpu.vector_store %arg16[%swap3A_224, %swap3A_225], %add3A_219 {strides = array<i32>} : memref<128x128xi32, #tpu.memory_space<vmem>>, vector<16xi32>,
        %xor3A_227 = arith.xori %add3A_101, %mul3A_106 : vector<16xi32>
        %xor3A_228 = arith.xori %xor3A_227, %mul3A_111 : vector<16xi32>
        %and3A_229 = arith.andi %xor3A_228, %broadcast_in_dim3A_1 : vector<16xi32>
        %add3A_230 = arith.addi %add3A_101, %mul3A_106 : vector<16xi32>
        %add3A_231 = arith.addi %add3A_230, %mul3A_111 : vector<16xi32>
        %ne3A_232 = arith.constant 0 : i32
        %ne3A_233 = vector.broadcast %ne3A_232 : i32 to vector<16xi32>
        %ne3A_234 = arith.cmpi ne, %get3A_43, %ne3A_233 : vector<16xi32>
        %select_n3A_235 = arith.select %ne3A_234, %add3A_231, %and3A_229 : vector<16xi1>, vector<16xi32>
        %add3A_236 = arith.addi %select_n3A_235, %get3A_46 : vector<16xi32>
        %mul3A_237 = arith.constant 8 : i32
        %mul3A_238 = arith.muli %mul3A_237, %scan3A_32 : i32
        %add3A_239 = arith.constant 7 : i32
        %add3A_240 = arith.addi %mul3A_238, %add3A_239 : i32
        %swap3A_241 = arith.index_cast %add3A_240 : i32 to index
        %swap3A_242 = arith.constant 0 : index
        %swap3A_243 = tpu.vector_load %arg16[%swap3A_241, %swap3A_242] {strides = array<i32>} : memref<128x128xi32, #tpu.memory_space<vmem>>, vector<16xi32>,
        tpu.vector_store %arg16[%swap3A_241, %swap3A_242], %add3A_236 {strides = array<i32>} : memref<128x128xi32, #tpu.memory_space<vmem>>, vector<16xi32>,
        %get3A_244 = arith.constant 16 : index
        %get3A_245 = tpu.vector_load %arg12[%get3A_244] {strides = array<i32>} : memref<128xf32, #tpu.memory_space<vmem>>, vector<16xf32>,
        %add3A_246 = arith.constant 1.000000e+00 : f32
        %add3A_247 = vector.broadcast %add3A_246 : f32 to vector<16xf32>
        %add3A_248 = arith.addf %get3A_245, %add3A_247 : vector<16xf32>
        %mul3A_249 = arith.constant 5.000000e-01 : f32
        %mul3A_250 = vector.broadcast %mul3A_249 : f32 to vector<16xf32>
        %mul3A_251 = arith.mulf %add3A_248, %mul3A_250 : vector<16xf32>
        %mul3A_252 = arith.mulf %mul3A_251, %get3A_34 : vector<16xf32>
        %get3A_253 = arith.constant 16 : index
        %get3A_254 = tpu.vector_load %arg13[%get3A_253] {strides = array<i32>} : memref<128xf32, #tpu.memory_space<vmem>>, vector<16xf32>,
        %add3A_255 = arith.constant 1.000000e+00 : f32
        %add3A_256 = vector.broadcast %add3A_255 : f32 to vector<16xf32>
        %add3A_257 = arith.addf %get3A_254, %add3A_256 : vector<16xf32>
        %mul3A_258 = arith.constant 5.000000e-01 : f32
        %mul3A_259 = vector.broadcast %mul3A_258 : f32 to vector<16xf32>
        %mul3A_260 = arith.mulf %add3A_257, %mul3A_259 : vector<16xf32>
        %mul3A_261 = arith.mulf %mul3A_260, %get3A_34 : vector<16xf32>
        %get3A_262 = arith.constant 16 : index
        %get3A_263 = tpu.vector_load %arg14[%get3A_262] {strides = array<i32>} : memref<128xf32, #tpu.memory_space<vmem>>, vector<16xf32>,
        %add3A_264 = arith.constant 1.000000e+00 : f32
        %add3A_265 = vector.broadcast %add3A_264 : f32 to vector<16xf32>
        %add3A_266 = arith.addf %get3A_263, %add3A_265 : vector<16xf32>
        %mul3A_267 = arith.constant 5.000000e-01 : f32
        %mul3A_268 = vector.broadcast %mul3A_267 : f32 to vector<16xf32>
        %mul3A_269 = arith.mulf %add3A_266, %mul3A_268 : vector<16xf32>
        %mul3A_270 = arith.mulf %mul3A_269, %get3A_34 : vector<16xf32>
        %convert_element_type3A_271 = arith.fptosi %mul3A_252 : vector<16xf32> to vector<16xi32>
        %convert_element_type3A_272 = arith.fptosi %mul3A_261 : vector<16xf32> to vector<16xi32>
        %convert_element_type3A_273 = arith.fptosi %mul3A_270 : vector<16xf32> to vector<16xi32>
        %convert_element_type3A_274 = arith.sitofp %convert_element_type3A_271 : vector<16xi32> to vector<16xf32>
        %sub3A_275 = arith.subf %mul3A_252, %convert_element_type3A_274 : vector<16xf32>
        %mul3A_276 = arith.constant 3 : i32
        %mul3A_277 = arith.muli %mul3A_276, %scan3A_32 : i32
        %swap3A_278 = arith.index_cast %mul3A_277 : i32 to index
        %swap3A_279 = arith.constant 16 : index
        %swap3A_280 = tpu.vector_load %arg15[%swap3A_278, %swap3A_279] {strides = array<i32>} : memref<48x128xf32, #tpu.memory_space<vmem>>, vector<16xf32>,
        tpu.vector_store %arg15[%swap3A_278, %swap3A_279], %sub3A_275 {strides = array<i32>} : memref<48x128xf32, #tpu.memory_space<vmem>>, vector<16xf32>,
        %convert_element_type3A_281 = arith.sitofp %convert_element_type3A_272 : vector<16xi32> to vector<16xf32>
        %sub3A_282 = arith.subf %mul3A_261, %convert_element_type3A_281 : vector<16xf32>
        %mul3A_283 = arith.constant 3 : i32
        %mul3A_284 = arith.muli %mul3A_283, %scan3A_32 : i32
        %add3A_285 = arith.constant 1 : i32
        %add3A_286 = arith.addi %mul3A_284, %add3A_285 : i32
        %swap3A_287 = arith.index_cast %add3A_286 : i32 to index
        %swap3A_288 = arith.constant 16 : index
        %swap3A_289 = tpu.vector_load %arg15[%swap3A_287, %swap3A_288] {strides = array<i32>} : memref<48x128xf32, #tpu.memory_space<vmem>>, vector<16xf32>,
        tpu.vector_store %arg15[%swap3A_287, %swap3A_288], %sub3A_282 {strides = array<i32>} : memref<48x128xf32, #tpu.memory_space<vmem>>, vector<16xf32>,
        %convert_element_type3A_290 = arith.sitofp %convert_element_type3A_273 : vector<16xi32> to vector<16xf32>
        %sub3A_291 = arith.subf %mul3A_270, %convert_element_type3A_290 : vector<16xf32>
        %mul3A_292 = arith.constant 3 : i32
        %mul3A_293 = arith.muli %mul3A_292, %scan3A_32 : i32
        %add3A_294 = arith.constant 2 : i32
        %add3A_295 = arith.addi %mul3A_293, %add3A_294 : i32
        %swap3A_296 = arith.index_cast %add3A_295 : i32 to index
        %swap3A_297 = arith.constant 16 : index
        %swap3A_298 = tpu.vector_load %arg15[%swap3A_296, %swap3A_297] {strides = array<i32>} : memref<48x128xf32, #tpu.memory_space<vmem>>, vector<16xf32>,
        tpu.vector_store %arg15[%swap3A_296, %swap3A_297], %sub3A_291 {strides = array<i32>} : memref<48x128xf32, #tpu.memory_space<vmem>>, vector<16xf32>,
        %add3A_299 = arith.constant 1 : i32
        %add3A_300 = vector.broadcast %add3A_299 : i32 to vector<16xi32>
        %add3A_301 = arith.addi %convert_element_type3A_271, %add3A_300 : vector<16xi32>
        %mul3A_302 = arith.muli %convert_element_type3A_272, %get3A_37 : vector<16xi32>
        %add3A_303 = arith.constant 1 : i32
        %add3A_304 = vector.broadcast %add3A_303 : i32 to vector<16xi32>
        %add3A_305 = arith.addi %convert_element_type3A_272, %add3A_304 : vector<16xi32>
        %mul3A_306 = arith.muli %add3A_305, %get3A_37 : vector<16xi32>
        %mul3A_307 = arith.muli %convert_element_type3A_273, %get3A_40 : vector<16xi32>
        %add3A_308 = arith.constant 1 : i32
        %add3A_309 = vector.broadcast %add3A_308 : i32 to vector<16xi32>
        %add3A_310 = arith.addi %convert_element_type3A_273, %add3A_309 : vector<16xi32>
        %mul3A_311 = arith.muli %add3A_310, %get3A_40 : vector<16xi32>
        %xor3A_312 = arith.xori %convert_element_type3A_271, %mul3A_302 : vector<16xi32>
        %xor3A_313 = arith.xori %xor3A_312, %mul3A_307 : vector<16xi32>
        %and3A_314 = arith.andi %xor3A_313, %broadcast_in_dim3A_1 : vector<16xi32>
        %add3A_315 = arith.addi %convert_element_type3A_271, %mul3A_302 : vector<16xi32>
        %add3A_316 = arith.addi %add3A_315, %mul3A_307 : vector<16xi32>
        %ne3A_317 = arith.constant 0 : i32
        %ne3A_318 = vector.broadcast %ne3A_317 : i32 to vector<16xi32>
        %ne3A_319 = arith.cmpi ne, %get3A_43, %ne3A_318 : vector<16xi32>
        %select_n3A_320 = arith.select %ne3A_319, %add3A_316, %and3A_314 : vector<16xi1>, vector<16xi32>
        %add3A_321 = arith.addi %select_n3A_320, %get3A_46 : vector<16xi32>
        %mul3A_322 = arith.constant 8 : i32
        %mul3A_323 = arith.muli %mul3A_322, %scan3A_32 : i32
        %add3A_324 = arith.constant 0 : i32
        %add3A_325 = arith.addi %mul3A_323, %add3A_324 : i32
        %swap3A_326 = arith.index_cast %add3A_325 : i32 to index
        %swap3A_327 = arith.constant 16 : index
        %swap3A_328 = tpu.vector_load %arg16[%swap3A_326, %swap3A_327] {strides = array<i32>} : memref<128x128xi32, #tpu.memory_space<vmem>>, vector<16xi32>,
        tpu.vector_store %arg16[%swap3A_326, %swap3A_327], %add3A_321 {strides = array<i32>} : memref<128x128xi32, #tpu.memory_space<vmem>>, vector<16xi32>,
        %xor3A_329 = arith.xori %convert_element_type3A_271, %mul3A_302 : vector<16xi32>
        %xor3A_330 = arith.xori %xor3A_329, %mul3A_311 : vector<16xi32>
        %and3A_331 = arith.andi %xor3A_330, %broadcast_in_dim3A_1 : vector<16xi32>
        %add3A_332 = arith.addi %convert_element_type3A_271, %mul3A_302 : vector<16xi32>
        %add3A_333 = arith.addi %add3A_332, %mul3A_311 : vector<16xi32>
        %ne3A_334 = arith.constant 0 : i32
        %ne3A_335 = vector.broadcast %ne3A_334 : i32 to vector<16xi32>
        %ne3A_336 = arith.cmpi ne, %get3A_43, %ne3A_335 : vector<16xi32>
        %select_n3A_337 = arith.select %ne3A_336, %add3A_333, %and3A_331 : vector<16xi1>, vector<16xi32>
        %add3A_338 = arith.addi %select_n3A_337, %get3A_46 : vector<16xi32>
        %mul3A_339 = arith.constant 8 : i32
        %mul3A_340 = arith.muli %mul3A_339, %scan3A_32 : i32
        %add3A_341 = arith.constant 1 : i32
        %add3A_342 = arith.addi %mul3A_340, %add3A_341 : i32
        %swap3A_343 = arith.index_cast %add3A_342 : i32 to index
        %swap3A_344 = arith.constant 16 : index
        %swap3A_345 = tpu.vector_load %arg16[%swap3A_343, %swap3A_344] {strides = array<i32>} : memref<128x128xi32, #tpu.memory_space<vmem>>, vector<16xi32>,
        tpu.vector_store %arg16[%swap3A_343, %swap3A_344], %add3A_338 {strides = array<i32>} : memref<128x128xi32, #tpu.memory_space<vmem>>, vector<16xi32>,
        %xor3A_346 = arith.xori %convert_element_type3A_271, %mul3A_306 : vector<16xi32>
        %xor3A_347 = arith.xori %xor3A_346, %mul3A_307 : vector<16xi32>
        %and3A_348 = arith.andi %xor3A_347, %broadcast_in_dim3A_1 : vector<16xi32>
        %add3A_349 = arith.addi %convert_element_type3A_271, %mul3A_306 : vector<16xi32>
        %add3A_350 = arith.addi %add3A_349, %mul3A_307 : vector<16xi32>
        %ne3A_351 = arith.constant 0 : i32
        %ne3A_352 = vector.broadcast %ne3A_351 : i32 to vector<16xi32>
        %ne3A_353 = arith.cmpi ne, %get3A_43, %ne3A_352 : vector<16xi32>
        %select_n3A_354 = arith.select %ne3A_353, %add3A_350, %and3A_348 : vector<16xi1>, vector<16xi32>
        %add3A_355 = arith.addi %select_n3A_354, %get3A_46 : vector<16xi32>
        %mul3A_356 = arith.constant 8 : i32
        %mul3A_357 = arith.muli %mul3A_356, %scan3A_32 : i32
        %add3A_358 = arith.constant 2 : i32
        %add3A_359 = arith.addi %mul3A_357, %add3A_358 : i32
        %swap3A_360 = arith.index_cast %add3A_359 : i32 to index
        %swap3A_361 = arith.constant 16 : index
        %swap3A_362 = tpu.vector_load %arg16[%swap3A_360, %swap3A_361] {strides = array<i32>} : memref<128x128xi32, #tpu.memory_space<vmem>>, vector<16xi32>,
        tpu.vector_store %arg16[%swap3A_360, %swap3A_361], %add3A_355 {strides = array<i32>} : memref<128x128xi32, #tpu.memory_space<vmem>>, vector<16xi32>,
        %xor3A_363 = arith.xori %convert_element_type3A_271, %mul3A_306 : vector<16xi32>
        %xor3A_364 = arith.xori %xor3A_363, %mul3A_311 : vector<16xi32>
        %and3A_365 = arith.andi %xor3A_364, %broadcast_in_dim3A_1 : vector<16xi32>
        %add3A_366 = arith.addi %convert_element_type3A_271, %mul3A_306 : vector<16xi32>
        %add3A_367 = arith.addi %add3A_366, %mul3A_311 : vector<16xi32>
        %ne3A_368 = arith.constant 0 : i32
        %ne3A_369 = vector.broadcast %ne3A_368 : i32 to vector<16xi32>
        %ne3A_370 = arith.cmpi ne, %get3A_43, %ne3A_369 : vector<16xi32>
        %select_n3A_371 = arith.select %ne3A_370, %add3A_367, %and3A_365 : vector<16xi1>, vector<16xi32>
        %add3A_372 = arith.addi %select_n3A_371, %get3A_46 : vector<16xi32>
        %mul3A_373 = arith.constant 8 : i32
        %mul3A_374 = arith.muli %mul3A_373, %scan3A_32 : i32
        %add3A_375 = arith.constant 3 : i32
        %add3A_376 = arith.addi %mul3A_374, %add3A_375 : i32
        %swap3A_377 = arith.index_cast %add3A_376 : i32 to index
        %swap3A_378 = arith.constant 16 : index
        %swap3A_379 = tpu.vector_load %arg16[%swap3A_377, %swap3A_378] {strides = array<i32>} : memref<128x128xi32, #tpu.memory_space<vmem>>, vector<16xi32>,
        tpu.vector_store %arg16[%swap3A_377, %swap3A_378], %add3A_372 {strides = array<i32>} : memref<128x128xi32, #tpu.memory_space<vmem>>, vector<16xi32>,
        %xor3A_380 = arith.xori %add3A_301, %mul3A_302 : vector<16xi32>
        %xor3A_381 = arith.xori %xor3A_380, %mul3A_307 : vector<16xi32>
        %and3A_382 = arith.andi %xor3A_381, %broadcast_in_dim3A_1 : vector<16xi32>
        %add3A_383 = arith.addi %add3A_301, %mul3A_302 : vector<16xi32>
        %add3A_384 = arith.addi %add3A_383, %mul3A_307 : vector<16xi32>
        %ne3A_385 = arith.constant 0 : i32
        %ne3A_386 = vector.broadcast %ne3A_385 : i32 to vector<16xi32>
        %ne3A_387 = arith.cmpi ne, %get3A_43, %ne3A_386 : vector<16xi32>
        %select_n3A_388 = arith.select %ne3A_387, %add3A_384, %and3A_382 : vector<16xi1>, vector<16xi32>
        %add3A_389 = arith.addi %select_n3A_388, %get3A_46 : vector<16xi32>
        %mul3A_390 = arith.constant 8 : i32
        %mul3A_391 = arith.muli %mul3A_390, %scan3A_32 : i32
        %add3A_392 = arith.constant 4 : i32
        %add3A_393 = arith.addi %mul3A_391, %add3A_392 : i32
        %swap3A_394 = arith.index_cast %add3A_393 : i32 to index
        %swap3A_395 = arith.constant 16 : index
        %swap3A_396 = tpu.vector_load %arg16[%swap3A_394, %swap3A_395] {strides = array<i32>} : memref<128x128xi32, #tpu.memory_space<vmem>>, vector<16xi32>,
        tpu.vector_store %arg16[%swap3A_394, %swap3A_395], %add3A_389 {strides = array<i32>} : memref<128x128xi32, #tpu.memory_space<vmem>>, vector<16xi32>,
        %xor3A_397 = arith.xori %add3A_301, %mul3A_302 : vector<16xi32>
        %xor3A_398 = arith.xori %xor3A_397, %mul3A_311 : vector<16xi32>
        %and3A_399 = arith.andi %xor3A_398, %broadcast_in_dim3A_1 : vector<16xi32>
        %add3A_400 = arith.addi %add3A_301, %mul3A_302 : vector<16xi32>
        %add3A_401 = arith.addi %add3A_400, %mul3A_311 : vector<16xi32>
        %ne3A_402 = arith.constant 0 : i32
        %ne3A_403 = vector.broadcast %ne3A_402 : i32 to vector<16xi32>
        %ne3A_404 = arith.cmpi ne, %get3A_43, %ne3A_403 : vector<16xi32>
        %select_n3A_405 = arith.select %ne3A_404, %add3A_401, %and3A_399 : vector<16xi1>, vector<16xi32>
        %add3A_406 = arith.addi %select_n3A_405, %get3A_46 : vector<16xi32>
        %mul3A_407 = arith.constant 8 : i32
        %mul3A_408 = arith.muli %mul3A_407, %scan3A_32 : i32
        %add3A_409 = arith.constant 5 : i32
        %add3A_410 = arith.addi %mul3A_408, %add3A_409 : i32
        %swap3A_411 = arith.index_cast %add3A_410 : i32 to index
        %swap3A_412 = arith.constant 16 : index
        %swap3A_413 = tpu.vector_load %arg16[%swap3A_411, %swap3A_412] {strides = array<i32>} : memref<128x128xi32, #tpu.memory_space<vmem>>, vector<16xi32>,
        tpu.vector_store %arg16[%swap3A_411, %swap3A_412], %add3A_406 {strides = array<i32>} : memref<128x128xi32, #tpu.memory_space<vmem>>, vector<16xi32>,
        %xor3A_414 = arith.xori %add3A_301, %mul3A_306 : vector<16xi32>
        %xor3A_415 = arith.xori %xor3A_414, %mul3A_307 : vector<16xi32>
        %and3A_416 = arith.andi %xor3A_415, %broadcast_in_dim3A_1 : vector<16xi32>
        %add3A_417 = arith.addi %add3A_301, %mul3A_306 : vector<16xi32>
        %add3A_418 = arith.addi %add3A_417, %mul3A_307 : vector<16xi32>
        %ne3A_419 = arith.constant 0 : i32
        %ne3A_420 = vector.broadcast %ne3A_419 : i32 to vector<16xi32>
        %ne3A_421 = arith.cmpi ne, %get3A_43, %ne3A_420 : vector<16xi32>
        %select_n3A_422 = arith.select %ne3A_421, %add3A_418, %and3A_416 : vector<16xi1>, vector<16xi32>
        %add3A_423 = arith.addi %select_n3A_422, %get3A_46 : vector<16xi32>
        %mul3A_424 = arith.constant 8 : i32
        %mul3A_425 = arith.muli %mul3A_424, %scan3A_32 : i32
        %add3A_426 = arith.constant 6 : i32
        %add3A_427 = arith.addi %mul3A_425, %add3A_426 : i32
        %swap3A_428 = arith.index_cast %add3A_427 : i32 to index
        %swap3A_429 = arith.constant 16 : index
        %swap3A_430 = tpu.vector_load %arg16[%swap3A_428, %swap3A_429] {strides = array<i32>} : memref<128x128xi32, #tpu.memory_space<vmem>>, vector<16xi32>,
        tpu.vector_store %arg16[%swap3A_428, %swap3A_429], %add3A_423 {strides = array<i32>} : memref<128x128xi32, #tpu.memory_space<vmem>>, vector<16xi32>,
        %xor3A_431 = arith.xori %add3A_301, %mul3A_306 : vector<16xi32>
        %xor3A_432 = arith.xori %xor3A_431, %mul3A_311 : vector<16xi32>
        %and3A_433 = arith.andi %xor3A_432, %broadcast_in_dim3A_1 : vector<16xi32>
        %add3A_434 = arith.addi %add3A_301, %mul3A_306 : vector<16xi32>
        %add3A_435 = arith.addi %add3A_434, %mul3A_311 : vector<16xi32>
        %ne3A_436 = arith.constant 0 : i32
        %ne3A_437 = vector.broadcast %ne3A_436 : i32 to vector<16xi32>
        %ne3A_438 = arith.cmpi ne, %get3A_43, %ne3A_437 : vector<16xi32>
        %select_n3A_439 = arith.select %ne3A_438, %add3A_435, %and3A_433 : vector<16xi1>, vector<16xi32>
        %add3A_440 = arith.addi %select_n3A_439, %get3A_46 : vector<16xi32>
        %mul3A_441 = arith.constant 8 : i32
        %mul3A_442 = arith.muli %mul3A_441, %scan3A_32 : i32
        %add3A_443 = arith.constant 7 : i32
        %add3A_444 = arith.addi %mul3A_442, %add3A_443 : i32
        %swap3A_445 = arith.index_cast %add3A_444 : i32 to index
        %swap3A_446 = arith.constant 16 : index
        %swap3A_447 = tpu.vector_load %arg16[%swap3A_445, %swap3A_446] {strides = array<i32>} : memref<128x128xi32, #tpu.memory_space<vmem>>, vector<16xi32>,
        tpu.vector_store %arg16[%swap3A_445, %swap3A_446], %add3A_440 {strides = array<i32>} : memref<128x128xi32, #tpu.memory_space<vmem>>, vector<16xi32>,
        %get3A_448 = arith.constant 32 : index
        %get3A_449 = tpu.vector_load %arg12[%get3A_448] {strides = array<i32>} : memref<128xf32, #tpu.memory_space<vmem>>, vector<16xf32>,
        %add3A_450 = arith.constant 1.000000e+00 : f32
        %add3A_451 = vector.broadcast %add3A_450 : f32 to vector<16xf32>
        %add3A_452 = arith.addf %get3A_449, %add3A_451 : vector<16xf32>
        %mul3A_453 = arith.constant 5.000000e-01 : f32
        %mul3A_454 = vector.broadcast %mul3A_453 : f32 to vector<16xf32>
        %mul3A_455 = arith.mulf %add3A_452, %mul3A_454 : vector<16xf32>
        %mul3A_456 = arith.mulf %mul3A_455, %get3A_34 : vector<16xf32>
        %get3A_457 = arith.constant 32 : index
        %get3A_458 = tpu.vector_load %arg13[%get3A_457] {strides = array<i32>} : memref<128xf32, #tpu.memory_space<vmem>>, vector<16xf32>,
        %add3A_459 = arith.constant 1.000000e+00 : f32
        %add3A_460 = vector.broadcast %add3A_459 : f32 to vector<16xf32>
        %add3A_461 = arith.addf %get3A_458, %add3A_460 : vector<16xf32>
        %mul3A_462 = arith.constant 5.000000e-01 : f32
        %mul3A_463 = vector.broadcast %mul3A_462 : f32 to vector<16xf32>
        %mul3A_464 = arith.mulf %add3A_461, %mul3A_463 : vector<16xf32>
        %mul3A_465 = arith.mulf %mul3A_464, %get3A_34 : vector<16xf32>
        %get3A_466 = arith.constant 32 : index
        %get3A_467 = tpu.vector_load %arg14[%get3A_466] {strides = array<i32>} : memref<128xf32, #tpu.memory_space<vmem>>, vector<16xf32>,
        %add3A_468 = arith.constant 1.000000e+00 : f32
        %add3A_469 = vector.broadcast %add3A_468 : f32 to vector<16xf32>
        %add3A_470 = arith.addf %get3A_467, %add3A_469 : vector<16xf32>
        %mul3A_471 = arith.constant 5.000000e-01 : f32
        %mul3A_472 = vector.broadcast %mul3A_471 : f32 to vector<16xf32>
        %mul3A_473 = arith.mulf %add3A_470, %mul3A_472 : vector<16xf32>
        %mul3A_474 = arith.mulf %mul3A_473, %get3A_34 : vector<16xf32>
        %convert_element_type3A_475 = arith.fptosi %mul3A_456 : vector<16xf32> to vector<16xi32>
        %convert_element_type3A_476 = arith.fptosi %mul3A_465 : vector<16xf32> to vector<16xi32>
        %convert_element_type3A_477 = arith.fptosi %mul3A_474 : vector<16xf32> to vector<16xi32>
        %convert_element_type3A_478 = arith.sitofp %convert_element_type3A_475 : vector<16xi32> to vector<16xf32>
        %sub3A_479 = arith.subf %mul3A_456, %convert_element_type3A_478 : vector<16xf32>
        %mul3A_480 = arith.constant 3 : i32
        %mul3A_481 = arith.muli %mul3A_480, %scan3A_32 : i32
        %swap3A_482 = arith.index_cast %mul3A_481 : i32 to index
        %swap3A_483 = arith.constant 32 : index
        %swap3A_484 = tpu.vector_load %arg15[%swap3A_482, %swap3A_483] {strides = array<i32>} : memref<48x128xf32, #tpu.memory_space<vmem>>, vector<16xf32>,
        tpu.vector_store %arg15[%swap3A_482, %swap3A_483], %sub3A_479 {strides = array<i32>} : memref<48x128xf32, #tpu.memory_space<vmem>>, vector<16xf32>,
        %convert_element_type3A_485 = arith.sitofp %convert_element_type3A_476 : vector<16xi32> to vector<16xf32>
        %sub3A_486 = arith.subf %mul3A_465, %convert_element_type3A_485 : vector<16xf32>
        %mul3A_487 = arith.constant 3 : i32
        %mul3A_488 = arith.muli %mul3A_487, %scan3A_32 : i32
        %add3A_489 = arith.constant 1 : i32
        %add3A_490 = arith.addi %mul3A_488, %add3A_489 : i32
        %swap3A_491 = arith.index_cast %add3A_490 : i32 to index
        %swap3A_492 = arith.constant 32 : index
        %swap3A_493 = tpu.vector_load %arg15[%swap3A_491, %swap3A_492] {strides = array<i32>} : memref<48x128xf32, #tpu.memory_space<vmem>>, vector<16xf32>,
        tpu.vector_store %arg15[%swap3A_491, %swap3A_492], %sub3A_486 {strides = array<i32>} : memref<48x128xf32, #tpu.memory_space<vmem>>, vector<16xf32>,
        %convert_element_type3A_494 = arith.sitofp %convert_element_type3A_477 : vector<16xi32> to vector<16xf32>
        %sub3A_495 = arith.subf %mul3A_474, %convert_element_type3A_494 : vector<16xf32>
        %mul3A_496 = arith.constant 3 : i32
        %mul3A_497 = arith.muli %mul3A_496, %scan3A_32 : i32
        %add3A_498 = arith.constant 2 : i32
        %add3A_499 = arith.addi %mul3A_497, %add3A_498 : i32
        %swap3A_500 = arith.index_cast %add3A_499 : i32 to index
        %swap3A_501 = arith.constant 32 : index
        %swap3A_502 = tpu.vector_load %arg15[%swap3A_500, %swap3A_501] {strides = array<i32>} : memref<48x128xf32, #tpu.memory_space<vmem>>, vector<16xf32>,
        tpu.vector_store %arg15[%swap3A_500, %swap3A_501], %sub3A_495 {strides = array<i32>} : memref<48x128xf32, #tpu.memory_space<vmem>>, vector<16xf32>,
        %add3A_503 = arith.constant 1 : i32
        %add3A_504 = vector.broadcast %add3A_503 : i32 to vector<16xi32>
        %add3A_505 = arith.addi %convert_element_type3A_475, %add3A_504 : vector<16xi32>
        %mul3A_506 = arith.muli %convert_element_type3A_476, %get3A_37 : vector<16xi32>
        %add3A_507 = arith.constant 1 : i32
        %add3A_508 = vector.broadcast %add3A_507 : i32 to vector<16xi32>
        %add3A_509 = arith.addi %convert_element_type3A_476, %add3A_508 : vector<16xi32>
        %mul3A_510 = arith.muli %add3A_509, %get3A_37 : vector<16xi32>
        %mul3A_511 = arith.muli %convert_element_type3A_477, %get3A_40 : vector<16xi32>
        %add3A_512 = arith.constant 1 : i32
        %add3A_513 = vector.broadcast %add3A_512 : i32 to vector<16xi32>
        %add3A_514 = arith.addi %convert_element_type3A_477, %add3A_513 : vector<16xi32>
        %mul3A_515 = arith.muli %add3A_514, %get3A_40 : vector<16xi32>
        %xor3A_516 = arith.xori %convert_element_type3A_475, %mul3A_506 : vector<16xi32>
        %xor3A_517 = arith.xori %xor3A_516, %mul3A_511 : vector<16xi32>
        %and3A_518 = arith.andi %xor3A_517, %broadcast_in_dim3A_1 : vector<16xi32>
        %add3A_519 = arith.addi %convert_element_type3A_475, %mul3A_506 : vector<16xi32>
        %add3A_520 = arith.addi %add3A_519, %mul3A_511 : vector<16xi32>
        %ne3A_521 = arith.constant 0 : i32
        %ne3A_522 = vector.broadcast %ne3A_521 : i32 to vector<16xi32>
        %ne3A_523 = arith.cmpi ne, %get3A_43, %ne3A_522 : vector<16xi32>
        %select_n3A_524 = arith.select %ne3A_523, %add3A_520, %and3A_518 : vector<16xi1>, vector<16xi32>
        %add3A_525 = arith.addi %select_n3A_524, %get3A_46 : vector<16xi32>
        %mul3A_526 = arith.constant 8 : i32
        %mul3A_527 = arith.muli %mul3A_526, %scan3A_32 : i32
        %add3A_528 = arith.constant 0 : i32
        %add3A_529 = arith.addi %mul3A_527, %add3A_528 : i32
        %swap3A_530 = arith.index_cast %add3A_529 : i32 to index
        %swap3A_531 = arith.constant 32 : index
        %swap3A_532 = tpu.vector_load %arg16[%swap3A_530, %swap3A_531] {strides = array<i32>} : memref<128x128xi32, #tpu.memory_space<vmem>>, vector<16xi32>,
        tpu.vector_store %arg16[%swap3A_530, %swap3A_531], %add3A_525 {strides = array<i32>} : memref<128x128xi32, #tpu.memory_space<vmem>>, vector<16xi32>,
        %xor3A_533 = arith.xori %convert_element_type3A_475, %mul3A_506 : vector<16xi32>
        %xor3A_534 = arith.xori %xor3A_533, %mul3A_515 : vector<16xi32>
        %and3A_535 = arith.andi %xor3A_534, %broadcast_in_dim3A_1 : vector<16xi32>
        %add3A_536 = arith.addi %convert_element_type3A_475, %mul3A_506 : vector<16xi32>
        %add3A_537 = arith.addi %add3A_536, %mul3A_515 : vector<16xi32>
        %ne3A_538 = arith.constant 0 : i32
        %ne3A_539 = vector.broadcast %ne3A_538 : i32 to vector<16xi32>
        %ne3A_540 = arith.cmpi ne, %get3A_43, %ne3A_539 : vector<16xi32>
        %select_n3A_541 = arith.select %ne3A_540, %add3A_537, %and3A_535 : vector<16xi1>, vector<16xi32>
        %add3A_542 = arith.addi %select_n3A_541, %get3A_46 : vector<16xi32>
        %mul3A_543 = arith.constant 8 : i32
        %mul3A_544 = arith.muli %mul3A_543, %scan3A_32 : i32
        %add3A_545 = arith.constant 1 : i32
        %add3A_546 = arith.addi %mul3A_544, %add3A_545 : i32
        %swap3A_547 = arith.index_cast %add3A_546 : i32 to index
        %swap3A_548 = arith.constant 32 : index
        %swap3A_549 = tpu.vector_load %arg16[%swap3A_547, %swap3A_548] {strides = array<i32>} : memref<128x128xi32, #tpu.memory_space<vmem>>, vector<16xi32>,
        tpu.vector_store %arg16[%swap3A_547, %swap3A_548], %add3A_542 {strides = array<i32>} : memref<128x128xi32, #tpu.memory_space<vmem>>, vector<16xi32>,
        %xor3A_550 = arith.xori %convert_element_type3A_475, %mul3A_510 : vector<16xi32>
        %xor3A_551 = arith.xori %xor3A_550, %mul3A_511 : vector<16xi32>
        %and3A_552 = arith.andi %xor3A_551, %broadcast_in_dim3A_1 : vector<16xi32>
        %add3A_553 = arith.addi %convert_element_type3A_475, %mul3A_510 : vector<16xi32>
        %add3A_554 = arith.addi %add3A_553, %mul3A_511 : vector<16xi32>
        %ne3A_555 = arith.constant 0 : i32
        %ne3A_556 = vector.broadcast %ne3A_555 : i32 to vector<16xi32>
        %ne3A_557 = arith.cmpi ne, %get3A_43, %ne3A_556 : vector<16xi32>
        %select_n3A_558 = arith.select %ne3A_557, %add3A_554, %and3A_552 : vector<16xi1>, vector<16xi32>
        %add3A_559 = arith.addi %select_n3A_558, %get3A_46 : vector<16xi32>
        %mul3A_560 = arith.constant 8 : i32
        %mul3A_561 = arith.muli %mul3A_560, %scan3A_32 : i32
        %add3A_562 = arith.constant 2 : i32
        %add3A_563 = arith.addi %mul3A_561, %add3A_562 : i32
        %swap3A_564 = arith.index_cast %add3A_563 : i32 to index
        %swap3A_565 = arith.constant 32 : index
        %swap3A_566 = tpu.vector_load %arg16[%swap3A_564, %swap3A_565] {strides = array<i32>} : memref<128x128xi32, #tpu.memory_space<vmem>>, vector<16xi32>,
        tpu.vector_store %arg16[%swap3A_564, %swap3A_565], %add3A_559 {strides = array<i32>} : memref<128x128xi32, #tpu.memory_space<vmem>>, vector<16xi32>,
        %xor3A_567 = arith.xori %convert_element_type3A_475, %mul3A_510 : vector<16xi32>
        %xor3A_568 = arith.xori %xor3A_567, %mul3A_515 : vector<16xi32>
        %and3A_569 = arith.andi %xor3A_568, %broadcast_in_dim3A_1 : vector<16xi32>
        %add3A_570 = arith.addi %convert_element_type3A_475, %mul3A_510 : vector<16xi32>
        %add3A_571 = arith.addi %add3A_570, %mul3A_515 : vector<16xi32>
        %ne3A_572 = arith.constant 0 : i32
        %ne3A_573 = vector.broadcast %ne3A_572 : i32 to vector<16xi32>
        %ne3A_574 = arith.cmpi ne, %get3A_43, %ne3A_573 : vector<16xi32>
        %select_n3A_575 = arith.select %ne3A_574, %add3A_571, %and3A_569 : vector<16xi1>, vector<16xi32>
        %add3A_576 = arith.addi %select_n3A_575, %get3A_46 : vector<16xi32>
        %mul3A_577 = arith.constant 8 : i32
        %mul3A_578 = arith.muli %mul3A_577, %scan3A_32 : i32
        %add3A_579 = arith.constant 3 : i32
        %add3A_580 = arith.addi %mul3A_578, %add3A_579 : i32
        %swap3A_581 = arith.index_cast %add3A_580 : i32 to index
        %swap3A_582 = arith.constant 32 : index
        %swap3A_583 = tpu.vector_load %arg16[%swap3A_581, %swap3A_582] {strides = array<i32>} : memref<128x128xi32, #tpu.memory_space<vmem>>, vector<16xi32>,
        tpu.vector_store %arg16[%swap3A_581, %swap3A_582], %add3A_576 {strides = array<i32>} : memref<128x128xi32, #tpu.memory_space<vmem>>, vector<16xi32>,
        %xor3A_584 = arith.xori %add3A_505, %mul3A_506 : vector<16xi32>
        %xor3A_585 = arith.xori %xor3A_584, %mul3A_511 : vector<16xi32>
        %and3A_586 = arith.andi %xor3A_585, %broadcast_in_dim3A_1 : vector<16xi32>
        %add3A_587 = arith.addi %add3A_505, %mul3A_506 : vector<16xi32>
        %add3A_588 = arith.addi %add3A_587, %mul3A_511 : vector<16xi32>
        %ne3A_589 = arith.constant 0 : i32
        %ne3A_590 = vector.broadcast %ne3A_589 : i32 to vector<16xi32>
        %ne3A_591 = arith.cmpi ne, %get3A_43, %ne3A_590 : vector<16xi32>
        %select_n3A_592 = arith.select %ne3A_591, %add3A_588, %and3A_586 : vector<16xi1>, vector<16xi32>
        %add3A_593 = arith.addi %select_n3A_592, %get3A_46 : vector<16xi32>
        %mul3A_594 = arith.constant 8 : i32
        %mul3A_595 = arith.muli %mul3A_594, %scan3A_32 : i32
        %add3A_596 = arith.constant 4 : i32
        %add3A_597 = arith.addi %mul3A_595, %add3A_596 : i32
        %swap3A_598 = arith.index_cast %add3A_597 : i32 to index
        %swap3A_599 = arith.constant 32 : index
        %swap3A_600 = tpu.vector_load %arg16[%swap3A_598, %swap3A_599] {strides = array<i32>} : memref<128x128xi32, #tpu.memory_space<vmem>>, vector<16xi32>,
        tpu.vector_store %arg16[%swap3A_598, %swap3A_599], %add3A_593 {strides = array<i32>} : memref<128x128xi32, #tpu.memory_space<vmem>>, vector<16xi32>,
        %xor3A_601 = arith.xori %add3A_505, %mul3A_506 : vector<16xi32>
        %xor3A_602 = arith.xori %xor3A_601, %mul3A_515 : vector<16xi32>
        %and3A_603 = arith.andi %xor3A_602, %broadcast_in_dim3A_1 : vector<16xi32>
        %add3A_604 = arith.addi %add3A_505, %mul3A_506 : vector<16xi32>
        %add3A_605 = arith.addi %add3A_604, %mul3A_515 : vector<16xi32>
        %ne3A_606 = arith.constant 0 : i32
        %ne3A_607 = vector.broadcast %ne3A_606 : i32 to vector<16xi32>
        %ne3A_608 = arith.cmpi ne, %get3A_43, %ne3A_607 : vector<16xi32>
        %select_n3A_609 = arith.select %ne3A_608, %add3A_605, %and3A_603 : vector<16xi1>, vector<16xi32>
        %add3A_610 = arith.addi %select_n3A_609, %get3A_46 : vector<16xi32>
        %mul3A_611 = arith.constant 8 : i32
        %mul3A_612 = arith.muli %mul3A_611, %scan3A_32 : i32
        %add3A_613 = arith.constant 5 : i32
        %add3A_614 = arith.addi %mul3A_612, %add3A_613 : i32
        %swap3A_615 = arith.index_cast %add3A_614 : i32 to index
        %swap3A_616 = arith.constant 32 : index
        %swap3A_617 = tpu.vector_load %arg16[%swap3A_615, %swap3A_616] {strides = array<i32>} : memref<128x128xi32, #tpu.memory_space<vmem>>, vector<16xi32>,
        tpu.vector_store %arg16[%swap3A_615, %swap3A_616], %add3A_610 {strides = array<i32>} : memref<128x128xi32, #tpu.memory_space<vmem>>, vector<16xi32>,
        %xor3A_618 = arith.xori %add3A_505, %mul3A_510 : vector<16xi32>
        %xor3A_619 = arith.xori %xor3A_618, %mul3A_511 : vector<16xi32>
        %and3A_620 = arith.andi %xor3A_619, %broadcast_in_dim3A_1 : vector<16xi32>
        %add3A_621 = arith.addi %add3A_505, %mul3A_510 : vector<16xi32>
        %add3A_622 = arith.addi %add3A_621, %mul3A_511 : vector<16xi32>
        %ne3A_623 = arith.constant 0 : i32
        %ne3A_624 = vector.broadcast %ne3A_623 : i32 to vector<16xi32>
        %ne3A_625 = arith.cmpi ne, %get3A_43, %ne3A_624 : vector<16xi32>
        %select_n3A_626 = arith.select %ne3A_625, %add3A_622, %and3A_620 : vector<16xi1>, vector<16xi32>
        %add3A_627 = arith.addi %select_n3A_626, %get3A_46 : vector<16xi32>
        %mul3A_628 = arith.constant 8 : i32
        %mul3A_629 = arith.muli %mul3A_628, %scan3A_32 : i32
        %add3A_630 = arith.constant 6 : i32
        %add3A_631 = arith.addi %mul3A_629, %add3A_630 : i32
        %swap3A_632 = arith.index_cast %add3A_631 : i32 to index
        %swap3A_633 = arith.constant 32 : index
        %swap3A_634 = tpu.vector_load %arg16[%swap3A_632, %swap3A_633] {strides = array<i32>} : memref<128x128xi32, #tpu.memory_space<vmem>>, vector<16xi32>,
        tpu.vector_store %arg16[%swap3A_632, %swap3A_633], %add3A_627 {strides = array<i32>} : memref<128x128xi32, #tpu.memory_space<vmem>>, vector<16xi32>,
        %xor3A_635 = arith.xori %add3A_505, %mul3A_510 : vector<16xi32>
        %xor3A_636 = arith.xori %xor3A_635, %mul3A_515 : vector<16xi32>
        %and3A_637 = arith.andi %xor3A_636, %broadcast_in_dim3A_1 : vector<16xi32>
        %add3A_638 = arith.addi %add3A_505, %mul3A_510 : vector<16xi32>
        %add3A_639 = arith.addi %add3A_638, %mul3A_515 : vector<16xi32>
        %ne3A_640 = arith.constant 0 : i32
        %ne3A_641 = vector.broadcast %ne3A_640 : i32 to vector<16xi32>
        %ne3A_642 = arith.cmpi ne, %get3A_43, %ne3A_641 : vector<16xi32>
        %select_n3A_643 = arith.select %ne3A_642, %add3A_639, %and3A_637 : vector<16xi1>, vector<16xi32>
        %add3A_644 = arith.addi %select_n3A_643, %get3A_46 : vector<16xi32>
        %mul3A_645 = arith.constant 8 : i32
        %mul3A_646 = arith.muli %mul3A_645, %scan3A_32 : i32
        %add3A_647 = arith.constant 7 : i32
        %add3A_648 = arith.addi %mul3A_646, %add3A_647 : i32
        %swap3A_649 = arith.index_cast %add3A_648 : i32 to index
        %swap3A_650 = arith.constant 32 : index
        %swap3A_651 = tpu.vector_load %arg16[%swap3A_649, %swap3A_650] {strides = array<i32>} : memref<128x128xi32, #tpu.memory_space<vmem>>, vector<16xi32>,
        tpu.vector_store %arg16[%swap3A_649, %swap3A_650], %add3A_644 {strides = array<i32>} : memref<128x128xi32, #tpu.memory_space<vmem>>, vector<16xi32>,
        %get3A_652 = arith.constant 48 : index
        %get3A_653 = tpu.vector_load %arg12[%get3A_652] {strides = array<i32>} : memref<128xf32, #tpu.memory_space<vmem>>, vector<16xf32>,
        %add3A_654 = arith.constant 1.000000e+00 : f32
        %add3A_655 = vector.broadcast %add3A_654 : f32 to vector<16xf32>
        %add3A_656 = arith.addf %get3A_653, %add3A_655 : vector<16xf32>
        %mul3A_657 = arith.constant 5.000000e-01 : f32
        %mul3A_658 = vector.broadcast %mul3A_657 : f32 to vector<16xf32>
        %mul3A_659 = arith.mulf %add3A_656, %mul3A_658 : vector<16xf32>
        %mul3A_660 = arith.mulf %mul3A_659, %get3A_34 : vector<16xf32>
        %get3A_661 = arith.constant 48 : index
        %get3A_662 = tpu.vector_load %arg13[%get3A_661] {strides = array<i32>} : memref<128xf32, #tpu.memory_space<vmem>>, vector<16xf32>,
        %add3A_663 = arith.constant 1.000000e+00 : f32
        %add3A_664 = vector.broadcast %add3A_663 : f32 to vector<16xf32>
        %add3A_665 = arith.addf %get3A_662, %add3A_664 : vector<16xf32>
        %mul3A_666 = arith.constant 5.000000e-01 : f32
        %mul3A_667 = vector.broadcast %mul3A_666 : f32 to vector<16xf32>
        %mul3A_668 = arith.mulf %add3A_665, %mul3A_667 : vector<16xf32>
        %mul3A_669 = arith.mulf %mul3A_668, %get3A_34 : vector<16xf32>
        %get3A_670 = arith.constant 48 : index
        %get3A_671 = tpu.vector_load %arg14[%get3A_670] {strides = array<i32>} : memref<128xf32, #tpu.memory_space<vmem>>, vector<16xf32>,
        %add3A_672 = arith.constant 1.000000e+00 : f32
        %add3A_673 = vector.broadcast %add3A_672 : f32 to vector<16xf32>
        %add3A_674 = arith.addf %get3A_671, %add3A_673 : vector<16xf32>
        %mul3A_675 = arith.constant 5.000000e-01 : f32
        %mul3A_676 = vector.broadcast %mul3A_675 : f32 to vector<16xf32>
        %mul3A_677 = arith.mulf %add3A_674, %mul3A_676 : vector<16xf32>
        %mul3A_678 = arith.mulf %mul3A_677, %get3A_34 : vector<16xf32>
        %convert_element_type3A_679 = arith.fptosi %mul3A_660 : vector<16xf32> to vector<16xi32>
        %convert_element_type3A_680 = arith.fptosi %mul3A_669 : vector<16xf32> to vector<16xi32>
        %convert_element_type3A_681 = arith.fptosi %mul3A_678 : vector<16xf32> to vector<16xi32>
        %convert_element_type3A_682 = arith.sitofp %convert_element_type3A_679 : vector<16xi32> to vector<16xf32>
        %sub3A_683 = arith.subf %mul3A_660, %convert_element_type3A_682 : vector<16xf32>
        %mul3A_684 = arith.constant 3 : i32
        %mul3A_685 = arith.muli %mul3A_684, %scan3A_32 : i32
        %swap3A_686 = arith.index_cast %mul3A_685 : i32 to index
        %swap3A_687 = arith.constant 48 : index
        %swap3A_688 = tpu.vector_load %arg15[%swap3A_686, %swap3A_687] {strides = array<i32>} : memref<48x128xf32, #tpu.memory_space<vmem>>, vector<16xf32>,
        tpu.vector_store %arg15[%swap3A_686, %swap3A_687], %sub3A_683 {strides = array<i32>} : memref<48x128xf32, #tpu.memory_space<vmem>>, vector<16xf32>,
        %convert_element_type3A_689 = arith.sitofp %convert_element_type3A_680 : vector<16xi32> to vector<16xf32>
        %sub3A_690 = arith.subf %mul3A_669, %convert_element_type3A_689 : vector<16xf32>
        %mul3A_691 = arith.constant 3 : i32
        %mul3A_692 = arith.muli %mul3A_691, %scan3A_32 : i32
        %add3A_693 = arith.constant 1 : i32
        %add3A_694 = arith.addi %mul3A_692, %add3A_693 : i32
        %swap3A_695 = arith.index_cast %add3A_694 : i32 to index
        %swap3A_696 = arith.constant 48 : index
        %swap3A_697 = tpu.vector_load %arg15[%swap3A_695, %swap3A_696] {strides = array<i32>} : memref<48x128xf32, #tpu.memory_space<vmem>>, vector<16xf32>,
        tpu.vector_store %arg15[%swap3A_695, %swap3A_696], %sub3A_690 {strides = array<i32>} : memref<48x128xf32, #tpu.memory_space<vmem>>, vector<16xf32>,
        %convert_element_type3A_698 = arith.sitofp %convert_element_type3A_681 : vector<16xi32> to vector<16xf32>
        %sub3A_699 = arith.subf %mul3A_678, %convert_element_type3A_698 : vector<16xf32>
        %mul3A_700 = arith.constant 3 : i32
        %mul3A_701 = arith.muli %mul3A_700, %scan3A_32 : i32
        %add3A_702 = arith.constant 2 : i32
        %add3A_703 = arith.addi %mul3A_701, %add3A_702 : i32
        %swap3A_704 = arith.index_cast %add3A_703 : i32 to index
        %swap3A_705 = arith.constant 48 : index
        %swap3A_706 = tpu.vector_load %arg15[%swap3A_704, %swap3A_705] {strides = array<i32>} : memref<48x128xf32, #tpu.memory_space<vmem>>, vector<16xf32>,
        tpu.vector_store %arg15[%swap3A_704, %swap3A_705], %sub3A_699 {strides = array<i32>} : memref<48x128xf32, #tpu.memory_space<vmem>>, vector<16xf32>,
        %add3A_707 = arith.constant 1 : i32
        %add3A_708 = vector.broadcast %add3A_707 : i32 to vector<16xi32>
        %add3A_709 = arith.addi %convert_element_type3A_679, %add3A_708 : vector<16xi32>
        %mul3A_710 = arith.muli %convert_element_type3A_680, %get3A_37 : vector<16xi32>
        %add3A_711 = arith.constant 1 : i32
        %add3A_712 = vector.broadcast %add3A_711 : i32 to vector<16xi32>
        %add3A_713 = arith.addi %convert_element_type3A_680, %add3A_712 : vector<16xi32>
        %mul3A_714 = arith.muli %add3A_713, %get3A_37 : vector<16xi32>
        %mul3A_715 = arith.muli %convert_element_type3A_681, %get3A_40 : vector<16xi32>
        %add3A_716 = arith.constant 1 : i32
        %add3A_717 = vector.broadcast %add3A_716 : i32 to vector<16xi32>
        %add3A_718 = arith.addi %convert_element_type3A_681, %add3A_717 : vector<16xi32>
        %mul3A_719 = arith.muli %add3A_718, %get3A_40 : vector<16xi32>
        %xor3A_720 = arith.xori %convert_element_type3A_679, %mul3A_710 : vector<16xi32>
        %xor3A_721 = arith.xori %xor3A_720, %mul3A_715 : vector<16xi32>
        %and3A_722 = arith.andi %xor3A_721, %broadcast_in_dim3A_1 : vector<16xi32>
        %add3A_723 = arith.addi %convert_element_type3A_679, %mul3A_710 : vector<16xi32>
        %add3A_724 = arith.addi %add3A_723, %mul3A_715 : vector<16xi32>
        %ne3A_725 = arith.constant 0 : i32
        %ne3A_726 = vector.broadcast %ne3A_725 : i32 to vector<16xi32>
        %ne3A_727 = arith.cmpi ne, %get3A_43, %ne3A_726 : vector<16xi32>
        %select_n3A_728 = arith.select %ne3A_727, %add3A_724, %and3A_722 : vector<16xi1>, vector<16xi32>
        %add3A_729 = arith.addi %select_n3A_728, %get3A_46 : vector<16xi32>
        %mul3A_730 = arith.constant 8 : i32
        %mul3A_731 = arith.muli %mul3A_730, %scan3A_32 : i32
        %add3A_732 = arith.constant 0 : i32
        %add3A_733 = arith.addi %mul3A_731, %add3A_732 : i32
        %swap3A_734 = arith.index_cast %add3A_733 : i32 to index
        %swap3A_735 = arith.constant 48 : index
        %swap3A_736 = tpu.vector_load %arg16[%swap3A_734, %swap3A_735] {strides = array<i32>} : memref<128x128xi32, #tpu.memory_space<vmem>>, vector<16xi32>,
        tpu.vector_store %arg16[%swap3A_734, %swap3A_735], %add3A_729 {strides = array<i32>} : memref<128x128xi32, #tpu.memory_space<vmem>>, vector<16xi32>,
        %xor3A_737 = arith.xori %convert_element_type3A_679, %mul3A_710 : vector<16xi32>
        %xor3A_738 = arith.xori %xor3A_737, %mul3A_719 : vector<16xi32>
        %and3A_739 = arith.andi %xor3A_738, %broadcast_in_dim3A_1 : vector<16xi32>
        %add3A_740 = arith.addi %convert_element_type3A_679, %mul3A_710 : vector<16xi32>
        %add3A_741 = arith.addi %add3A_740, %mul3A_719 : vector<16xi32>
        %ne3A_742 = arith.constant 0 : i32
        %ne3A_743 = vector.broadcast %ne3A_742 : i32 to vector<16xi32>
        %ne3A_744 = arith.cmpi ne, %get3A_43, %ne3A_743 : vector<16xi32>
        %select_n3A_745 = arith.select %ne3A_744, %add3A_741, %and3A_739 : vector<16xi1>, vector<16xi32>
        %add3A_746 = arith.addi %select_n3A_745, %get3A_46 : vector<16xi32>
        %mul3A_747 = arith.constant 8 : i32
        %mul3A_748 = arith.muli %mul3A_747, %scan3A_32 : i32
        %add3A_749 = arith.constant 1 : i32
        %add3A_750 = arith.addi %mul3A_748, %add3A_749 : i32
        %swap3A_751 = arith.index_cast %add3A_750 : i32 to index
        %swap3A_752 = arith.constant 48 : index
        %swap3A_753 = tpu.vector_load %arg16[%swap3A_751, %swap3A_752] {strides = array<i32>} : memref<128x128xi32, #tpu.memory_space<vmem>>, vector<16xi32>,
        tpu.vector_store %arg16[%swap3A_751, %swap3A_752], %add3A_746 {strides = array<i32>} : memref<128x128xi32, #tpu.memory_space<vmem>>, vector<16xi32>,
        %xor3A_754 = arith.xori %convert_element_type3A_679, %mul3A_714 : vector<16xi32>
        %xor3A_755 = arith.xori %xor3A_754, %mul3A_715 : vector<16xi32>
        %and3A_756 = arith.andi %xor3A_755, %broadcast_in_dim3A_1 : vector<16xi32>
        %add3A_757 = arith.addi %convert_element_type3A_679, %mul3A_714 : vector<16xi32>
        %add3A_758 = arith.addi %add3A_757, %mul3A_715 : vector<16xi32>
        %ne3A_759 = arith.constant 0 : i32
        %ne3A_760 = vector.broadcast %ne3A_759 : i32 to vector<16xi32>
        %ne3A_761 = arith.cmpi ne, %get3A_43, %ne3A_760 : vector<16xi32>
        %select_n3A_762 = arith.select %ne3A_761, %add3A_758, %and3A_756 : vector<16xi1>, vector<16xi32>
        %add3A_763 = arith.addi %select_n3A_762, %get3A_46 : vector<16xi32>
        %mul3A_764 = arith.constant 8 : i32
        %mul3A_765 = arith.muli %mul3A_764, %scan3A_32 : i32
        %add3A_766 = arith.constant 2 : i32
        %add3A_767 = arith.addi %mul3A_765, %add3A_766 : i32
        %swap3A_768 = arith.index_cast %add3A_767 : i32 to index
        %swap3A_769 = arith.constant 48 : index
        %swap3A_770 = tpu.vector_load %arg16[%swap3A_768, %swap3A_769] {strides = array<i32>} : memref<128x128xi32, #tpu.memory_space<vmem>>, vector<16xi32>,
        tpu.vector_store %arg16[%swap3A_768, %swap3A_769], %add3A_763 {strides = array<i32>} : memref<128x128xi32, #tpu.memory_space<vmem>>, vector<16xi32>,
        %xor3A_771 = arith.xori %convert_element_type3A_679, %mul3A_714 : vector<16xi32>
        %xor3A_772 = arith.xori %xor3A_771, %mul3A_719 : vector<16xi32>
        %and3A_773 = arith.andi %xor3A_772, %broadcast_in_dim3A_1 : vector<16xi32>
        %add3A_774 = arith.addi %convert_element_type3A_679, %mul3A_714 : vector<16xi32>
        %add3A_775 = arith.addi %add3A_774, %mul3A_719 : vector<16xi32>
        %ne3A_776 = arith.constant 0 : i32
        %ne3A_777 = vector.broadcast %ne3A_776 : i32 to vector<16xi32>
        %ne3A_778 = arith.cmpi ne, %get3A_43, %ne3A_777 : vector<16xi32>
        %select_n3A_779 = arith.select %ne3A_778, %add3A_775, %and3A_773 : vector<16xi1>, vector<16xi32>
        %add3A_780 = arith.addi %select_n3A_779, %get3A_46 : vector<16xi32>
        %mul3A_781 = arith.constant 8 : i32
        %mul3A_782 = arith.muli %mul3A_781, %scan3A_32 : i32
        %add3A_783 = arith.constant 3 : i32
        %add3A_784 = arith.addi %mul3A_782, %add3A_783 : i32
        %swap3A_785 = arith.index_cast %add3A_784 : i32 to index
        %swap3A_786 = arith.constant 48 : index
        %swap3A_787 = tpu.vector_load %arg16[%swap3A_785, %swap3A_786] {strides = array<i32>} : memref<128x128xi32, #tpu.memory_space<vmem>>, vector<16xi32>,
        tpu.vector_store %arg16[%swap3A_785, %swap3A_786], %add3A_780 {strides = array<i32>} : memref<128x128xi32, #tpu.memory_space<vmem>>, vector<16xi32>,
        %xor3A_788 = arith.xori %add3A_709, %mul3A_710 : vector<16xi32>
        %xor3A_789 = arith.xori %xor3A_788, %mul3A_715 : vector<16xi32>
        %and3A_790 = arith.andi %xor3A_789, %broadcast_in_dim3A_1 : vector<16xi32>
        %add3A_791 = arith.addi %add3A_709, %mul3A_710 : vector<16xi32>
        %add3A_792 = arith.addi %add3A_791, %mul3A_715 : vector<16xi32>
        %ne3A_793 = arith.constant 0 : i32
        %ne3A_794 = vector.broadcast %ne3A_793 : i32 to vector<16xi32>
        %ne3A_795 = arith.cmpi ne, %get3A_43, %ne3A_794 : vector<16xi32>
        %select_n3A_796 = arith.select %ne3A_795, %add3A_792, %and3A_790 : vector<16xi1>, vector<16xi32>
        %add3A_797 = arith.addi %select_n3A_796, %get3A_46 : vector<16xi32>
        %mul3A_798 = arith.constant 8 : i32
        %mul3A_799 = arith.muli %mul3A_798, %scan3A_32 : i32
        %add3A_800 = arith.constant 4 : i32
        %add3A_801 = arith.addi %mul3A_799, %add3A_800 : i32
        %swap3A_802 = arith.index_cast %add3A_801 : i32 to index
        %swap3A_803 = arith.constant 48 : index
        %swap3A_804 = tpu.vector_load %arg16[%swap3A_802, %swap3A_803] {strides = array<i32>} : memref<128x128xi32, #tpu.memory_space<vmem>>, vector<16xi32>,
        tpu.vector_store %arg16[%swap3A_802, %swap3A_803], %add3A_797 {strides = array<i32>} : memref<128x128xi32, #tpu.memory_space<vmem>>, vector<16xi32>,
        %xor3A_805 = arith.xori %add3A_709, %mul3A_710 : vector<16xi32>
        %xor3A_806 = arith.xori %xor3A_805, %mul3A_719 : vector<16xi32>
        %and3A_807 = arith.andi %xor3A_806, %broadcast_in_dim3A_1 : vector<16xi32>
        %add3A_808 = arith.addi %add3A_709, %mul3A_710 : vector<16xi32>
        %add3A_809 = arith.addi %add3A_808, %mul3A_719 : vector<16xi32>
        %ne3A_810 = arith.constant 0 : i32
        %ne3A_811 = vector.broadcast %ne3A_810 : i32 to vector<16xi32>
        %ne3A_812 = arith.cmpi ne, %get3A_43, %ne3A_811 : vector<16xi32>
        %select_n3A_813 = arith.select %ne3A_812, %add3A_809, %and3A_807 : vector<16xi1>, vector<16xi32>
        %add3A_814 = arith.addi %select_n3A_813, %get3A_46 : vector<16xi32>
        %mul3A_815 = arith.constant 8 : i32
        %mul3A_816 = arith.muli %mul3A_815, %scan3A_32 : i32
        %add3A_817 = arith.constant 5 : i32
        %add3A_818 = arith.addi %mul3A_816, %add3A_817 : i32
        %swap3A_819 = arith.index_cast %add3A_818 : i32 to index
        %swap3A_820 = arith.constant 48 : index
        %swap3A_821 = tpu.vector_load %arg16[%swap3A_819, %swap3A_820] {strides = array<i32>} : memref<128x128xi32, #tpu.memory_space<vmem>>, vector<16xi32>,
        tpu.vector_store %arg16[%swap3A_819, %swap3A_820], %add3A_814 {strides = array<i32>} : memref<128x128xi32, #tpu.memory_space<vmem>>, vector<16xi32>,
        %xor3A_822 = arith.xori %add3A_709, %mul3A_714 : vector<16xi32>
        %xor3A_823 = arith.xori %xor3A_822, %mul3A_715 : vector<16xi32>
        %and3A_824 = arith.andi %xor3A_823, %broadcast_in_dim3A_1 : vector<16xi32>
        %add3A_825 = arith.addi %add3A_709, %mul3A_714 : vector<16xi32>
        %add3A_826 = arith.addi %add3A_825, %mul3A_715 : vector<16xi32>
        %ne3A_827 = arith.constant 0 : i32
        %ne3A_828 = vector.broadcast %ne3A_827 : i32 to vector<16xi32>
        %ne3A_829 = arith.cmpi ne, %get3A_43, %ne3A_828 : vector<16xi32>
        %select_n3A_830 = arith.select %ne3A_829, %add3A_826, %and3A_824 : vector<16xi1>, vector<16xi32>
        %add3A_831 = arith.addi %select_n3A_830, %get3A_46 : vector<16xi32>
        %mul3A_832 = arith.constant 8 : i32
        %mul3A_833 = arith.muli %mul3A_832, %scan3A_32 : i32
        %add3A_834 = arith.constant 6 : i32
        %add3A_835 = arith.addi %mul3A_833, %add3A_834 : i32
        %swap3A_836 = arith.index_cast %add3A_835 : i32 to index
        %swap3A_837 = arith.constant 48 : index
        %swap3A_838 = tpu.vector_load %arg16[%swap3A_836, %swap3A_837] {strides = array<i32>} : memref<128x128xi32, #tpu.memory_space<vmem>>, vector<16xi32>,
        tpu.vector_store %arg16[%swap3A_836, %swap3A_837], %add3A_831 {strides = array<i32>} : memref<128x128xi32, #tpu.memory_space<vmem>>, vector<16xi32>,
        %xor3A_839 = arith.xori %add3A_709, %mul3A_714 : vector<16xi32>
        %xor3A_840 = arith.xori %xor3A_839, %mul3A_719 : vector<16xi32>
        %and3A_841 = arith.andi %xor3A_840, %broadcast_in_dim3A_1 : vector<16xi32>
        %add3A_842 = arith.addi %add3A_709, %mul3A_714 : vector<16xi32>
        %add3A_843 = arith.addi %add3A_842, %mul3A_719 : vector<16xi32>
        %ne3A_844 = arith.constant 0 : i32
        %ne3A_845 = vector.broadcast %ne3A_844 : i32 to vector<16xi32>
        %ne3A_846 = arith.cmpi ne, %get3A_43, %ne3A_845 : vector<16xi32>
        %select_n3A_847 = arith.select %ne3A_846, %add3A_843, %and3A_841 : vector<16xi1>, vector<16xi32>
        %add3A_848 = arith.addi %select_n3A_847, %get3A_46 : vector<16xi32>
        %mul3A_849 = arith.constant 8 : i32
        %mul3A_850 = arith.muli %mul3A_849, %scan3A_32 : i32
        %add3A_851 = arith.constant 7 : i32
        %add3A_852 = arith.addi %mul3A_850, %add3A_851 : i32
        %swap3A_853 = arith.index_cast %add3A_852 : i32 to index
        %swap3A_854 = arith.constant 48 : index
        %swap3A_855 = tpu.vector_load %arg16[%swap3A_853, %swap3A_854] {strides = array<i32>} : memref<128x128xi32, #tpu.memory_space<vmem>>, vector<16xi32>,
        tpu.vector_store %arg16[%swap3A_853, %swap3A_854], %add3A_848 {strides = array<i32>} : memref<128x128xi32, #tpu.memory_space<vmem>>, vector<16xi32>,
        %get3A_856 = arith.constant 64 : index
        %get3A_857 = tpu.vector_load %arg12[%get3A_856] {strides = array<i32>} : memref<128xf32, #tpu.memory_space<vmem>>, vector<16xf32>,
        %add3A_858 = arith.constant 1.000000e+00 : f32
        %add3A_859 = vector.broadcast %add3A_858 : f32 to vector<16xf32>
        %add3A_860 = arith.addf %get3A_857, %add3A_859 : vector<16xf32>
        %mul3A_861 = arith.constant 5.000000e-01 : f32
        %mul3A_862 = vector.broadcast %mul3A_861 : f32 to vector<16xf32>
        %mul3A_863 = arith.mulf %add3A_860, %mul3A_862 : vector<16xf32>
        %mul3A_864 = arith.mulf %mul3A_863, %get3A_34 : vector<16xf32>
        %get3A_865 = arith.constant 64 : index
        %get3A_866 = tpu.vector_load %arg13[%get3A_865] {strides = array<i32>} : memref<128xf32, #tpu.memory_space<vmem>>, vector<16xf32>,
        %add3A_867 = arith.constant 1.000000e+00 : f32
        %add3A_868 = vector.broadcast %add3A_867 : f32 to vector<16xf32>
        %add3A_869 = arith.addf %get3A_866, %add3A_868 : vector<16xf32>
        %mul3A_870 = arith.constant 5.000000e-01 : f32
        %mul3A_871 = vector.broadcast %mul3A_870 : f32 to vector<16xf32>
        %mul3A_872 = arith.mulf %add3A_869, %mul3A_871 : vector<16xf32>
        %mul3A_873 = arith.mulf %mul3A_872, %get3A_34 : vector<16xf32>
        %get3A_874 = arith.constant 64 : index
        %get3A_875 = tpu.vector_load %arg14[%get3A_874] {strides = array<i32>} : memref<128xf32, #tpu.memory_space<vmem>>, vector<16xf32>,
        %add3A_876 = arith.constant 1.000000e+00 : f32
        %add3A_877 = vector.broadcast %add3A_876 : f32 to vector<16xf32>
        %add3A_878 = arith.addf %get3A_875, %add3A_877 : vector<16xf32>
        %mul3A_879 = arith.constant 5.000000e-01 : f32
        %mul3A_880 = vector.broadcast %mul3A_879 : f32 to vector<16xf32>
        %mul3A_881 = arith.mulf %add3A_878, %mul3A_880 : vector<16xf32>
        %mul3A_882 = arith.mulf %mul3A_881, %get3A_34 : vector<16xf32>
        %convert_element_type3A_883 = arith.fptosi %mul3A_864 : vector<16xf32> to vector<16xi32>
        %convert_element_type3A_884 = arith.fptosi %mul3A_873 : vector<16xf32> to vector<16xi32>
        %convert_element_type3A_885 = arith.fptosi %mul3A_882 : vector<16xf32> to vector<16xi32>
        %convert_element_type3A_886 = arith.sitofp %convert_element_type3A_883 : vector<16xi32> to vector<16xf32>
        %sub3A_887 = arith.subf %mul3A_864, %convert_element_type3A_886 : vector<16xf32>
        %mul3A_888 = arith.constant 3 : i32
        %mul3A_889 = arith.muli %mul3A_888, %scan3A_32 : i32
        %swap3A_890 = arith.index_cast %mul3A_889 : i32 to index
        %swap3A_891 = arith.constant 64 : index
        %swap3A_892 = tpu.vector_load %arg15[%swap3A_890, %swap3A_891] {strides = array<i32>} : memref<48x128xf32, #tpu.memory_space<vmem>>, vector<16xf32>,
        tpu.vector_store %arg15[%swap3A_890, %swap3A_891], %sub3A_887 {strides = array<i32>} : memref<48x128xf32, #tpu.memory_space<vmem>>, vector<16xf32>,
        %convert_element_type3A_893 = arith.sitofp %convert_element_type3A_884 : vector<16xi32> to vector<16xf32>
        %sub3A_894 = arith.subf %mul3A_873, %convert_element_type3A_893 : vector<16xf32>
        %mul3A_895 = arith.constant 3 : i32
        %mul3A_896 = arith.muli %mul3A_895, %scan3A_32 : i32
        %add3A_897 = arith.constant 1 : i32
        %add3A_898 = arith.addi %mul3A_896, %add3A_897 : i32
        %swap3A_899 = arith.index_cast %add3A_898 : i32 to index
        %swap3A_900 = arith.constant 64 : index
        %swap3A_901 = tpu.vector_load %arg15[%swap3A_899, %swap3A_900] {strides = array<i32>} : memref<48x128xf32, #tpu.memory_space<vmem>>, vector<16xf32>,
        tpu.vector_store %arg15[%swap3A_899, %swap3A_900], %sub3A_894 {strides = array<i32>} : memref<48x128xf32, #tpu.memory_space<vmem>>, vector<16xf32>,
        %convert_element_type3A_902 = arith.sitofp %convert_element_type3A_885 : vector<16xi32> to vector<16xf32>
        %sub3A_903 = arith.subf %mul3A_882, %convert_element_type3A_902 : vector<16xf32>
        %mul3A_904 = arith.constant 3 : i32
        %mul3A_905 = arith.muli %mul3A_904, %scan3A_32 : i32
        %add3A_906 = arith.constant 2 : i32
        %add3A_907 = arith.addi %mul3A_905, %add3A_906 : i32
        %swap3A_908 = arith.index_cast %add3A_907 : i32 to index
        %swap3A_909 = arith.constant 64 : index
        %swap3A_910 = tpu.vector_load %arg15[%swap3A_908, %swap3A_909] {strides = array<i32>} : memref<48x128xf32, #tpu.memory_space<vmem>>, vector<16xf32>,
        tpu.vector_store %arg15[%swap3A_908, %swap3A_909], %sub3A_903 {strides = array<i32>} : memref<48x128xf32, #tpu.memory_space<vmem>>, vector<16xf32>,
        %add3A_911 = arith.constant 1 : i32
        %add3A_912 = vector.broadcast %add3A_911 : i32 to vector<16xi32>
        %add3A_913 = arith.addi %convert_element_type3A_883, %add3A_912 : vector<16xi32>
        %mul3A_914 = arith.muli %convert_element_type3A_884, %get3A_37 : vector<16xi32>
        %add3A_915 = arith.constant 1 : i32
        %add3A_916 = vector.broadcast %add3A_915 : i32 to vector<16xi32>
        %add3A_917 = arith.addi %convert_element_type3A_884, %add3A_916 : vector<16xi32>
        %mul3A_918 = arith.muli %add3A_917, %get3A_37 : vector<16xi32>
        %mul3A_919 = arith.muli %convert_element_type3A_885, %get3A_40 : vector<16xi32>
        %add3A_920 = arith.constant 1 : i32
        %add3A_921 = vector.broadcast %add3A_920 : i32 to vector<16xi32>
        %add3A_922 = arith.addi %convert_element_type3A_885, %add3A_921 : vector<16xi32>
        %mul3A_923 = arith.muli %add3A_922, %get3A_40 : vector<16xi32>
        %xor3A_924 = arith.xori %convert_element_type3A_883, %mul3A_914 : vector<16xi32>
        %xor3A_925 = arith.xori %xor3A_924, %mul3A_919 : vector<16xi32>
        %and3A_926 = arith.andi %xor3A_925, %broadcast_in_dim3A_1 : vector<16xi32>
        %add3A_927 = arith.addi %convert_element_type3A_883, %mul3A_914 : vector<16xi32>
        %add3A_928 = arith.addi %add3A_927, %mul3A_919 : vector<16xi32>
        %ne3A_929 = arith.constant 0 : i32
        %ne3A_930 = vector.broadcast %ne3A_929 : i32 to vector<16xi32>
        %ne3A_931 = arith.cmpi ne, %get3A_43, %ne3A_930 : vector<16xi32>
        %select_n3A_932 = arith.select %ne3A_931, %add3A_928, %and3A_926 : vector<16xi1>, vector<16xi32>
        %add3A_933 = arith.addi %select_n3A_932, %get3A_46 : vector<16xi32>
        %mul3A_934 = arith.constant 8 : i32
        %mul3A_935 = arith.muli %mul3A_934, %scan3A_32 : i32
        %add3A_936 = arith.constant 0 : i32
        %add3A_937 = arith.addi %mul3A_935, %add3A_936 : i32
        %swap3A_938 = arith.index_cast %add3A_937 : i32 to index
        %swap3A_939 = arith.constant 64 : index
        %swap3A_940 = tpu.vector_load %arg16[%swap3A_938, %swap3A_939] {strides = array<i32>} : memref<128x128xi32, #tpu.memory_space<vmem>>, vector<16xi32>,
        tpu.vector_store %arg16[%swap3A_938, %swap3A_939], %add3A_933 {strides = array<i32>} : memref<128x128xi32, #tpu.memory_space<vmem>>, vector<16xi32>,
        %xor3A_941 = arith.xori %convert_element_type3A_883, %mul3A_914 : vector<16xi32>
        %xor3A_942 = arith.xori %xor3A_941, %mul3A_923 : vector<16xi32>
        %and3A_943 = arith.andi %xor3A_942, %broadcast_in_dim3A_1 : vector<16xi32>
        %add3A_944 = arith.addi %convert_element_type3A_883, %mul3A_914 : vector<16xi32>
        %add3A_945 = arith.addi %add3A_944, %mul3A_923 : vector<16xi32>
        %ne3A_946 = arith.constant 0 : i32
        %ne3A_947 = vector.broadcast %ne3A_946 : i32 to vector<16xi32>
        %ne3A_948 = arith.cmpi ne, %get3A_43, %ne3A_947 : vector<16xi32>
        %select_n3A_949 = arith.select %ne3A_948, %add3A_945, %and3A_943 : vector<16xi1>, vector<16xi32>
        %add3A_950 = arith.addi %select_n3A_949, %get3A_46 : vector<16xi32>
        %mul3A_951 = arith.constant 8 : i32
        %mul3A_952 = arith.muli %mul3A_951, %scan3A_32 : i32
        %add3A_953 = arith.constant 1 : i32
        %add3A_954 = arith.addi %mul3A_952, %add3A_953 : i32
        %swap3A_955 = arith.index_cast %add3A_954 : i32 to index
        %swap3A_956 = arith.constant 64 : index
        %swap3A_957 = tpu.vector_load %arg16[%swap3A_955, %swap3A_956] {strides = array<i32>} : memref<128x128xi32, #tpu.memory_space<vmem>>, vector<16xi32>,
        tpu.vector_store %arg16[%swap3A_955, %swap3A_956], %add3A_950 {strides = array<i32>} : memref<128x128xi32, #tpu.memory_space<vmem>>, vector<16xi32>,
        %xor3A_958 = arith.xori %convert_element_type3A_883, %mul3A_918 : vector<16xi32>
        %xor3A_959 = arith.xori %xor3A_958, %mul3A_919 : vector<16xi32>
        %and3A_960 = arith.andi %xor3A_959, %broadcast_in_dim3A_1 : vector<16xi32>
        %add3A_961 = arith.addi %convert_element_type3A_883, %mul3A_918 : vector<16xi32>
        %add3A_962 = arith.addi %add3A_961, %mul3A_919 : vector<16xi32>
        %ne3A_963 = arith.constant 0 : i32
        %ne3A_964 = vector.broadcast %ne3A_963 : i32 to vector<16xi32>
        %ne3A_965 = arith.cmpi ne, %get3A_43, %ne3A_964 : vector<16xi32>
        %select_n3A_966 = arith.select %ne3A_965, %add3A_962, %and3A_960 : vector<16xi1>, vector<16xi32>
        %add3A_967 = arith.addi %select_n3A_966, %get3A_46 : vector<16xi32>
        %mul3A_968 = arith.constant 8 : i32
        %mul3A_969 = arith.muli %mul3A_968, %scan3A_32 : i32
        %add3A_970 = arith.constant 2 : i32
        %add3A_971 = arith.addi %mul3A_969, %add3A_970 : i32
        %swap3A_972 = arith.index_cast %add3A_971 : i32 to index
        %swap3A_973 = arith.constant 64 : index
        %swap3A_974 = tpu.vector_load %arg16[%swap3A_972, %swap3A_973] {strides = array<i32>} : memref<128x128xi32, #tpu.memory_space<vmem>>, vector<16xi32>,
        tpu.vector_store %arg16[%swap3A_972, %swap3A_973], %add3A_967 {strides = array<i32>} : memref<128x128xi32, #tpu.memory_space<vmem>>, vector<16xi32>,
        %xor3A_975 = arith.xori %convert_element_type3A_883, %mul3A_918 : vector<16xi32>
        %xor3A_976 = arith.xori %xor3A_975, %mul3A_923 : vector<16xi32>
        %and3A_977 = arith.andi %xor3A_976, %broadcast_in_dim3A_1 : vector<16xi32>
        %add3A_978 = arith.addi %convert_element_type3A_883, %mul3A_918 : vector<16xi32>
        %add3A_979 = arith.addi %add3A_978, %mul3A_923 : vector<16xi32>
        %ne3A_980 = arith.constant 0 : i32
        %ne3A_981 = vector.broadcast %ne3A_980 : i32 to vector<16xi32>
        %ne3A_982 = arith.cmpi ne, %get3A_43, %ne3A_981 : vector<16xi32>
        %select_n3A_983 = arith.select %ne3A_982, %add3A_979, %and3A_977 : vector<16xi1>, vector<16xi32>
        %add3A_984 = arith.addi %select_n3A_983, %get3A_46 : vector<16xi32>
        %mul3A_985 = arith.constant 8 : i32
        %mul3A_986 = arith.muli %mul3A_985, %scan3A_32 : i32
        %add3A_987 = arith.constant 3 : i32
        %add3A_988 = arith.addi %mul3A_986, %add3A_987 : i32
        %swap3A_989 = arith.index_cast %add3A_988 : i32 to index
        %swap3A_990 = arith.constant 64 : index
        %swap3A_991 = tpu.vector_load %arg16[%swap3A_989, %swap3A_990] {strides = array<i32>} : memref<128x128xi32, #tpu.memory_space<vmem>>, vector<16xi32>,
        tpu.vector_store %arg16[%swap3A_989, %swap3A_990], %add3A_984 {strides = array<i32>} : memref<128x128xi32, #tpu.memory_space<vmem>>, vector<16xi32>,
        %xor3A_992 = arith.xori %add3A_913, %mul3A_914 : vector<16xi32>
        %xor3A_993 = arith.xori %xor3A_992, %mul3A_919 : vector<16xi32>
        %and3A_994 = arith.andi %xor3A_993, %broadcast_in_dim3A_1 : vector<16xi32>
        %add3A_995 = arith.addi %add3A_913, %mul3A_914 : vector<16xi32>
        %add3A_996 = arith.addi %add3A_995, %mul3A_919 : vector<16xi32>
        %ne3A_997 = arith.constant 0 : i32
        %ne3A_998 = vector.broadcast %ne3A_997 : i32 to vector<16xi32>
        %ne3A_999 = arith.cmpi ne, %get3A_43, %ne3A_998 : vector<16xi32>
        %select_n3A_1000 = arith.select %ne3A_999, %add3A_996, %and3A_994 : vector<16xi1>, vector<16xi32>
        %add3A_1001 = arith.addi %select_n3A_1000, %get3A_46 : vector<16xi32>
        %mul3A_1002 = arith.constant 8 : i32
        %mul3A_1003 = arith.muli %mul3A_1002, %scan3A_32 : i32
        %add3A_1004 = arith.constant 4 : i32
        %add3A_1005 = arith.addi %mul3A_1003, %add3A_1004 : i32
        %swap3A_1006 = arith.index_cast %add3A_1005 : i32 to index
        %swap3A_1007 = arith.constant 64 : index
        %swap3A_1008 = tpu.vector_load %arg16[%swap3A_1006, %swap3A_1007] {strides = array<i32>} : memref<128x128xi32, #tpu.memory_space<vmem>>, vector<16xi32>,
        tpu.vector_store %arg16[%swap3A_1006, %swap3A_1007], %add3A_1001 {strides = array<i32>} : memref<128x128xi32, #tpu.memory_space<vmem>>, vector<16xi32>,
        %xor3A_1009 = arith.xori %add3A_913, %mul3A_914 : vector<16xi32>
        %xor3A_1010 = arith.xori %xor3A_1009, %mul3A_923 : vector<16xi32>
        %and3A_1011 = arith.andi %xor3A_1010, %broadcast_in_dim3A_1 : vector<16xi32>
        %add3A_1012 = arith.addi %add3A_913, %mul3A_914 : vector<16xi32>
        %add3A_1013 = arith.addi %add3A_1012, %mul3A_923 : vector<16xi32>
        %ne3A_1014 = arith.constant 0 : i32
        %ne3A_1015 = vector.broadcast %ne3A_1014 : i32 to vector<16xi32>
        %ne3A_1016 = arith.cmpi ne, %get3A_43, %ne3A_1015 : vector<16xi32>
        %select_n3A_1017 = arith.select %ne3A_1016, %add3A_1013, %and3A_1011 : vector<16xi1>, vector<16xi32>
        %add3A_1018 = arith.addi %select_n3A_1017, %get3A_46 : vector<16xi32>
        %mul3A_1019 = arith.constant 8 : i32
        %mul3A_1020 = arith.muli %mul3A_1019, %scan3A_32 : i32
        %add3A_1021 = arith.constant 5 : i32
        %add3A_1022 = arith.addi %mul3A_1020, %add3A_1021 : i32
        %swap3A_1023 = arith.index_cast %add3A_1022 : i32 to index
        %swap3A_1024 = arith.constant 64 : index
        %swap3A_1025 = tpu.vector_load %arg16[%swap3A_1023, %swap3A_1024] {strides = array<i32>} : memref<128x128xi32, #tpu.memory_space<vmem>>, vector<16xi32>,
        tpu.vector_store %arg16[%swap3A_1023, %swap3A_1024], %add3A_1018 {strides = array<i32>} : memref<128x128xi32, #tpu.memory_space<vmem>>, vector<16xi32>,
        %xor3A_1026 = arith.xori %add3A_913, %mul3A_918 : vector<16xi32>
        %xor3A_1027 = arith.xori %xor3A_1026, %mul3A_919 : vector<16xi32>
        %and3A_1028 = arith.andi %xor3A_1027, %broadcast_in_dim3A_1 : vector<16xi32>
        %add3A_1029 = arith.addi %add3A_913, %mul3A_918 : vector<16xi32>
        %add3A_1030 = arith.addi %add3A_1029, %mul3A_919 : vector<16xi32>
        %ne3A_1031 = arith.constant 0 : i32
        %ne3A_1032 = vector.broadcast %ne3A_1031 : i32 to vector<16xi32>
        %ne3A_1033 = arith.cmpi ne, %get3A_43, %ne3A_1032 : vector<16xi32>
        %select_n3A_1034 = arith.select %ne3A_1033, %add3A_1030, %and3A_1028 : vector<16xi1>, vector<16xi32>
        %add3A_1035 = arith.addi %select_n3A_1034, %get3A_46 : vector<16xi32>
        %mul3A_1036 = arith.constant 8 : i32
        %mul3A_1037 = arith.muli %mul3A_1036, %scan3A_32 : i32
        %add3A_1038 = arith.constant 6 : i32
        %add3A_1039 = arith.addi %mul3A_1037, %add3A_1038 : i32
        %swap3A_1040 = arith.index_cast %add3A_1039 : i32 to index
        %swap3A_1041 = arith.constant 64 : index
        %swap3A_1042 = tpu.vector_load %arg16[%swap3A_1040, %swap3A_1041] {strides = array<i32>} : memref<128x128xi32, #tpu.memory_space<vmem>>, vector<16xi32>,
        tpu.vector_store %arg16[%swap3A_1040, %swap3A_1041], %add3A_1035 {strides = array<i32>} : memref<128x128xi32, #tpu.memory_space<vmem>>, vector<16xi32>,
        %xor3A_1043 = arith.xori %add3A_913, %mul3A_918 : vector<16xi32>
        %xor3A_1044 = arith.xori %xor3A_1043, %mul3A_923 : vector<16xi32>
        %and3A_1045 = arith.andi %xor3A_1044, %broadcast_in_dim3A_1 : vector<16xi32>
        %add3A_1046 = arith.addi %add3A_913, %mul3A_918 : vector<16xi32>
        %add3A_1047 = arith.addi %add3A_1046, %mul3A_923 : vector<16xi32>
        %ne3A_1048 = arith.constant 0 : i32
        %ne3A_1049 = vector.broadcast %ne3A_1048 : i32 to vector<16xi32>
        %ne3A_1050 = arith.cmpi ne, %get3A_43, %ne3A_1049 : vector<16xi32>
        %select_n3A_1051 = arith.select %ne3A_1050, %add3A_1047, %and3A_1045 : vector<16xi1>, vector<16xi32>
        %add3A_1052 = arith.addi %select_n3A_1051, %get3A_46 : vector<16xi32>
        %mul3A_1053 = arith.constant 8 : i32
        %mul3A_1054 = arith.muli %mul3A_1053, %scan3A_32 : i32
        %add3A_1055 = arith.constant 7 : i32
        %add3A_1056 = arith.addi %mul3A_1054, %add3A_1055 : i32
        %swap3A_1057 = arith.index_cast %add3A_1056 : i32 to index
        %swap3A_1058 = arith.constant 64 : index
        %swap3A_1059 = tpu.vector_load %arg16[%swap3A_1057, %swap3A_1058] {strides = array<i32>} : memref<128x128xi32, #tpu.memory_space<vmem>>, vector<16xi32>,
        tpu.vector_store %arg16[%swap3A_1057, %swap3A_1058], %add3A_1052 {strides = array<i32>} : memref<128x128xi32, #tpu.memory_space<vmem>>, vector<16xi32>,
        %get3A_1060 = arith.constant 80 : index
        %get3A_1061 = tpu.vector_load %arg12[%get3A_1060] {strides = array<i32>} : memref<128xf32, #tpu.memory_space<vmem>>, vector<16xf32>,
        %add3A_1062 = arith.constant 1.000000e+00 : f32
        %add3A_1063 = vector.broadcast %add3A_1062 : f32 to vector<16xf32>
        %add3A_1064 = arith.addf %get3A_1061, %add3A_1063 : vector<16xf32>
        %mul3A_1065 = arith.constant 5.000000e-01 : f32
        %mul3A_1066 = vector.broadcast %mul3A_1065 : f32 to vector<16xf32>
        %mul3A_1067 = arith.mulf %add3A_1064, %mul3A_1066 : vector<16xf32>
        %mul3A_1068 = arith.mulf %mul3A_1067, %get3A_34 : vector<16xf32>
        %get3A_1069 = arith.constant 80 : index
        %get3A_1070 = tpu.vector_load %arg13[%get3A_1069] {strides = array<i32>} : memref<128xf32, #tpu.memory_space<vmem>>, vector<16xf32>,
        %add3A_1071 = arith.constant 1.000000e+00 : f32
        %add3A_1072 = vector.broadcast %add3A_1071 : f32 to vector<16xf32>
        %add3A_1073 = arith.addf %get3A_1070, %add3A_1072 : vector<16xf32>
        %mul3A_1074 = arith.constant 5.000000e-01 : f32
        %mul3A_1075 = vector.broadcast %mul3A_1074 : f32 to vector<16xf32>
        %mul3A_1076 = arith.mulf %add3A_1073, %mul3A_1075 : vector<16xf32>
        %mul3A_1077 = arith.mulf %mul3A_1076, %get3A_34 : vector<16xf32>
        %get3A_1078 = arith.constant 80 : index
        %get3A_1079 = tpu.vector_load %arg14[%get3A_1078] {strides = array<i32>} : memref<128xf32, #tpu.memory_space<vmem>>, vector<16xf32>,
        %add3A_1080 = arith.constant 1.000000e+00 : f32
        %add3A_1081 = vector.broadcast %add3A_1080 : f32 to vector<16xf32>
        %add3A_1082 = arith.addf %get3A_1079, %add3A_1081 : vector<16xf32>
        %mul3A_1083 = arith.constant 5.000000e-01 : f32
        %mul3A_1084 = vector.broadcast %mul3A_1083 : f32 to vector<16xf32>
        %mul3A_1085 = arith.mulf %add3A_1082, %mul3A_1084 : vector<16xf32>
        %mul3A_1086 = arith.mulf %mul3A_1085, %get3A_34 : vector<16xf32>
        %convert_element_type3A_1087 = arith.fptosi %mul3A_1068 : vector<16xf32> to vector<16xi32>
        %convert_element_type3A_1088 = arith.fptosi %mul3A_1077 : vector<16xf32> to vector<16xi32>
        %convert_element_type3A_1089 = arith.fptosi %mul3A_1086 : vector<16xf32> to vector<16xi32>
        %convert_element_type3A_1090 = arith.sitofp %convert_element_type3A_1087 : vector<16xi32> to vector<16xf32>
        %sub3A_1091 = arith.subf %mul3A_1068, %convert_element_type3A_1090 : vector<16xf32>
        %mul3A_1092 = arith.constant 3 : i32
        %mul3A_1093 = arith.muli %mul3A_1092, %scan3A_32 : i32
        %swap3A_1094 = arith.index_cast %mul3A_1093 : i32 to index
        %swap3A_1095 = arith.constant 80 : index
        %swap3A_1096 = tpu.vector_load %arg15[%swap3A_1094, %swap3A_1095] {strides = array<i32>} : memref<48x128xf32, #tpu.memory_space<vmem>>, vector<16xf32>,
        tpu.vector_store %arg15[%swap3A_1094, %swap3A_1095], %sub3A_1091 {strides = array<i32>} : memref<48x128xf32, #tpu.memory_space<vmem>>, vector<16xf32>,
        %convert_element_type3A_1097 = arith.sitofp %convert_element_type3A_1088 : vector<16xi32> to vector<16xf32>
        %sub3A_1098 = arith.subf %mul3A_1077, %convert_element_type3A_1097 : vector<16xf32>
        %mul3A_1099 = arith.constant 3 : i32
        %mul3A_1100 = arith.muli %mul3A_1099, %scan3A_32 : i32
        %add3A_1101 = arith.constant 1 : i32
        %add3A_1102 = arith.addi %mul3A_1100, %add3A_1101 : i32
        %swap3A_1103 = arith.index_cast %add3A_1102 : i32 to index
        %swap3A_1104 = arith.constant 80 : index
        %swap3A_1105 = tpu.vector_load %arg15[%swap3A_1103, %swap3A_1104] {strides = array<i32>} : memref<48x128xf32, #tpu.memory_space<vmem>>, vector<16xf32>,
        tpu.vector_store %arg15[%swap3A_1103, %swap3A_1104], %sub3A_1098 {strides = array<i32>} : memref<48x128xf32, #tpu.memory_space<vmem>>, vector<16xf32>,
        %convert_element_type3A_1106 = arith.sitofp %convert_element_type3A_1089 : vector<16xi32> to vector<16xf32>
        %sub3A_1107 = arith.subf %mul3A_1086, %convert_element_type3A_1106 : vector<16xf32>
        %mul3A_1108 = arith.constant 3 : i32
        %mul3A_1109 = arith.muli %mul3A_1108, %scan3A_32 : i32
        %add3A_1110 = arith.constant 2 : i32
        %add3A_1111 = arith.addi %mul3A_1109, %add3A_1110 : i32
        %swap3A_1112 = arith.index_cast %add3A_1111 : i32 to index
        %swap3A_1113 = arith.constant 80 : index
        %swap3A_1114 = tpu.vector_load %arg15[%swap3A_1112, %swap3A_1113] {strides = array<i32>} : memref<48x128xf32, #tpu.memory_space<vmem>>, vector<16xf32>,
        tpu.vector_store %arg15[%swap3A_1112, %swap3A_1113], %sub3A_1107 {strides = array<i32>} : memref<48x128xf32, #tpu.memory_space<vmem>>, vector<16xf32>,
        %add3A_1115 = arith.constant 1 : i32
        %add3A_1116 = vector.broadcast %add3A_1115 : i32 to vector<16xi32>
        %add3A_1117 = arith.addi %convert_element_type3A_1087, %add3A_1116 : vector<16xi32>
        %mul3A_1118 = arith.muli %convert_element_type3A_1088, %get3A_37 : vector<16xi32>
        %add3A_1119 = arith.constant 1 : i32
        %add3A_1120 = vector.broadcast %add3A_1119 : i32 to vector<16xi32>
        %add3A_1121 = arith.addi %convert_element_type3A_1088, %add3A_1120 : vector<16xi32>
        %mul3A_1122 = arith.muli %add3A_1121, %get3A_37 : vector<16xi32>
        %mul3A_1123 = arith.muli %convert_element_type3A_1089, %get3A_40 : vector<16xi32>
        %add3A_1124 = arith.constant 1 : i32
        %add3A_1125 = vector.broadcast %add3A_1124 : i32 to vector<16xi32>
        %add3A_1126 = arith.addi %convert_element_type3A_1089, %add3A_1125 : vector<16xi32>
        %mul3A_1127 = arith.muli %add3A_1126, %get3A_40 : vector<16xi32>
        %xor3A_1128 = arith.xori %convert_element_type3A_1087, %mul3A_1118 : vector<16xi32>
        %xor3A_1129 = arith.xori %xor3A_1128, %mul3A_1123 : vector<16xi32>
        %and3A_1130 = arith.andi %xor3A_1129, %broadcast_in_dim3A_1 : vector<16xi32>
        %add3A_1131 = arith.addi %convert_element_type3A_1087, %mul3A_1118 : vector<16xi32>
        %add3A_1132 = arith.addi %add3A_1131, %mul3A_1123 : vector<16xi32>
        %ne3A_1133 = arith.constant 0 : i32
        %ne3A_1134 = vector.broadcast %ne3A_1133 : i32 to vector<16xi32>
        %ne3A_1135 = arith.cmpi ne, %get3A_43, %ne3A_1134 : vector<16xi32>
        %select_n3A_1136 = arith.select %ne3A_1135, %add3A_1132, %and3A_1130 : vector<16xi1>, vector<16xi32>
        %add3A_1137 = arith.addi %select_n3A_1136, %get3A_46 : vector<16xi32>
        %mul3A_1138 = arith.constant 8 : i32
        %mul3A_1139 = arith.muli %mul3A_1138, %scan3A_32 : i32
        %add3A_1140 = arith.constant 0 : i32
        %add3A_1141 = arith.addi %mul3A_1139, %add3A_1140 : i32
        %swap3A_1142 = arith.index_cast %add3A_1141 : i32 to index
        %swap3A_1143 = arith.constant 80 : index
        %swap3A_1144 = tpu.vector_load %arg16[%swap3A_1142, %swap3A_1143] {strides = array<i32>} : memref<128x128xi32, #tpu.memory_space<vmem>>, vector<16xi32>,
        tpu.vector_store %arg16[%swap3A_1142, %swap3A_1143], %add3A_1137 {strides = array<i32>} : memref<128x128xi32, #tpu.memory_space<vmem>>, vector<16xi32>,
        %xor3A_1145 = arith.xori %convert_element_type3A_1087, %mul3A_1118 : vector<16xi32>
        %xor3A_1146 = arith.xori %xor3A_1145, %mul3A_1127 : vector<16xi32>
        %and3A_1147 = arith.andi %xor3A_1146, %broadcast_in_dim3A_1 : vector<16xi32>
        %add3A_1148 = arith.addi %convert_element_type3A_1087, %mul3A_1118 : vector<16xi32>
        %add3A_1149 = arith.addi %add3A_1148, %mul3A_1127 : vector<16xi32>
        %ne3A_1150 = arith.constant 0 : i32
        %ne3A_1151 = vector.broadcast %ne3A_1150 : i32 to vector<16xi32>
        %ne3A_1152 = arith.cmpi ne, %get3A_43, %ne3A_1151 : vector<16xi32>
        %select_n3A_1153 = arith.select %ne3A_1152, %add3A_1149, %and3A_1147 : vector<16xi1>, vector<16xi32>
        %add3A_1154 = arith.addi %select_n3A_1153, %get3A_46 : vector<16xi32>
        %mul3A_1155 = arith.constant 8 : i32
        %mul3A_1156 = arith.muli %mul3A_1155, %scan3A_32 : i32
        %add3A_1157 = arith.constant 1 : i32
        %add3A_1158 = arith.addi %mul3A_1156, %add3A_1157 : i32
        %swap3A_1159 = arith.index_cast %add3A_1158 : i32 to index
        %swap3A_1160 = arith.constant 80 : index
        %swap3A_1161 = tpu.vector_load %arg16[%swap3A_1159, %swap3A_1160] {strides = array<i32>} : memref<128x128xi32, #tpu.memory_space<vmem>>, vector<16xi32>,
        tpu.vector_store %arg16[%swap3A_1159, %swap3A_1160], %add3A_1154 {strides = array<i32>} : memref<128x128xi32, #tpu.memory_space<vmem>>, vector<16xi32>,
        %xor3A_1162 = arith.xori %convert_element_type3A_1087, %mul3A_1122 : vector<16xi32>
        %xor3A_1163 = arith.xori %xor3A_1162, %mul3A_1123 : vector<16xi32>
        %and3A_1164 = arith.andi %xor3A_1163, %broadcast_in_dim3A_1 : vector<16xi32>
        %add3A_1165 = arith.addi %convert_element_type3A_1087, %mul3A_1122 : vector<16xi32>
        %add3A_1166 = arith.addi %add3A_1165, %mul3A_1123 : vector<16xi32>
        %ne3A_1167 = arith.constant 0 : i32
        %ne3A_1168 = vector.broadcast %ne3A_1167 : i32 to vector<16xi32>
        %ne3A_1169 = arith.cmpi ne, %get3A_43, %ne3A_1168 : vector<16xi32>
        %select_n3A_1170 = arith.select %ne3A_1169, %add3A_1166, %and3A_1164 : vector<16xi1>, vector<16xi32>
        %add3A_1171 = arith.addi %select_n3A_1170, %get3A_46 : vector<16xi32>
        %mul3A_1172 = arith.constant 8 : i32
        %mul3A_1173 = arith.muli %mul3A_1172, %scan3A_32 : i32
        %add3A_1174 = arith.constant 2 : i32
        %add3A_1175 = arith.addi %mul3A_1173, %add3A_1174 : i32
        %swap3A_1176 = arith.index_cast %add3A_1175 : i32 to index
        %swap3A_1177 = arith.constant 80 : index
        %swap3A_1178 = tpu.vector_load %arg16[%swap3A_1176, %swap3A_1177] {strides = array<i32>} : memref<128x128xi32, #tpu.memory_space<vmem>>, vector<16xi32>,
        tpu.vector_store %arg16[%swap3A_1176, %swap3A_1177], %add3A_1171 {strides = array<i32>} : memref<128x128xi32, #tpu.memory_space<vmem>>, vector<16xi32>,
        %xor3A_1179 = arith.xori %convert_element_type3A_1087, %mul3A_1122 : vector<16xi32>
        %xor3A_1180 = arith.xori %xor3A_1179, %mul3A_1127 : vector<16xi32>
        %and3A_1181 = arith.andi %xor3A_1180, %broadcast_in_dim3A_1 : vector<16xi32>
        %add3A_1182 = arith.addi %convert_element_type3A_1087, %mul3A_1122 : vector<16xi32>
        %add3A_1183 = arith.addi %add3A_1182, %mul3A_1127 : vector<16xi32>
        %ne3A_1184 = arith.constant 0 : i32
        %ne3A_1185 = vector.broadcast %ne3A_1184 : i32 to vector<16xi32>
        %ne3A_1186 = arith.cmpi ne, %get3A_43, %ne3A_1185 : vector<16xi32>
        %select_n3A_1187 = arith.select %ne3A_1186, %add3A_1183, %and3A_1181 : vector<16xi1>, vector<16xi32>
        %add3A_1188 = arith.addi %select_n3A_1187, %get3A_46 : vector<16xi32>
        %mul3A_1189 = arith.constant 8 : i32
        %mul3A_1190 = arith.muli %mul3A_1189, %scan3A_32 : i32
        %add3A_1191 = arith.constant 3 : i32
        %add3A_1192 = arith.addi %mul3A_1190, %add3A_1191 : i32
        %swap3A_1193 = arith.index_cast %add3A_1192 : i32 to index
        %swap3A_1194 = arith.constant 80 : index
        %swap3A_1195 = tpu.vector_load %arg16[%swap3A_1193, %swap3A_1194] {strides = array<i32>} : memref<128x128xi32, #tpu.memory_space<vmem>>, vector<16xi32>,
        tpu.vector_store %arg16[%swap3A_1193, %swap3A_1194], %add3A_1188 {strides = array<i32>} : memref<128x128xi32, #tpu.memory_space<vmem>>, vector<16xi32>,
        %xor3A_1196 = arith.xori %add3A_1117, %mul3A_1118 : vector<16xi32>
        %xor3A_1197 = arith.xori %xor3A_1196, %mul3A_1123 : vector<16xi32>
        %and3A_1198 = arith.andi %xor3A_1197, %broadcast_in_dim3A_1 : vector<16xi32>
        %add3A_1199 = arith.addi %add3A_1117, %mul3A_1118 : vector<16xi32>
        %add3A_1200 = arith.addi %add3A_1199, %mul3A_1123 : vector<16xi32>
        %ne3A_1201 = arith.constant 0 : i32
        %ne3A_1202 = vector.broadcast %ne3A_1201 : i32 to vector<16xi32>
        %ne3A_1203 = arith.cmpi ne, %get3A_43, %ne3A_1202 : vector<16xi32>
        %select_n3A_1204 = arith.select %ne3A_1203, %add3A_1200, %and3A_1198 : vector<16xi1>, vector<16xi32>
        %add3A_1205 = arith.addi %select_n3A_1204, %get3A_46 : vector<16xi32>
        %mul3A_1206 = arith.constant 8 : i32
        %mul3A_1207 = arith.muli %mul3A_1206, %scan3A_32 : i32
        %add3A_1208 = arith.constant 4 : i32
        %add3A_1209 = arith.addi %mul3A_1207, %add3A_1208 : i32
        %swap3A_1210 = arith.index_cast %add3A_1209 : i32 to index
        %swap3A_1211 = arith.constant 80 : index
        %swap3A_1212 = tpu.vector_load %arg16[%swap3A_1210, %swap3A_1211] {strides = array<i32>} : memref<128x128xi32, #tpu.memory_space<vmem>>, vector<16xi32>,
        tpu.vector_store %arg16[%swap3A_1210, %swap3A_1211], %add3A_1205 {strides = array<i32>} : memref<128x128xi32, #tpu.memory_space<vmem>>, vector<16xi32>,
        %xor3A_1213 = arith.xori %add3A_1117, %mul3A_1118 : vector<16xi32>
        %xor3A_1214 = arith.xori %xor3A_1213, %mul3A_1127 : vector<16xi32>
        %and3A_1215 = arith.andi %xor3A_1214, %broadcast_in_dim3A_1 : vector<16xi32>
        %add3A_1216 = arith.addi %add3A_1117, %mul3A_1118 : vector<16xi32>
        %add3A_1217 = arith.addi %add3A_1216, %mul3A_1127 : vector<16xi32>
        %ne3A_1218 = arith.constant 0 : i32
        %ne3A_1219 = vector.broadcast %ne3A_1218 : i32 to vector<16xi32>
        %ne3A_1220 = arith.cmpi ne, %get3A_43, %ne3A_1219 : vector<16xi32>
        %select_n3A_1221 = arith.select %ne3A_1220, %add3A_1217, %and3A_1215 : vector<16xi1>, vector<16xi32>
        %add3A_1222 = arith.addi %select_n3A_1221, %get3A_46 : vector<16xi32>
        %mul3A_1223 = arith.constant 8 : i32
        %mul3A_1224 = arith.muli %mul3A_1223, %scan3A_32 : i32
        %add3A_1225 = arith.constant 5 : i32
        %add3A_1226 = arith.addi %mul3A_1224, %add3A_1225 : i32
        %swap3A_1227 = arith.index_cast %add3A_1226 : i32 to index
        %swap3A_1228 = arith.constant 80 : index
        %swap3A_1229 = tpu.vector_load %arg16[%swap3A_1227, %swap3A_1228] {strides = array<i32>} : memref<128x128xi32, #tpu.memory_space<vmem>>, vector<16xi32>,
        tpu.vector_store %arg16[%swap3A_1227, %swap3A_1228], %add3A_1222 {strides = array<i32>} : memref<128x128xi32, #tpu.memory_space<vmem>>, vector<16xi32>,
        %xor3A_1230 = arith.xori %add3A_1117, %mul3A_1122 : vector<16xi32>
        %xor3A_1231 = arith.xori %xor3A_1230, %mul3A_1123 : vector<16xi32>
        %and3A_1232 = arith.andi %xor3A_1231, %broadcast_in_dim3A_1 : vector<16xi32>
        %add3A_1233 = arith.addi %add3A_1117, %mul3A_1122 : vector<16xi32>
        %add3A_1234 = arith.addi %add3A_1233, %mul3A_1123 : vector<16xi32>
        %ne3A_1235 = arith.constant 0 : i32
        %ne3A_1236 = vector.broadcast %ne3A_1235 : i32 to vector<16xi32>
        %ne3A_1237 = arith.cmpi ne, %get3A_43, %ne3A_1236 : vector<16xi32>
        %select_n3A_1238 = arith.select %ne3A_1237, %add3A_1234, %and3A_1232 : vector<16xi1>, vector<16xi32>
        %add3A_1239 = arith.addi %select_n3A_1238, %get3A_46 : vector<16xi32>
        %mul3A_1240 = arith.constant 8 : i32
        %mul3A_1241 = arith.muli %mul3A_1240, %scan3A_32 : i32
        %add3A_1242 = arith.constant 6 : i32
        %add3A_1243 = arith.addi %mul3A_1241, %add3A_1242 : i32
        %swap3A_1244 = arith.index_cast %add3A_1243 : i32 to index
        %swap3A_1245 = arith.constant 80 : index
        %swap3A_1246 = tpu.vector_load %arg16[%swap3A_1244, %swap3A_1245] {strides = array<i32>} : memref<128x128xi32, #tpu.memory_space<vmem>>, vector<16xi32>,
        tpu.vector_store %arg16[%swap3A_1244, %swap3A_1245], %add3A_1239 {strides = array<i32>} : memref<128x128xi32, #tpu.memory_space<vmem>>, vector<16xi32>,
        %xor3A_1247 = arith.xori %add3A_1117, %mul3A_1122 : vector<16xi32>
        %xor3A_1248 = arith.xori %xor3A_1247, %mul3A_1127 : vector<16xi32>
        %and3A_1249 = arith.andi %xor3A_1248, %broadcast_in_dim3A_1 : vector<16xi32>
        %add3A_1250 = arith.addi %add3A_1117, %mul3A_1122 : vector<16xi32>
        %add3A_1251 = arith.addi %add3A_1250, %mul3A_1127 : vector<16xi32>
        %ne3A_1252 = arith.constant 0 : i32
        %ne3A_1253 = vector.broadcast %ne3A_1252 : i32 to vector<16xi32>
        %ne3A_1254 = arith.cmpi ne, %get3A_43, %ne3A_1253 : vector<16xi32>
        %select_n3A_1255 = arith.select %ne3A_1254, %add3A_1251, %and3A_1249 : vector<16xi1>, vector<16xi32>
        %add3A_1256 = arith.addi %select_n3A_1255, %get3A_46 : vector<16xi32>
        %mul3A_1257 = arith.constant 8 : i32
        %mul3A_1258 = arith.muli %mul3A_1257, %scan3A_32 : i32
        %add3A_1259 = arith.constant 7 : i32
        %add3A_1260 = arith.addi %mul3A_1258, %add3A_1259 : i32
        %swap3A_1261 = arith.index_cast %add3A_1260 : i32 to index
        %swap3A_1262 = arith.constant 80 : index
        %swap3A_1263 = tpu.vector_load %arg16[%swap3A_1261, %swap3A_1262] {strides = array<i32>} : memref<128x128xi32, #tpu.memory_space<vmem>>, vector<16xi32>,
        tpu.vector_store %arg16[%swap3A_1261, %swap3A_1262], %add3A_1256 {strides = array<i32>} : memref<128x128xi32, #tpu.memory_space<vmem>>, vector<16xi32>,
        %get3A_1264 = arith.constant 96 : index
        %get3A_1265 = tpu.vector_load %arg12[%get3A_1264] {strides = array<i32>} : memref<128xf32, #tpu.memory_space<vmem>>, vector<16xf32>,
        %add3A_1266 = arith.constant 1.000000e+00 : f32
        %add3A_1267 = vector.broadcast %add3A_1266 : f32 to vector<16xf32>
        %add3A_1268 = arith.addf %get3A_1265, %add3A_1267 : vector<16xf32>
        %mul3A_1269 = arith.constant 5.000000e-01 : f32
        %mul3A_1270 = vector.broadcast %mul3A_1269 : f32 to vector<16xf32>
        %mul3A_1271 = arith.mulf %add3A_1268, %mul3A_1270 : vector<16xf32>
        %mul3A_1272 = arith.mulf %mul3A_1271, %get3A_34 : vector<16xf32>
        %get3A_1273 = arith.constant 96 : index
        %get3A_1274 = tpu.vector_load %arg13[%get3A_1273] {strides = array<i32>} : memref<128xf32, #tpu.memory_space<vmem>>, vector<16xf32>,
        %add3A_1275 = arith.constant 1.000000e+00 : f32
        %add3A_1276 = vector.broadcast %add3A_1275 : f32 to vector<16xf32>
        %add3A_1277 = arith.addf %get3A_1274, %add3A_1276 : vector<16xf32>
        %mul3A_1278 = arith.constant 5.000000e-01 : f32
        %mul3A_1279 = vector.broadcast %mul3A_1278 : f32 to vector<16xf32>
        %mul3A_1280 = arith.mulf %add3A_1277, %mul3A_1279 : vector<16xf32>
        %mul3A_1281 = arith.mulf %mul3A_1280, %get3A_34 : vector<16xf32>
        %get3A_1282 = arith.constant 96 : index
        %get3A_1283 = tpu.vector_load %arg14[%get3A_1282] {strides = array<i32>} : memref<128xf32, #tpu.memory_space<vmem>>, vector<16xf32>,
        %add3A_1284 = arith.constant 1.000000e+00 : f32
        %add3A_1285 = vector.broadcast %add3A_1284 : f32 to vector<16xf32>
        %add3A_1286 = arith.addf %get3A_1283, %add3A_1285 : vector<16xf32>
        %mul3A_1287 = arith.constant 5.000000e-01 : f32
        %mul3A_1288 = vector.broadcast %mul3A_1287 : f32 to vector<16xf32>
        %mul3A_1289 = arith.mulf %add3A_1286, %mul3A_1288 : vector<16xf32>
        %mul3A_1290 = arith.mulf %mul3A_1289, %get3A_34 : vector<16xf32>
        %convert_element_type3A_1291 = arith.fptosi %mul3A_1272 : vector<16xf32> to vector<16xi32>
        %convert_element_type3A_1292 = arith.fptosi %mul3A_1281 : vector<16xf32> to vector<16xi32>
        %convert_element_type3A_1293 = arith.fptosi %mul3A_1290 : vector<16xf32> to vector<16xi32>
        %convert_element_type3A_1294 = arith.sitofp %convert_element_type3A_1291 : vector<16xi32> to vector<16xf32>
        %sub3A_1295 = arith.subf %mul3A_1272, %convert_element_type3A_1294 : vector<16xf32>
        %mul3A_1296 = arith.constant 3 : i32
        %mul3A_1297 = arith.muli %mul3A_1296, %scan3A_32 : i32
        %swap3A_1298 = arith.index_cast %mul3A_1297 : i32 to index
        %swap3A_1299 = arith.constant 96 : index
        %swap3A_1300 = tpu.vector_load %arg15[%swap3A_1298, %swap3A_1299] {strides = array<i32>} : memref<48x128xf32, #tpu.memory_space<vmem>>, vector<16xf32>,
        tpu.vector_store %arg15[%swap3A_1298, %swap3A_1299], %sub3A_1295 {strides = array<i32>} : memref<48x128xf32, #tpu.memory_space<vmem>>, vector<16xf32>,
        %convert_element_type3A_1301 = arith.sitofp %convert_element_type3A_1292 : vector<16xi32> to vector<16xf32>
        %sub3A_1302 = arith.subf %mul3A_1281, %convert_element_type3A_1301 : vector<16xf32>
        %mul3A_1303 = arith.constant 3 : i32
        %mul3A_1304 = arith.muli %mul3A_1303, %scan3A_32 : i32
        %add3A_1305 = arith.constant 1 : i32
        %add3A_1306 = arith.addi %mul3A_1304, %add3A_1305 : i32
        %swap3A_1307 = arith.index_cast %add3A_1306 : i32 to index
        %swap3A_1308 = arith.constant 96 : index
        %swap3A_1309 = tpu.vector_load %arg15[%swap3A_1307, %swap3A_1308] {strides = array<i32>} : memref<48x128xf32, #tpu.memory_space<vmem>>, vector<16xf32>,
        tpu.vector_store %arg15[%swap3A_1307, %swap3A_1308], %sub3A_1302 {strides = array<i32>} : memref<48x128xf32, #tpu.memory_space<vmem>>, vector<16xf32>,
        %convert_element_type3A_1310 = arith.sitofp %convert_element_type3A_1293 : vector<16xi32> to vector<16xf32>
        %sub3A_1311 = arith.subf %mul3A_1290, %convert_element_type3A_1310 : vector<16xf32>
        %mul3A_1312 = arith.constant 3 : i32
        %mul3A_1313 = arith.muli %mul3A_1312, %scan3A_32 : i32
        %add3A_1314 = arith.constant 2 : i32
        %add3A_1315 = arith.addi %mul3A_1313, %add3A_1314 : i32
        %swap3A_1316 = arith.index_cast %add3A_1315 : i32 to index
        %swap3A_1317 = arith.constant 96 : index
        %swap3A_1318 = tpu.vector_load %arg15[%swap3A_1316, %swap3A_1317] {strides = array<i32>} : memref<48x128xf32, #tpu.memory_space<vmem>>, vector<16xf32>,
        tpu.vector_store %arg15[%swap3A_1316, %swap3A_1317], %sub3A_1311 {strides = array<i32>} : memref<48x128xf32, #tpu.memory_space<vmem>>, vector<16xf32>,
        %add3A_1319 = arith.constant 1 : i32
        %add3A_1320 = vector.broadcast %add3A_1319 : i32 to vector<16xi32>
        %add3A_1321 = arith.addi %convert_element_type3A_1291, %add3A_1320 : vector<16xi32>
        %mul3A_1322 = arith.muli %convert_element_type3A_1292, %get3A_37 : vector<16xi32>
        %add3A_1323 = arith.constant 1 : i32
        %add3A_1324 = vector.broadcast %add3A_1323 : i32 to vector<16xi32>
        %add3A_1325 = arith.addi %convert_element_type3A_1292, %add3A_1324 : vector<16xi32>
        %mul3A_1326 = arith.muli %add3A_1325, %get3A_37 : vector<16xi32>
        %mul3A_1327 = arith.muli %convert_element_type3A_1293, %get3A_40 : vector<16xi32>
        %add3A_1328 = arith.constant 1 : i32
        %add3A_1329 = vector.broadcast %add3A_1328 : i32 to vector<16xi32>
        %add3A_1330 = arith.addi %convert_element_type3A_1293, %add3A_1329 : vector<16xi32>
        %mul3A_1331 = arith.muli %add3A_1330, %get3A_40 : vector<16xi32>
        %xor3A_1332 = arith.xori %convert_element_type3A_1291, %mul3A_1322 : vector<16xi32>
        %xor3A_1333 = arith.xori %xor3A_1332, %mul3A_1327 : vector<16xi32>
        %and3A_1334 = arith.andi %xor3A_1333, %broadcast_in_dim3A_1 : vector<16xi32>
        %add3A_1335 = arith.addi %convert_element_type3A_1291, %mul3A_1322 : vector<16xi32>
        %add3A_1336 = arith.addi %add3A_1335, %mul3A_1327 : vector<16xi32>
        %ne3A_1337 = arith.constant 0 : i32
        %ne3A_1338 = vector.broadcast %ne3A_1337 : i32 to vector<16xi32>
        %ne3A_1339 = arith.cmpi ne, %get3A_43, %ne3A_1338 : vector<16xi32>
        %select_n3A_1340 = arith.select %ne3A_1339, %add3A_1336, %and3A_1334 : vector<16xi1>, vector<16xi32>
        %add3A_1341 = arith.addi %select_n3A_1340, %get3A_46 : vector<16xi32>
        %mul3A_1342 = arith.constant 8 : i32
        %mul3A_1343 = arith.muli %mul3A_1342, %scan3A_32 : i32
        %add3A_1344 = arith.constant 0 : i32
        %add3A_1345 = arith.addi %mul3A_1343, %add3A_1344 : i32
        %swap3A_1346 = arith.index_cast %add3A_1345 : i32 to index
        %swap3A_1347 = arith.constant 96 : index
        %swap3A_1348 = tpu.vector_load %arg16[%swap3A_1346, %swap3A_1347] {strides = array<i32>} : memref<128x128xi32, #tpu.memory_space<vmem>>, vector<16xi32>,
        tpu.vector_store %arg16[%swap3A_1346, %swap3A_1347], %add3A_1341 {strides = array<i32>} : memref<128x128xi32, #tpu.memory_space<vmem>>, vector<16xi32>,
        %xor3A_1349 = arith.xori %convert_element_type3A_1291, %mul3A_1322 : vector<16xi32>
        %xor3A_1350 = arith.xori %xor3A_1349, %mul3A_1331 : vector<16xi32>
        %and3A_1351 = arith.andi %xor3A_1350, %broadcast_in_dim3A_1 : vector<16xi32>
        %add3A_1352 = arith.addi %convert_element_type3A_1291, %mul3A_1322 : vector<16xi32>
        %add3A_1353 = arith.addi %add3A_1352, %mul3A_1331 : vector<16xi32>
        %ne3A_1354 = arith.constant 0 : i32
        %ne3A_1355 = vector.broadcast %ne3A_1354 : i32 to vector<16xi32>
        %ne3A_1356 = arith.cmpi ne, %get3A_43, %ne3A_1355 : vector<16xi32>
        %select_n3A_1357 = arith.select %ne3A_1356, %add3A_1353, %and3A_1351 : vector<16xi1>, vector<16xi32>
        %add3A_1358 = arith.addi %select_n3A_1357, %get3A_46 : vector<16xi32>
        %mul3A_1359 = arith.constant 8 : i32
        %mul3A_1360 = arith.muli %mul3A_1359, %scan3A_32 : i32
        %add3A_1361 = arith.constant 1 : i32
        %add3A_1362 = arith.addi %mul3A_1360, %add3A_1361 : i32
        %swap3A_1363 = arith.index_cast %add3A_1362 : i32 to index
        %swap3A_1364 = arith.constant 96 : index
        %swap3A_1365 = tpu.vector_load %arg16[%swap3A_1363, %swap3A_1364] {strides = array<i32>} : memref<128x128xi32, #tpu.memory_space<vmem>>, vector<16xi32>,
        tpu.vector_store %arg16[%swap3A_1363, %swap3A_1364], %add3A_1358 {strides = array<i32>} : memref<128x128xi32, #tpu.memory_space<vmem>>, vector<16xi32>,
        %xor3A_1366 = arith.xori %convert_element_type3A_1291, %mul3A_1326 : vector<16xi32>
        %xor3A_1367 = arith.xori %xor3A_1366, %mul3A_1327 : vector<16xi32>
        %and3A_1368 = arith.andi %xor3A_1367, %broadcast_in_dim3A_1 : vector<16xi32>
        %add3A_1369 = arith.addi %convert_element_type3A_1291, %mul3A_1326 : vector<16xi32>
        %add3A_1370 = arith.addi %add3A_1369, %mul3A_1327 : vector<16xi32>
        %ne3A_1371 = arith.constant 0 : i32
        %ne3A_1372 = vector.broadcast %ne3A_1371 : i32 to vector<16xi32>
        %ne3A_1373 = arith.cmpi ne, %get3A_43, %ne3A_1372 : vector<16xi32>
        %select_n3A_1374 = arith.select %ne3A_1373, %add3A_1370, %and3A_1368 : vector<16xi1>, vector<16xi32>
        %add3A_1375 = arith.addi %select_n3A_1374, %get3A_46 : vector<16xi32>
        %mul3A_1376 = arith.constant 8 : i32
        %mul3A_1377 = arith.muli %mul3A_1376, %scan3A_32 : i32
        %add3A_1378 = arith.constant 2 : i32
        %add3A_1379 = arith.addi %mul3A_1377, %add3A_1378 : i32
        %swap3A_1380 = arith.index_cast %add3A_1379 : i32 to index
        %swap3A_1381 = arith.constant 96 : index
        %swap3A_1382 = tpu.vector_load %arg16[%swap3A_1380, %swap3A_1381] {strides = array<i32>} : memref<128x128xi32, #tpu.memory_space<vmem>>, vector<16xi32>,
        tpu.vector_store %arg16[%swap3A_1380, %swap3A_1381], %add3A_1375 {strides = array<i32>} : memref<128x128xi32, #tpu.memory_space<vmem>>, vector<16xi32>,
        %xor3A_1383 = arith.xori %convert_element_type3A_1291, %mul3A_1326 : vector<16xi32>
        %xor3A_1384 = arith.xori %xor3A_1383, %mul3A_1331 : vector<16xi32>
        %and3A_1385 = arith.andi %xor3A_1384, %broadcast_in_dim3A_1 : vector<16xi32>
        %add3A_1386 = arith.addi %convert_element_type3A_1291, %mul3A_1326 : vector<16xi32>
        %add3A_1387 = arith.addi %add3A_1386, %mul3A_1331 : vector<16xi32>
        %ne3A_1388 = arith.constant 0 : i32
        %ne3A_1389 = vector.broadcast %ne3A_1388 : i32 to vector<16xi32>
        %ne3A_1390 = arith.cmpi ne, %get3A_43, %ne3A_1389 : vector<16xi32>
        %select_n3A_1391 = arith.select %ne3A_1390, %add3A_1387, %and3A_1385 : vector<16xi1>, vector<16xi32>
        %add3A_1392 = arith.addi %select_n3A_1391, %get3A_46 : vector<16xi32>
        %mul3A_1393 = arith.constant 8 : i32
        %mul3A_1394 = arith.muli %mul3A_1393, %scan3A_32 : i32
        %add3A_1395 = arith.constant 3 : i32
        %add3A_1396 = arith.addi %mul3A_1394, %add3A_1395 : i32
        %swap3A_1397 = arith.index_cast %add3A_1396 : i32 to index
        %swap3A_1398 = arith.constant 96 : index
        %swap3A_1399 = tpu.vector_load %arg16[%swap3A_1397, %swap3A_1398] {strides = array<i32>} : memref<128x128xi32, #tpu.memory_space<vmem>>, vector<16xi32>,
        tpu.vector_store %arg16[%swap3A_1397, %swap3A_1398], %add3A_1392 {strides = array<i32>} : memref<128x128xi32, #tpu.memory_space<vmem>>, vector<16xi32>,
        %xor3A_1400 = arith.xori %add3A_1321, %mul3A_1322 : vector<16xi32>
        %xor3A_1401 = arith.xori %xor3A_1400, %mul3A_1327 : vector<16xi32>
        %and3A_1402 = arith.andi %xor3A_1401, %broadcast_in_dim3A_1 : vector<16xi32>
        %add3A_1403 = arith.addi %add3A_1321, %mul3A_1322 : vector<16xi32>
        %add3A_1404 = arith.addi %add3A_1403, %mul3A_1327 : vector<16xi32>
        %ne3A_1405 = arith.constant 0 : i32
        %ne3A_1406 = vector.broadcast %ne3A_1405 : i32 to vector<16xi32>
        %ne3A_1407 = arith.cmpi ne, %get3A_43, %ne3A_1406 : vector<16xi32>
        %select_n3A_1408 = arith.select %ne3A_1407, %add3A_1404, %and3A_1402 : vector<16xi1>, vector<16xi32>
        %add3A_1409 = arith.addi %select_n3A_1408, %get3A_46 : vector<16xi32>
        %mul3A_1410 = arith.constant 8 : i32
        %mul3A_1411 = arith.muli %mul3A_1410, %scan3A_32 : i32
        %add3A_1412 = arith.constant 4 : i32
        %add3A_1413 = arith.addi %mul3A_1411, %add3A_1412 : i32
        %swap3A_1414 = arith.index_cast %add3A_1413 : i32 to index
        %swap3A_1415 = arith.constant 96 : index
        %swap3A_1416 = tpu.vector_load %arg16[%swap3A_1414, %swap3A_1415] {strides = array<i32>} : memref<128x128xi32, #tpu.memory_space<vmem>>, vector<16xi32>,
        tpu.vector_store %arg16[%swap3A_1414, %swap3A_1415], %add3A_1409 {strides = array<i32>} : memref<128x128xi32, #tpu.memory_space<vmem>>, vector<16xi32>,
        %xor3A_1417 = arith.xori %add3A_1321, %mul3A_1322 : vector<16xi32>
        %xor3A_1418 = arith.xori %xor3A_1417, %mul3A_1331 : vector<16xi32>
        %and3A_1419 = arith.andi %xor3A_1418, %broadcast_in_dim3A_1 : vector<16xi32>
        %add3A_1420 = arith.addi %add3A_1321, %mul3A_1322 : vector<16xi32>
        %add3A_1421 = arith.addi %add3A_1420, %mul3A_1331 : vector<16xi32>
        %ne3A_1422 = arith.constant 0 : i32
        %ne3A_1423 = vector.broadcast %ne3A_1422 : i32 to vector<16xi32>
        %ne3A_1424 = arith.cmpi ne, %get3A_43, %ne3A_1423 : vector<16xi32>
        %select_n3A_1425 = arith.select %ne3A_1424, %add3A_1421, %and3A_1419 : vector<16xi1>, vector<16xi32>
        %add3A_1426 = arith.addi %select_n3A_1425, %get3A_46 : vector<16xi32>
        %mul3A_1427 = arith.constant 8 : i32
        %mul3A_1428 = arith.muli %mul3A_1427, %scan3A_32 : i32
        %add3A_1429 = arith.constant 5 : i32
        %add3A_1430 = arith.addi %mul3A_1428, %add3A_1429 : i32
        %swap3A_1431 = arith.index_cast %add3A_1430 : i32 to index
        %swap3A_1432 = arith.constant 96 : index
        %swap3A_1433 = tpu.vector_load %arg16[%swap3A_1431, %swap3A_1432] {strides = array<i32>} : memref<128x128xi32, #tpu.memory_space<vmem>>, vector<16xi32>,
        tpu.vector_store %arg16[%swap3A_1431, %swap3A_1432], %add3A_1426 {strides = array<i32>} : memref<128x128xi32, #tpu.memory_space<vmem>>, vector<16xi32>,
        %xor3A_1434 = arith.xori %add3A_1321, %mul3A_1326 : vector<16xi32>
        %xor3A_1435 = arith.xori %xor3A_1434, %mul3A_1327 : vector<16xi32>
        %and3A_1436 = arith.andi %xor3A_1435, %broadcast_in_dim3A_1 : vector<16xi32>
        %add3A_1437 = arith.addi %add3A_1321, %mul3A_1326 : vector<16xi32>
        %add3A_1438 = arith.addi %add3A_1437, %mul3A_1327 : vector<16xi32>
        %ne3A_1439 = arith.constant 0 : i32
        %ne3A_1440 = vector.broadcast %ne3A_1439 : i32 to vector<16xi32>
        %ne3A_1441 = arith.cmpi ne, %get3A_43, %ne3A_1440 : vector<16xi32>
        %select_n3A_1442 = arith.select %ne3A_1441, %add3A_1438, %and3A_1436 : vector<16xi1>, vector<16xi32>
        %add3A_1443 = arith.addi %select_n3A_1442, %get3A_46 : vector<16xi32>
        %mul3A_1444 = arith.constant 8 : i32
        %mul3A_1445 = arith.muli %mul3A_1444, %scan3A_32 : i32
        %add3A_1446 = arith.constant 6 : i32
        %add3A_1447 = arith.addi %mul3A_1445, %add3A_1446 : i32
        %swap3A_1448 = arith.index_cast %add3A_1447 : i32 to index
        %swap3A_1449 = arith.constant 96 : index
        %swap3A_1450 = tpu.vector_load %arg16[%swap3A_1448, %swap3A_1449] {strides = array<i32>} : memref<128x128xi32, #tpu.memory_space<vmem>>, vector<16xi32>,
        tpu.vector_store %arg16[%swap3A_1448, %swap3A_1449], %add3A_1443 {strides = array<i32>} : memref<128x128xi32, #tpu.memory_space<vmem>>, vector<16xi32>,
        %xor3A_1451 = arith.xori %add3A_1321, %mul3A_1326 : vector<16xi32>
        %xor3A_1452 = arith.xori %xor3A_1451, %mul3A_1331 : vector<16xi32>
        %and3A_1453 = arith.andi %xor3A_1452, %broadcast_in_dim3A_1 : vector<16xi32>
        %add3A_1454 = arith.addi %add3A_1321, %mul3A_1326 : vector<16xi32>
        %add3A_1455 = arith.addi %add3A_1454, %mul3A_1331 : vector<16xi32>
        %ne3A_1456 = arith.constant 0 : i32
        %ne3A_1457 = vector.broadcast %ne3A_1456 : i32 to vector<16xi32>
        %ne3A_1458 = arith.cmpi ne, %get3A_43, %ne3A_1457 : vector<16xi32>
        %select_n3A_1459 = arith.select %ne3A_1458, %add3A_1455, %and3A_1453 : vector<16xi1>, vector<16xi32>
        %add3A_1460 = arith.addi %select_n3A_1459, %get3A_46 : vector<16xi32>
        %mul3A_1461 = arith.constant 8 : i32
        %mul3A_1462 = arith.muli %mul3A_1461, %scan3A_32 : i32
        %add3A_1463 = arith.constant 7 : i32
        %add3A_1464 = arith.addi %mul3A_1462, %add3A_1463 : i32
        %swap3A_1465 = arith.index_cast %add3A_1464 : i32 to index
        %swap3A_1466 = arith.constant 96 : index
        %swap3A_1467 = tpu.vector_load %arg16[%swap3A_1465, %swap3A_1466] {strides = array<i32>} : memref<128x128xi32, #tpu.memory_space<vmem>>, vector<16xi32>,
        tpu.vector_store %arg16[%swap3A_1465, %swap3A_1466], %add3A_1460 {strides = array<i32>} : memref<128x128xi32, #tpu.memory_space<vmem>>, vector<16xi32>,
        %get3A_1468 = arith.constant 112 : index
        %get3A_1469 = tpu.vector_load %arg12[%get3A_1468] {strides = array<i32>} : memref<128xf32, #tpu.memory_space<vmem>>, vector<16xf32>,
        %add3A_1470 = arith.constant 1.000000e+00 : f32
        %add3A_1471 = vector.broadcast %add3A_1470 : f32 to vector<16xf32>
        %add3A_1472 = arith.addf %get3A_1469, %add3A_1471 : vector<16xf32>
        %mul3A_1473 = arith.constant 5.000000e-01 : f32
        %mul3A_1474 = vector.broadcast %mul3A_1473 : f32 to vector<16xf32>
        %mul3A_1475 = arith.mulf %add3A_1472, %mul3A_1474 : vector<16xf32>
        %mul3A_1476 = arith.mulf %mul3A_1475, %get3A_34 : vector<16xf32>
        %get3A_1477 = arith.constant 112 : index
        %get3A_1478 = tpu.vector_load %arg13[%get3A_1477] {strides = array<i32>} : memref<128xf32, #tpu.memory_space<vmem>>, vector<16xf32>,
        %add3A_1479 = arith.constant 1.000000e+00 : f32
        %add3A_1480 = vector.broadcast %add3A_1479 : f32 to vector<16xf32>
        %add3A_1481 = arith.addf %get3A_1478, %add3A_1480 : vector<16xf32>
        %mul3A_1482 = arith.constant 5.000000e-01 : f32
        %mul3A_1483 = vector.broadcast %mul3A_1482 : f32 to vector<16xf32>
        %mul3A_1484 = arith.mulf %add3A_1481, %mul3A_1483 : vector<16xf32>
        %mul3A_1485 = arith.mulf %mul3A_1484, %get3A_34 : vector<16xf32>
        %get3A_1486 = arith.constant 112 : index
        %get3A_1487 = tpu.vector_load %arg14[%get3A_1486] {strides = array<i32>} : memref<128xf32, #tpu.memory_space<vmem>>, vector<16xf32>,
        %add3A_1488 = arith.constant 1.000000e+00 : f32
        %add3A_1489 = vector.broadcast %add3A_1488 : f32 to vector<16xf32>
        %add3A_1490 = arith.addf %get3A_1487, %add3A_1489 : vector<16xf32>
        %mul3A_1491 = arith.constant 5.000000e-01 : f32
        %mul3A_1492 = vector.broadcast %mul3A_1491 : f32 to vector<16xf32>
        %mul3A_1493 = arith.mulf %add3A_1490, %mul3A_1492 : vector<16xf32>
        %mul3A_1494 = arith.mulf %mul3A_1493, %get3A_34 : vector<16xf32>
        %convert_element_type3A_1495 = arith.fptosi %mul3A_1476 : vector<16xf32> to vector<16xi32>
        %convert_element_type3A_1496 = arith.fptosi %mul3A_1485 : vector<16xf32> to vector<16xi32>
        %convert_element_type3A_1497 = arith.fptosi %mul3A_1494 : vector<16xf32> to vector<16xi32>
        %convert_element_type3A_1498 = arith.sitofp %convert_element_type3A_1495 : vector<16xi32> to vector<16xf32>
        %sub3A_1499 = arith.subf %mul3A_1476, %convert_element_type3A_1498 : vector<16xf32>
        %mul3A_1500 = arith.constant 3 : i32
        %mul3A_1501 = arith.muli %mul3A_1500, %scan3A_32 : i32
        %swap3A_1502 = arith.index_cast %mul3A_1501 : i32 to index
        %swap3A_1503 = arith.constant 112 : index
        %swap3A_1504 = tpu.vector_load %arg15[%swap3A_1502, %swap3A_1503] {strides = array<i32>} : memref<48x128xf32, #tpu.memory_space<vmem>>, vector<16xf32>,
        tpu.vector_store %arg15[%swap3A_1502, %swap3A_1503], %sub3A_1499 {strides = array<i32>} : memref<48x128xf32, #tpu.memory_space<vmem>>, vector<16xf32>,
        %convert_element_type3A_1505 = arith.sitofp %convert_element_type3A_1496 : vector<16xi32> to vector<16xf32>
        %sub3A_1506 = arith.subf %mul3A_1485, %convert_element_type3A_1505 : vector<16xf32>
        %mul3A_1507 = arith.constant 3 : i32
        %mul3A_1508 = arith.muli %mul3A_1507, %scan3A_32 : i32
        %add3A_1509 = arith.constant 1 : i32
        %add3A_1510 = arith.addi %mul3A_1508, %add3A_1509 : i32
        %swap3A_1511 = arith.index_cast %add3A_1510 : i32 to index
        %swap3A_1512 = arith.constant 112 : index
        %swap3A_1513 = tpu.vector_load %arg15[%swap3A_1511, %swap3A_1512] {strides = array<i32>} : memref<48x128xf32, #tpu.memory_space<vmem>>, vector<16xf32>,
        tpu.vector_store %arg15[%swap3A_1511, %swap3A_1512], %sub3A_1506 {strides = array<i32>} : memref<48x128xf32, #tpu.memory_space<vmem>>, vector<16xf32>,
        %convert_element_type3A_1514 = arith.sitofp %convert_element_type3A_1497 : vector<16xi32> to vector<16xf32>
        %sub3A_1515 = arith.subf %mul3A_1494, %convert_element_type3A_1514 : vector<16xf32>
        %mul3A_1516 = arith.constant 3 : i32
        %mul3A_1517 = arith.muli %mul3A_1516, %scan3A_32 : i32
        %add3A_1518 = arith.constant 2 : i32
        %add3A_1519 = arith.addi %mul3A_1517, %add3A_1518 : i32
        %swap3A_1520 = arith.index_cast %add3A_1519 : i32 to index
        %swap3A_1521 = arith.constant 112 : index
        %swap3A_1522 = tpu.vector_load %arg15[%swap3A_1520, %swap3A_1521] {strides = array<i32>} : memref<48x128xf32, #tpu.memory_space<vmem>>, vector<16xf32>,
        tpu.vector_store %arg15[%swap3A_1520, %swap3A_1521], %sub3A_1515 {strides = array<i32>} : memref<48x128xf32, #tpu.memory_space<vmem>>, vector<16xf32>,
        %add3A_1523 = arith.constant 1 : i32
        %add3A_1524 = vector.broadcast %add3A_1523 : i32 to vector<16xi32>
        %add3A_1525 = arith.addi %convert_element_type3A_1495, %add3A_1524 : vector<16xi32>
        %mul3A_1526 = arith.muli %convert_element_type3A_1496, %get3A_37 : vector<16xi32>
        %add3A_1527 = arith.constant 1 : i32
        %add3A_1528 = vector.broadcast %add3A_1527 : i32 to vector<16xi32>
        %add3A_1529 = arith.addi %convert_element_type3A_1496, %add3A_1528 : vector<16xi32>
        %mul3A_1530 = arith.muli %add3A_1529, %get3A_37 : vector<16xi32>
        %mul3A_1531 = arith.muli %convert_element_type3A_1497, %get3A_40 : vector<16xi32>
        %add3A_1532 = arith.constant 1 : i32
        %add3A_1533 = vector.broadcast %add3A_1532 : i32 to vector<16xi32>
        %add3A_1534 = arith.addi %convert_element_type3A_1497, %add3A_1533 : vector<16xi32>
        %mul3A_1535 = arith.muli %add3A_1534, %get3A_40 : vector<16xi32>
        %xor3A_1536 = arith.xori %convert_element_type3A_1495, %mul3A_1526 : vector<16xi32>
        %xor3A_1537 = arith.xori %xor3A_1536, %mul3A_1531 : vector<16xi32>
        %and3A_1538 = arith.andi %xor3A_1537, %broadcast_in_dim3A_1 : vector<16xi32>
        %add3A_1539 = arith.addi %convert_element_type3A_1495, %mul3A_1526 : vector<16xi32>
        %add3A_1540 = arith.addi %add3A_1539, %mul3A_1531 : vector<16xi32>
        %ne3A_1541 = arith.constant 0 : i32
        %ne3A_1542 = vector.broadcast %ne3A_1541 : i32 to vector<16xi32>
        %ne3A_1543 = arith.cmpi ne, %get3A_43, %ne3A_1542 : vector<16xi32>
        %select_n3A_1544 = arith.select %ne3A_1543, %add3A_1540, %and3A_1538 : vector<16xi1>, vector<16xi32>
        %add3A_1545 = arith.addi %select_n3A_1544, %get3A_46 : vector<16xi32>
        %mul3A_1546 = arith.constant 8 : i32
        %mul3A_1547 = arith.muli %mul3A_1546, %scan3A_32 : i32
        %add3A_1548 = arith.constant 0 : i32
        %add3A_1549 = arith.addi %mul3A_1547, %add3A_1548 : i32
        %swap3A_1550 = arith.index_cast %add3A_1549 : i32 to index
        %swap3A_1551 = arith.constant 112 : index
        %swap3A_1552 = tpu.vector_load %arg16[%swap3A_1550, %swap3A_1551] {strides = array<i32>} : memref<128x128xi32, #tpu.memory_space<vmem>>, vector<16xi32>,
        tpu.vector_store %arg16[%swap3A_1550, %swap3A_1551], %add3A_1545 {strides = array<i32>} : memref<128x128xi32, #tpu.memory_space<vmem>>, vector<16xi32>,
        %xor3A_1553 = arith.xori %convert_element_type3A_1495, %mul3A_1526 : vector<16xi32>
        %xor3A_1554 = arith.xori %xor3A_1553, %mul3A_1535 : vector<16xi32>
        %and3A_1555 = arith.andi %xor3A_1554, %broadcast_in_dim3A_1 : vector<16xi32>
        %add3A_1556 = arith.addi %convert_element_type3A_1495, %mul3A_1526 : vector<16xi32>
        %add3A_1557 = arith.addi %add3A_1556, %mul3A_1535 : vector<16xi32>
        %ne3A_1558 = arith.constant 0 : i32
        %ne3A_1559 = vector.broadcast %ne3A_1558 : i32 to vector<16xi32>
        %ne3A_1560 = arith.cmpi ne, %get3A_43, %ne3A_1559 : vector<16xi32>
        %select_n3A_1561 = arith.select %ne3A_1560, %add3A_1557, %and3A_1555 : vector<16xi1>, vector<16xi32>
        %add3A_1562 = arith.addi %select_n3A_1561, %get3A_46 : vector<16xi32>
        %mul3A_1563 = arith.constant 8 : i32
        %mul3A_1564 = arith.muli %mul3A_1563, %scan3A_32 : i32
        %add3A_1565 = arith.constant 1 : i32
        %add3A_1566 = arith.addi %mul3A_1564, %add3A_1565 : i32
        %swap3A_1567 = arith.index_cast %add3A_1566 : i32 to index
        %swap3A_1568 = arith.constant 112 : index
        %swap3A_1569 = tpu.vector_load %arg16[%swap3A_1567, %swap3A_1568] {strides = array<i32>} : memref<128x128xi32, #tpu.memory_space<vmem>>, vector<16xi32>,
        tpu.vector_store %arg16[%swap3A_1567, %swap3A_1568], %add3A_1562 {strides = array<i32>} : memref<128x128xi32, #tpu.memory_space<vmem>>, vector<16xi32>,
        %xor3A_1570 = arith.xori %convert_element_type3A_1495, %mul3A_1530 : vector<16xi32>
        %xor3A_1571 = arith.xori %xor3A_1570, %mul3A_1531 : vector<16xi32>
        %and3A_1572 = arith.andi %xor3A_1571, %broadcast_in_dim3A_1 : vector<16xi32>
        %add3A_1573 = arith.addi %convert_element_type3A_1495, %mul3A_1530 : vector<16xi32>
        %add3A_1574 = arith.addi %add3A_1573, %mul3A_1531 : vector<16xi32>
        %ne3A_1575 = arith.constant 0 : i32
        %ne3A_1576 = vector.broadcast %ne3A_1575 : i32 to vector<16xi32>
        %ne3A_1577 = arith.cmpi ne, %get3A_43, %ne3A_1576 : vector<16xi32>
        %select_n3A_1578 = arith.select %ne3A_1577, %add3A_1574, %and3A_1572 : vector<16xi1>, vector<16xi32>
        %add3A_1579 = arith.addi %select_n3A_1578, %get3A_46 : vector<16xi32>
        %mul3A_1580 = arith.constant 8 : i32
        %mul3A_1581 = arith.muli %mul3A_1580, %scan3A_32 : i32
        %add3A_1582 = arith.constant 2 : i32
        %add3A_1583 = arith.addi %mul3A_1581, %add3A_1582 : i32
        %swap3A_1584 = arith.index_cast %add3A_1583 : i32 to index
        %swap3A_1585 = arith.constant 112 : index
        %swap3A_1586 = tpu.vector_load %arg16[%swap3A_1584, %swap3A_1585] {strides = array<i32>} : memref<128x128xi32, #tpu.memory_space<vmem>>, vector<16xi32>,
        tpu.vector_store %arg16[%swap3A_1584, %swap3A_1585], %add3A_1579 {strides = array<i32>} : memref<128x128xi32, #tpu.memory_space<vmem>>, vector<16xi32>,
        %xor3A_1587 = arith.xori %convert_element_type3A_1495, %mul3A_1530 : vector<16xi32>
        %xor3A_1588 = arith.xori %xor3A_1587, %mul3A_1535 : vector<16xi32>
        %and3A_1589 = arith.andi %xor3A_1588, %broadcast_in_dim3A_1 : vector<16xi32>
        %add3A_1590 = arith.addi %convert_element_type3A_1495, %mul3A_1530 : vector<16xi32>
        %add3A_1591 = arith.addi %add3A_1590, %mul3A_1535 : vector<16xi32>
        %ne3A_1592 = arith.constant 0 : i32
        %ne3A_1593 = vector.broadcast %ne3A_1592 : i32 to vector<16xi32>
        %ne3A_1594 = arith.cmpi ne, %get3A_43, %ne3A_1593 : vector<16xi32>
        %select_n3A_1595 = arith.select %ne3A_1594, %add3A_1591, %and3A_1589 : vector<16xi1>, vector<16xi32>
        %add3A_1596 = arith.addi %select_n3A_1595, %get3A_46 : vector<16xi32>
        %mul3A_1597 = arith.constant 8 : i32
        %mul3A_1598 = arith.muli %mul3A_1597, %scan3A_32 : i32
        %add3A_1599 = arith.constant 3 : i32
        %add3A_1600 = arith.addi %mul3A_1598, %add3A_1599 : i32
        %swap3A_1601 = arith.index_cast %add3A_1600 : i32 to index
        %swap3A_1602 = arith.constant 112 : index
        %swap3A_1603 = tpu.vector_load %arg16[%swap3A_1601, %swap3A_1602] {strides = array<i32>} : memref<128x128xi32, #tpu.memory_space<vmem>>, vector<16xi32>,
        tpu.vector_store %arg16[%swap3A_1601, %swap3A_1602], %add3A_1596 {strides = array<i32>} : memref<128x128xi32, #tpu.memory_space<vmem>>, vector<16xi32>,
        %xor3A_1604 = arith.xori %add3A_1525, %mul3A_1526 : vector<16xi32>
        %xor3A_1605 = arith.xori %xor3A_1604, %mul3A_1531 : vector<16xi32>
        %and3A_1606 = arith.andi %xor3A_1605, %broadcast_in_dim3A_1 : vector<16xi32>
        %add3A_1607 = arith.addi %add3A_1525, %mul3A_1526 : vector<16xi32>
        %add3A_1608 = arith.addi %add3A_1607, %mul3A_1531 : vector<16xi32>
        %ne3A_1609 = arith.constant 0 : i32
        %ne3A_1610 = vector.broadcast %ne3A_1609 : i32 to vector<16xi32>
        %ne3A_1611 = arith.cmpi ne, %get3A_43, %ne3A_1610 : vector<16xi32>
        %select_n3A_1612 = arith.select %ne3A_1611, %add3A_1608, %and3A_1606 : vector<16xi1>, vector<16xi32>
        %add3A_1613 = arith.addi %select_n3A_1612, %get3A_46 : vector<16xi32>
        %mul3A_1614 = arith.constant 8 : i32
        %mul3A_1615 = arith.muli %mul3A_1614, %scan3A_32 : i32
        %add3A_1616 = arith.constant 4 : i32
        %add3A_1617 = arith.addi %mul3A_1615, %add3A_1616 : i32
        %swap3A_1618 = arith.index_cast %add3A_1617 : i32 to index
        %swap3A_1619 = arith.constant 112 : index
        %swap3A_1620 = tpu.vector_load %arg16[%swap3A_1618, %swap3A_1619] {strides = array<i32>} : memref<128x128xi32, #tpu.memory_space<vmem>>, vector<16xi32>,
        tpu.vector_store %arg16[%swap3A_1618, %swap3A_1619], %add3A_1613 {strides = array<i32>} : memref<128x128xi32, #tpu.memory_space<vmem>>, vector<16xi32>,
        %xor3A_1621 = arith.xori %add3A_1525, %mul3A_1526 : vector<16xi32>
        %xor3A_1622 = arith.xori %xor3A_1621, %mul3A_1535 : vector<16xi32>
        %and3A_1623 = arith.andi %xor3A_1622, %broadcast_in_dim3A_1 : vector<16xi32>
        %add3A_1624 = arith.addi %add3A_1525, %mul3A_1526 : vector<16xi32>
        %add3A_1625 = arith.addi %add3A_1624, %mul3A_1535 : vector<16xi32>
        %ne3A_1626 = arith.constant 0 : i32
        %ne3A_1627 = vector.broadcast %ne3A_1626 : i32 to vector<16xi32>
        %ne3A_1628 = arith.cmpi ne, %get3A_43, %ne3A_1627 : vector<16xi32>
        %select_n3A_1629 = arith.select %ne3A_1628, %add3A_1625, %and3A_1623 : vector<16xi1>, vector<16xi32>
        %add3A_1630 = arith.addi %select_n3A_1629, %get3A_46 : vector<16xi32>
        %mul3A_1631 = arith.constant 8 : i32
        %mul3A_1632 = arith.muli %mul3A_1631, %scan3A_32 : i32
        %add3A_1633 = arith.constant 5 : i32
        %add3A_1634 = arith.addi %mul3A_1632, %add3A_1633 : i32
        %swap3A_1635 = arith.index_cast %add3A_1634 : i32 to index
        %swap3A_1636 = arith.constant 112 : index
        %swap3A_1637 = tpu.vector_load %arg16[%swap3A_1635, %swap3A_1636] {strides = array<i32>} : memref<128x128xi32, #tpu.memory_space<vmem>>, vector<16xi32>,
        tpu.vector_store %arg16[%swap3A_1635, %swap3A_1636], %add3A_1630 {strides = array<i32>} : memref<128x128xi32, #tpu.memory_space<vmem>>, vector<16xi32>,
        %xor3A_1638 = arith.xori %add3A_1525, %mul3A_1530 : vector<16xi32>
        %xor3A_1639 = arith.xori %xor3A_1638, %mul3A_1531 : vector<16xi32>
        %and3A_1640 = arith.andi %xor3A_1639, %broadcast_in_dim3A_1 : vector<16xi32>
        %add3A_1641 = arith.addi %add3A_1525, %mul3A_1530 : vector<16xi32>
        %add3A_1642 = arith.addi %add3A_1641, %mul3A_1531 : vector<16xi32>
        %ne3A_1643 = arith.constant 0 : i32
        %ne3A_1644 = vector.broadcast %ne3A_1643 : i32 to vector<16xi32>
        %ne3A_1645 = arith.cmpi ne, %get3A_43, %ne3A_1644 : vector<16xi32>
        %select_n3A_1646 = arith.select %ne3A_1645, %add3A_1642, %and3A_1640 : vector<16xi1>, vector<16xi32>
        %add3A_1647 = arith.addi %select_n3A_1646, %get3A_46 : vector<16xi32>
        %mul3A_1648 = arith.constant 8 : i32
        %mul3A_1649 = arith.muli %mul3A_1648, %scan3A_32 : i32
        %add3A_1650 = arith.constant 6 : i32
        %add3A_1651 = arith.addi %mul3A_1649, %add3A_1650 : i32
        %swap3A_1652 = arith.index_cast %add3A_1651 : i32 to index
        %swap3A_1653 = arith.constant 112 : index
        %swap3A_1654 = tpu.vector_load %arg16[%swap3A_1652, %swap3A_1653] {strides = array<i32>} : memref<128x128xi32, #tpu.memory_space<vmem>>, vector<16xi32>,
        tpu.vector_store %arg16[%swap3A_1652, %swap3A_1653], %add3A_1647 {strides = array<i32>} : memref<128x128xi32, #tpu.memory_space<vmem>>, vector<16xi32>,
        %xor3A_1655 = arith.xori %add3A_1525, %mul3A_1530 : vector<16xi32>
        %xor3A_1656 = arith.xori %xor3A_1655, %mul3A_1535 : vector<16xi32>
        %and3A_1657 = arith.andi %xor3A_1656, %broadcast_in_dim3A_1 : vector<16xi32>
        %add3A_1658 = arith.addi %add3A_1525, %mul3A_1530 : vector<16xi32>
        %add3A_1659 = arith.addi %add3A_1658, %mul3A_1535 : vector<16xi32>
        %ne3A_1660 = arith.constant 0 : i32
        %ne3A_1661 = vector.broadcast %ne3A_1660 : i32 to vector<16xi32>
        %ne3A_1662 = arith.cmpi ne, %get3A_43, %ne3A_1661 : vector<16xi32>
        %select_n3A_1663 = arith.select %ne3A_1662, %add3A_1659, %and3A_1657 : vector<16xi1>, vector<16xi32>
        %add3A_1664 = arith.addi %select_n3A_1663, %get3A_46 : vector<16xi32>
        %mul3A_1665 = arith.constant 8 : i32
        %mul3A_1666 = arith.muli %mul3A_1665, %scan3A_32 : i32
        %add3A_1667 = arith.constant 7 : i32
        %add3A_1668 = arith.addi %mul3A_1666, %add3A_1667 : i32
        %swap3A_1669 = arith.index_cast %add3A_1668 : i32 to index
        %swap3A_1670 = arith.constant 112 : index
        %swap3A_1671 = tpu.vector_load %arg16[%swap3A_1669, %swap3A_1670] {strides = array<i32>} : memref<128x128xi32, #tpu.memory_space<vmem>>, vector<16xi32>,
        tpu.vector_store %arg16[%swap3A_1669, %swap3A_1670], %add3A_1664 {strides = array<i32>} : memref<128x128xi32, #tpu.memory_space<vmem>>, vector<16xi32>,
        %mul3A_1672 = arith.constant 8 : i32
        %mul3A_1673 = arith.muli %mul3A_1672, %scan3A_32 : i32
        %add3A_1674 = arith.constant 0 : i32
        %add3A_1675 = arith.addi %mul3A_1673, %add3A_1674 : i32
        %mul3A_1676 = arith.constant 8 : i32
        %mul3A_1677 = arith.muli %mul3A_1676, %scan3A_32 : i32
        %add3A_1678 = arith.constant 0 : i32
        %add3A_1679 = arith.addi %mul3A_1677, %add3A_1678 : i32
        %dma_start3A = arith.constant 0 : i32
        %dma_start3A_1680 = tpu.memref_slice %arg17[%add3A_1679, %dma_start3A] : memref<128x128xi32, #tpu.memory_space<vmem>> -> memref<1x128xi32, #tpu.memory_space<vmem>>
        %dma_start3A_1681 = tpu.memref_squeeze %dma_start3A_1680 : memref<1x128xi32, #tpu.memory_space<vmem>> -> memref<128xi32, #tpu.memory_space<vmem>>
        %dma_start3A_1682 = arith.constant 0 : i32
        %dma_start3A_1683 = tpu.memref_slice %arg16[%add3A_1675, %dma_start3A_1682] : memref<128x128xi32, #tpu.memory_space<vmem>> -> memref<1x128xi32, #tpu.memory_space<vmem>>
        %dma_start3A_1684 = tpu.memref_squeeze %dma_start3A_1683 : memref<1x128xi32, #tpu.memory_space<vmem>> -> memref<128xi32, #tpu.memory_space<vmem>>
        %dma_start3A_1685 = arith.constant 0 : i32
        %dma_start3A_1686 = tpu.memref_slice %arg5[%dma_start3A_1685] : memref<8388608xi32, #tpu.memory_space<hbm>> -> memref<8388608xi32, #tpu.memory_space<hbm>>
        %dma_start3A_1687 = tpu.memref_slice %arg24[%scan3A_32] : memref<16x!tpu.dma_semaphore, #tpu.memory_space<semaphore_mem>> -> memref<1x!tpu.dma_semaphore, #tpu.memory_space<semaphore_mem>>
        %dma_start3A_1688 = tpu.memref_squeeze %dma_start3A_1687 : memref<1x!tpu.dma_semaphore, #tpu.memory_space<semaphore_mem>> -> memref<!tpu.dma_semaphore, #tpu.memory_space<semaphore_mem>>
        tpu.enqueue_indirect_dma source(%dma_start3A_1686 : memref<8388608xi32, #tpu.memory_space<hbm>>) target(%dma_start3A_1681 : memref<128xi32, #tpu.memory_space<vmem>>) offsets(%dma_start3A_1684 : memref<128xi32, #tpu.memory_space<vmem>>) semaphore(%dma_start3A_1688 : memref<!tpu.dma_semaphore, #tpu.memory_space<semaphore_mem>>)
        %mul3A_1689 = arith.constant 8 : i32
        %mul3A_1690 = arith.muli %mul3A_1689, %scan3A_32 : i32
        %add3A_1691 = arith.constant 1 : i32
        %add3A_1692 = arith.addi %mul3A_1690, %add3A_1691 : i32
        %mul3A_1693 = arith.constant 8 : i32
        %mul3A_1694 = arith.muli %mul3A_1693, %scan3A_32 : i32
        %add3A_1695 = arith.constant 1 : i32
        %add3A_1696 = arith.addi %mul3A_1694, %add3A_1695 : i32
        %dma_start3A_1697 = arith.constant 0 : i32
        %dma_start3A_1698 = tpu.memref_slice %arg17[%add3A_1696, %dma_start3A_1697] : memref<128x128xi32, #tpu.memory_space<vmem>> -> memref<1x128xi32, #tpu.memory_space<vmem>>
        %dma_start3A_1699 = tpu.memref_squeeze %dma_start3A_1698 : memref<1x128xi32, #tpu.memory_space<vmem>> -> memref<128xi32, #tpu.memory_space<vmem>>
        %dma_start3A_1700 = arith.constant 0 : i32
        %dma_start3A_1701 = tpu.memref_slice %arg16[%add3A_1692, %dma_start3A_1700] : memref<128x128xi32, #tpu.memory_space<vmem>> -> memref<1x128xi32, #tpu.memory_space<vmem>>
        %dma_start3A_1702 = tpu.memref_squeeze %dma_start3A_1701 : memref<1x128xi32, #tpu.memory_space<vmem>> -> memref<128xi32, #tpu.memory_space<vmem>>
        %dma_start3A_1703 = arith.constant 0 : i32
        %dma_start3A_1704 = tpu.memref_slice %arg5[%dma_start3A_1703] : memref<8388608xi32, #tpu.memory_space<hbm>> -> memref<8388608xi32, #tpu.memory_space<hbm>>
        %dma_start3A_1705 = tpu.memref_slice %arg24[%scan3A_32] : memref<16x!tpu.dma_semaphore, #tpu.memory_space<semaphore_mem>> -> memref<1x!tpu.dma_semaphore, #tpu.memory_space<semaphore_mem>>
        %dma_start3A_1706 = tpu.memref_squeeze %dma_start3A_1705 : memref<1x!tpu.dma_semaphore, #tpu.memory_space<semaphore_mem>> -> memref<!tpu.dma_semaphore, #tpu.memory_space<semaphore_mem>>
        tpu.enqueue_indirect_dma source(%dma_start3A_1704 : memref<8388608xi32, #tpu.memory_space<hbm>>) target(%dma_start3A_1699 : memref<128xi32, #tpu.memory_space<vmem>>) offsets(%dma_start3A_1702 : memref<128xi32, #tpu.memory_space<vmem>>) semaphore(%dma_start3A_1706 : memref<!tpu.dma_semaphore, #tpu.memory_space<semaphore_mem>>)
        %mul3A_1707 = arith.constant 8 : i32
        %mul3A_1708 = arith.muli %mul3A_1707, %scan3A_32 : i32
        %add3A_1709 = arith.constant 2 : i32
        %add3A_1710 = arith.addi %mul3A_1708, %add3A_1709 : i32
        %mul3A_1711 = arith.constant 8 : i32
        %mul3A_1712 = arith.muli %mul3A_1711, %scan3A_32 : i32
        %add3A_1713 = arith.constant 2 : i32
        %add3A_1714 = arith.addi %mul3A_1712, %add3A_1713 : i32
        %dma_start3A_1715 = arith.constant 0 : i32
        %dma_start3A_1716 = tpu.memref_slice %arg17[%add3A_1714, %dma_start3A_1715] : memref<128x128xi32, #tpu.memory_space<vmem>> -> memref<1x128xi32, #tpu.memory_space<vmem>>
        %dma_start3A_1717 = tpu.memref_squeeze %dma_start3A_1716 : memref<1x128xi32, #tpu.memory_space<vmem>> -> memref<128xi32, #tpu.memory_space<vmem>>
        %dma_start3A_1718 = arith.constant 0 : i32
        %dma_start3A_1719 = tpu.memref_slice %arg16[%add3A_1710, %dma_start3A_1718] : memref<128x128xi32, #tpu.memory_space<vmem>> -> memref<1x128xi32, #tpu.memory_space<vmem>>
        %dma_start3A_1720 = tpu.memref_squeeze %dma_start3A_1719 : memref<1x128xi32, #tpu.memory_space<vmem>> -> memref<128xi32, #tpu.memory_space<vmem>>
        %dma_start3A_1721 = arith.constant 0 : i32
        %dma_start3A_1722 = tpu.memref_slice %arg5[%dma_start3A_1721] : memref<8388608xi32, #tpu.memory_space<hbm>> -> memref<8388608xi32, #tpu.memory_space<hbm>>
        %dma_start3A_1723 = tpu.memref_slice %arg24[%scan3A_32] : memref<16x!tpu.dma_semaphore, #tpu.memory_space<semaphore_mem>> -> memref<1x!tpu.dma_semaphore, #tpu.memory_space<semaphore_mem>>
        %dma_start3A_1724 = tpu.memref_squeeze %dma_start3A_1723 : memref<1x!tpu.dma_semaphore, #tpu.memory_space<semaphore_mem>> -> memref<!tpu.dma_semaphore, #tpu.memory_space<semaphore_mem>>
        tpu.enqueue_indirect_dma source(%dma_start3A_1722 : memref<8388608xi32, #tpu.memory_space<hbm>>) target(%dma_start3A_1717 : memref<128xi32, #tpu.memory_space<vmem>>) offsets(%dma_start3A_1720 : memref<128xi32, #tpu.memory_space<vmem>>) semaphore(%dma_start3A_1724 : memref<!tpu.dma_semaphore, #tpu.memory_space<semaphore_mem>>)
        %mul3A_1725 = arith.constant 8 : i32
        %mul3A_1726 = arith.muli %mul3A_1725, %scan3A_32 : i32
        %add3A_1727 = arith.constant 3 : i32
        %add3A_1728 = arith.addi %mul3A_1726, %add3A_1727 : i32
        %mul3A_1729 = arith.constant 8 : i32
        %mul3A_1730 = arith.muli %mul3A_1729, %scan3A_32 : i32
        %add3A_1731 = arith.constant 3 : i32
        %add3A_1732 = arith.addi %mul3A_1730, %add3A_1731 : i32
        %dma_start3A_1733 = arith.constant 0 : i32
        %dma_start3A_1734 = tpu.memref_slice %arg17[%add3A_1732, %dma_start3A_1733] : memref<128x128xi32, #tpu.memory_space<vmem>> -> memref<1x128xi32, #tpu.memory_space<vmem>>
        %dma_start3A_1735 = tpu.memref_squeeze %dma_start3A_1734 : memref<1x128xi32, #tpu.memory_space<vmem>> -> memref<128xi32, #tpu.memory_space<vmem>>
        %dma_start3A_1736 = arith.constant 0 : i32
        %dma_start3A_1737 = tpu.memref_slice %arg16[%add3A_1728, %dma_start3A_1736] : memref<128x128xi32, #tpu.memory_space<vmem>> -> memref<1x128xi32, #tpu.memory_space<vmem>>
        %dma_start3A_1738 = tpu.memref_squeeze %dma_start3A_1737 : memref<1x128xi32, #tpu.memory_space<vmem>> -> memref<128xi32, #tpu.memory_space<vmem>>
        %dma_start3A_1739 = arith.constant 0 : i32
        %dma_start3A_1740 = tpu.memref_slice %arg5[%dma_start3A_1739] : memref<8388608xi32, #tpu.memory_space<hbm>> -> memref<8388608xi32, #tpu.memory_space<hbm>>
        %dma_start3A_1741 = tpu.memref_slice %arg24[%scan3A_32] : memref<16x!tpu.dma_semaphore, #tpu.memory_space<semaphore_mem>> -> memref<1x!tpu.dma_semaphore, #tpu.memory_space<semaphore_mem>>
        %dma_start3A_1742 = tpu.memref_squeeze %dma_start3A_1741 : memref<1x!tpu.dma_semaphore, #tpu.memory_space<semaphore_mem>> -> memref<!tpu.dma_semaphore, #tpu.memory_space<semaphore_mem>>
        tpu.enqueue_indirect_dma source(%dma_start3A_1740 : memref<8388608xi32, #tpu.memory_space<hbm>>) target(%dma_start3A_1735 : memref<128xi32, #tpu.memory_space<vmem>>) offsets(%dma_start3A_1738 : memref<128xi32, #tpu.memory_space<vmem>>) semaphore(%dma_start3A_1742 : memref<!tpu.dma_semaphore, #tpu.memory_space<semaphore_mem>>)
        %mul3A_1743 = arith.constant 8 : i32
        %mul3A_1744 = arith.muli %mul3A_1743, %scan3A_32 : i32
        %add3A_1745 = arith.constant 4 : i32
        %add3A_1746 = arith.addi %mul3A_1744, %add3A_1745 : i32
        %mul3A_1747 = arith.constant 8 : i32
        %mul3A_1748 = arith.muli %mul3A_1747, %scan3A_32 : i32
        %add3A_1749 = arith.constant 4 : i32
        %add3A_1750 = arith.addi %mul3A_1748, %add3A_1749 : i32
        %dma_start3A_1751 = arith.constant 0 : i32
        %dma_start3A_1752 = tpu.memref_slice %arg17[%add3A_1750, %dma_start3A_1751] : memref<128x128xi32, #tpu.memory_space<vmem>> -> memref<1x128xi32, #tpu.memory_space<vmem>>
        %dma_start3A_1753 = tpu.memref_squeeze %dma_start3A_1752 : memref<1x128xi32, #tpu.memory_space<vmem>> -> memref<128xi32, #tpu.memory_space<vmem>>
        %dma_start3A_1754 = arith.constant 0 : i32
        %dma_start3A_1755 = tpu.memref_slice %arg16[%add3A_1746, %dma_start3A_1754] : memref<128x128xi32, #tpu.memory_space<vmem>> -> memref<1x128xi32, #tpu.memory_space<vmem>>
        %dma_start3A_1756 = tpu.memref_squeeze %dma_start3A_1755 : memref<1x128xi32, #tpu.memory_space<vmem>> -> memref<128xi32, #tpu.memory_space<vmem>>
        %dma_start3A_1757 = arith.constant 0 : i32
        %dma_start3A_1758 = tpu.memref_slice %arg5[%dma_start3A_1757] : memref<8388608xi32, #tpu.memory_space<hbm>> -> memref<8388608xi32, #tpu.memory_space<hbm>>
        %dma_start3A_1759 = tpu.memref_slice %arg24[%scan3A_32] : memref<16x!tpu.dma_semaphore, #tpu.memory_space<semaphore_mem>> -> memref<1x!tpu.dma_semaphore, #tpu.memory_space<semaphore_mem>>
        %dma_start3A_1760 = tpu.memref_squeeze %dma_start3A_1759 : memref<1x!tpu.dma_semaphore, #tpu.memory_space<semaphore_mem>> -> memref<!tpu.dma_semaphore, #tpu.memory_space<semaphore_mem>>
        tpu.enqueue_indirect_dma source(%dma_start3A_1758 : memref<8388608xi32, #tpu.memory_space<hbm>>) target(%dma_start3A_1753 : memref<128xi32, #tpu.memory_space<vmem>>) offsets(%dma_start3A_1756 : memref<128xi32, #tpu.memory_space<vmem>>) semaphore(%dma_start3A_1760 : memref<!tpu.dma_semaphore, #tpu.memory_space<semaphore_mem>>)
        %mul3A_1761 = arith.constant 8 : i32
        %mul3A_1762 = arith.muli %mul3A_1761, %scan3A_32 : i32
        %add3A_1763 = arith.constant 5 : i32
        %add3A_1764 = arith.addi %mul3A_1762, %add3A_1763 : i32
        %mul3A_1765 = arith.constant 8 : i32
        %mul3A_1766 = arith.muli %mul3A_1765, %scan3A_32 : i32
        %add3A_1767 = arith.constant 5 : i32
        %add3A_1768 = arith.addi %mul3A_1766, %add3A_1767 : i32
        %dma_start3A_1769 = arith.constant 0 : i32
        %dma_start3A_1770 = tpu.memref_slice %arg17[%add3A_1768, %dma_start3A_1769] : memref<128x128xi32, #tpu.memory_space<vmem>> -> memref<1x128xi32, #tpu.memory_space<vmem>>
        %dma_start3A_1771 = tpu.memref_squeeze %dma_start3A_1770 : memref<1x128xi32, #tpu.memory_space<vmem>> -> memref<128xi32, #tpu.memory_space<vmem>>
        %dma_start3A_1772 = arith.constant 0 : i32
        %dma_start3A_1773 = tpu.memref_slice %arg16[%add3A_1764, %dma_start3A_1772] : memref<128x128xi32, #tpu.memory_space<vmem>> -> memref<1x128xi32, #tpu.memory_space<vmem>>
        %dma_start3A_1774 = tpu.memref_squeeze %dma_start3A_1773 : memref<1x128xi32, #tpu.memory_space<vmem>> -> memref<128xi32, #tpu.memory_space<vmem>>
        %dma_start3A_1775 = arith.constant 0 : i32
        %dma_start3A_1776 = tpu.memref_slice %arg5[%dma_start3A_1775] : memref<8388608xi32, #tpu.memory_space<hbm>> -> memref<8388608xi32, #tpu.memory_space<hbm>>
        %dma_start3A_1777 = tpu.memref_slice %arg24[%scan3A_32] : memref<16x!tpu.dma_semaphore, #tpu.memory_space<semaphore_mem>> -> memref<1x!tpu.dma_semaphore, #tpu.memory_space<semaphore_mem>>
        %dma_start3A_1778 = tpu.memref_squeeze %dma_start3A_1777 : memref<1x!tpu.dma_semaphore, #tpu.memory_space<semaphore_mem>> -> memref<!tpu.dma_semaphore, #tpu.memory_space<semaphore_mem>>
        tpu.enqueue_indirect_dma source(%dma_start3A_1776 : memref<8388608xi32, #tpu.memory_space<hbm>>) target(%dma_start3A_1771 : memref<128xi32, #tpu.memory_space<vmem>>) offsets(%dma_start3A_1774 : memref<128xi32, #tpu.memory_space<vmem>>) semaphore(%dma_start3A_1778 : memref<!tpu.dma_semaphore, #tpu.memory_space<semaphore_mem>>)
        %mul3A_1779 = arith.constant 8 : i32
        %mul3A_1780 = arith.muli %mul3A_1779, %scan3A_32 : i32
        %add3A_1781 = arith.constant 6 : i32
        %add3A_1782 = arith.addi %mul3A_1780, %add3A_1781 : i32
        %mul3A_1783 = arith.constant 8 : i32
        %mul3A_1784 = arith.muli %mul3A_1783, %scan3A_32 : i32
        %add3A_1785 = arith.constant 6 : i32
        %add3A_1786 = arith.addi %mul3A_1784, %add3A_1785 : i32
        %dma_start3A_1787 = arith.constant 0 : i32
        %dma_start3A_1788 = tpu.memref_slice %arg17[%add3A_1786, %dma_start3A_1787] : memref<128x128xi32, #tpu.memory_space<vmem>> -> memref<1x128xi32, #tpu.memory_space<vmem>>
        %dma_start3A_1789 = tpu.memref_squeeze %dma_start3A_1788 : memref<1x128xi32, #tpu.memory_space<vmem>> -> memref<128xi32, #tpu.memory_space<vmem>>
        %dma_start3A_1790 = arith.constant 0 : i32
        %dma_start3A_1791 = tpu.memref_slice %arg16[%add3A_1782, %dma_start3A_1790] : memref<128x128xi32, #tpu.memory_space<vmem>> -> memref<1x128xi32, #tpu.memory_space<vmem>>
        %dma_start3A_1792 = tpu.memref_squeeze %dma_start3A_1791 : memref<1x128xi32, #tpu.memory_space<vmem>> -> memref<128xi32, #tpu.memory_space<vmem>>
        %dma_start3A_1793 = arith.constant 0 : i32
        %dma_start3A_1794 = tpu.memref_slice %arg5[%dma_start3A_1793] : memref<8388608xi32, #tpu.memory_space<hbm>> -> memref<8388608xi32, #tpu.memory_space<hbm>>
        %dma_start3A_1795 = tpu.memref_slice %arg24[%scan3A_32] : memref<16x!tpu.dma_semaphore, #tpu.memory_space<semaphore_mem>> -> memref<1x!tpu.dma_semaphore, #tpu.memory_space<semaphore_mem>>
        %dma_start3A_1796 = tpu.memref_squeeze %dma_start3A_1795 : memref<1x!tpu.dma_semaphore, #tpu.memory_space<semaphore_mem>> -> memref<!tpu.dma_semaphore, #tpu.memory_space<semaphore_mem>>
        tpu.enqueue_indirect_dma source(%dma_start3A_1794 : memref<8388608xi32, #tpu.memory_space<hbm>>) target(%dma_start3A_1789 : memref<128xi32, #tpu.memory_space<vmem>>) offsets(%dma_start3A_1792 : memref<128xi32, #tpu.memory_space<vmem>>) semaphore(%dma_start3A_1796 : memref<!tpu.dma_semaphore, #tpu.memory_space<semaphore_mem>>)
        %mul3A_1797 = arith.constant 8 : i32
        %mul3A_1798 = arith.muli %mul3A_1797, %scan3A_32 : i32
        %add3A_1799 = arith.constant 7 : i32
        %add3A_1800 = arith.addi %mul3A_1798, %add3A_1799 : i32
        %mul3A_1801 = arith.constant 8 : i32
        %mul3A_1802 = arith.muli %mul3A_1801, %scan3A_32 : i32
        %add3A_1803 = arith.constant 7 : i32
        %add3A_1804 = arith.addi %mul3A_1802, %add3A_1803 : i32
        %dma_start3A_1805 = arith.constant 0 : i32
        %dma_start3A_1806 = tpu.memref_slice %arg17[%add3A_1804, %dma_start3A_1805] : memref<128x128xi32, #tpu.memory_space<vmem>> -> memref<1x128xi32, #tpu.memory_space<vmem>>
        %dma_start3A_1807 = tpu.memref_squeeze %dma_start3A_1806 : memref<1x128xi32, #tpu.memory_space<vmem>> -> memref<128xi32, #tpu.memory_space<vmem>>
        %dma_start3A_1808 = arith.constant 0 : i32
        %dma_start3A_1809 = tpu.memref_slice %arg16[%add3A_1800, %dma_start3A_1808] : memref<128x128xi32, #tpu.memory_space<vmem>> -> memref<1x128xi32, #tpu.memory_space<vmem>>
        %dma_start3A_1810 = tpu.memref_squeeze %dma_start3A_1809 : memref<1x128xi32, #tpu.memory_space<vmem>> -> memref<128xi32, #tpu.memory_space<vmem>>
        %dma_start3A_1811 = arith.constant 0 : i32
        %dma_start3A_1812 = tpu.memref_slice %arg5[%dma_start3A_1811] : memref<8388608xi32, #tpu.memory_space<hbm>> -> memref<8388608xi32, #tpu.memory_space<hbm>>
        %dma_start3A_1813 = tpu.memref_slice %arg24[%scan3A_32] : memref<16x!tpu.dma_semaphore, #tpu.memory_space<semaphore_mem>> -> memref<1x!tpu.dma_semaphore, #tpu.memory_space<semaphore_mem>>
        %dma_start3A_1814 = tpu.memref_squeeze %dma_start3A_1813 : memref<1x!tpu.dma_semaphore, #tpu.memory_space<semaphore_mem>> -> memref<!tpu.dma_semaphore, #tpu.memory_space<semaphore_mem>>
        tpu.enqueue_indirect_dma source(%dma_start3A_1812 : memref<8388608xi32, #tpu.memory_space<hbm>>) target(%dma_start3A_1807 : memref<128xi32, #tpu.memory_space<vmem>>) offsets(%dma_start3A_1810 : memref<128xi32, #tpu.memory_space<vmem>>) semaphore(%dma_start3A_1814 : memref<!tpu.dma_semaphore, #tpu.memory_space<semaphore_mem>>)
      }
      %scan3A_22 = arith.constant 16 : i32
      %scan3A_23 = arith.constant 0 : i32
      %scan3A_24 = arith.constant 0 : i32
      %scan3A_25 = arith.constant 16 : i32
      %scan3A_26 = arith.addi %scan3A_24, %scan3A_25 : i32
      %scan3A_27 = arith.constant 1 : i32
      scf.for %scan3A_32 = %scan3A_24 to %scan3A_26 step %scan3A_27  : i32 {
        %mul3A_33 = arith.constant 8 : i32
        %mul3A_34 = arith.muli %mul3A_33, %scan3A_32 : i32
        %add3A_35 = arith.constant 0 : i32
        %add3A_36 = arith.addi %mul3A_34, %add3A_35 : i32
        %mul3A_37 = arith.constant 8 : i32
        %mul3A_38 = arith.muli %mul3A_37, %scan3A_32 : i32
        %add3A_39 = arith.constant 0 : i32
        %add3A_40 = arith.addi %mul3A_38, %add3A_39 : i32
        %dma_wait3A = arith.constant 0 : i32
        %dma_wait3A_41 = tpu.memref_slice %arg17[%add3A_40, %dma_wait3A] : memref<128x128xi32, #tpu.memory_space<vmem>> -> memref<1x128xi32, #tpu.memory_space<vmem>>
        %dma_wait3A_42 = tpu.memref_squeeze %dma_wait3A_41 : memref<1x128xi32, #tpu.memory_space<vmem>> -> memref<128xi32, #tpu.memory_space<vmem>>
        %dma_wait3A_43 = arith.constant 0 : i32
        %dma_wait3A_44 = tpu.memref_slice %arg16[%add3A_36, %dma_wait3A_43] : memref<128x128xi32, #tpu.memory_space<vmem>> -> memref<1x128xi32, #tpu.memory_space<vmem>>
        %dma_wait3A_45 = tpu.memref_squeeze %dma_wait3A_44 : memref<1x128xi32, #tpu.memory_space<vmem>> -> memref<128xi32, #tpu.memory_space<vmem>>
        %dma_wait3A_46 = arith.constant 0 : i32
        %dma_wait3A_47 = tpu.memref_slice %arg5[%dma_wait3A_46] : memref<8388608xi32, #tpu.memory_space<hbm>> -> memref<8388608xi32, #tpu.memory_space<hbm>>
        %dma_wait3A_48 = tpu.memref_slice %arg24[%scan3A_32] : memref<16x!tpu.dma_semaphore, #tpu.memory_space<semaphore_mem>> -> memref<1x!tpu.dma_semaphore, #tpu.memory_space<semaphore_mem>>
        %dma_wait3A_49 = tpu.memref_squeeze %dma_wait3A_48 : memref<1x!tpu.dma_semaphore, #tpu.memory_space<semaphore_mem>> -> memref<!tpu.dma_semaphore, #tpu.memory_space<semaphore_mem>>
        tpu.wait_indirect_dma semaphore(%dma_wait3A_49 : memref<!tpu.dma_semaphore, #tpu.memory_space<semaphore_mem>>) src(%dma_wait3A_47 : memref<8388608xi32, #tpu.memory_space<hbm>>) dst(%dma_wait3A_42 : memref<128xi32, #tpu.memory_space<vmem>>)
        %mul3A_50 = arith.constant 8 : i32
        %mul3A_51 = arith.muli %mul3A_50, %scan3A_32 : i32
        %add3A_52 = arith.constant 1 : i32
        %add3A_53 = arith.addi %mul3A_51, %add3A_52 : i32
        %mul3A_54 = arith.constant 8 : i32
        %mul3A_55 = arith.muli %mul3A_54, %scan3A_32 : i32
        %add3A_56 = arith.constant 1 : i32
        %add3A_57 = arith.addi %mul3A_55, %add3A_56 : i32
        %dma_wait3A_58 = arith.constant 0 : i32
        %dma_wait3A_59 = tpu.memref_slice %arg17[%add3A_57, %dma_wait3A_58] : memref<128x128xi32, #tpu.memory_space<vmem>> -> memref<1x128xi32, #tpu.memory_space<vmem>>
        %dma_wait3A_60 = tpu.memref_squeeze %dma_wait3A_59 : memref<1x128xi32, #tpu.memory_space<vmem>> -> memref<128xi32, #tpu.memory_space<vmem>>
        %dma_wait3A_61 = arith.constant 0 : i32
        %dma_wait3A_62 = tpu.memref_slice %arg16[%add3A_53, %dma_wait3A_61] : memref<128x128xi32, #tpu.memory_space<vmem>> -> memref<1x128xi32, #tpu.memory_space<vmem>>
        %dma_wait3A_63 = tpu.memref_squeeze %dma_wait3A_62 : memref<1x128xi32, #tpu.memory_space<vmem>> -> memref<128xi32, #tpu.memory_space<vmem>>
        %dma_wait3A_64 = arith.constant 0 : i32
        %dma_wait3A_65 = tpu.memref_slice %arg5[%dma_wait3A_64] : memref<8388608xi32, #tpu.memory_space<hbm>> -> memref<8388608xi32, #tpu.memory_space<hbm>>
        %dma_wait3A_66 = tpu.memref_slice %arg24[%scan3A_32] : memref<16x!tpu.dma_semaphore, #tpu.memory_space<semaphore_mem>> -> memref<1x!tpu.dma_semaphore, #tpu.memory_space<semaphore_mem>>
        %dma_wait3A_67 = tpu.memref_squeeze %dma_wait3A_66 : memref<1x!tpu.dma_semaphore, #tpu.memory_space<semaphore_mem>> -> memref<!tpu.dma_semaphore, #tpu.memory_space<semaphore_mem>>
        tpu.wait_indirect_dma semaphore(%dma_wait3A_67 : memref<!tpu.dma_semaphore, #tpu.memory_space<semaphore_mem>>) src(%dma_wait3A_65 : memref<8388608xi32, #tpu.memory_space<hbm>>) dst(%dma_wait3A_60 : memref<128xi32, #tpu.memory_space<vmem>>)
        %mul3A_68 = arith.constant 8 : i32
        %mul3A_69 = arith.muli %mul3A_68, %scan3A_32 : i32
        %add3A_70 = arith.constant 2 : i32
        %add3A_71 = arith.addi %mul3A_69, %add3A_70 : i32
        %mul3A_72 = arith.constant 8 : i32
        %mul3A_73 = arith.muli %mul3A_72, %scan3A_32 : i32
        %add3A_74 = arith.constant 2 : i32
        %add3A_75 = arith.addi %mul3A_73, %add3A_74 : i32
        %dma_wait3A_76 = arith.constant 0 : i32
        %dma_wait3A_77 = tpu.memref_slice %arg17[%add3A_75, %dma_wait3A_76] : memref<128x128xi32, #tpu.memory_space<vmem>> -> memref<1x128xi32, #tpu.memory_space<vmem>>
        %dma_wait3A_78 = tpu.memref_squeeze %dma_wait3A_77 : memref<1x128xi32, #tpu.memory_space<vmem>> -> memref<128xi32, #tpu.memory_space<vmem>>
        %dma_wait3A_79 = arith.constant 0 : i32
        %dma_wait3A_80 = tpu.memref_slice %arg16[%add3A_71, %dma_wait3A_79] : memref<128x128xi32, #tpu.memory_space<vmem>> -> memref<1x128xi32, #tpu.memory_space<vmem>>
        %dma_wait3A_81 = tpu.memref_squeeze %dma_wait3A_80 : memref<1x128xi32, #tpu.memory_space<vmem>> -> memref<128xi32, #tpu.memory_space<vmem>>
        %dma_wait3A_82 = arith.constant 0 : i32
        %dma_wait3A_83 = tpu.memref_slice %arg5[%dma_wait3A_82] : memref<8388608xi32, #tpu.memory_space<hbm>> -> memref<8388608xi32, #tpu.memory_space<hbm>>
        %dma_wait3A_84 = tpu.memref_slice %arg24[%scan3A_32] : memref<16x!tpu.dma_semaphore, #tpu.memory_space<semaphore_mem>> -> memref<1x!tpu.dma_semaphore, #tpu.memory_space<semaphore_mem>>
        %dma_wait3A_85 = tpu.memref_squeeze %dma_wait3A_84 : memref<1x!tpu.dma_semaphore, #tpu.memory_space<semaphore_mem>> -> memref<!tpu.dma_semaphore, #tpu.memory_space<semaphore_mem>>
        tpu.wait_indirect_dma semaphore(%dma_wait3A_85 : memref<!tpu.dma_semaphore, #tpu.memory_space<semaphore_mem>>) src(%dma_wait3A_83 : memref<8388608xi32, #tpu.memory_space<hbm>>) dst(%dma_wait3A_78 : memref<128xi32, #tpu.memory_space<vmem>>)
        %mul3A_86 = arith.constant 8 : i32
        %mul3A_87 = arith.muli %mul3A_86, %scan3A_32 : i32
        %add3A_88 = arith.constant 3 : i32
        %add3A_89 = arith.addi %mul3A_87, %add3A_88 : i32
        %mul3A_90 = arith.constant 8 : i32
        %mul3A_91 = arith.muli %mul3A_90, %scan3A_32 : i32
        %add3A_92 = arith.constant 3 : i32
        %add3A_93 = arith.addi %mul3A_91, %add3A_92 : i32
        %dma_wait3A_94 = arith.constant 0 : i32
        %dma_wait3A_95 = tpu.memref_slice %arg17[%add3A_93, %dma_wait3A_94] : memref<128x128xi32, #tpu.memory_space<vmem>> -> memref<1x128xi32, #tpu.memory_space<vmem>>
        %dma_wait3A_96 = tpu.memref_squeeze %dma_wait3A_95 : memref<1x128xi32, #tpu.memory_space<vmem>> -> memref<128xi32, #tpu.memory_space<vmem>>
        %dma_wait3A_97 = arith.constant 0 : i32
        %dma_wait3A_98 = tpu.memref_slice %arg16[%add3A_89, %dma_wait3A_97] : memref<128x128xi32, #tpu.memory_space<vmem>> -> memref<1x128xi32, #tpu.memory_space<vmem>>
        %dma_wait3A_99 = tpu.memref_squeeze %dma_wait3A_98 : memref<1x128xi32, #tpu.memory_space<vmem>> -> memref<128xi32, #tpu.memory_space<vmem>>
        %dma_wait3A_100 = arith.constant 0 : i32
        %dma_wait3A_101 = tpu.memref_slice %arg5[%dma_wait3A_100] : memref<8388608xi32, #tpu.memory_space<hbm>> -> memref<8388608xi32, #tpu.memory_space<hbm>>
        %dma_wait3A_102 = tpu.memref_slice %arg24[%scan3A_32] : memref<16x!tpu.dma_semaphore, #tpu.memory_space<semaphore_mem>> -> memref<1x!tpu.dma_semaphore, #tpu.memory_space<semaphore_mem>>
        %dma_wait3A_103 = tpu.memref_squeeze %dma_wait3A_102 : memref<1x!tpu.dma_semaphore, #tpu.memory_space<semaphore_mem>> -> memref<!tpu.dma_semaphore, #tpu.memory_space<semaphore_mem>>
        tpu.wait_indirect_dma semaphore(%dma_wait3A_103 : memref<!tpu.dma_semaphore, #tpu.memory_space<semaphore_mem>>) src(%dma_wait3A_101 : memref<8388608xi32, #tpu.memory_space<hbm>>) dst(%dma_wait3A_96 : memref<128xi32, #tpu.memory_space<vmem>>)
        %mul3A_104 = arith.constant 8 : i32
        %mul3A_105 = arith.muli %mul3A_104, %scan3A_32 : i32
        %add3A_106 = arith.constant 4 : i32
        %add3A_107 = arith.addi %mul3A_105, %add3A_106 : i32
        %mul3A_108 = arith.constant 8 : i32
        %mul3A_109 = arith.muli %mul3A_108, %scan3A_32 : i32
        %add3A_110 = arith.constant 4 : i32
        %add3A_111 = arith.addi %mul3A_109, %add3A_110 : i32
        %dma_wait3A_112 = arith.constant 0 : i32
        %dma_wait3A_113 = tpu.memref_slice %arg17[%add3A_111, %dma_wait3A_112] : memref<128x128xi32, #tpu.memory_space<vmem>> -> memref<1x128xi32, #tpu.memory_space<vmem>>
        %dma_wait3A_114 = tpu.memref_squeeze %dma_wait3A_113 : memref<1x128xi32, #tpu.memory_space<vmem>> -> memref<128xi32, #tpu.memory_space<vmem>>
        %dma_wait3A_115 = arith.constant 0 : i32
        %dma_wait3A_116 = tpu.memref_slice %arg16[%add3A_107, %dma_wait3A_115] : memref<128x128xi32, #tpu.memory_space<vmem>> -> memref<1x128xi32, #tpu.memory_space<vmem>>
        %dma_wait3A_117 = tpu.memref_squeeze %dma_wait3A_116 : memref<1x128xi32, #tpu.memory_space<vmem>> -> memref<128xi32, #tpu.memory_space<vmem>>
        %dma_wait3A_118 = arith.constant 0 : i32
        %dma_wait3A_119 = tpu.memref_slice %arg5[%dma_wait3A_118] : memref<8388608xi32, #tpu.memory_space<hbm>> -> memref<8388608xi32, #tpu.memory_space<hbm>>
        %dma_wait3A_120 = tpu.memref_slice %arg24[%scan3A_32] : memref<16x!tpu.dma_semaphore, #tpu.memory_space<semaphore_mem>> -> memref<1x!tpu.dma_semaphore, #tpu.memory_space<semaphore_mem>>
        %dma_wait3A_121 = tpu.memref_squeeze %dma_wait3A_120 : memref<1x!tpu.dma_semaphore, #tpu.memory_space<semaphore_mem>> -> memref<!tpu.dma_semaphore, #tpu.memory_space<semaphore_mem>>
        tpu.wait_indirect_dma semaphore(%dma_wait3A_121 : memref<!tpu.dma_semaphore, #tpu.memory_space<semaphore_mem>>) src(%dma_wait3A_119 : memref<8388608xi32, #tpu.memory_space<hbm>>) dst(%dma_wait3A_114 : memref<128xi32, #tpu.memory_space<vmem>>)
        %mul3A_122 = arith.constant 8 : i32
        %mul3A_123 = arith.muli %mul3A_122, %scan3A_32 : i32
        %add3A_124 = arith.constant 5 : i32
        %add3A_125 = arith.addi %mul3A_123, %add3A_124 : i32
        %mul3A_126 = arith.constant 8 : i32
        %mul3A_127 = arith.muli %mul3A_126, %scan3A_32 : i32
        %add3A_128 = arith.constant 5 : i32
        %add3A_129 = arith.addi %mul3A_127, %add3A_128 : i32
        %dma_wait3A_130 = arith.constant 0 : i32
        %dma_wait3A_131 = tpu.memref_slice %arg17[%add3A_129, %dma_wait3A_130] : memref<128x128xi32, #tpu.memory_space<vmem>> -> memref<1x128xi32, #tpu.memory_space<vmem>>
        %dma_wait3A_132 = tpu.memref_squeeze %dma_wait3A_131 : memref<1x128xi32, #tpu.memory_space<vmem>> -> memref<128xi32, #tpu.memory_space<vmem>>
        %dma_wait3A_133 = arith.constant 0 : i32
        %dma_wait3A_134 = tpu.memref_slice %arg16[%add3A_125, %dma_wait3A_133] : memref<128x128xi32, #tpu.memory_space<vmem>> -> memref<1x128xi32, #tpu.memory_space<vmem>>
        %dma_wait3A_135 = tpu.memref_squeeze %dma_wait3A_134 : memref<1x128xi32, #tpu.memory_space<vmem>> -> memref<128xi32, #tpu.memory_space<vmem>>
        %dma_wait3A_136 = arith.constant 0 : i32
        %dma_wait3A_137 = tpu.memref_slice %arg5[%dma_wait3A_136] : memref<8388608xi32, #tpu.memory_space<hbm>> -> memref<8388608xi32, #tpu.memory_space<hbm>>
        %dma_wait3A_138 = tpu.memref_slice %arg24[%scan3A_32] : memref<16x!tpu.dma_semaphore, #tpu.memory_space<semaphore_mem>> -> memref<1x!tpu.dma_semaphore, #tpu.memory_space<semaphore_mem>>
        %dma_wait3A_139 = tpu.memref_squeeze %dma_wait3A_138 : memref<1x!tpu.dma_semaphore, #tpu.memory_space<semaphore_mem>> -> memref<!tpu.dma_semaphore, #tpu.memory_space<semaphore_mem>>
        tpu.wait_indirect_dma semaphore(%dma_wait3A_139 : memref<!tpu.dma_semaphore, #tpu.memory_space<semaphore_mem>>) src(%dma_wait3A_137 : memref<8388608xi32, #tpu.memory_space<hbm>>) dst(%dma_wait3A_132 : memref<128xi32, #tpu.memory_space<vmem>>)
        %mul3A_140 = arith.constant 8 : i32
        %mul3A_141 = arith.muli %mul3A_140, %scan3A_32 : i32
        %add3A_142 = arith.constant 6 : i32
        %add3A_143 = arith.addi %mul3A_141, %add3A_142 : i32
        %mul3A_144 = arith.constant 8 : i32
        %mul3A_145 = arith.muli %mul3A_144, %scan3A_32 : i32
        %add3A_146 = arith.constant 6 : i32
        %add3A_147 = arith.addi %mul3A_145, %add3A_146 : i32
        %dma_wait3A_148 = arith.constant 0 : i32
        %dma_wait3A_149 = tpu.memref_slice %arg17[%add3A_147, %dma_wait3A_148] : memref<128x128xi32, #tpu.memory_space<vmem>> -> memref<1x128xi32, #tpu.memory_space<vmem>>
        %dma_wait3A_150 = tpu.memref_squeeze %dma_wait3A_149 : memref<1x128xi32, #tpu.memory_space<vmem>> -> memref<128xi32, #tpu.memory_space<vmem>>
        %dma_wait3A_151 = arith.constant 0 : i32
        %dma_wait3A_152 = tpu.memref_slice %arg16[%add3A_143, %dma_wait3A_151] : memref<128x128xi32, #tpu.memory_space<vmem>> -> memref<1x128xi32, #tpu.memory_space<vmem>>
        %dma_wait3A_153 = tpu.memref_squeeze %dma_wait3A_152 : memref<1x128xi32, #tpu.memory_space<vmem>> -> memref<128xi32, #tpu.memory_space<vmem>>
        %dma_wait3A_154 = arith.constant 0 : i32
        %dma_wait3A_155 = tpu.memref_slice %arg5[%dma_wait3A_154] : memref<8388608xi32, #tpu.memory_space<hbm>> -> memref<8388608xi32, #tpu.memory_space<hbm>>
        %dma_wait3A_156 = tpu.memref_slice %arg24[%scan3A_32] : memref<16x!tpu.dma_semaphore, #tpu.memory_space<semaphore_mem>> -> memref<1x!tpu.dma_semaphore, #tpu.memory_space<semaphore_mem>>
        %dma_wait3A_157 = tpu.memref_squeeze %dma_wait3A_156 : memref<1x!tpu.dma_semaphore, #tpu.memory_space<semaphore_mem>> -> memref<!tpu.dma_semaphore, #tpu.memory_space<semaphore_mem>>
        tpu.wait_indirect_dma semaphore(%dma_wait3A_157 : memref<!tpu.dma_semaphore, #tpu.memory_space<semaphore_mem>>) src(%dma_wait3A_155 : memref<8388608xi32, #tpu.memory_space<hbm>>) dst(%dma_wait3A_150 : memref<128xi32, #tpu.memory_space<vmem>>)
        %mul3A_158 = arith.constant 8 : i32
        %mul3A_159 = arith.muli %mul3A_158, %scan3A_32 : i32
        %add3A_160 = arith.constant 7 : i32
        %add3A_161 = arith.addi %mul3A_159, %add3A_160 : i32
        %mul3A_162 = arith.constant 8 : i32
        %mul3A_163 = arith.muli %mul3A_162, %scan3A_32 : i32
        %add3A_164 = arith.constant 7 : i32
        %add3A_165 = arith.addi %mul3A_163, %add3A_164 : i32
        %dma_wait3A_166 = arith.constant 0 : i32
        %dma_wait3A_167 = tpu.memref_slice %arg17[%add3A_165, %dma_wait3A_166] : memref<128x128xi32, #tpu.memory_space<vmem>> -> memref<1x128xi32, #tpu.memory_space<vmem>>
        %dma_wait3A_168 = tpu.memref_squeeze %dma_wait3A_167 : memref<1x128xi32, #tpu.memory_space<vmem>> -> memref<128xi32, #tpu.memory_space<vmem>>
        %dma_wait3A_169 = arith.constant 0 : i32
        %dma_wait3A_170 = tpu.memref_slice %arg16[%add3A_161, %dma_wait3A_169] : memref<128x128xi32, #tpu.memory_space<vmem>> -> memref<1x128xi32, #tpu.memory_space<vmem>>
        %dma_wait3A_171 = tpu.memref_squeeze %dma_wait3A_170 : memref<1x128xi32, #tpu.memory_space<vmem>> -> memref<128xi32, #tpu.memory_space<vmem>>
        %dma_wait3A_172 = arith.constant 0 : i32
        %dma_wait3A_173 = tpu.memref_slice %arg5[%dma_wait3A_172] : memref<8388608xi32, #tpu.memory_space<hbm>> -> memref<8388608xi32, #tpu.memory_space<hbm>>
        %dma_wait3A_174 = tpu.memref_slice %arg24[%scan3A_32] : memref<16x!tpu.dma_semaphore, #tpu.memory_space<semaphore_mem>> -> memref<1x!tpu.dma_semaphore, #tpu.memory_space<semaphore_mem>>
        %dma_wait3A_175 = tpu.memref_squeeze %dma_wait3A_174 : memref<1x!tpu.dma_semaphore, #tpu.memory_space<semaphore_mem>> -> memref<!tpu.dma_semaphore, #tpu.memory_space<semaphore_mem>>
        tpu.wait_indirect_dma semaphore(%dma_wait3A_175 : memref<!tpu.dma_semaphore, #tpu.memory_space<semaphore_mem>>) src(%dma_wait3A_173 : memref<8388608xi32, #tpu.memory_space<hbm>>) dst(%dma_wait3A_168 : memref<128xi32, #tpu.memory_space<vmem>>)
        %mul3A_176 = arith.constant 3 : i32
        %mul3A_177 = arith.muli %mul3A_176, %scan3A_32 : i32
        %get3A = arith.index_cast %mul3A_177 : i32 to index
        %get3A_178 = arith.constant 0 : index
        %get3A_179 = tpu.vector_load %arg15[%get3A, %get3A_178] {strides = array<i32>} : memref<48x128xf32, #tpu.memory_space<vmem>>, vector<16xf32>,
        %mul3A_180 = arith.constant 3 : i32
        %mul3A_181 = arith.muli %mul3A_180, %scan3A_32 : i32
        %add3A_182 = arith.constant 1 : i32
        %add3A_183 = arith.addi %mul3A_181, %add3A_182 : i32
        %get3A_184 = arith.index_cast %add3A_183 : i32 to index
        %get3A_185 = arith.constant 0 : index
        %get3A_186 = tpu.vector_load %arg15[%get3A_184, %get3A_185] {strides = array<i32>} : memref<48x128xf32, #tpu.memory_space<vmem>>, vector<16xf32>,
        %mul3A_187 = arith.constant 3 : i32
        %mul3A_188 = arith.muli %mul3A_187, %scan3A_32 : i32
        %add3A_189 = arith.constant 2 : i32
        %add3A_190 = arith.addi %mul3A_188, %add3A_189 : i32
        %get3A_191 = arith.index_cast %add3A_190 : i32 to index
        %get3A_192 = arith.constant 0 : index
        %get3A_193 = tpu.vector_load %arg15[%get3A_191, %get3A_192] {strides = array<i32>} : memref<48x128xf32, #tpu.memory_space<vmem>>, vector<16xf32>,
        %sub3A = arith.constant 1.000000e+00 : f32
        %sub3A_194 = vector.broadcast %sub3A : f32 to vector<16xf32>
        %sub3A_195 = arith.subf %sub3A_194, %get3A_179 : vector<16xf32>
        %sub3A_196 = arith.constant 1.000000e+00 : f32
        %sub3A_197 = vector.broadcast %sub3A_196 : f32 to vector<16xf32>
        %sub3A_198 = arith.subf %sub3A_197, %get3A_186 : vector<16xf32>
        %sub3A_199 = arith.constant 1.000000e+00 : f32
        %sub3A_200 = vector.broadcast %sub3A_199 : f32 to vector<16xf32>
        %sub3A_201 = arith.subf %sub3A_200, %get3A_193 : vector<16xf32>
        %broadcast_in_dim3A_202 = arith.constant 0.000000e+00 : f32
        %broadcast_in_dim3A_203 = vector.broadcast %broadcast_in_dim3A_202 : f32 to vector<16xf32>
        %broadcast_in_dim3A_204 = arith.constant 0.000000e+00 : f32
        %broadcast_in_dim3A_205 = vector.broadcast %broadcast_in_dim3A_204 : f32 to vector<16xf32>
        %mul3A_206 = arith.mulf %sub3A_195, %sub3A_198 : vector<16xf32>
        %mul3A_207 = arith.mulf %mul3A_206, %sub3A_201 : vector<16xf32>
        %mul3A_208 = arith.constant 8 : i32
        %mul3A_209 = arith.muli %mul3A_208, %scan3A_32 : i32
        %add3A_210 = arith.constant 0 : i32
        %add3A_211 = arith.addi %mul3A_209, %add3A_210 : i32
        %get3A_212 = arith.index_cast %add3A_211 : i32 to index
        %get3A_213 = arith.constant 0 : index
        %get3A_214 = tpu.vector_load %arg17[%get3A_212, %get3A_213] {strides = array<i32>} : memref<128x128xi32, #tpu.memory_space<vmem>>, vector<16xi32>,
        %shift_left3A = arith.shli %get3A_214, %broadcast_in_dim3A_3 : vector<16xi32>
        %bitcast3A = vector.bitcast %shift_left3A : vector<16xi32> to vector<16xf32>
        %and3A = arith.andi %get3A_214, %broadcast_in_dim3A_5 : vector<16xi32>
        %bitcast3A_215 = vector.bitcast %and3A : vector<16xi32> to vector<16xf32>
        %mul3A_216 = arith.mulf %mul3A_207, %bitcast3A : vector<16xf32>
        %add3A_217 = arith.addf %broadcast_in_dim3A_203, %mul3A_216 : vector<16xf32>
        %mul3A_218 = arith.mulf %mul3A_207, %bitcast3A_215 : vector<16xf32>
        %add3A_219 = arith.addf %broadcast_in_dim3A_205, %mul3A_218 : vector<16xf32>
        %mul3A_220 = arith.mulf %sub3A_195, %sub3A_198 : vector<16xf32>
        %mul3A_221 = arith.mulf %mul3A_220, %get3A_193 : vector<16xf32>
        %mul3A_222 = arith.constant 8 : i32
        %mul3A_223 = arith.muli %mul3A_222, %scan3A_32 : i32
        %add3A_224 = arith.constant 1 : i32
        %add3A_225 = arith.addi %mul3A_223, %add3A_224 : i32
        %get3A_226 = arith.index_cast %add3A_225 : i32 to index
        %get3A_227 = arith.constant 0 : index
        %get3A_228 = tpu.vector_load %arg17[%get3A_226, %get3A_227] {strides = array<i32>} : memref<128x128xi32, #tpu.memory_space<vmem>>, vector<16xi32>,
        %shift_left3A_229 = arith.shli %get3A_228, %broadcast_in_dim3A_3 : vector<16xi32>
        %bitcast3A_230 = vector.bitcast %shift_left3A_229 : vector<16xi32> to vector<16xf32>
        %and3A_231 = arith.andi %get3A_228, %broadcast_in_dim3A_5 : vector<16xi32>
        %bitcast3A_232 = vector.bitcast %and3A_231 : vector<16xi32> to vector<16xf32>
        %mul3A_233 = arith.mulf %mul3A_221, %bitcast3A_230 : vector<16xf32>
        %add3A_234 = arith.addf %add3A_217, %mul3A_233 : vector<16xf32>
        %mul3A_235 = arith.mulf %mul3A_221, %bitcast3A_232 : vector<16xf32>
        %add3A_236 = arith.addf %add3A_219, %mul3A_235 : vector<16xf32>
        %mul3A_237 = arith.mulf %sub3A_195, %get3A_186 : vector<16xf32>
        %mul3A_238 = arith.mulf %mul3A_237, %sub3A_201 : vector<16xf32>
        %mul3A_239 = arith.constant 8 : i32
        %mul3A_240 = arith.muli %mul3A_239, %scan3A_32 : i32
        %add3A_241 = arith.constant 2 : i32
        %add3A_242 = arith.addi %mul3A_240, %add3A_241 : i32
        %get3A_243 = arith.index_cast %add3A_242 : i32 to index
        %get3A_244 = arith.constant 0 : index
        %get3A_245 = tpu.vector_load %arg17[%get3A_243, %get3A_244] {strides = array<i32>} : memref<128x128xi32, #tpu.memory_space<vmem>>, vector<16xi32>,
        %shift_left3A_246 = arith.shli %get3A_245, %broadcast_in_dim3A_3 : vector<16xi32>
        %bitcast3A_247 = vector.bitcast %shift_left3A_246 : vector<16xi32> to vector<16xf32>
        %and3A_248 = arith.andi %get3A_245, %broadcast_in_dim3A_5 : vector<16xi32>
        %bitcast3A_249 = vector.bitcast %and3A_248 : vector<16xi32> to vector<16xf32>
        %mul3A_250 = arith.mulf %mul3A_238, %bitcast3A_247 : vector<16xf32>
        %add3A_251 = arith.addf %add3A_234, %mul3A_250 : vector<16xf32>
        %mul3A_252 = arith.mulf %mul3A_238, %bitcast3A_249 : vector<16xf32>
        %add3A_253 = arith.addf %add3A_236, %mul3A_252 : vector<16xf32>
        %mul3A_254 = arith.mulf %sub3A_195, %get3A_186 : vector<16xf32>
        %mul3A_255 = arith.mulf %mul3A_254, %get3A_193 : vector<16xf32>
        %mul3A_256 = arith.constant 8 : i32
        %mul3A_257 = arith.muli %mul3A_256, %scan3A_32 : i32
        %add3A_258 = arith.constant 3 : i32
        %add3A_259 = arith.addi %mul3A_257, %add3A_258 : i32
        %get3A_260 = arith.index_cast %add3A_259 : i32 to index
        %get3A_261 = arith.constant 0 : index
        %get3A_262 = tpu.vector_load %arg17[%get3A_260, %get3A_261] {strides = array<i32>} : memref<128x128xi32, #tpu.memory_space<vmem>>, vector<16xi32>,
        %shift_left3A_263 = arith.shli %get3A_262, %broadcast_in_dim3A_3 : vector<16xi32>
        %bitcast3A_264 = vector.bitcast %shift_left3A_263 : vector<16xi32> to vector<16xf32>
        %and3A_265 = arith.andi %get3A_262, %broadcast_in_dim3A_5 : vector<16xi32>
        %bitcast3A_266 = vector.bitcast %and3A_265 : vector<16xi32> to vector<16xf32>
        %mul3A_267 = arith.mulf %mul3A_255, %bitcast3A_264 : vector<16xf32>
        %add3A_268 = arith.addf %add3A_251, %mul3A_267 : vector<16xf32>
        %mul3A_269 = arith.mulf %mul3A_255, %bitcast3A_266 : vector<16xf32>
        %add3A_270 = arith.addf %add3A_253, %mul3A_269 : vector<16xf32>
        %mul3A_271 = arith.mulf %get3A_179, %sub3A_198 : vector<16xf32>
        %mul3A_272 = arith.mulf %mul3A_271, %sub3A_201 : vector<16xf32>
        %mul3A_273 = arith.constant 8 : i32
        %mul3A_274 = arith.muli %mul3A_273, %scan3A_32 : i32
        %add3A_275 = arith.constant 4 : i32
        %add3A_276 = arith.addi %mul3A_274, %add3A_275 : i32
        %get3A_277 = arith.index_cast %add3A_276 : i32 to index
        %get3A_278 = arith.constant 0 : index
        %get3A_279 = tpu.vector_load %arg17[%get3A_277, %get3A_278] {strides = array<i32>} : memref<128x128xi32, #tpu.memory_space<vmem>>, vector<16xi32>,
        %shift_left3A_280 = arith.shli %get3A_279, %broadcast_in_dim3A_3 : vector<16xi32>
        %bitcast3A_281 = vector.bitcast %shift_left3A_280 : vector<16xi32> to vector<16xf32>
        %and3A_282 = arith.andi %get3A_279, %broadcast_in_dim3A_5 : vector<16xi32>
        %bitcast3A_283 = vector.bitcast %and3A_282 : vector<16xi32> to vector<16xf32>
        %mul3A_284 = arith.mulf %mul3A_272, %bitcast3A_281 : vector<16xf32>
        %add3A_285 = arith.addf %add3A_268, %mul3A_284 : vector<16xf32>
        %mul3A_286 = arith.mulf %mul3A_272, %bitcast3A_283 : vector<16xf32>
        %add3A_287 = arith.addf %add3A_270, %mul3A_286 : vector<16xf32>
        %mul3A_288 = arith.mulf %get3A_179, %sub3A_198 : vector<16xf32>
        %mul3A_289 = arith.mulf %mul3A_288, %get3A_193 : vector<16xf32>
        %mul3A_290 = arith.constant 8 : i32
        %mul3A_291 = arith.muli %mul3A_290, %scan3A_32 : i32
        %add3A_292 = arith.constant 5 : i32
        %add3A_293 = arith.addi %mul3A_291, %add3A_292 : i32
        %get3A_294 = arith.index_cast %add3A_293 : i32 to index
        %get3A_295 = arith.constant 0 : index
        %get3A_296 = tpu.vector_load %arg17[%get3A_294, %get3A_295] {strides = array<i32>} : memref<128x128xi32, #tpu.memory_space<vmem>>, vector<16xi32>,
        %shift_left3A_297 = arith.shli %get3A_296, %broadcast_in_dim3A_3 : vector<16xi32>
        %bitcast3A_298 = vector.bitcast %shift_left3A_297 : vector<16xi32> to vector<16xf32>
        %and3A_299 = arith.andi %get3A_296, %broadcast_in_dim3A_5 : vector<16xi32>
        %bitcast3A_300 = vector.bitcast %and3A_299 : vector<16xi32> to vector<16xf32>
        %mul3A_301 = arith.mulf %mul3A_289, %bitcast3A_298 : vector<16xf32>
        %add3A_302 = arith.addf %add3A_285, %mul3A_301 : vector<16xf32>
        %mul3A_303 = arith.mulf %mul3A_289, %bitcast3A_300 : vector<16xf32>
        %add3A_304 = arith.addf %add3A_287, %mul3A_303 : vector<16xf32>
        %mul3A_305 = arith.mulf %get3A_179, %get3A_186 : vector<16xf32>
        %mul3A_306 = arith.mulf %mul3A_305, %sub3A_201 : vector<16xf32>
        %mul3A_307 = arith.constant 8 : i32
        %mul3A_308 = arith.muli %mul3A_307, %scan3A_32 : i32
        %add3A_309 = arith.constant 6 : i32
        %add3A_310 = arith.addi %mul3A_308, %add3A_309 : i32
        %get3A_311 = arith.index_cast %add3A_310 : i32 to index
        %get3A_312 = arith.constant 0 : index
        %get3A_313 = tpu.vector_load %arg17[%get3A_311, %get3A_312] {strides = array<i32>} : memref<128x128xi32, #tpu.memory_space<vmem>>, vector<16xi32>,
        %shift_left3A_314 = arith.shli %get3A_313, %broadcast_in_dim3A_3 : vector<16xi32>
        %bitcast3A_315 = vector.bitcast %shift_left3A_314 : vector<16xi32> to vector<16xf32>
        %and3A_316 = arith.andi %get3A_313, %broadcast_in_dim3A_5 : vector<16xi32>
        %bitcast3A_317 = vector.bitcast %and3A_316 : vector<16xi32> to vector<16xf32>
        %mul3A_318 = arith.mulf %mul3A_306, %bitcast3A_315 : vector<16xf32>
        %add3A_319 = arith.addf %add3A_302, %mul3A_318 : vector<16xf32>
        %mul3A_320 = arith.mulf %mul3A_306, %bitcast3A_317 : vector<16xf32>
        %add3A_321 = arith.addf %add3A_304, %mul3A_320 : vector<16xf32>
        %mul3A_322 = arith.mulf %get3A_179, %get3A_186 : vector<16xf32>
        %mul3A_323 = arith.mulf %mul3A_322, %get3A_193 : vector<16xf32>
        %mul3A_324 = arith.constant 8 : i32
        %mul3A_325 = arith.muli %mul3A_324, %scan3A_32 : i32
        %add3A_326 = arith.constant 7 : i32
        %add3A_327 = arith.addi %mul3A_325, %add3A_326 : i32
        %get3A_328 = arith.index_cast %add3A_327 : i32 to index
        %get3A_329 = arith.constant 0 : index
        %get3A_330 = tpu.vector_load %arg17[%get3A_328, %get3A_329] {strides = array<i32>} : memref<128x128xi32, #tpu.memory_space<vmem>>, vector<16xi32>,
        %shift_left3A_331 = arith.shli %get3A_330, %broadcast_in_dim3A_3 : vector<16xi32>
        %bitcast3A_332 = vector.bitcast %shift_left3A_331 : vector<16xi32> to vector<16xf32>
        %and3A_333 = arith.andi %get3A_330, %broadcast_in_dim3A_5 : vector<16xi32>
        %bitcast3A_334 = vector.bitcast %and3A_333 : vector<16xi32> to vector<16xf32>
        %mul3A_335 = arith.mulf %mul3A_323, %bitcast3A_332 : vector<16xf32>
        %add3A_336 = arith.addf %add3A_319, %mul3A_335 : vector<16xf32>
        %mul3A_337 = arith.mulf %mul3A_323, %bitcast3A_334 : vector<16xf32>
        %add3A_338 = arith.addf %add3A_321, %mul3A_337 : vector<16xf32>
        %mul3A_339 = arith.constant 2 : i32
        %mul3A_340 = arith.muli %mul3A_339, %scan3A_32 : i32
        %swap3A = arith.index_cast %mul3A_340 : i32 to index
        %swap3A_341 = arith.constant 0 : index
        %swap3A_342 = tpu.vector_load %arg18[%swap3A, %swap3A_341] {strides = array<i32>} : memref<32x128xf32, #tpu.memory_space<vmem>>, vector<16xf32>,
        tpu.vector_store %arg18[%swap3A, %swap3A_341], %add3A_336 {strides = array<i32>} : memref<32x128xf32, #tpu.memory_space<vmem>>, vector<16xf32>,
        %mul3A_343 = arith.constant 2 : i32
        %mul3A_344 = arith.muli %mul3A_343, %scan3A_32 : i32
        %add3A_345 = arith.constant 1 : i32
        %add3A_346 = arith.addi %mul3A_344, %add3A_345 : i32
        %swap3A_347 = arith.index_cast %add3A_346 : i32 to index
        %swap3A_348 = arith.constant 0 : index
        %swap3A_349 = tpu.vector_load %arg18[%swap3A_347, %swap3A_348] {strides = array<i32>} : memref<32x128xf32, #tpu.memory_space<vmem>>, vector<16xf32>,
        tpu.vector_store %arg18[%swap3A_347, %swap3A_348], %add3A_338 {strides = array<i32>} : memref<32x128xf32, #tpu.memory_space<vmem>>, vector<16xf32>,
        %mul3A_350 = arith.constant 3 : i32
        %mul3A_351 = arith.muli %mul3A_350, %scan3A_32 : i32
        %get3A_352 = arith.index_cast %mul3A_351 : i32 to index
        %get3A_353 = arith.constant 16 : index
        %get3A_354 = tpu.vector_load %arg15[%get3A_352, %get3A_353] {strides = array<i32>} : memref<48x128xf32, #tpu.memory_space<vmem>>, vector<16xf32>,
        %mul3A_355 = arith.constant 3 : i32
        %mul3A_356 = arith.muli %mul3A_355, %scan3A_32 : i32
        %add3A_357 = arith.constant 1 : i32
        %add3A_358 = arith.addi %mul3A_356, %add3A_357 : i32
        %get3A_359 = arith.index_cast %add3A_358 : i32 to index
        %get3A_360 = arith.constant 16 : index
        %get3A_361 = tpu.vector_load %arg15[%get3A_359, %get3A_360] {strides = array<i32>} : memref<48x128xf32, #tpu.memory_space<vmem>>, vector<16xf32>,
        %mul3A_362 = arith.constant 3 : i32
        %mul3A_363 = arith.muli %mul3A_362, %scan3A_32 : i32
        %add3A_364 = arith.constant 2 : i32
        %add3A_365 = arith.addi %mul3A_363, %add3A_364 : i32
        %get3A_366 = arith.index_cast %add3A_365 : i32 to index
        %get3A_367 = arith.constant 16 : index
        %get3A_368 = tpu.vector_load %arg15[%get3A_366, %get3A_367] {strides = array<i32>} : memref<48x128xf32, #tpu.memory_space<vmem>>, vector<16xf32>,
        %sub3A_369 = arith.constant 1.000000e+00 : f32
        %sub3A_370 = vector.broadcast %sub3A_369 : f32 to vector<16xf32>
        %sub3A_371 = arith.subf %sub3A_370, %get3A_354 : vector<16xf32>
        %sub3A_372 = arith.constant 1.000000e+00 : f32
        %sub3A_373 = vector.broadcast %sub3A_372 : f32 to vector<16xf32>
        %sub3A_374 = arith.subf %sub3A_373, %get3A_361 : vector<16xf32>
        %sub3A_375 = arith.constant 1.000000e+00 : f32
        %sub3A_376 = vector.broadcast %sub3A_375 : f32 to vector<16xf32>
        %sub3A_377 = arith.subf %sub3A_376, %get3A_368 : vector<16xf32>
        %broadcast_in_dim3A_378 = arith.constant 0.000000e+00 : f32
        %broadcast_in_dim3A_379 = vector.broadcast %broadcast_in_dim3A_378 : f32 to vector<16xf32>
        %broadcast_in_dim3A_380 = arith.constant 0.000000e+00 : f32
        %broadcast_in_dim3A_381 = vector.broadcast %broadcast_in_dim3A_380 : f32 to vector<16xf32>
        %mul3A_382 = arith.mulf %sub3A_371, %sub3A_374 : vector<16xf32>
        %mul3A_383 = arith.mulf %mul3A_382, %sub3A_377 : vector<16xf32>
        %mul3A_384 = arith.constant 8 : i32
        %mul3A_385 = arith.muli %mul3A_384, %scan3A_32 : i32
        %add3A_386 = arith.constant 0 : i32
        %add3A_387 = arith.addi %mul3A_385, %add3A_386 : i32
        %get3A_388 = arith.index_cast %add3A_387 : i32 to index
        %get3A_389 = arith.constant 16 : index
        %get3A_390 = tpu.vector_load %arg17[%get3A_388, %get3A_389] {strides = array<i32>} : memref<128x128xi32, #tpu.memory_space<vmem>>, vector<16xi32>,
        %shift_left3A_391 = arith.shli %get3A_390, %broadcast_in_dim3A_3 : vector<16xi32>
        %bitcast3A_392 = vector.bitcast %shift_left3A_391 : vector<16xi32> to vector<16xf32>
        %and3A_393 = arith.andi %get3A_390, %broadcast_in_dim3A_5 : vector<16xi32>
        %bitcast3A_394 = vector.bitcast %and3A_393 : vector<16xi32> to vector<16xf32>
        %mul3A_395 = arith.mulf %mul3A_383, %bitcast3A_392 : vector<16xf32>
        %add3A_396 = arith.addf %broadcast_in_dim3A_379, %mul3A_395 : vector<16xf32>
        %mul3A_397 = arith.mulf %mul3A_383, %bitcast3A_394 : vector<16xf32>
        %add3A_398 = arith.addf %broadcast_in_dim3A_381, %mul3A_397 : vector<16xf32>
        %mul3A_399 = arith.mulf %sub3A_371, %sub3A_374 : vector<16xf32>
        %mul3A_400 = arith.mulf %mul3A_399, %get3A_368 : vector<16xf32>
        %mul3A_401 = arith.constant 8 : i32
        %mul3A_402 = arith.muli %mul3A_401, %scan3A_32 : i32
        %add3A_403 = arith.constant 1 : i32
        %add3A_404 = arith.addi %mul3A_402, %add3A_403 : i32
        %get3A_405 = arith.index_cast %add3A_404 : i32 to index
        %get3A_406 = arith.constant 16 : index
        %get3A_407 = tpu.vector_load %arg17[%get3A_405, %get3A_406] {strides = array<i32>} : memref<128x128xi32, #tpu.memory_space<vmem>>, vector<16xi32>,
        %shift_left3A_408 = arith.shli %get3A_407, %broadcast_in_dim3A_3 : vector<16xi32>
        %bitcast3A_409 = vector.bitcast %shift_left3A_408 : vector<16xi32> to vector<16xf32>
        %and3A_410 = arith.andi %get3A_407, %broadcast_in_dim3A_5 : vector<16xi32>
        %bitcast3A_411 = vector.bitcast %and3A_410 : vector<16xi32> to vector<16xf32>
        %mul3A_412 = arith.mulf %mul3A_400, %bitcast3A_409 : vector<16xf32>
        %add3A_413 = arith.addf %add3A_396, %mul3A_412 : vector<16xf32>
        %mul3A_414 = arith.mulf %mul3A_400, %bitcast3A_411 : vector<16xf32>
        %add3A_415 = arith.addf %add3A_398, %mul3A_414 : vector<16xf32>
        %mul3A_416 = arith.mulf %sub3A_371, %get3A_361 : vector<16xf32>
        %mul3A_417 = arith.mulf %mul3A_416, %sub3A_377 : vector<16xf32>
        %mul3A_418 = arith.constant 8 : i32
        %mul3A_419 = arith.muli %mul3A_418, %scan3A_32 : i32
        %add3A_420 = arith.constant 2 : i32
        %add3A_421 = arith.addi %mul3A_419, %add3A_420 : i32
        %get3A_422 = arith.index_cast %add3A_421 : i32 to index
        %get3A_423 = arith.constant 16 : index
        %get3A_424 = tpu.vector_load %arg17[%get3A_422, %get3A_423] {strides = array<i32>} : memref<128x128xi32, #tpu.memory_space<vmem>>, vector<16xi32>,
        %shift_left3A_425 = arith.shli %get3A_424, %broadcast_in_dim3A_3 : vector<16xi32>
        %bitcast3A_426 = vector.bitcast %shift_left3A_425 : vector<16xi32> to vector<16xf32>
        %and3A_427 = arith.andi %get3A_424, %broadcast_in_dim3A_5 : vector<16xi32>
        %bitcast3A_428 = vector.bitcast %and3A_427 : vector<16xi32> to vector<16xf32>
        %mul3A_429 = arith.mulf %mul3A_417, %bitcast3A_426 : vector<16xf32>
        %add3A_430 = arith.addf %add3A_413, %mul3A_429 : vector<16xf32>
        %mul3A_431 = arith.mulf %mul3A_417, %bitcast3A_428 : vector<16xf32>
        %add3A_432 = arith.addf %add3A_415, %mul3A_431 : vector<16xf32>
        %mul3A_433 = arith.mulf %sub3A_371, %get3A_361 : vector<16xf32>
        %mul3A_434 = arith.mulf %mul3A_433, %get3A_368 : vector<16xf32>
        %mul3A_435 = arith.constant 8 : i32
        %mul3A_436 = arith.muli %mul3A_435, %scan3A_32 : i32
        %add3A_437 = arith.constant 3 : i32
        %add3A_438 = arith.addi %mul3A_436, %add3A_437 : i32
        %get3A_439 = arith.index_cast %add3A_438 : i32 to index
        %get3A_440 = arith.constant 16 : index
        %get3A_441 = tpu.vector_load %arg17[%get3A_439, %get3A_440] {strides = array<i32>} : memref<128x128xi32, #tpu.memory_space<vmem>>, vector<16xi32>,
        %shift_left3A_442 = arith.shli %get3A_441, %broadcast_in_dim3A_3 : vector<16xi32>
        %bitcast3A_443 = vector.bitcast %shift_left3A_442 : vector<16xi32> to vector<16xf32>
        %and3A_444 = arith.andi %get3A_441, %broadcast_in_dim3A_5 : vector<16xi32>
        %bitcast3A_445 = vector.bitcast %and3A_444 : vector<16xi32> to vector<16xf32>
        %mul3A_446 = arith.mulf %mul3A_434, %bitcast3A_443 : vector<16xf32>
        %add3A_447 = arith.addf %add3A_430, %mul3A_446 : vector<16xf32>
        %mul3A_448 = arith.mulf %mul3A_434, %bitcast3A_445 : vector<16xf32>
        %add3A_449 = arith.addf %add3A_432, %mul3A_448 : vector<16xf32>
        %mul3A_450 = arith.mulf %get3A_354, %sub3A_374 : vector<16xf32>
        %mul3A_451 = arith.mulf %mul3A_450, %sub3A_377 : vector<16xf32>
        %mul3A_452 = arith.constant 8 : i32
        %mul3A_453 = arith.muli %mul3A_452, %scan3A_32 : i32
        %add3A_454 = arith.constant 4 : i32
        %add3A_455 = arith.addi %mul3A_453, %add3A_454 : i32
        %get3A_456 = arith.index_cast %add3A_455 : i32 to index
        %get3A_457 = arith.constant 16 : index
        %get3A_458 = tpu.vector_load %arg17[%get3A_456, %get3A_457] {strides = array<i32>} : memref<128x128xi32, #tpu.memory_space<vmem>>, vector<16xi32>,
        %shift_left3A_459 = arith.shli %get3A_458, %broadcast_in_dim3A_3 : vector<16xi32>
        %bitcast3A_460 = vector.bitcast %shift_left3A_459 : vector<16xi32> to vector<16xf32>
        %and3A_461 = arith.andi %get3A_458, %broadcast_in_dim3A_5 : vector<16xi32>
        %bitcast3A_462 = vector.bitcast %and3A_461 : vector<16xi32> to vector<16xf32>
        %mul3A_463 = arith.mulf %mul3A_451, %bitcast3A_460 : vector<16xf32>
        %add3A_464 = arith.addf %add3A_447, %mul3A_463 : vector<16xf32>
        %mul3A_465 = arith.mulf %mul3A_451, %bitcast3A_462 : vector<16xf32>
        %add3A_466 = arith.addf %add3A_449, %mul3A_465 : vector<16xf32>
        %mul3A_467 = arith.mulf %get3A_354, %sub3A_374 : vector<16xf32>
        %mul3A_468 = arith.mulf %mul3A_467, %get3A_368 : vector<16xf32>
        %mul3A_469 = arith.constant 8 : i32
        %mul3A_470 = arith.muli %mul3A_469, %scan3A_32 : i32
        %add3A_471 = arith.constant 5 : i32
        %add3A_472 = arith.addi %mul3A_470, %add3A_471 : i32
        %get3A_473 = arith.index_cast %add3A_472 : i32 to index
        %get3A_474 = arith.constant 16 : index
        %get3A_475 = tpu.vector_load %arg17[%get3A_473, %get3A_474] {strides = array<i32>} : memref<128x128xi32, #tpu.memory_space<vmem>>, vector<16xi32>,
        %shift_left3A_476 = arith.shli %get3A_475, %broadcast_in_dim3A_3 : vector<16xi32>
        %bitcast3A_477 = vector.bitcast %shift_left3A_476 : vector<16xi32> to vector<16xf32>
        %and3A_478 = arith.andi %get3A_475, %broadcast_in_dim3A_5 : vector<16xi32>
        %bitcast3A_479 = vector.bitcast %and3A_478 : vector<16xi32> to vector<16xf32>
        %mul3A_480 = arith.mulf %mul3A_468, %bitcast3A_477 : vector<16xf32>
        %add3A_481 = arith.addf %add3A_464, %mul3A_480 : vector<16xf32>
        %mul3A_482 = arith.mulf %mul3A_468, %bitcast3A_479 : vector<16xf32>
        %add3A_483 = arith.addf %add3A_466, %mul3A_482 : vector<16xf32>
        %mul3A_484 = arith.mulf %get3A_354, %get3A_361 : vector<16xf32>
        %mul3A_485 = arith.mulf %mul3A_484, %sub3A_377 : vector<16xf32>
        %mul3A_486 = arith.constant 8 : i32
        %mul3A_487 = arith.muli %mul3A_486, %scan3A_32 : i32
        %add3A_488 = arith.constant 6 : i32
        %add3A_489 = arith.addi %mul3A_487, %add3A_488 : i32
        %get3A_490 = arith.index_cast %add3A_489 : i32 to index
        %get3A_491 = arith.constant 16 : index
        %get3A_492 = tpu.vector_load %arg17[%get3A_490, %get3A_491] {strides = array<i32>} : memref<128x128xi32, #tpu.memory_space<vmem>>, vector<16xi32>,
        %shift_left3A_493 = arith.shli %get3A_492, %broadcast_in_dim3A_3 : vector<16xi32>
        %bitcast3A_494 = vector.bitcast %shift_left3A_493 : vector<16xi32> to vector<16xf32>
        %and3A_495 = arith.andi %get3A_492, %broadcast_in_dim3A_5 : vector<16xi32>
        %bitcast3A_496 = vector.bitcast %and3A_495 : vector<16xi32> to vector<16xf32>
        %mul3A_497 = arith.mulf %mul3A_485, %bitcast3A_494 : vector<16xf32>
        %add3A_498 = arith.addf %add3A_481, %mul3A_497 : vector<16xf32>
        %mul3A_499 = arith.mulf %mul3A_485, %bitcast3A_496 : vector<16xf32>
        %add3A_500 = arith.addf %add3A_483, %mul3A_499 : vector<16xf32>
        %mul3A_501 = arith.mulf %get3A_354, %get3A_361 : vector<16xf32>
        %mul3A_502 = arith.mulf %mul3A_501, %get3A_368 : vector<16xf32>
        %mul3A_503 = arith.constant 8 : i32
        %mul3A_504 = arith.muli %mul3A_503, %scan3A_32 : i32
        %add3A_505 = arith.constant 7 : i32
        %add3A_506 = arith.addi %mul3A_504, %add3A_505 : i32
        %get3A_507 = arith.index_cast %add3A_506 : i32 to index
        %get3A_508 = arith.constant 16 : index
        %get3A_509 = tpu.vector_load %arg17[%get3A_507, %get3A_508] {strides = array<i32>} : memref<128x128xi32, #tpu.memory_space<vmem>>, vector<16xi32>,
        %shift_left3A_510 = arith.shli %get3A_509, %broadcast_in_dim3A_3 : vector<16xi32>
        %bitcast3A_511 = vector.bitcast %shift_left3A_510 : vector<16xi32> to vector<16xf32>
        %and3A_512 = arith.andi %get3A_509, %broadcast_in_dim3A_5 : vector<16xi32>
        %bitcast3A_513 = vector.bitcast %and3A_512 : vector<16xi32> to vector<16xf32>
        %mul3A_514 = arith.mulf %mul3A_502, %bitcast3A_511 : vector<16xf32>
        %add3A_515 = arith.addf %add3A_498, %mul3A_514 : vector<16xf32>
        %mul3A_516 = arith.mulf %mul3A_502, %bitcast3A_513 : vector<16xf32>
        %add3A_517 = arith.addf %add3A_500, %mul3A_516 : vector<16xf32>
        %mul3A_518 = arith.constant 2 : i32
        %mul3A_519 = arith.muli %mul3A_518, %scan3A_32 : i32
        %swap3A_520 = arith.index_cast %mul3A_519 : i32 to index
        %swap3A_521 = arith.constant 16 : index
        %swap3A_522 = tpu.vector_load %arg18[%swap3A_520, %swap3A_521] {strides = array<i32>} : memref<32x128xf32, #tpu.memory_space<vmem>>, vector<16xf32>,
        tpu.vector_store %arg18[%swap3A_520, %swap3A_521], %add3A_515 {strides = array<i32>} : memref<32x128xf32, #tpu.memory_space<vmem>>, vector<16xf32>,
        %mul3A_523 = arith.constant 2 : i32
        %mul3A_524 = arith.muli %mul3A_523, %scan3A_32 : i32
        %add3A_525 = arith.constant 1 : i32
        %add3A_526 = arith.addi %mul3A_524, %add3A_525 : i32
        %swap3A_527 = arith.index_cast %add3A_526 : i32 to index
        %swap3A_528 = arith.constant 16 : index
        %swap3A_529 = tpu.vector_load %arg18[%swap3A_527, %swap3A_528] {strides = array<i32>} : memref<32x128xf32, #tpu.memory_space<vmem>>, vector<16xf32>,
        tpu.vector_store %arg18[%swap3A_527, %swap3A_528], %add3A_517 {strides = array<i32>} : memref<32x128xf32, #tpu.memory_space<vmem>>, vector<16xf32>,
        %mul3A_530 = arith.constant 3 : i32
        %mul3A_531 = arith.muli %mul3A_530, %scan3A_32 : i32
        %get3A_532 = arith.index_cast %mul3A_531 : i32 to index
        %get3A_533 = arith.constant 32 : index
        %get3A_534 = tpu.vector_load %arg15[%get3A_532, %get3A_533] {strides = array<i32>} : memref<48x128xf32, #tpu.memory_space<vmem>>, vector<16xf32>,
        %mul3A_535 = arith.constant 3 : i32
        %mul3A_536 = arith.muli %mul3A_535, %scan3A_32 : i32
        %add3A_537 = arith.constant 1 : i32
        %add3A_538 = arith.addi %mul3A_536, %add3A_537 : i32
        %get3A_539 = arith.index_cast %add3A_538 : i32 to index
        %get3A_540 = arith.constant 32 : index
        %get3A_541 = tpu.vector_load %arg15[%get3A_539, %get3A_540] {strides = array<i32>} : memref<48x128xf32, #tpu.memory_space<vmem>>, vector<16xf32>,
        %mul3A_542 = arith.constant 3 : i32
        %mul3A_543 = arith.muli %mul3A_542, %scan3A_32 : i32
        %add3A_544 = arith.constant 2 : i32
        %add3A_545 = arith.addi %mul3A_543, %add3A_544 : i32
        %get3A_546 = arith.index_cast %add3A_545 : i32 to index
        %get3A_547 = arith.constant 32 : index
        %get3A_548 = tpu.vector_load %arg15[%get3A_546, %get3A_547] {strides = array<i32>} : memref<48x128xf32, #tpu.memory_space<vmem>>, vector<16xf32>,
        %sub3A_549 = arith.constant 1.000000e+00 : f32
        %sub3A_550 = vector.broadcast %sub3A_549 : f32 to vector<16xf32>
        %sub3A_551 = arith.subf %sub3A_550, %get3A_534 : vector<16xf32>
        %sub3A_552 = arith.constant 1.000000e+00 : f32
        %sub3A_553 = vector.broadcast %sub3A_552 : f32 to vector<16xf32>
        %sub3A_554 = arith.subf %sub3A_553, %get3A_541 : vector<16xf32>
        %sub3A_555 = arith.constant 1.000000e+00 : f32
        %sub3A_556 = vector.broadcast %sub3A_555 : f32 to vector<16xf32>
        %sub3A_557 = arith.subf %sub3A_556, %get3A_548 : vector<16xf32>
        %broadcast_in_dim3A_558 = arith.constant 0.000000e+00 : f32
        %broadcast_in_dim3A_559 = vector.broadcast %broadcast_in_dim3A_558 : f32 to vector<16xf32>
        %broadcast_in_dim3A_560 = arith.constant 0.000000e+00 : f32
        %broadcast_in_dim3A_561 = vector.broadcast %broadcast_in_dim3A_560 : f32 to vector<16xf32>
        %mul3A_562 = arith.mulf %sub3A_551, %sub3A_554 : vector<16xf32>
        %mul3A_563 = arith.mulf %mul3A_562, %sub3A_557 : vector<16xf32>
        %mul3A_564 = arith.constant 8 : i32
        %mul3A_565 = arith.muli %mul3A_564, %scan3A_32 : i32
        %add3A_566 = arith.constant 0 : i32
        %add3A_567 = arith.addi %mul3A_565, %add3A_566 : i32
        %get3A_568 = arith.index_cast %add3A_567 : i32 to index
        %get3A_569 = arith.constant 32 : index
        %get3A_570 = tpu.vector_load %arg17[%get3A_568, %get3A_569] {strides = array<i32>} : memref<128x128xi32, #tpu.memory_space<vmem>>, vector<16xi32>,
        %shift_left3A_571 = arith.shli %get3A_570, %broadcast_in_dim3A_3 : vector<16xi32>
        %bitcast3A_572 = vector.bitcast %shift_left3A_571 : vector<16xi32> to vector<16xf32>
        %and3A_573 = arith.andi %get3A_570, %broadcast_in_dim3A_5 : vector<16xi32>
        %bitcast3A_574 = vector.bitcast %and3A_573 : vector<16xi32> to vector<16xf32>
        %mul3A_575 = arith.mulf %mul3A_563, %bitcast3A_572 : vector<16xf32>
        %add3A_576 = arith.addf %broadcast_in_dim3A_559, %mul3A_575 : vector<16xf32>
        %mul3A_577 = arith.mulf %mul3A_563, %bitcast3A_574 : vector<16xf32>
        %add3A_578 = arith.addf %broadcast_in_dim3A_561, %mul3A_577 : vector<16xf32>
        %mul3A_579 = arith.mulf %sub3A_551, %sub3A_554 : vector<16xf32>
        %mul3A_580 = arith.mulf %mul3A_579, %get3A_548 : vector<16xf32>
        %mul3A_581 = arith.constant 8 : i32
        %mul3A_582 = arith.muli %mul3A_581, %scan3A_32 : i32
        %add3A_583 = arith.constant 1 : i32
        %add3A_584 = arith.addi %mul3A_582, %add3A_583 : i32
        %get3A_585 = arith.index_cast %add3A_584 : i32 to index
        %get3A_586 = arith.constant 32 : index
        %get3A_587 = tpu.vector_load %arg17[%get3A_585, %get3A_586] {strides = array<i32>} : memref<128x128xi32, #tpu.memory_space<vmem>>, vector<16xi32>,
        %shift_left3A_588 = arith.shli %get3A_587, %broadcast_in_dim3A_3 : vector<16xi32>
        %bitcast3A_589 = vector.bitcast %shift_left3A_588 : vector<16xi32> to vector<16xf32>
        %and3A_590 = arith.andi %get3A_587, %broadcast_in_dim3A_5 : vector<16xi32>
        %bitcast3A_591 = vector.bitcast %and3A_590 : vector<16xi32> to vector<16xf32>
        %mul3A_592 = arith.mulf %mul3A_580, %bitcast3A_589 : vector<16xf32>
        %add3A_593 = arith.addf %add3A_576, %mul3A_592 : vector<16xf32>
        %mul3A_594 = arith.mulf %mul3A_580, %bitcast3A_591 : vector<16xf32>
        %add3A_595 = arith.addf %add3A_578, %mul3A_594 : vector<16xf32>
        %mul3A_596 = arith.mulf %sub3A_551, %get3A_541 : vector<16xf32>
        %mul3A_597 = arith.mulf %mul3A_596, %sub3A_557 : vector<16xf32>
        %mul3A_598 = arith.constant 8 : i32
        %mul3A_599 = arith.muli %mul3A_598, %scan3A_32 : i32
        %add3A_600 = arith.constant 2 : i32
        %add3A_601 = arith.addi %mul3A_599, %add3A_600 : i32
        %get3A_602 = arith.index_cast %add3A_601 : i32 to index
        %get3A_603 = arith.constant 32 : index
        %get3A_604 = tpu.vector_load %arg17[%get3A_602, %get3A_603] {strides = array<i32>} : memref<128x128xi32, #tpu.memory_space<vmem>>, vector<16xi32>,
        %shift_left3A_605 = arith.shli %get3A_604, %broadcast_in_dim3A_3 : vector<16xi32>
        %bitcast3A_606 = vector.bitcast %shift_left3A_605 : vector<16xi32> to vector<16xf32>
        %and3A_607 = arith.andi %get3A_604, %broadcast_in_dim3A_5 : vector<16xi32>
        %bitcast3A_608 = vector.bitcast %and3A_607 : vector<16xi32> to vector<16xf32>
        %mul3A_609 = arith.mulf %mul3A_597, %bitcast3A_606 : vector<16xf32>
        %add3A_610 = arith.addf %add3A_593, %mul3A_609 : vector<16xf32>
        %mul3A_611 = arith.mulf %mul3A_597, %bitcast3A_608 : vector<16xf32>
        %add3A_612 = arith.addf %add3A_595, %mul3A_611 : vector<16xf32>
        %mul3A_613 = arith.mulf %sub3A_551, %get3A_541 : vector<16xf32>
        %mul3A_614 = arith.mulf %mul3A_613, %get3A_548 : vector<16xf32>
        %mul3A_615 = arith.constant 8 : i32
        %mul3A_616 = arith.muli %mul3A_615, %scan3A_32 : i32
        %add3A_617 = arith.constant 3 : i32
        %add3A_618 = arith.addi %mul3A_616, %add3A_617 : i32
        %get3A_619 = arith.index_cast %add3A_618 : i32 to index
        %get3A_620 = arith.constant 32 : index
        %get3A_621 = tpu.vector_load %arg17[%get3A_619, %get3A_620] {strides = array<i32>} : memref<128x128xi32, #tpu.memory_space<vmem>>, vector<16xi32>,
        %shift_left3A_622 = arith.shli %get3A_621, %broadcast_in_dim3A_3 : vector<16xi32>
        %bitcast3A_623 = vector.bitcast %shift_left3A_622 : vector<16xi32> to vector<16xf32>
        %and3A_624 = arith.andi %get3A_621, %broadcast_in_dim3A_5 : vector<16xi32>
        %bitcast3A_625 = vector.bitcast %and3A_624 : vector<16xi32> to vector<16xf32>
        %mul3A_626 = arith.mulf %mul3A_614, %bitcast3A_623 : vector<16xf32>
        %add3A_627 = arith.addf %add3A_610, %mul3A_626 : vector<16xf32>
        %mul3A_628 = arith.mulf %mul3A_614, %bitcast3A_625 : vector<16xf32>
        %add3A_629 = arith.addf %add3A_612, %mul3A_628 : vector<16xf32>
        %mul3A_630 = arith.mulf %get3A_534, %sub3A_554 : vector<16xf32>
        %mul3A_631 = arith.mulf %mul3A_630, %sub3A_557 : vector<16xf32>
        %mul3A_632 = arith.constant 8 : i32
        %mul3A_633 = arith.muli %mul3A_632, %scan3A_32 : i32
        %add3A_634 = arith.constant 4 : i32
        %add3A_635 = arith.addi %mul3A_633, %add3A_634 : i32
        %get3A_636 = arith.index_cast %add3A_635 : i32 to index
        %get3A_637 = arith.constant 32 : index
        %get3A_638 = tpu.vector_load %arg17[%get3A_636, %get3A_637] {strides = array<i32>} : memref<128x128xi32, #tpu.memory_space<vmem>>, vector<16xi32>,
        %shift_left3A_639 = arith.shli %get3A_638, %broadcast_in_dim3A_3 : vector<16xi32>
        %bitcast3A_640 = vector.bitcast %shift_left3A_639 : vector<16xi32> to vector<16xf32>
        %and3A_641 = arith.andi %get3A_638, %broadcast_in_dim3A_5 : vector<16xi32>
        %bitcast3A_642 = vector.bitcast %and3A_641 : vector<16xi32> to vector<16xf32>
        %mul3A_643 = arith.mulf %mul3A_631, %bitcast3A_640 : vector<16xf32>
        %add3A_644 = arith.addf %add3A_627, %mul3A_643 : vector<16xf32>
        %mul3A_645 = arith.mulf %mul3A_631, %bitcast3A_642 : vector<16xf32>
        %add3A_646 = arith.addf %add3A_629, %mul3A_645 : vector<16xf32>
        %mul3A_647 = arith.mulf %get3A_534, %sub3A_554 : vector<16xf32>
        %mul3A_648 = arith.mulf %mul3A_647, %get3A_548 : vector<16xf32>
        %mul3A_649 = arith.constant 8 : i32
        %mul3A_650 = arith.muli %mul3A_649, %scan3A_32 : i32
        %add3A_651 = arith.constant 5 : i32
        %add3A_652 = arith.addi %mul3A_650, %add3A_651 : i32
        %get3A_653 = arith.index_cast %add3A_652 : i32 to index
        %get3A_654 = arith.constant 32 : index
        %get3A_655 = tpu.vector_load %arg17[%get3A_653, %get3A_654] {strides = array<i32>} : memref<128x128xi32, #tpu.memory_space<vmem>>, vector<16xi32>,
        %shift_left3A_656 = arith.shli %get3A_655, %broadcast_in_dim3A_3 : vector<16xi32>
        %bitcast3A_657 = vector.bitcast %shift_left3A_656 : vector<16xi32> to vector<16xf32>
        %and3A_658 = arith.andi %get3A_655, %broadcast_in_dim3A_5 : vector<16xi32>
        %bitcast3A_659 = vector.bitcast %and3A_658 : vector<16xi32> to vector<16xf32>
        %mul3A_660 = arith.mulf %mul3A_648, %bitcast3A_657 : vector<16xf32>
        %add3A_661 = arith.addf %add3A_644, %mul3A_660 : vector<16xf32>
        %mul3A_662 = arith.mulf %mul3A_648, %bitcast3A_659 : vector<16xf32>
        %add3A_663 = arith.addf %add3A_646, %mul3A_662 : vector<16xf32>
        %mul3A_664 = arith.mulf %get3A_534, %get3A_541 : vector<16xf32>
        %mul3A_665 = arith.mulf %mul3A_664, %sub3A_557 : vector<16xf32>
        %mul3A_666 = arith.constant 8 : i32
        %mul3A_667 = arith.muli %mul3A_666, %scan3A_32 : i32
        %add3A_668 = arith.constant 6 : i32
        %add3A_669 = arith.addi %mul3A_667, %add3A_668 : i32
        %get3A_670 = arith.index_cast %add3A_669 : i32 to index
        %get3A_671 = arith.constant 32 : index
        %get3A_672 = tpu.vector_load %arg17[%get3A_670, %get3A_671] {strides = array<i32>} : memref<128x128xi32, #tpu.memory_space<vmem>>, vector<16xi32>,
        %shift_left3A_673 = arith.shli %get3A_672, %broadcast_in_dim3A_3 : vector<16xi32>
        %bitcast3A_674 = vector.bitcast %shift_left3A_673 : vector<16xi32> to vector<16xf32>
        %and3A_675 = arith.andi %get3A_672, %broadcast_in_dim3A_5 : vector<16xi32>
        %bitcast3A_676 = vector.bitcast %and3A_675 : vector<16xi32> to vector<16xf32>
        %mul3A_677 = arith.mulf %mul3A_665, %bitcast3A_674 : vector<16xf32>
        %add3A_678 = arith.addf %add3A_661, %mul3A_677 : vector<16xf32>
        %mul3A_679 = arith.mulf %mul3A_665, %bitcast3A_676 : vector<16xf32>
        %add3A_680 = arith.addf %add3A_663, %mul3A_679 : vector<16xf32>
        %mul3A_681 = arith.mulf %get3A_534, %get3A_541 : vector<16xf32>
        %mul3A_682 = arith.mulf %mul3A_681, %get3A_548 : vector<16xf32>
        %mul3A_683 = arith.constant 8 : i32
        %mul3A_684 = arith.muli %mul3A_683, %scan3A_32 : i32
        %add3A_685 = arith.constant 7 : i32
        %add3A_686 = arith.addi %mul3A_684, %add3A_685 : i32
        %get3A_687 = arith.index_cast %add3A_686 : i32 to index
        %get3A_688 = arith.constant 32 : index
        %get3A_689 = tpu.vector_load %arg17[%get3A_687, %get3A_688] {strides = array<i32>} : memref<128x128xi32, #tpu.memory_space<vmem>>, vector<16xi32>,
        %shift_left3A_690 = arith.shli %get3A_689, %broadcast_in_dim3A_3 : vector<16xi32>
        %bitcast3A_691 = vector.bitcast %shift_left3A_690 : vector<16xi32> to vector<16xf32>
        %and3A_692 = arith.andi %get3A_689, %broadcast_in_dim3A_5 : vector<16xi32>
        %bitcast3A_693 = vector.bitcast %and3A_692 : vector<16xi32> to vector<16xf32>
        %mul3A_694 = arith.mulf %mul3A_682, %bitcast3A_691 : vector<16xf32>
        %add3A_695 = arith.addf %add3A_678, %mul3A_694 : vector<16xf32>
        %mul3A_696 = arith.mulf %mul3A_682, %bitcast3A_693 : vector<16xf32>
        %add3A_697 = arith.addf %add3A_680, %mul3A_696 : vector<16xf32>
        %mul3A_698 = arith.constant 2 : i32
        %mul3A_699 = arith.muli %mul3A_698, %scan3A_32 : i32
        %swap3A_700 = arith.index_cast %mul3A_699 : i32 to index
        %swap3A_701 = arith.constant 32 : index
        %swap3A_702 = tpu.vector_load %arg18[%swap3A_700, %swap3A_701] {strides = array<i32>} : memref<32x128xf32, #tpu.memory_space<vmem>>, vector<16xf32>,
        tpu.vector_store %arg18[%swap3A_700, %swap3A_701], %add3A_695 {strides = array<i32>} : memref<32x128xf32, #tpu.memory_space<vmem>>, vector<16xf32>,
        %mul3A_703 = arith.constant 2 : i32
        %mul3A_704 = arith.muli %mul3A_703, %scan3A_32 : i32
        %add3A_705 = arith.constant 1 : i32
        %add3A_706 = arith.addi %mul3A_704, %add3A_705 : i32
        %swap3A_707 = arith.index_cast %add3A_706 : i32 to index
        %swap3A_708 = arith.constant 32 : index
        %swap3A_709 = tpu.vector_load %arg18[%swap3A_707, %swap3A_708] {strides = array<i32>} : memref<32x128xf32, #tpu.memory_space<vmem>>, vector<16xf32>,
        tpu.vector_store %arg18[%swap3A_707, %swap3A_708], %add3A_697 {strides = array<i32>} : memref<32x128xf32, #tpu.memory_space<vmem>>, vector<16xf32>,
        %mul3A_710 = arith.constant 3 : i32
        %mul3A_711 = arith.muli %mul3A_710, %scan3A_32 : i32
        %get3A_712 = arith.index_cast %mul3A_711 : i32 to index
        %get3A_713 = arith.constant 48 : index
        %get3A_714 = tpu.vector_load %arg15[%get3A_712, %get3A_713] {strides = array<i32>} : memref<48x128xf32, #tpu.memory_space<vmem>>, vector<16xf32>,
        %mul3A_715 = arith.constant 3 : i32
        %mul3A_716 = arith.muli %mul3A_715, %scan3A_32 : i32
        %add3A_717 = arith.constant 1 : i32
        %add3A_718 = arith.addi %mul3A_716, %add3A_717 : i32
        %get3A_719 = arith.index_cast %add3A_718 : i32 to index
        %get3A_720 = arith.constant 48 : index
        %get3A_721 = tpu.vector_load %arg15[%get3A_719, %get3A_720] {strides = array<i32>} : memref<48x128xf32, #tpu.memory_space<vmem>>, vector<16xf32>,
        %mul3A_722 = arith.constant 3 : i32
        %mul3A_723 = arith.muli %mul3A_722, %scan3A_32 : i32
        %add3A_724 = arith.constant 2 : i32
        %add3A_725 = arith.addi %mul3A_723, %add3A_724 : i32
        %get3A_726 = arith.index_cast %add3A_725 : i32 to index
        %get3A_727 = arith.constant 48 : index
        %get3A_728 = tpu.vector_load %arg15[%get3A_726, %get3A_727] {strides = array<i32>} : memref<48x128xf32, #tpu.memory_space<vmem>>, vector<16xf32>,
        %sub3A_729 = arith.constant 1.000000e+00 : f32
        %sub3A_730 = vector.broadcast %sub3A_729 : f32 to vector<16xf32>
        %sub3A_731 = arith.subf %sub3A_730, %get3A_714 : vector<16xf32>
        %sub3A_732 = arith.constant 1.000000e+00 : f32
        %sub3A_733 = vector.broadcast %sub3A_732 : f32 to vector<16xf32>
        %sub3A_734 = arith.subf %sub3A_733, %get3A_721 : vector<16xf32>
        %sub3A_735 = arith.constant 1.000000e+00 : f32
        %sub3A_736 = vector.broadcast %sub3A_735 : f32 to vector<16xf32>
        %sub3A_737 = arith.subf %sub3A_736, %get3A_728 : vector<16xf32>
        %broadcast_in_dim3A_738 = arith.constant 0.000000e+00 : f32
        %broadcast_in_dim3A_739 = vector.broadcast %broadcast_in_dim3A_738 : f32 to vector<16xf32>
        %broadcast_in_dim3A_740 = arith.constant 0.000000e+00 : f32
        %broadcast_in_dim3A_741 = vector.broadcast %broadcast_in_dim3A_740 : f32 to vector<16xf32>
        %mul3A_742 = arith.mulf %sub3A_731, %sub3A_734 : vector<16xf32>
        %mul3A_743 = arith.mulf %mul3A_742, %sub3A_737 : vector<16xf32>
        %mul3A_744 = arith.constant 8 : i32
        %mul3A_745 = arith.muli %mul3A_744, %scan3A_32 : i32
        %add3A_746 = arith.constant 0 : i32
        %add3A_747 = arith.addi %mul3A_745, %add3A_746 : i32
        %get3A_748 = arith.index_cast %add3A_747 : i32 to index
        %get3A_749 = arith.constant 48 : index
        %get3A_750 = tpu.vector_load %arg17[%get3A_748, %get3A_749] {strides = array<i32>} : memref<128x128xi32, #tpu.memory_space<vmem>>, vector<16xi32>,
        %shift_left3A_751 = arith.shli %get3A_750, %broadcast_in_dim3A_3 : vector<16xi32>
        %bitcast3A_752 = vector.bitcast %shift_left3A_751 : vector<16xi32> to vector<16xf32>
        %and3A_753 = arith.andi %get3A_750, %broadcast_in_dim3A_5 : vector<16xi32>
        %bitcast3A_754 = vector.bitcast %and3A_753 : vector<16xi32> to vector<16xf32>
        %mul3A_755 = arith.mulf %mul3A_743, %bitcast3A_752 : vector<16xf32>
        %add3A_756 = arith.addf %broadcast_in_dim3A_739, %mul3A_755 : vector<16xf32>
        %mul3A_757 = arith.mulf %mul3A_743, %bitcast3A_754 : vector<16xf32>
        %add3A_758 = arith.addf %broadcast_in_dim3A_741, %mul3A_757 : vector<16xf32>
        %mul3A_759 = arith.mulf %sub3A_731, %sub3A_734 : vector<16xf32>
        %mul3A_760 = arith.mulf %mul3A_759, %get3A_728 : vector<16xf32>
        %mul3A_761 = arith.constant 8 : i32
        %mul3A_762 = arith.muli %mul3A_761, %scan3A_32 : i32
        %add3A_763 = arith.constant 1 : i32
        %add3A_764 = arith.addi %mul3A_762, %add3A_763 : i32
        %get3A_765 = arith.index_cast %add3A_764 : i32 to index
        %get3A_766 = arith.constant 48 : index
        %get3A_767 = tpu.vector_load %arg17[%get3A_765, %get3A_766] {strides = array<i32>} : memref<128x128xi32, #tpu.memory_space<vmem>>, vector<16xi32>,
        %shift_left3A_768 = arith.shli %get3A_767, %broadcast_in_dim3A_3 : vector<16xi32>
        %bitcast3A_769 = vector.bitcast %shift_left3A_768 : vector<16xi32> to vector<16xf32>
        %and3A_770 = arith.andi %get3A_767, %broadcast_in_dim3A_5 : vector<16xi32>
        %bitcast3A_771 = vector.bitcast %and3A_770 : vector<16xi32> to vector<16xf32>
        %mul3A_772 = arith.mulf %mul3A_760, %bitcast3A_769 : vector<16xf32>
        %add3A_773 = arith.addf %add3A_756, %mul3A_772 : vector<16xf32>
        %mul3A_774 = arith.mulf %mul3A_760, %bitcast3A_771 : vector<16xf32>
        %add3A_775 = arith.addf %add3A_758, %mul3A_774 : vector<16xf32>
        %mul3A_776 = arith.mulf %sub3A_731, %get3A_721 : vector<16xf32>
        %mul3A_777 = arith.mulf %mul3A_776, %sub3A_737 : vector<16xf32>
        %mul3A_778 = arith.constant 8 : i32
        %mul3A_779 = arith.muli %mul3A_778, %scan3A_32 : i32
        %add3A_780 = arith.constant 2 : i32
        %add3A_781 = arith.addi %mul3A_779, %add3A_780 : i32
        %get3A_782 = arith.index_cast %add3A_781 : i32 to index
        %get3A_783 = arith.constant 48 : index
        %get3A_784 = tpu.vector_load %arg17[%get3A_782, %get3A_783] {strides = array<i32>} : memref<128x128xi32, #tpu.memory_space<vmem>>, vector<16xi32>,
        %shift_left3A_785 = arith.shli %get3A_784, %broadcast_in_dim3A_3 : vector<16xi32>
        %bitcast3A_786 = vector.bitcast %shift_left3A_785 : vector<16xi32> to vector<16xf32>
        %and3A_787 = arith.andi %get3A_784, %broadcast_in_dim3A_5 : vector<16xi32>
        %bitcast3A_788 = vector.bitcast %and3A_787 : vector<16xi32> to vector<16xf32>
        %mul3A_789 = arith.mulf %mul3A_777, %bitcast3A_786 : vector<16xf32>
        %add3A_790 = arith.addf %add3A_773, %mul3A_789 : vector<16xf32>
        %mul3A_791 = arith.mulf %mul3A_777, %bitcast3A_788 : vector<16xf32>
        %add3A_792 = arith.addf %add3A_775, %mul3A_791 : vector<16xf32>
        %mul3A_793 = arith.mulf %sub3A_731, %get3A_721 : vector<16xf32>
        %mul3A_794 = arith.mulf %mul3A_793, %get3A_728 : vector<16xf32>
        %mul3A_795 = arith.constant 8 : i32
        %mul3A_796 = arith.muli %mul3A_795, %scan3A_32 : i32
        %add3A_797 = arith.constant 3 : i32
        %add3A_798 = arith.addi %mul3A_796, %add3A_797 : i32
        %get3A_799 = arith.index_cast %add3A_798 : i32 to index
        %get3A_800 = arith.constant 48 : index
        %get3A_801 = tpu.vector_load %arg17[%get3A_799, %get3A_800] {strides = array<i32>} : memref<128x128xi32, #tpu.memory_space<vmem>>, vector<16xi32>,
        %shift_left3A_802 = arith.shli %get3A_801, %broadcast_in_dim3A_3 : vector<16xi32>
        %bitcast3A_803 = vector.bitcast %shift_left3A_802 : vector<16xi32> to vector<16xf32>
        %and3A_804 = arith.andi %get3A_801, %broadcast_in_dim3A_5 : vector<16xi32>
        %bitcast3A_805 = vector.bitcast %and3A_804 : vector<16xi32> to vector<16xf32>
        %mul3A_806 = arith.mulf %mul3A_794, %bitcast3A_803 : vector<16xf32>
        %add3A_807 = arith.addf %add3A_790, %mul3A_806 : vector<16xf32>
        %mul3A_808 = arith.mulf %mul3A_794, %bitcast3A_805 : vector<16xf32>
        %add3A_809 = arith.addf %add3A_792, %mul3A_808 : vector<16xf32>
        %mul3A_810 = arith.mulf %get3A_714, %sub3A_734 : vector<16xf32>
        %mul3A_811 = arith.mulf %mul3A_810, %sub3A_737 : vector<16xf32>
        %mul3A_812 = arith.constant 8 : i32
        %mul3A_813 = arith.muli %mul3A_812, %scan3A_32 : i32
        %add3A_814 = arith.constant 4 : i32
        %add3A_815 = arith.addi %mul3A_813, %add3A_814 : i32
        %get3A_816 = arith.index_cast %add3A_815 : i32 to index
        %get3A_817 = arith.constant 48 : index
        %get3A_818 = tpu.vector_load %arg17[%get3A_816, %get3A_817] {strides = array<i32>} : memref<128x128xi32, #tpu.memory_space<vmem>>, vector<16xi32>,
        %shift_left3A_819 = arith.shli %get3A_818, %broadcast_in_dim3A_3 : vector<16xi32>
        %bitcast3A_820 = vector.bitcast %shift_left3A_819 : vector<16xi32> to vector<16xf32>
        %and3A_821 = arith.andi %get3A_818, %broadcast_in_dim3A_5 : vector<16xi32>
        %bitcast3A_822 = vector.bitcast %and3A_821 : vector<16xi32> to vector<16xf32>
        %mul3A_823 = arith.mulf %mul3A_811, %bitcast3A_820 : vector<16xf32>
        %add3A_824 = arith.addf %add3A_807, %mul3A_823 : vector<16xf32>
        %mul3A_825 = arith.mulf %mul3A_811, %bitcast3A_822 : vector<16xf32>
        %add3A_826 = arith.addf %add3A_809, %mul3A_825 : vector<16xf32>
        %mul3A_827 = arith.mulf %get3A_714, %sub3A_734 : vector<16xf32>
        %mul3A_828 = arith.mulf %mul3A_827, %get3A_728 : vector<16xf32>
        %mul3A_829 = arith.constant 8 : i32
        %mul3A_830 = arith.muli %mul3A_829, %scan3A_32 : i32
        %add3A_831 = arith.constant 5 : i32
        %add3A_832 = arith.addi %mul3A_830, %add3A_831 : i32
        %get3A_833 = arith.index_cast %add3A_832 : i32 to index
        %get3A_834 = arith.constant 48 : index
        %get3A_835 = tpu.vector_load %arg17[%get3A_833, %get3A_834] {strides = array<i32>} : memref<128x128xi32, #tpu.memory_space<vmem>>, vector<16xi32>,
        %shift_left3A_836 = arith.shli %get3A_835, %broadcast_in_dim3A_3 : vector<16xi32>
        %bitcast3A_837 = vector.bitcast %shift_left3A_836 : vector<16xi32> to vector<16xf32>
        %and3A_838 = arith.andi %get3A_835, %broadcast_in_dim3A_5 : vector<16xi32>
        %bitcast3A_839 = vector.bitcast %and3A_838 : vector<16xi32> to vector<16xf32>
        %mul3A_840 = arith.mulf %mul3A_828, %bitcast3A_837 : vector<16xf32>
        %add3A_841 = arith.addf %add3A_824, %mul3A_840 : vector<16xf32>
        %mul3A_842 = arith.mulf %mul3A_828, %bitcast3A_839 : vector<16xf32>
        %add3A_843 = arith.addf %add3A_826, %mul3A_842 : vector<16xf32>
        %mul3A_844 = arith.mulf %get3A_714, %get3A_721 : vector<16xf32>
        %mul3A_845 = arith.mulf %mul3A_844, %sub3A_737 : vector<16xf32>
        %mul3A_846 = arith.constant 8 : i32
        %mul3A_847 = arith.muli %mul3A_846, %scan3A_32 : i32
        %add3A_848 = arith.constant 6 : i32
        %add3A_849 = arith.addi %mul3A_847, %add3A_848 : i32
        %get3A_850 = arith.index_cast %add3A_849 : i32 to index
        %get3A_851 = arith.constant 48 : index
        %get3A_852 = tpu.vector_load %arg17[%get3A_850, %get3A_851] {strides = array<i32>} : memref<128x128xi32, #tpu.memory_space<vmem>>, vector<16xi32>,
        %shift_left3A_853 = arith.shli %get3A_852, %broadcast_in_dim3A_3 : vector<16xi32>
        %bitcast3A_854 = vector.bitcast %shift_left3A_853 : vector<16xi32> to vector<16xf32>
        %and3A_855 = arith.andi %get3A_852, %broadcast_in_dim3A_5 : vector<16xi32>
        %bitcast3A_856 = vector.bitcast %and3A_855 : vector<16xi32> to vector<16xf32>
        %mul3A_857 = arith.mulf %mul3A_845, %bitcast3A_854 : vector<16xf32>
        %add3A_858 = arith.addf %add3A_841, %mul3A_857 : vector<16xf32>
        %mul3A_859 = arith.mulf %mul3A_845, %bitcast3A_856 : vector<16xf32>
        %add3A_860 = arith.addf %add3A_843, %mul3A_859 : vector<16xf32>
        %mul3A_861 = arith.mulf %get3A_714, %get3A_721 : vector<16xf32>
        %mul3A_862 = arith.mulf %mul3A_861, %get3A_728 : vector<16xf32>
        %mul3A_863 = arith.constant 8 : i32
        %mul3A_864 = arith.muli %mul3A_863, %scan3A_32 : i32
        %add3A_865 = arith.constant 7 : i32
        %add3A_866 = arith.addi %mul3A_864, %add3A_865 : i32
        %get3A_867 = arith.index_cast %add3A_866 : i32 to index
        %get3A_868 = arith.constant 48 : index
        %get3A_869 = tpu.vector_load %arg17[%get3A_867, %get3A_868] {strides = array<i32>} : memref<128x128xi32, #tpu.memory_space<vmem>>, vector<16xi32>,
        %shift_left3A_870 = arith.shli %get3A_869, %broadcast_in_dim3A_3 : vector<16xi32>
        %bitcast3A_871 = vector.bitcast %shift_left3A_870 : vector<16xi32> to vector<16xf32>
        %and3A_872 = arith.andi %get3A_869, %broadcast_in_dim3A_5 : vector<16xi32>
        %bitcast3A_873 = vector.bitcast %and3A_872 : vector<16xi32> to vector<16xf32>
        %mul3A_874 = arith.mulf %mul3A_862, %bitcast3A_871 : vector<16xf32>
        %add3A_875 = arith.addf %add3A_858, %mul3A_874 : vector<16xf32>
        %mul3A_876 = arith.mulf %mul3A_862, %bitcast3A_873 : vector<16xf32>
        %add3A_877 = arith.addf %add3A_860, %mul3A_876 : vector<16xf32>
        %mul3A_878 = arith.constant 2 : i32
        %mul3A_879 = arith.muli %mul3A_878, %scan3A_32 : i32
        %swap3A_880 = arith.index_cast %mul3A_879 : i32 to index
        %swap3A_881 = arith.constant 48 : index
        %swap3A_882 = tpu.vector_load %arg18[%swap3A_880, %swap3A_881] {strides = array<i32>} : memref<32x128xf32, #tpu.memory_space<vmem>>, vector<16xf32>,
        tpu.vector_store %arg18[%swap3A_880, %swap3A_881], %add3A_875 {strides = array<i32>} : memref<32x128xf32, #tpu.memory_space<vmem>>, vector<16xf32>,
        %mul3A_883 = arith.constant 2 : i32
        %mul3A_884 = arith.muli %mul3A_883, %scan3A_32 : i32
        %add3A_885 = arith.constant 1 : i32
        %add3A_886 = arith.addi %mul3A_884, %add3A_885 : i32
        %swap3A_887 = arith.index_cast %add3A_886 : i32 to index
        %swap3A_888 = arith.constant 48 : index
        %swap3A_889 = tpu.vector_load %arg18[%swap3A_887, %swap3A_888] {strides = array<i32>} : memref<32x128xf32, #tpu.memory_space<vmem>>, vector<16xf32>,
        tpu.vector_store %arg18[%swap3A_887, %swap3A_888], %add3A_877 {strides = array<i32>} : memref<32x128xf32, #tpu.memory_space<vmem>>, vector<16xf32>,
        %mul3A_890 = arith.constant 3 : i32
        %mul3A_891 = arith.muli %mul3A_890, %scan3A_32 : i32
        %get3A_892 = arith.index_cast %mul3A_891 : i32 to index
        %get3A_893 = arith.constant 64 : index
        %get3A_894 = tpu.vector_load %arg15[%get3A_892, %get3A_893] {strides = array<i32>} : memref<48x128xf32, #tpu.memory_space<vmem>>, vector<16xf32>,
        %mul3A_895 = arith.constant 3 : i32
        %mul3A_896 = arith.muli %mul3A_895, %scan3A_32 : i32
        %add3A_897 = arith.constant 1 : i32
        %add3A_898 = arith.addi %mul3A_896, %add3A_897 : i32
        %get3A_899 = arith.index_cast %add3A_898 : i32 to index
        %get3A_900 = arith.constant 64 : index
        %get3A_901 = tpu.vector_load %arg15[%get3A_899, %get3A_900] {strides = array<i32>} : memref<48x128xf32, #tpu.memory_space<vmem>>, vector<16xf32>,
        %mul3A_902 = arith.constant 3 : i32
        %mul3A_903 = arith.muli %mul3A_902, %scan3A_32 : i32
        %add3A_904 = arith.constant 2 : i32
        %add3A_905 = arith.addi %mul3A_903, %add3A_904 : i32
        %get3A_906 = arith.index_cast %add3A_905 : i32 to index
        %get3A_907 = arith.constant 64 : index
        %get3A_908 = tpu.vector_load %arg15[%get3A_906, %get3A_907] {strides = array<i32>} : memref<48x128xf32, #tpu.memory_space<vmem>>, vector<16xf32>,
        %sub3A_909 = arith.constant 1.000000e+00 : f32
        %sub3A_910 = vector.broadcast %sub3A_909 : f32 to vector<16xf32>
        %sub3A_911 = arith.subf %sub3A_910, %get3A_894 : vector<16xf32>
        %sub3A_912 = arith.constant 1.000000e+00 : f32
        %sub3A_913 = vector.broadcast %sub3A_912 : f32 to vector<16xf32>
        %sub3A_914 = arith.subf %sub3A_913, %get3A_901 : vector<16xf32>
        %sub3A_915 = arith.constant 1.000000e+00 : f32
        %sub3A_916 = vector.broadcast %sub3A_915 : f32 to vector<16xf32>
        %sub3A_917 = arith.subf %sub3A_916, %get3A_908 : vector<16xf32>
        %broadcast_in_dim3A_918 = arith.constant 0.000000e+00 : f32
        %broadcast_in_dim3A_919 = vector.broadcast %broadcast_in_dim3A_918 : f32 to vector<16xf32>
        %broadcast_in_dim3A_920 = arith.constant 0.000000e+00 : f32
        %broadcast_in_dim3A_921 = vector.broadcast %broadcast_in_dim3A_920 : f32 to vector<16xf32>
        %mul3A_922 = arith.mulf %sub3A_911, %sub3A_914 : vector<16xf32>
        %mul3A_923 = arith.mulf %mul3A_922, %sub3A_917 : vector<16xf32>
        %mul3A_924 = arith.constant 8 : i32
        %mul3A_925 = arith.muli %mul3A_924, %scan3A_32 : i32
        %add3A_926 = arith.constant 0 : i32
        %add3A_927 = arith.addi %mul3A_925, %add3A_926 : i32
        %get3A_928 = arith.index_cast %add3A_927 : i32 to index
        %get3A_929 = arith.constant 64 : index
        %get3A_930 = tpu.vector_load %arg17[%get3A_928, %get3A_929] {strides = array<i32>} : memref<128x128xi32, #tpu.memory_space<vmem>>, vector<16xi32>,
        %shift_left3A_931 = arith.shli %get3A_930, %broadcast_in_dim3A_3 : vector<16xi32>
        %bitcast3A_932 = vector.bitcast %shift_left3A_931 : vector<16xi32> to vector<16xf32>
        %and3A_933 = arith.andi %get3A_930, %broadcast_in_dim3A_5 : vector<16xi32>
        %bitcast3A_934 = vector.bitcast %and3A_933 : vector<16xi32> to vector<16xf32>
        %mul3A_935 = arith.mulf %mul3A_923, %bitcast3A_932 : vector<16xf32>
        %add3A_936 = arith.addf %broadcast_in_dim3A_919, %mul3A_935 : vector<16xf32>
        %mul3A_937 = arith.mulf %mul3A_923, %bitcast3A_934 : vector<16xf32>
        %add3A_938 = arith.addf %broadcast_in_dim3A_921, %mul3A_937 : vector<16xf32>
        %mul3A_939 = arith.mulf %sub3A_911, %sub3A_914 : vector<16xf32>
        %mul3A_940 = arith.mulf %mul3A_939, %get3A_908 : vector<16xf32>
        %mul3A_941 = arith.constant 8 : i32
        %mul3A_942 = arith.muli %mul3A_941, %scan3A_32 : i32
        %add3A_943 = arith.constant 1 : i32
        %add3A_944 = arith.addi %mul3A_942, %add3A_943 : i32
        %get3A_945 = arith.index_cast %add3A_944 : i32 to index
        %get3A_946 = arith.constant 64 : index
        %get3A_947 = tpu.vector_load %arg17[%get3A_945, %get3A_946] {strides = array<i32>} : memref<128x128xi32, #tpu.memory_space<vmem>>, vector<16xi32>,
        %shift_left3A_948 = arith.shli %get3A_947, %broadcast_in_dim3A_3 : vector<16xi32>
        %bitcast3A_949 = vector.bitcast %shift_left3A_948 : vector<16xi32> to vector<16xf32>
        %and3A_950 = arith.andi %get3A_947, %broadcast_in_dim3A_5 : vector<16xi32>
        %bitcast3A_951 = vector.bitcast %and3A_950 : vector<16xi32> to vector<16xf32>
        %mul3A_952 = arith.mulf %mul3A_940, %bitcast3A_949 : vector<16xf32>
        %add3A_953 = arith.addf %add3A_936, %mul3A_952 : vector<16xf32>
        %mul3A_954 = arith.mulf %mul3A_940, %bitcast3A_951 : vector<16xf32>
        %add3A_955 = arith.addf %add3A_938, %mul3A_954 : vector<16xf32>
        %mul3A_956 = arith.mulf %sub3A_911, %get3A_901 : vector<16xf32>
        %mul3A_957 = arith.mulf %mul3A_956, %sub3A_917 : vector<16xf32>
        %mul3A_958 = arith.constant 8 : i32
        %mul3A_959 = arith.muli %mul3A_958, %scan3A_32 : i32
        %add3A_960 = arith.constant 2 : i32
        %add3A_961 = arith.addi %mul3A_959, %add3A_960 : i32
        %get3A_962 = arith.index_cast %add3A_961 : i32 to index
        %get3A_963 = arith.constant 64 : index
        %get3A_964 = tpu.vector_load %arg17[%get3A_962, %get3A_963] {strides = array<i32>} : memref<128x128xi32, #tpu.memory_space<vmem>>, vector<16xi32>,
        %shift_left3A_965 = arith.shli %get3A_964, %broadcast_in_dim3A_3 : vector<16xi32>
        %bitcast3A_966 = vector.bitcast %shift_left3A_965 : vector<16xi32> to vector<16xf32>
        %and3A_967 = arith.andi %get3A_964, %broadcast_in_dim3A_5 : vector<16xi32>
        %bitcast3A_968 = vector.bitcast %and3A_967 : vector<16xi32> to vector<16xf32>
        %mul3A_969 = arith.mulf %mul3A_957, %bitcast3A_966 : vector<16xf32>
        %add3A_970 = arith.addf %add3A_953, %mul3A_969 : vector<16xf32>
        %mul3A_971 = arith.mulf %mul3A_957, %bitcast3A_968 : vector<16xf32>
        %add3A_972 = arith.addf %add3A_955, %mul3A_971 : vector<16xf32>
        %mul3A_973 = arith.mulf %sub3A_911, %get3A_901 : vector<16xf32>
        %mul3A_974 = arith.mulf %mul3A_973, %get3A_908 : vector<16xf32>
        %mul3A_975 = arith.constant 8 : i32
        %mul3A_976 = arith.muli %mul3A_975, %scan3A_32 : i32
        %add3A_977 = arith.constant 3 : i32
        %add3A_978 = arith.addi %mul3A_976, %add3A_977 : i32
        %get3A_979 = arith.index_cast %add3A_978 : i32 to index
        %get3A_980 = arith.constant 64 : index
        %get3A_981 = tpu.vector_load %arg17[%get3A_979, %get3A_980] {strides = array<i32>} : memref<128x128xi32, #tpu.memory_space<vmem>>, vector<16xi32>,
        %shift_left3A_982 = arith.shli %get3A_981, %broadcast_in_dim3A_3 : vector<16xi32>
        %bitcast3A_983 = vector.bitcast %shift_left3A_982 : vector<16xi32> to vector<16xf32>
        %and3A_984 = arith.andi %get3A_981, %broadcast_in_dim3A_5 : vector<16xi32>
        %bitcast3A_985 = vector.bitcast %and3A_984 : vector<16xi32> to vector<16xf32>
        %mul3A_986 = arith.mulf %mul3A_974, %bitcast3A_983 : vector<16xf32>
        %add3A_987 = arith.addf %add3A_970, %mul3A_986 : vector<16xf32>
        %mul3A_988 = arith.mulf %mul3A_974, %bitcast3A_985 : vector<16xf32>
        %add3A_989 = arith.addf %add3A_972, %mul3A_988 : vector<16xf32>
        %mul3A_990 = arith.mulf %get3A_894, %sub3A_914 : vector<16xf32>
        %mul3A_991 = arith.mulf %mul3A_990, %sub3A_917 : vector<16xf32>
        %mul3A_992 = arith.constant 8 : i32
        %mul3A_993 = arith.muli %mul3A_992, %scan3A_32 : i32
        %add3A_994 = arith.constant 4 : i32
        %add3A_995 = arith.addi %mul3A_993, %add3A_994 : i32
        %get3A_996 = arith.index_cast %add3A_995 : i32 to index
        %get3A_997 = arith.constant 64 : index
        %get3A_998 = tpu.vector_load %arg17[%get3A_996, %get3A_997] {strides = array<i32>} : memref<128x128xi32, #tpu.memory_space<vmem>>, vector<16xi32>,
        %shift_left3A_999 = arith.shli %get3A_998, %broadcast_in_dim3A_3 : vector<16xi32>
        %bitcast3A_1000 = vector.bitcast %shift_left3A_999 : vector<16xi32> to vector<16xf32>
        %and3A_1001 = arith.andi %get3A_998, %broadcast_in_dim3A_5 : vector<16xi32>
        %bitcast3A_1002 = vector.bitcast %and3A_1001 : vector<16xi32> to vector<16xf32>
        %mul3A_1003 = arith.mulf %mul3A_991, %bitcast3A_1000 : vector<16xf32>
        %add3A_1004 = arith.addf %add3A_987, %mul3A_1003 : vector<16xf32>
        %mul3A_1005 = arith.mulf %mul3A_991, %bitcast3A_1002 : vector<16xf32>
        %add3A_1006 = arith.addf %add3A_989, %mul3A_1005 : vector<16xf32>
        %mul3A_1007 = arith.mulf %get3A_894, %sub3A_914 : vector<16xf32>
        %mul3A_1008 = arith.mulf %mul3A_1007, %get3A_908 : vector<16xf32>
        %mul3A_1009 = arith.constant 8 : i32
        %mul3A_1010 = arith.muli %mul3A_1009, %scan3A_32 : i32
        %add3A_1011 = arith.constant 5 : i32
        %add3A_1012 = arith.addi %mul3A_1010, %add3A_1011 : i32
        %get3A_1013 = arith.index_cast %add3A_1012 : i32 to index
        %get3A_1014 = arith.constant 64 : index
        %get3A_1015 = tpu.vector_load %arg17[%get3A_1013, %get3A_1014] {strides = array<i32>} : memref<128x128xi32, #tpu.memory_space<vmem>>, vector<16xi32>,
        %shift_left3A_1016 = arith.shli %get3A_1015, %broadcast_in_dim3A_3 : vector<16xi32>
        %bitcast3A_1017 = vector.bitcast %shift_left3A_1016 : vector<16xi32> to vector<16xf32>
        %and3A_1018 = arith.andi %get3A_1015, %broadcast_in_dim3A_5 : vector<16xi32>
        %bitcast3A_1019 = vector.bitcast %and3A_1018 : vector<16xi32> to vector<16xf32>
        %mul3A_1020 = arith.mulf %mul3A_1008, %bitcast3A_1017 : vector<16xf32>
        %add3A_1021 = arith.addf %add3A_1004, %mul3A_1020 : vector<16xf32>
        %mul3A_1022 = arith.mulf %mul3A_1008, %bitcast3A_1019 : vector<16xf32>
        %add3A_1023 = arith.addf %add3A_1006, %mul3A_1022 : vector<16xf32>
        %mul3A_1024 = arith.mulf %get3A_894, %get3A_901 : vector<16xf32>
        %mul3A_1025 = arith.mulf %mul3A_1024, %sub3A_917 : vector<16xf32>
        %mul3A_1026 = arith.constant 8 : i32
        %mul3A_1027 = arith.muli %mul3A_1026, %scan3A_32 : i32
        %add3A_1028 = arith.constant 6 : i32
        %add3A_1029 = arith.addi %mul3A_1027, %add3A_1028 : i32
        %get3A_1030 = arith.index_cast %add3A_1029 : i32 to index
        %get3A_1031 = arith.constant 64 : index
        %get3A_1032 = tpu.vector_load %arg17[%get3A_1030, %get3A_1031] {strides = array<i32>} : memref<128x128xi32, #tpu.memory_space<vmem>>, vector<16xi32>,
        %shift_left3A_1033 = arith.shli %get3A_1032, %broadcast_in_dim3A_3 : vector<16xi32>
        %bitcast3A_1034 = vector.bitcast %shift_left3A_1033 : vector<16xi32> to vector<16xf32>
        %and3A_1035 = arith.andi %get3A_1032, %broadcast_in_dim3A_5 : vector<16xi32>
        %bitcast3A_1036 = vector.bitcast %and3A_1035 : vector<16xi32> to vector<16xf32>
        %mul3A_1037 = arith.mulf %mul3A_1025, %bitcast3A_1034 : vector<16xf32>
        %add3A_1038 = arith.addf %add3A_1021, %mul3A_1037 : vector<16xf32>
        %mul3A_1039 = arith.mulf %mul3A_1025, %bitcast3A_1036 : vector<16xf32>
        %add3A_1040 = arith.addf %add3A_1023, %mul3A_1039 : vector<16xf32>
        %mul3A_1041 = arith.mulf %get3A_894, %get3A_901 : vector<16xf32>
        %mul3A_1042 = arith.mulf %mul3A_1041, %get3A_908 : vector<16xf32>
        %mul3A_1043 = arith.constant 8 : i32
        %mul3A_1044 = arith.muli %mul3A_1043, %scan3A_32 : i32
        %add3A_1045 = arith.constant 7 : i32
        %add3A_1046 = arith.addi %mul3A_1044, %add3A_1045 : i32
        %get3A_1047 = arith.index_cast %add3A_1046 : i32 to index
        %get3A_1048 = arith.constant 64 : index
        %get3A_1049 = tpu.vector_load %arg17[%get3A_1047, %get3A_1048] {strides = array<i32>} : memref<128x128xi32, #tpu.memory_space<vmem>>, vector<16xi32>,
        %shift_left3A_1050 = arith.shli %get3A_1049, %broadcast_in_dim3A_3 : vector<16xi32>
        %bitcast3A_1051 = vector.bitcast %shift_left3A_1050 : vector<16xi32> to vector<16xf32>
        %and3A_1052 = arith.andi %get3A_1049, %broadcast_in_dim3A_5 : vector<16xi32>
        %bitcast3A_1053 = vector.bitcast %and3A_1052 : vector<16xi32> to vector<16xf32>
        %mul3A_1054 = arith.mulf %mul3A_1042, %bitcast3A_1051 : vector<16xf32>
        %add3A_1055 = arith.addf %add3A_1038, %mul3A_1054 : vector<16xf32>
        %mul3A_1056 = arith.mulf %mul3A_1042, %bitcast3A_1053 : vector<16xf32>
        %add3A_1057 = arith.addf %add3A_1040, %mul3A_1056 : vector<16xf32>
        %mul3A_1058 = arith.constant 2 : i32
        %mul3A_1059 = arith.muli %mul3A_1058, %scan3A_32 : i32
        %swap3A_1060 = arith.index_cast %mul3A_1059 : i32 to index
        %swap3A_1061 = arith.constant 64 : index
        %swap3A_1062 = tpu.vector_load %arg18[%swap3A_1060, %swap3A_1061] {strides = array<i32>} : memref<32x128xf32, #tpu.memory_space<vmem>>, vector<16xf32>,
        tpu.vector_store %arg18[%swap3A_1060, %swap3A_1061], %add3A_1055 {strides = array<i32>} : memref<32x128xf32, #tpu.memory_space<vmem>>, vector<16xf32>,
        %mul3A_1063 = arith.constant 2 : i32
        %mul3A_1064 = arith.muli %mul3A_1063, %scan3A_32 : i32
        %add3A_1065 = arith.constant 1 : i32
        %add3A_1066 = arith.addi %mul3A_1064, %add3A_1065 : i32
        %swap3A_1067 = arith.index_cast %add3A_1066 : i32 to index
        %swap3A_1068 = arith.constant 64 : index
        %swap3A_1069 = tpu.vector_load %arg18[%swap3A_1067, %swap3A_1068] {strides = array<i32>} : memref<32x128xf32, #tpu.memory_space<vmem>>, vector<16xf32>,
        tpu.vector_store %arg18[%swap3A_1067, %swap3A_1068], %add3A_1057 {strides = array<i32>} : memref<32x128xf32, #tpu.memory_space<vmem>>, vector<16xf32>,
        %mul3A_1070 = arith.constant 3 : i32
        %mul3A_1071 = arith.muli %mul3A_1070, %scan3A_32 : i32
        %get3A_1072 = arith.index_cast %mul3A_1071 : i32 to index
        %get3A_1073 = arith.constant 80 : index
        %get3A_1074 = tpu.vector_load %arg15[%get3A_1072, %get3A_1073] {strides = array<i32>} : memref<48x128xf32, #tpu.memory_space<vmem>>, vector<16xf32>,
        %mul3A_1075 = arith.constant 3 : i32
        %mul3A_1076 = arith.muli %mul3A_1075, %scan3A_32 : i32
        %add3A_1077 = arith.constant 1 : i32
        %add3A_1078 = arith.addi %mul3A_1076, %add3A_1077 : i32
        %get3A_1079 = arith.index_cast %add3A_1078 : i32 to index
        %get3A_1080 = arith.constant 80 : index
        %get3A_1081 = tpu.vector_load %arg15[%get3A_1079, %get3A_1080] {strides = array<i32>} : memref<48x128xf32, #tpu.memory_space<vmem>>, vector<16xf32>,
        %mul3A_1082 = arith.constant 3 : i32
        %mul3A_1083 = arith.muli %mul3A_1082, %scan3A_32 : i32
        %add3A_1084 = arith.constant 2 : i32
        %add3A_1085 = arith.addi %mul3A_1083, %add3A_1084 : i32
        %get3A_1086 = arith.index_cast %add3A_1085 : i32 to index
        %get3A_1087 = arith.constant 80 : index
        %get3A_1088 = tpu.vector_load %arg15[%get3A_1086, %get3A_1087] {strides = array<i32>} : memref<48x128xf32, #tpu.memory_space<vmem>>, vector<16xf32>,
        %sub3A_1089 = arith.constant 1.000000e+00 : f32
        %sub3A_1090 = vector.broadcast %sub3A_1089 : f32 to vector<16xf32>
        %sub3A_1091 = arith.subf %sub3A_1090, %get3A_1074 : vector<16xf32>
        %sub3A_1092 = arith.constant 1.000000e+00 : f32
        %sub3A_1093 = vector.broadcast %sub3A_1092 : f32 to vector<16xf32>
        %sub3A_1094 = arith.subf %sub3A_1093, %get3A_1081 : vector<16xf32>
        %sub3A_1095 = arith.constant 1.000000e+00 : f32
        %sub3A_1096 = vector.broadcast %sub3A_1095 : f32 to vector<16xf32>
        %sub3A_1097 = arith.subf %sub3A_1096, %get3A_1088 : vector<16xf32>
        %broadcast_in_dim3A_1098 = arith.constant 0.000000e+00 : f32
        %broadcast_in_dim3A_1099 = vector.broadcast %broadcast_in_dim3A_1098 : f32 to vector<16xf32>
        %broadcast_in_dim3A_1100 = arith.constant 0.000000e+00 : f32
        %broadcast_in_dim3A_1101 = vector.broadcast %broadcast_in_dim3A_1100 : f32 to vector<16xf32>
        %mul3A_1102 = arith.mulf %sub3A_1091, %sub3A_1094 : vector<16xf32>
        %mul3A_1103 = arith.mulf %mul3A_1102, %sub3A_1097 : vector<16xf32>
        %mul3A_1104 = arith.constant 8 : i32
        %mul3A_1105 = arith.muli %mul3A_1104, %scan3A_32 : i32
        %add3A_1106 = arith.constant 0 : i32
        %add3A_1107 = arith.addi %mul3A_1105, %add3A_1106 : i32
        %get3A_1108 = arith.index_cast %add3A_1107 : i32 to index
        %get3A_1109 = arith.constant 80 : index
        %get3A_1110 = tpu.vector_load %arg17[%get3A_1108, %get3A_1109] {strides = array<i32>} : memref<128x128xi32, #tpu.memory_space<vmem>>, vector<16xi32>,
        %shift_left3A_1111 = arith.shli %get3A_1110, %broadcast_in_dim3A_3 : vector<16xi32>
        %bitcast3A_1112 = vector.bitcast %shift_left3A_1111 : vector<16xi32> to vector<16xf32>
        %and3A_1113 = arith.andi %get3A_1110, %broadcast_in_dim3A_5 : vector<16xi32>
        %bitcast3A_1114 = vector.bitcast %and3A_1113 : vector<16xi32> to vector<16xf32>
        %mul3A_1115 = arith.mulf %mul3A_1103, %bitcast3A_1112 : vector<16xf32>
        %add3A_1116 = arith.addf %broadcast_in_dim3A_1099, %mul3A_1115 : vector<16xf32>
        %mul3A_1117 = arith.mulf %mul3A_1103, %bitcast3A_1114 : vector<16xf32>
        %add3A_1118 = arith.addf %broadcast_in_dim3A_1101, %mul3A_1117 : vector<16xf32>
        %mul3A_1119 = arith.mulf %sub3A_1091, %sub3A_1094 : vector<16xf32>
        %mul3A_1120 = arith.mulf %mul3A_1119, %get3A_1088 : vector<16xf32>
        %mul3A_1121 = arith.constant 8 : i32
        %mul3A_1122 = arith.muli %mul3A_1121, %scan3A_32 : i32
        %add3A_1123 = arith.constant 1 : i32
        %add3A_1124 = arith.addi %mul3A_1122, %add3A_1123 : i32
        %get3A_1125 = arith.index_cast %add3A_1124 : i32 to index
        %get3A_1126 = arith.constant 80 : index
        %get3A_1127 = tpu.vector_load %arg17[%get3A_1125, %get3A_1126] {strides = array<i32>} : memref<128x128xi32, #tpu.memory_space<vmem>>, vector<16xi32>,
        %shift_left3A_1128 = arith.shli %get3A_1127, %broadcast_in_dim3A_3 : vector<16xi32>
        %bitcast3A_1129 = vector.bitcast %shift_left3A_1128 : vector<16xi32> to vector<16xf32>
        %and3A_1130 = arith.andi %get3A_1127, %broadcast_in_dim3A_5 : vector<16xi32>
        %bitcast3A_1131 = vector.bitcast %and3A_1130 : vector<16xi32> to vector<16xf32>
        %mul3A_1132 = arith.mulf %mul3A_1120, %bitcast3A_1129 : vector<16xf32>
        %add3A_1133 = arith.addf %add3A_1116, %mul3A_1132 : vector<16xf32>
        %mul3A_1134 = arith.mulf %mul3A_1120, %bitcast3A_1131 : vector<16xf32>
        %add3A_1135 = arith.addf %add3A_1118, %mul3A_1134 : vector<16xf32>
        %mul3A_1136 = arith.mulf %sub3A_1091, %get3A_1081 : vector<16xf32>
        %mul3A_1137 = arith.mulf %mul3A_1136, %sub3A_1097 : vector<16xf32>
        %mul3A_1138 = arith.constant 8 : i32
        %mul3A_1139 = arith.muli %mul3A_1138, %scan3A_32 : i32
        %add3A_1140 = arith.constant 2 : i32
        %add3A_1141 = arith.addi %mul3A_1139, %add3A_1140 : i32
        %get3A_1142 = arith.index_cast %add3A_1141 : i32 to index
        %get3A_1143 = arith.constant 80 : index
        %get3A_1144 = tpu.vector_load %arg17[%get3A_1142, %get3A_1143] {strides = array<i32>} : memref<128x128xi32, #tpu.memory_space<vmem>>, vector<16xi32>,
        %shift_left3A_1145 = arith.shli %get3A_1144, %broadcast_in_dim3A_3 : vector<16xi32>
        %bitcast3A_1146 = vector.bitcast %shift_left3A_1145 : vector<16xi32> to vector<16xf32>
        %and3A_1147 = arith.andi %get3A_1144, %broadcast_in_dim3A_5 : vector<16xi32>
        %bitcast3A_1148 = vector.bitcast %and3A_1147 : vector<16xi32> to vector<16xf32>
        %mul3A_1149 = arith.mulf %mul3A_1137, %bitcast3A_1146 : vector<16xf32>
        %add3A_1150 = arith.addf %add3A_1133, %mul3A_1149 : vector<16xf32>
        %mul3A_1151 = arith.mulf %mul3A_1137, %bitcast3A_1148 : vector<16xf32>
        %add3A_1152 = arith.addf %add3A_1135, %mul3A_1151 : vector<16xf32>
        %mul3A_1153 = arith.mulf %sub3A_1091, %get3A_1081 : vector<16xf32>
        %mul3A_1154 = arith.mulf %mul3A_1153, %get3A_1088 : vector<16xf32>
        %mul3A_1155 = arith.constant 8 : i32
        %mul3A_1156 = arith.muli %mul3A_1155, %scan3A_32 : i32
        %add3A_1157 = arith.constant 3 : i32
        %add3A_1158 = arith.addi %mul3A_1156, %add3A_1157 : i32
        %get3A_1159 = arith.index_cast %add3A_1158 : i32 to index
        %get3A_1160 = arith.constant 80 : index
        %get3A_1161 = tpu.vector_load %arg17[%get3A_1159, %get3A_1160] {strides = array<i32>} : memref<128x128xi32, #tpu.memory_space<vmem>>, vector<16xi32>,
        %shift_left3A_1162 = arith.shli %get3A_1161, %broadcast_in_dim3A_3 : vector<16xi32>
        %bitcast3A_1163 = vector.bitcast %shift_left3A_1162 : vector<16xi32> to vector<16xf32>
        %and3A_1164 = arith.andi %get3A_1161, %broadcast_in_dim3A_5 : vector<16xi32>
        %bitcast3A_1165 = vector.bitcast %and3A_1164 : vector<16xi32> to vector<16xf32>
        %mul3A_1166 = arith.mulf %mul3A_1154, %bitcast3A_1163 : vector<16xf32>
        %add3A_1167 = arith.addf %add3A_1150, %mul3A_1166 : vector<16xf32>
        %mul3A_1168 = arith.mulf %mul3A_1154, %bitcast3A_1165 : vector<16xf32>
        %add3A_1169 = arith.addf %add3A_1152, %mul3A_1168 : vector<16xf32>
        %mul3A_1170 = arith.mulf %get3A_1074, %sub3A_1094 : vector<16xf32>
        %mul3A_1171 = arith.mulf %mul3A_1170, %sub3A_1097 : vector<16xf32>
        %mul3A_1172 = arith.constant 8 : i32
        %mul3A_1173 = arith.muli %mul3A_1172, %scan3A_32 : i32
        %add3A_1174 = arith.constant 4 : i32
        %add3A_1175 = arith.addi %mul3A_1173, %add3A_1174 : i32
        %get3A_1176 = arith.index_cast %add3A_1175 : i32 to index
        %get3A_1177 = arith.constant 80 : index
        %get3A_1178 = tpu.vector_load %arg17[%get3A_1176, %get3A_1177] {strides = array<i32>} : memref<128x128xi32, #tpu.memory_space<vmem>>, vector<16xi32>,
        %shift_left3A_1179 = arith.shli %get3A_1178, %broadcast_in_dim3A_3 : vector<16xi32>
        %bitcast3A_1180 = vector.bitcast %shift_left3A_1179 : vector<16xi32> to vector<16xf32>
        %and3A_1181 = arith.andi %get3A_1178, %broadcast_in_dim3A_5 : vector<16xi32>
        %bitcast3A_1182 = vector.bitcast %and3A_1181 : vector<16xi32> to vector<16xf32>
        %mul3A_1183 = arith.mulf %mul3A_1171, %bitcast3A_1180 : vector<16xf32>
        %add3A_1184 = arith.addf %add3A_1167, %mul3A_1183 : vector<16xf32>
        %mul3A_1185 = arith.mulf %mul3A_1171, %bitcast3A_1182 : vector<16xf32>
        %add3A_1186 = arith.addf %add3A_1169, %mul3A_1185 : vector<16xf32>
        %mul3A_1187 = arith.mulf %get3A_1074, %sub3A_1094 : vector<16xf32>
        %mul3A_1188 = arith.mulf %mul3A_1187, %get3A_1088 : vector<16xf32>
        %mul3A_1189 = arith.constant 8 : i32
        %mul3A_1190 = arith.muli %mul3A_1189, %scan3A_32 : i32
        %add3A_1191 = arith.constant 5 : i32
        %add3A_1192 = arith.addi %mul3A_1190, %add3A_1191 : i32
        %get3A_1193 = arith.index_cast %add3A_1192 : i32 to index
        %get3A_1194 = arith.constant 80 : index
        %get3A_1195 = tpu.vector_load %arg17[%get3A_1193, %get3A_1194] {strides = array<i32>} : memref<128x128xi32, #tpu.memory_space<vmem>>, vector<16xi32>,
        %shift_left3A_1196 = arith.shli %get3A_1195, %broadcast_in_dim3A_3 : vector<16xi32>
        %bitcast3A_1197 = vector.bitcast %shift_left3A_1196 : vector<16xi32> to vector<16xf32>
        %and3A_1198 = arith.andi %get3A_1195, %broadcast_in_dim3A_5 : vector<16xi32>
        %bitcast3A_1199 = vector.bitcast %and3A_1198 : vector<16xi32> to vector<16xf32>
        %mul3A_1200 = arith.mulf %mul3A_1188, %bitcast3A_1197 : vector<16xf32>
        %add3A_1201 = arith.addf %add3A_1184, %mul3A_1200 : vector<16xf32>
        %mul3A_1202 = arith.mulf %mul3A_1188, %bitcast3A_1199 : vector<16xf32>
        %add3A_1203 = arith.addf %add3A_1186, %mul3A_1202 : vector<16xf32>
        %mul3A_1204 = arith.mulf %get3A_1074, %get3A_1081 : vector<16xf32>
        %mul3A_1205 = arith.mulf %mul3A_1204, %sub3A_1097 : vector<16xf32>
        %mul3A_1206 = arith.constant 8 : i32
        %mul3A_1207 = arith.muli %mul3A_1206, %scan3A_32 : i32
        %add3A_1208 = arith.constant 6 : i32
        %add3A_1209 = arith.addi %mul3A_1207, %add3A_1208 : i32
        %get3A_1210 = arith.index_cast %add3A_1209 : i32 to index
        %get3A_1211 = arith.constant 80 : index
        %get3A_1212 = tpu.vector_load %arg17[%get3A_1210, %get3A_1211] {strides = array<i32>} : memref<128x128xi32, #tpu.memory_space<vmem>>, vector<16xi32>,
        %shift_left3A_1213 = arith.shli %get3A_1212, %broadcast_in_dim3A_3 : vector<16xi32>
        %bitcast3A_1214 = vector.bitcast %shift_left3A_1213 : vector<16xi32> to vector<16xf32>
        %and3A_1215 = arith.andi %get3A_1212, %broadcast_in_dim3A_5 : vector<16xi32>
        %bitcast3A_1216 = vector.bitcast %and3A_1215 : vector<16xi32> to vector<16xf32>
        %mul3A_1217 = arith.mulf %mul3A_1205, %bitcast3A_1214 : vector<16xf32>
        %add3A_1218 = arith.addf %add3A_1201, %mul3A_1217 : vector<16xf32>
        %mul3A_1219 = arith.mulf %mul3A_1205, %bitcast3A_1216 : vector<16xf32>
        %add3A_1220 = arith.addf %add3A_1203, %mul3A_1219 : vector<16xf32>
        %mul3A_1221 = arith.mulf %get3A_1074, %get3A_1081 : vector<16xf32>
        %mul3A_1222 = arith.mulf %mul3A_1221, %get3A_1088 : vector<16xf32>
        %mul3A_1223 = arith.constant 8 : i32
        %mul3A_1224 = arith.muli %mul3A_1223, %scan3A_32 : i32
        %add3A_1225 = arith.constant 7 : i32
        %add3A_1226 = arith.addi %mul3A_1224, %add3A_1225 : i32
        %get3A_1227 = arith.index_cast %add3A_1226 : i32 to index
        %get3A_1228 = arith.constant 80 : index
        %get3A_1229 = tpu.vector_load %arg17[%get3A_1227, %get3A_1228] {strides = array<i32>} : memref<128x128xi32, #tpu.memory_space<vmem>>, vector<16xi32>,
        %shift_left3A_1230 = arith.shli %get3A_1229, %broadcast_in_dim3A_3 : vector<16xi32>
        %bitcast3A_1231 = vector.bitcast %shift_left3A_1230 : vector<16xi32> to vector<16xf32>
        %and3A_1232 = arith.andi %get3A_1229, %broadcast_in_dim3A_5 : vector<16xi32>
        %bitcast3A_1233 = vector.bitcast %and3A_1232 : vector<16xi32> to vector<16xf32>
        %mul3A_1234 = arith.mulf %mul3A_1222, %bitcast3A_1231 : vector<16xf32>
        %add3A_1235 = arith.addf %add3A_1218, %mul3A_1234 : vector<16xf32>
        %mul3A_1236 = arith.mulf %mul3A_1222, %bitcast3A_1233 : vector<16xf32>
        %add3A_1237 = arith.addf %add3A_1220, %mul3A_1236 : vector<16xf32>
        %mul3A_1238 = arith.constant 2 : i32
        %mul3A_1239 = arith.muli %mul3A_1238, %scan3A_32 : i32
        %swap3A_1240 = arith.index_cast %mul3A_1239 : i32 to index
        %swap3A_1241 = arith.constant 80 : index
        %swap3A_1242 = tpu.vector_load %arg18[%swap3A_1240, %swap3A_1241] {strides = array<i32>} : memref<32x128xf32, #tpu.memory_space<vmem>>, vector<16xf32>,
        tpu.vector_store %arg18[%swap3A_1240, %swap3A_1241], %add3A_1235 {strides = array<i32>} : memref<32x128xf32, #tpu.memory_space<vmem>>, vector<16xf32>,
        %mul3A_1243 = arith.constant 2 : i32
        %mul3A_1244 = arith.muli %mul3A_1243, %scan3A_32 : i32
        %add3A_1245 = arith.constant 1 : i32
        %add3A_1246 = arith.addi %mul3A_1244, %add3A_1245 : i32
        %swap3A_1247 = arith.index_cast %add3A_1246 : i32 to index
        %swap3A_1248 = arith.constant 80 : index
        %swap3A_1249 = tpu.vector_load %arg18[%swap3A_1247, %swap3A_1248] {strides = array<i32>} : memref<32x128xf32, #tpu.memory_space<vmem>>, vector<16xf32>,
        tpu.vector_store %arg18[%swap3A_1247, %swap3A_1248], %add3A_1237 {strides = array<i32>} : memref<32x128xf32, #tpu.memory_space<vmem>>, vector<16xf32>,
        %mul3A_1250 = arith.constant 3 : i32
        %mul3A_1251 = arith.muli %mul3A_1250, %scan3A_32 : i32
        %get3A_1252 = arith.index_cast %mul3A_1251 : i32 to index
        %get3A_1253 = arith.constant 96 : index
        %get3A_1254 = tpu.vector_load %arg15[%get3A_1252, %get3A_1253] {strides = array<i32>} : memref<48x128xf32, #tpu.memory_space<vmem>>, vector<16xf32>,
        %mul3A_1255 = arith.constant 3 : i32
        %mul3A_1256 = arith.muli %mul3A_1255, %scan3A_32 : i32
        %add3A_1257 = arith.constant 1 : i32
        %add3A_1258 = arith.addi %mul3A_1256, %add3A_1257 : i32
        %get3A_1259 = arith.index_cast %add3A_1258 : i32 to index
        %get3A_1260 = arith.constant 96 : index
        %get3A_1261 = tpu.vector_load %arg15[%get3A_1259, %get3A_1260] {strides = array<i32>} : memref<48x128xf32, #tpu.memory_space<vmem>>, vector<16xf32>,
        %mul3A_1262 = arith.constant 3 : i32
        %mul3A_1263 = arith.muli %mul3A_1262, %scan3A_32 : i32
        %add3A_1264 = arith.constant 2 : i32
        %add3A_1265 = arith.addi %mul3A_1263, %add3A_1264 : i32
        %get3A_1266 = arith.index_cast %add3A_1265 : i32 to index
        %get3A_1267 = arith.constant 96 : index
        %get3A_1268 = tpu.vector_load %arg15[%get3A_1266, %get3A_1267] {strides = array<i32>} : memref<48x128xf32, #tpu.memory_space<vmem>>, vector<16xf32>,
        %sub3A_1269 = arith.constant 1.000000e+00 : f32
        %sub3A_1270 = vector.broadcast %sub3A_1269 : f32 to vector<16xf32>
        %sub3A_1271 = arith.subf %sub3A_1270, %get3A_1254 : vector<16xf32>
        %sub3A_1272 = arith.constant 1.000000e+00 : f32
        %sub3A_1273 = vector.broadcast %sub3A_1272 : f32 to vector<16xf32>
        %sub3A_1274 = arith.subf %sub3A_1273, %get3A_1261 : vector<16xf32>
        %sub3A_1275 = arith.constant 1.000000e+00 : f32
        %sub3A_1276 = vector.broadcast %sub3A_1275 : f32 to vector<16xf32>
        %sub3A_1277 = arith.subf %sub3A_1276, %get3A_1268 : vector<16xf32>
        %broadcast_in_dim3A_1278 = arith.constant 0.000000e+00 : f32
        %broadcast_in_dim3A_1279 = vector.broadcast %broadcast_in_dim3A_1278 : f32 to vector<16xf32>
        %broadcast_in_dim3A_1280 = arith.constant 0.000000e+00 : f32
        %broadcast_in_dim3A_1281 = vector.broadcast %broadcast_in_dim3A_1280 : f32 to vector<16xf32>
        %mul3A_1282 = arith.mulf %sub3A_1271, %sub3A_1274 : vector<16xf32>
        %mul3A_1283 = arith.mulf %mul3A_1282, %sub3A_1277 : vector<16xf32>
        %mul3A_1284 = arith.constant 8 : i32
        %mul3A_1285 = arith.muli %mul3A_1284, %scan3A_32 : i32
        %add3A_1286 = arith.constant 0 : i32
        %add3A_1287 = arith.addi %mul3A_1285, %add3A_1286 : i32
        %get3A_1288 = arith.index_cast %add3A_1287 : i32 to index
        %get3A_1289 = arith.constant 96 : index
        %get3A_1290 = tpu.vector_load %arg17[%get3A_1288, %get3A_1289] {strides = array<i32>} : memref<128x128xi32, #tpu.memory_space<vmem>>, vector<16xi32>,
        %shift_left3A_1291 = arith.shli %get3A_1290, %broadcast_in_dim3A_3 : vector<16xi32>
        %bitcast3A_1292 = vector.bitcast %shift_left3A_1291 : vector<16xi32> to vector<16xf32>
        %and3A_1293 = arith.andi %get3A_1290, %broadcast_in_dim3A_5 : vector<16xi32>
        %bitcast3A_1294 = vector.bitcast %and3A_1293 : vector<16xi32> to vector<16xf32>
        %mul3A_1295 = arith.mulf %mul3A_1283, %bitcast3A_1292 : vector<16xf32>
        %add3A_1296 = arith.addf %broadcast_in_dim3A_1279, %mul3A_1295 : vector<16xf32>
        %mul3A_1297 = arith.mulf %mul3A_1283, %bitcast3A_1294 : vector<16xf32>
        %add3A_1298 = arith.addf %broadcast_in_dim3A_1281, %mul3A_1297 : vector<16xf32>
        %mul3A_1299 = arith.mulf %sub3A_1271, %sub3A_1274 : vector<16xf32>
        %mul3A_1300 = arith.mulf %mul3A_1299, %get3A_1268 : vector<16xf32>
        %mul3A_1301 = arith.constant 8 : i32
        %mul3A_1302 = arith.muli %mul3A_1301, %scan3A_32 : i32
        %add3A_1303 = arith.constant 1 : i32
        %add3A_1304 = arith.addi %mul3A_1302, %add3A_1303 : i32
        %get3A_1305 = arith.index_cast %add3A_1304 : i32 to index
        %get3A_1306 = arith.constant 96 : index
        %get3A_1307 = tpu.vector_load %arg17[%get3A_1305, %get3A_1306] {strides = array<i32>} : memref<128x128xi32, #tpu.memory_space<vmem>>, vector<16xi32>,
        %shift_left3A_1308 = arith.shli %get3A_1307, %broadcast_in_dim3A_3 : vector<16xi32>
        %bitcast3A_1309 = vector.bitcast %shift_left3A_1308 : vector<16xi32> to vector<16xf32>
        %and3A_1310 = arith.andi %get3A_1307, %broadcast_in_dim3A_5 : vector<16xi32>
        %bitcast3A_1311 = vector.bitcast %and3A_1310 : vector<16xi32> to vector<16xf32>
        %mul3A_1312 = arith.mulf %mul3A_1300, %bitcast3A_1309 : vector<16xf32>
        %add3A_1313 = arith.addf %add3A_1296, %mul3A_1312 : vector<16xf32>
        %mul3A_1314 = arith.mulf %mul3A_1300, %bitcast3A_1311 : vector<16xf32>
        %add3A_1315 = arith.addf %add3A_1298, %mul3A_1314 : vector<16xf32>
        %mul3A_1316 = arith.mulf %sub3A_1271, %get3A_1261 : vector<16xf32>
        %mul3A_1317 = arith.mulf %mul3A_1316, %sub3A_1277 : vector<16xf32>
        %mul3A_1318 = arith.constant 8 : i32
        %mul3A_1319 = arith.muli %mul3A_1318, %scan3A_32 : i32
        %add3A_1320 = arith.constant 2 : i32
        %add3A_1321 = arith.addi %mul3A_1319, %add3A_1320 : i32
        %get3A_1322 = arith.index_cast %add3A_1321 : i32 to index
        %get3A_1323 = arith.constant 96 : index
        %get3A_1324 = tpu.vector_load %arg17[%get3A_1322, %get3A_1323] {strides = array<i32>} : memref<128x128xi32, #tpu.memory_space<vmem>>, vector<16xi32>,
        %shift_left3A_1325 = arith.shli %get3A_1324, %broadcast_in_dim3A_3 : vector<16xi32>
        %bitcast3A_1326 = vector.bitcast %shift_left3A_1325 : vector<16xi32> to vector<16xf32>
        %and3A_1327 = arith.andi %get3A_1324, %broadcast_in_dim3A_5 : vector<16xi32>
        %bitcast3A_1328 = vector.bitcast %and3A_1327 : vector<16xi32> to vector<16xf32>
        %mul3A_1329 = arith.mulf %mul3A_1317, %bitcast3A_1326 : vector<16xf32>
        %add3A_1330 = arith.addf %add3A_1313, %mul3A_1329 : vector<16xf32>
        %mul3A_1331 = arith.mulf %mul3A_1317, %bitcast3A_1328 : vector<16xf32>
        %add3A_1332 = arith.addf %add3A_1315, %mul3A_1331 : vector<16xf32>
        %mul3A_1333 = arith.mulf %sub3A_1271, %get3A_1261 : vector<16xf32>
        %mul3A_1334 = arith.mulf %mul3A_1333, %get3A_1268 : vector<16xf32>
        %mul3A_1335 = arith.constant 8 : i32
        %mul3A_1336 = arith.muli %mul3A_1335, %scan3A_32 : i32
        %add3A_1337 = arith.constant 3 : i32
        %add3A_1338 = arith.addi %mul3A_1336, %add3A_1337 : i32
        %get3A_1339 = arith.index_cast %add3A_1338 : i32 to index
        %get3A_1340 = arith.constant 96 : index
        %get3A_1341 = tpu.vector_load %arg17[%get3A_1339, %get3A_1340] {strides = array<i32>} : memref<128x128xi32, #tpu.memory_space<vmem>>, vector<16xi32>,
        %shift_left3A_1342 = arith.shli %get3A_1341, %broadcast_in_dim3A_3 : vector<16xi32>
        %bitcast3A_1343 = vector.bitcast %shift_left3A_1342 : vector<16xi32> to vector<16xf32>
        %and3A_1344 = arith.andi %get3A_1341, %broadcast_in_dim3A_5 : vector<16xi32>
        %bitcast3A_1345 = vector.bitcast %and3A_1344 : vector<16xi32> to vector<16xf32>
        %mul3A_1346 = arith.mulf %mul3A_1334, %bitcast3A_1343 : vector<16xf32>
        %add3A_1347 = arith.addf %add3A_1330, %mul3A_1346 : vector<16xf32>
        %mul3A_1348 = arith.mulf %mul3A_1334, %bitcast3A_1345 : vector<16xf32>
        %add3A_1349 = arith.addf %add3A_1332, %mul3A_1348 : vector<16xf32>
        %mul3A_1350 = arith.mulf %get3A_1254, %sub3A_1274 : vector<16xf32>
        %mul3A_1351 = arith.mulf %mul3A_1350, %sub3A_1277 : vector<16xf32>
        %mul3A_1352 = arith.constant 8 : i32
        %mul3A_1353 = arith.muli %mul3A_1352, %scan3A_32 : i32
        %add3A_1354 = arith.constant 4 : i32
        %add3A_1355 = arith.addi %mul3A_1353, %add3A_1354 : i32
        %get3A_1356 = arith.index_cast %add3A_1355 : i32 to index
        %get3A_1357 = arith.constant 96 : index
        %get3A_1358 = tpu.vector_load %arg17[%get3A_1356, %get3A_1357] {strides = array<i32>} : memref<128x128xi32, #tpu.memory_space<vmem>>, vector<16xi32>,
        %shift_left3A_1359 = arith.shli %get3A_1358, %broadcast_in_dim3A_3 : vector<16xi32>
        %bitcast3A_1360 = vector.bitcast %shift_left3A_1359 : vector<16xi32> to vector<16xf32>
        %and3A_1361 = arith.andi %get3A_1358, %broadcast_in_dim3A_5 : vector<16xi32>
        %bitcast3A_1362 = vector.bitcast %and3A_1361 : vector<16xi32> to vector<16xf32>
        %mul3A_1363 = arith.mulf %mul3A_1351, %bitcast3A_1360 : vector<16xf32>
        %add3A_1364 = arith.addf %add3A_1347, %mul3A_1363 : vector<16xf32>
        %mul3A_1365 = arith.mulf %mul3A_1351, %bitcast3A_1362 : vector<16xf32>
        %add3A_1366 = arith.addf %add3A_1349, %mul3A_1365 : vector<16xf32>
        %mul3A_1367 = arith.mulf %get3A_1254, %sub3A_1274 : vector<16xf32>
        %mul3A_1368 = arith.mulf %mul3A_1367, %get3A_1268 : vector<16xf32>
        %mul3A_1369 = arith.constant 8 : i32
        %mul3A_1370 = arith.muli %mul3A_1369, %scan3A_32 : i32
        %add3A_1371 = arith.constant 5 : i32
        %add3A_1372 = arith.addi %mul3A_1370, %add3A_1371 : i32
        %get3A_1373 = arith.index_cast %add3A_1372 : i32 to index
        %get3A_1374 = arith.constant 96 : index
        %get3A_1375 = tpu.vector_load %arg17[%get3A_1373, %get3A_1374] {strides = array<i32>} : memref<128x128xi32, #tpu.memory_space<vmem>>, vector<16xi32>,
        %shift_left3A_1376 = arith.shli %get3A_1375, %broadcast_in_dim3A_3 : vector<16xi32>
        %bitcast3A_1377 = vector.bitcast %shift_left3A_1376 : vector<16xi32> to vector<16xf32>
        %and3A_1378 = arith.andi %get3A_1375, %broadcast_in_dim3A_5 : vector<16xi32>
        %bitcast3A_1379 = vector.bitcast %and3A_1378 : vector<16xi32> to vector<16xf32>
        %mul3A_1380 = arith.mulf %mul3A_1368, %bitcast3A_1377 : vector<16xf32>
        %add3A_1381 = arith.addf %add3A_1364, %mul3A_1380 : vector<16xf32>
        %mul3A_1382 = arith.mulf %mul3A_1368, %bitcast3A_1379 : vector<16xf32>
        %add3A_1383 = arith.addf %add3A_1366, %mul3A_1382 : vector<16xf32>
        %mul3A_1384 = arith.mulf %get3A_1254, %get3A_1261 : vector<16xf32>
        %mul3A_1385 = arith.mulf %mul3A_1384, %sub3A_1277 : vector<16xf32>
        %mul3A_1386 = arith.constant 8 : i32
        %mul3A_1387 = arith.muli %mul3A_1386, %scan3A_32 : i32
        %add3A_1388 = arith.constant 6 : i32
        %add3A_1389 = arith.addi %mul3A_1387, %add3A_1388 : i32
        %get3A_1390 = arith.index_cast %add3A_1389 : i32 to index
        %get3A_1391 = arith.constant 96 : index
        %get3A_1392 = tpu.vector_load %arg17[%get3A_1390, %get3A_1391] {strides = array<i32>} : memref<128x128xi32, #tpu.memory_space<vmem>>, vector<16xi32>,
        %shift_left3A_1393 = arith.shli %get3A_1392, %broadcast_in_dim3A_3 : vector<16xi32>
        %bitcast3A_1394 = vector.bitcast %shift_left3A_1393 : vector<16xi32> to vector<16xf32>
        %and3A_1395 = arith.andi %get3A_1392, %broadcast_in_dim3A_5 : vector<16xi32>
        %bitcast3A_1396 = vector.bitcast %and3A_1395 : vector<16xi32> to vector<16xf32>
        %mul3A_1397 = arith.mulf %mul3A_1385, %bitcast3A_1394 : vector<16xf32>
        %add3A_1398 = arith.addf %add3A_1381, %mul3A_1397 : vector<16xf32>
        %mul3A_1399 = arith.mulf %mul3A_1385, %bitcast3A_1396 : vector<16xf32>
        %add3A_1400 = arith.addf %add3A_1383, %mul3A_1399 : vector<16xf32>
        %mul3A_1401 = arith.mulf %get3A_1254, %get3A_1261 : vector<16xf32>
        %mul3A_1402 = arith.mulf %mul3A_1401, %get3A_1268 : vector<16xf32>
        %mul3A_1403 = arith.constant 8 : i32
        %mul3A_1404 = arith.muli %mul3A_1403, %scan3A_32 : i32
        %add3A_1405 = arith.constant 7 : i32
        %add3A_1406 = arith.addi %mul3A_1404, %add3A_1405 : i32
        %get3A_1407 = arith.index_cast %add3A_1406 : i32 to index
        %get3A_1408 = arith.constant 96 : index
        %get3A_1409 = tpu.vector_load %arg17[%get3A_1407, %get3A_1408] {strides = array<i32>} : memref<128x128xi32, #tpu.memory_space<vmem>>, vector<16xi32>,
        %shift_left3A_1410 = arith.shli %get3A_1409, %broadcast_in_dim3A_3 : vector<16xi32>
        %bitcast3A_1411 = vector.bitcast %shift_left3A_1410 : vector<16xi32> to vector<16xf32>
        %and3A_1412 = arith.andi %get3A_1409, %broadcast_in_dim3A_5 : vector<16xi32>
        %bitcast3A_1413 = vector.bitcast %and3A_1412 : vector<16xi32> to vector<16xf32>
        %mul3A_1414 = arith.mulf %mul3A_1402, %bitcast3A_1411 : vector<16xf32>
        %add3A_1415 = arith.addf %add3A_1398, %mul3A_1414 : vector<16xf32>
        %mul3A_1416 = arith.mulf %mul3A_1402, %bitcast3A_1413 : vector<16xf32>
        %add3A_1417 = arith.addf %add3A_1400, %mul3A_1416 : vector<16xf32>
        %mul3A_1418 = arith.constant 2 : i32
        %mul3A_1419 = arith.muli %mul3A_1418, %scan3A_32 : i32
        %swap3A_1420 = arith.index_cast %mul3A_1419 : i32 to index
        %swap3A_1421 = arith.constant 96 : index
        %swap3A_1422 = tpu.vector_load %arg18[%swap3A_1420, %swap3A_1421] {strides = array<i32>} : memref<32x128xf32, #tpu.memory_space<vmem>>, vector<16xf32>,
        tpu.vector_store %arg18[%swap3A_1420, %swap3A_1421], %add3A_1415 {strides = array<i32>} : memref<32x128xf32, #tpu.memory_space<vmem>>, vector<16xf32>,
        %mul3A_1423 = arith.constant 2 : i32
        %mul3A_1424 = arith.muli %mul3A_1423, %scan3A_32 : i32
        %add3A_1425 = arith.constant 1 : i32
        %add3A_1426 = arith.addi %mul3A_1424, %add3A_1425 : i32
        %swap3A_1427 = arith.index_cast %add3A_1426 : i32 to index
        %swap3A_1428 = arith.constant 96 : index
        %swap3A_1429 = tpu.vector_load %arg18[%swap3A_1427, %swap3A_1428] {strides = array<i32>} : memref<32x128xf32, #tpu.memory_space<vmem>>, vector<16xf32>,
        tpu.vector_store %arg18[%swap3A_1427, %swap3A_1428], %add3A_1417 {strides = array<i32>} : memref<32x128xf32, #tpu.memory_space<vmem>>, vector<16xf32>,
        %mul3A_1430 = arith.constant 3 : i32
        %mul3A_1431 = arith.muli %mul3A_1430, %scan3A_32 : i32
        %get3A_1432 = arith.index_cast %mul3A_1431 : i32 to index
        %get3A_1433 = arith.constant 112 : index
        %get3A_1434 = tpu.vector_load %arg15[%get3A_1432, %get3A_1433] {strides = array<i32>} : memref<48x128xf32, #tpu.memory_space<vmem>>, vector<16xf32>,
        %mul3A_1435 = arith.constant 3 : i32
        %mul3A_1436 = arith.muli %mul3A_1435, %scan3A_32 : i32
        %add3A_1437 = arith.constant 1 : i32
        %add3A_1438 = arith.addi %mul3A_1436, %add3A_1437 : i32
        %get3A_1439 = arith.index_cast %add3A_1438 : i32 to index
        %get3A_1440 = arith.constant 112 : index
        %get3A_1441 = tpu.vector_load %arg15[%get3A_1439, %get3A_1440] {strides = array<i32>} : memref<48x128xf32, #tpu.memory_space<vmem>>, vector<16xf32>,
        %mul3A_1442 = arith.constant 3 : i32
        %mul3A_1443 = arith.muli %mul3A_1442, %scan3A_32 : i32
        %add3A_1444 = arith.constant 2 : i32
        %add3A_1445 = arith.addi %mul3A_1443, %add3A_1444 : i32
        %get3A_1446 = arith.index_cast %add3A_1445 : i32 to index
        %get3A_1447 = arith.constant 112 : index
        %get3A_1448 = tpu.vector_load %arg15[%get3A_1446, %get3A_1447] {strides = array<i32>} : memref<48x128xf32, #tpu.memory_space<vmem>>, vector<16xf32>,
        %sub3A_1449 = arith.constant 1.000000e+00 : f32
        %sub3A_1450 = vector.broadcast %sub3A_1449 : f32 to vector<16xf32>
        %sub3A_1451 = arith.subf %sub3A_1450, %get3A_1434 : vector<16xf32>
        %sub3A_1452 = arith.constant 1.000000e+00 : f32
        %sub3A_1453 = vector.broadcast %sub3A_1452 : f32 to vector<16xf32>
        %sub3A_1454 = arith.subf %sub3A_1453, %get3A_1441 : vector<16xf32>
        %sub3A_1455 = arith.constant 1.000000e+00 : f32
        %sub3A_1456 = vector.broadcast %sub3A_1455 : f32 to vector<16xf32>
        %sub3A_1457 = arith.subf %sub3A_1456, %get3A_1448 : vector<16xf32>
        %broadcast_in_dim3A_1458 = arith.constant 0.000000e+00 : f32
        %broadcast_in_dim3A_1459 = vector.broadcast %broadcast_in_dim3A_1458 : f32 to vector<16xf32>
        %broadcast_in_dim3A_1460 = arith.constant 0.000000e+00 : f32
        %broadcast_in_dim3A_1461 = vector.broadcast %broadcast_in_dim3A_1460 : f32 to vector<16xf32>
        %mul3A_1462 = arith.mulf %sub3A_1451, %sub3A_1454 : vector<16xf32>
        %mul3A_1463 = arith.mulf %mul3A_1462, %sub3A_1457 : vector<16xf32>
        %mul3A_1464 = arith.constant 8 : i32
        %mul3A_1465 = arith.muli %mul3A_1464, %scan3A_32 : i32
        %add3A_1466 = arith.constant 0 : i32
        %add3A_1467 = arith.addi %mul3A_1465, %add3A_1466 : i32
        %get3A_1468 = arith.index_cast %add3A_1467 : i32 to index
        %get3A_1469 = arith.constant 112 : index
        %get3A_1470 = tpu.vector_load %arg17[%get3A_1468, %get3A_1469] {strides = array<i32>} : memref<128x128xi32, #tpu.memory_space<vmem>>, vector<16xi32>,
        %shift_left3A_1471 = arith.shli %get3A_1470, %broadcast_in_dim3A_3 : vector<16xi32>
        %bitcast3A_1472 = vector.bitcast %shift_left3A_1471 : vector<16xi32> to vector<16xf32>
        %and3A_1473 = arith.andi %get3A_1470, %broadcast_in_dim3A_5 : vector<16xi32>
        %bitcast3A_1474 = vector.bitcast %and3A_1473 : vector<16xi32> to vector<16xf32>
        %mul3A_1475 = arith.mulf %mul3A_1463, %bitcast3A_1472 : vector<16xf32>
        %add3A_1476 = arith.addf %broadcast_in_dim3A_1459, %mul3A_1475 : vector<16xf32>
        %mul3A_1477 = arith.mulf %mul3A_1463, %bitcast3A_1474 : vector<16xf32>
        %add3A_1478 = arith.addf %broadcast_in_dim3A_1461, %mul3A_1477 : vector<16xf32>
        %mul3A_1479 = arith.mulf %sub3A_1451, %sub3A_1454 : vector<16xf32>
        %mul3A_1480 = arith.mulf %mul3A_1479, %get3A_1448 : vector<16xf32>
        %mul3A_1481 = arith.constant 8 : i32
        %mul3A_1482 = arith.muli %mul3A_1481, %scan3A_32 : i32
        %add3A_1483 = arith.constant 1 : i32
        %add3A_1484 = arith.addi %mul3A_1482, %add3A_1483 : i32
        %get3A_1485 = arith.index_cast %add3A_1484 : i32 to index
        %get3A_1486 = arith.constant 112 : index
        %get3A_1487 = tpu.vector_load %arg17[%get3A_1485, %get3A_1486] {strides = array<i32>} : memref<128x128xi32, #tpu.memory_space<vmem>>, vector<16xi32>,
        %shift_left3A_1488 = arith.shli %get3A_1487, %broadcast_in_dim3A_3 : vector<16xi32>
        %bitcast3A_1489 = vector.bitcast %shift_left3A_1488 : vector<16xi32> to vector<16xf32>
        %and3A_1490 = arith.andi %get3A_1487, %broadcast_in_dim3A_5 : vector<16xi32>
        %bitcast3A_1491 = vector.bitcast %and3A_1490 : vector<16xi32> to vector<16xf32>
        %mul3A_1492 = arith.mulf %mul3A_1480, %bitcast3A_1489 : vector<16xf32>
        %add3A_1493 = arith.addf %add3A_1476, %mul3A_1492 : vector<16xf32>
        %mul3A_1494 = arith.mulf %mul3A_1480, %bitcast3A_1491 : vector<16xf32>
        %add3A_1495 = arith.addf %add3A_1478, %mul3A_1494 : vector<16xf32>
        %mul3A_1496 = arith.mulf %sub3A_1451, %get3A_1441 : vector<16xf32>
        %mul3A_1497 = arith.mulf %mul3A_1496, %sub3A_1457 : vector<16xf32>
        %mul3A_1498 = arith.constant 8 : i32
        %mul3A_1499 = arith.muli %mul3A_1498, %scan3A_32 : i32
        %add3A_1500 = arith.constant 2 : i32
        %add3A_1501 = arith.addi %mul3A_1499, %add3A_1500 : i32
        %get3A_1502 = arith.index_cast %add3A_1501 : i32 to index
        %get3A_1503 = arith.constant 112 : index
        %get3A_1504 = tpu.vector_load %arg17[%get3A_1502, %get3A_1503] {strides = array<i32>} : memref<128x128xi32, #tpu.memory_space<vmem>>, vector<16xi32>,
        %shift_left3A_1505 = arith.shli %get3A_1504, %broadcast_in_dim3A_3 : vector<16xi32>
        %bitcast3A_1506 = vector.bitcast %shift_left3A_1505 : vector<16xi32> to vector<16xf32>
        %and3A_1507 = arith.andi %get3A_1504, %broadcast_in_dim3A_5 : vector<16xi32>
        %bitcast3A_1508 = vector.bitcast %and3A_1507 : vector<16xi32> to vector<16xf32>
        %mul3A_1509 = arith.mulf %mul3A_1497, %bitcast3A_1506 : vector<16xf32>
        %add3A_1510 = arith.addf %add3A_1493, %mul3A_1509 : vector<16xf32>
        %mul3A_1511 = arith.mulf %mul3A_1497, %bitcast3A_1508 : vector<16xf32>
        %add3A_1512 = arith.addf %add3A_1495, %mul3A_1511 : vector<16xf32>
        %mul3A_1513 = arith.mulf %sub3A_1451, %get3A_1441 : vector<16xf32>
        %mul3A_1514 = arith.mulf %mul3A_1513, %get3A_1448 : vector<16xf32>
        %mul3A_1515 = arith.constant 8 : i32
        %mul3A_1516 = arith.muli %mul3A_1515, %scan3A_32 : i32
        %add3A_1517 = arith.constant 3 : i32
        %add3A_1518 = arith.addi %mul3A_1516, %add3A_1517 : i32
        %get3A_1519 = arith.index_cast %add3A_1518 : i32 to index
        %get3A_1520 = arith.constant 112 : index
        %get3A_1521 = tpu.vector_load %arg17[%get3A_1519, %get3A_1520] {strides = array<i32>} : memref<128x128xi32, #tpu.memory_space<vmem>>, vector<16xi32>,
        %shift_left3A_1522 = arith.shli %get3A_1521, %broadcast_in_dim3A_3 : vector<16xi32>
        %bitcast3A_1523 = vector.bitcast %shift_left3A_1522 : vector<16xi32> to vector<16xf32>
        %and3A_1524 = arith.andi %get3A_1521, %broadcast_in_dim3A_5 : vector<16xi32>
        %bitcast3A_1525 = vector.bitcast %and3A_1524 : vector<16xi32> to vector<16xf32>
        %mul3A_1526 = arith.mulf %mul3A_1514, %bitcast3A_1523 : vector<16xf32>
        %add3A_1527 = arith.addf %add3A_1510, %mul3A_1526 : vector<16xf32>
        %mul3A_1528 = arith.mulf %mul3A_1514, %bitcast3A_1525 : vector<16xf32>
        %add3A_1529 = arith.addf %add3A_1512, %mul3A_1528 : vector<16xf32>
        %mul3A_1530 = arith.mulf %get3A_1434, %sub3A_1454 : vector<16xf32>
        %mul3A_1531 = arith.mulf %mul3A_1530, %sub3A_1457 : vector<16xf32>
        %mul3A_1532 = arith.constant 8 : i32
        %mul3A_1533 = arith.muli %mul3A_1532, %scan3A_32 : i32
        %add3A_1534 = arith.constant 4 : i32
        %add3A_1535 = arith.addi %mul3A_1533, %add3A_1534 : i32
        %get3A_1536 = arith.index_cast %add3A_1535 : i32 to index
        %get3A_1537 = arith.constant 112 : index
        %get3A_1538 = tpu.vector_load %arg17[%get3A_1536, %get3A_1537] {strides = array<i32>} : memref<128x128xi32, #tpu.memory_space<vmem>>, vector<16xi32>,
        %shift_left3A_1539 = arith.shli %get3A_1538, %broadcast_in_dim3A_3 : vector<16xi32>
        %bitcast3A_1540 = vector.bitcast %shift_left3A_1539 : vector<16xi32> to vector<16xf32>
        %and3A_1541 = arith.andi %get3A_1538, %broadcast_in_dim3A_5 : vector<16xi32>
        %bitcast3A_1542 = vector.bitcast %and3A_1541 : vector<16xi32> to vector<16xf32>
        %mul3A_1543 = arith.mulf %mul3A_1531, %bitcast3A_1540 : vector<16xf32>
        %add3A_1544 = arith.addf %add3A_1527, %mul3A_1543 : vector<16xf32>
        %mul3A_1545 = arith.mulf %mul3A_1531, %bitcast3A_1542 : vector<16xf32>
        %add3A_1546 = arith.addf %add3A_1529, %mul3A_1545 : vector<16xf32>
        %mul3A_1547 = arith.mulf %get3A_1434, %sub3A_1454 : vector<16xf32>
        %mul3A_1548 = arith.mulf %mul3A_1547, %get3A_1448 : vector<16xf32>
        %mul3A_1549 = arith.constant 8 : i32
        %mul3A_1550 = arith.muli %mul3A_1549, %scan3A_32 : i32
        %add3A_1551 = arith.constant 5 : i32
        %add3A_1552 = arith.addi %mul3A_1550, %add3A_1551 : i32
        %get3A_1553 = arith.index_cast %add3A_1552 : i32 to index
        %get3A_1554 = arith.constant 112 : index
        %get3A_1555 = tpu.vector_load %arg17[%get3A_1553, %get3A_1554] {strides = array<i32>} : memref<128x128xi32, #tpu.memory_space<vmem>>, vector<16xi32>,
        %shift_left3A_1556 = arith.shli %get3A_1555, %broadcast_in_dim3A_3 : vector<16xi32>
        %bitcast3A_1557 = vector.bitcast %shift_left3A_1556 : vector<16xi32> to vector<16xf32>
        %and3A_1558 = arith.andi %get3A_1555, %broadcast_in_dim3A_5 : vector<16xi32>
        %bitcast3A_1559 = vector.bitcast %and3A_1558 : vector<16xi32> to vector<16xf32>
        %mul3A_1560 = arith.mulf %mul3A_1548, %bitcast3A_1557 : vector<16xf32>
        %add3A_1561 = arith.addf %add3A_1544, %mul3A_1560 : vector<16xf32>
        %mul3A_1562 = arith.mulf %mul3A_1548, %bitcast3A_1559 : vector<16xf32>
        %add3A_1563 = arith.addf %add3A_1546, %mul3A_1562 : vector<16xf32>
        %mul3A_1564 = arith.mulf %get3A_1434, %get3A_1441 : vector<16xf32>
        %mul3A_1565 = arith.mulf %mul3A_1564, %sub3A_1457 : vector<16xf32>
        %mul3A_1566 = arith.constant 8 : i32
        %mul3A_1567 = arith.muli %mul3A_1566, %scan3A_32 : i32
        %add3A_1568 = arith.constant 6 : i32
        %add3A_1569 = arith.addi %mul3A_1567, %add3A_1568 : i32
        %get3A_1570 = arith.index_cast %add3A_1569 : i32 to index
        %get3A_1571 = arith.constant 112 : index
        %get3A_1572 = tpu.vector_load %arg17[%get3A_1570, %get3A_1571] {strides = array<i32>} : memref<128x128xi32, #tpu.memory_space<vmem>>, vector<16xi32>,
        %shift_left3A_1573 = arith.shli %get3A_1572, %broadcast_in_dim3A_3 : vector<16xi32>
        %bitcast3A_1574 = vector.bitcast %shift_left3A_1573 : vector<16xi32> to vector<16xf32>
        %and3A_1575 = arith.andi %get3A_1572, %broadcast_in_dim3A_5 : vector<16xi32>
        %bitcast3A_1576 = vector.bitcast %and3A_1575 : vector<16xi32> to vector<16xf32>
        %mul3A_1577 = arith.mulf %mul3A_1565, %bitcast3A_1574 : vector<16xf32>
        %add3A_1578 = arith.addf %add3A_1561, %mul3A_1577 : vector<16xf32>
        %mul3A_1579 = arith.mulf %mul3A_1565, %bitcast3A_1576 : vector<16xf32>
        %add3A_1580 = arith.addf %add3A_1563, %mul3A_1579 : vector<16xf32>
        %mul3A_1581 = arith.mulf %get3A_1434, %get3A_1441 : vector<16xf32>
        %mul3A_1582 = arith.mulf %mul3A_1581, %get3A_1448 : vector<16xf32>
        %mul3A_1583 = arith.constant 8 : i32
        %mul3A_1584 = arith.muli %mul3A_1583, %scan3A_32 : i32
        %add3A_1585 = arith.constant 7 : i32
        %add3A_1586 = arith.addi %mul3A_1584, %add3A_1585 : i32
        %get3A_1587 = arith.index_cast %add3A_1586 : i32 to index
        %get3A_1588 = arith.constant 112 : index
        %get3A_1589 = tpu.vector_load %arg17[%get3A_1587, %get3A_1588] {strides = array<i32>} : memref<128x128xi32, #tpu.memory_space<vmem>>, vector<16xi32>,
        %shift_left3A_1590 = arith.shli %get3A_1589, %broadcast_in_dim3A_3 : vector<16xi32>
        %bitcast3A_1591 = vector.bitcast %shift_left3A_1590 : vector<16xi32> to vector<16xf32>
        %and3A_1592 = arith.andi %get3A_1589, %broadcast_in_dim3A_5 : vector<16xi32>
        %bitcast3A_1593 = vector.bitcast %and3A_1592 : vector<16xi32> to vector<16xf32>
        %mul3A_1594 = arith.mulf %mul3A_1582, %bitcast3A_1591 : vector<16xf32>
        %add3A_1595 = arith.addf %add3A_1578, %mul3A_1594 : vector<16xf32>
        %mul3A_1596 = arith.mulf %mul3A_1582, %bitcast3A_1593 : vector<16xf32>
        %add3A_1597 = arith.addf %add3A_1580, %mul3A_1596 : vector<16xf32>
        %mul3A_1598 = arith.constant 2 : i32
        %mul3A_1599 = arith.muli %mul3A_1598, %scan3A_32 : i32
        %swap3A_1600 = arith.index_cast %mul3A_1599 : i32 to index
        %swap3A_1601 = arith.constant 112 : index
        %swap3A_1602 = tpu.vector_load %arg18[%swap3A_1600, %swap3A_1601] {strides = array<i32>} : memref<32x128xf32, #tpu.memory_space<vmem>>, vector<16xf32>,
        tpu.vector_store %arg18[%swap3A_1600, %swap3A_1601], %add3A_1595 {strides = array<i32>} : memref<32x128xf32, #tpu.memory_space<vmem>>, vector<16xf32>,
        %mul3A_1603 = arith.constant 2 : i32
        %mul3A_1604 = arith.muli %mul3A_1603, %scan3A_32 : i32
        %add3A_1605 = arith.constant 1 : i32
        %add3A_1606 = arith.addi %mul3A_1604, %add3A_1605 : i32
        %swap3A_1607 = arith.index_cast %add3A_1606 : i32 to index
        %swap3A_1608 = arith.constant 112 : index
        %swap3A_1609 = tpu.vector_load %arg18[%swap3A_1607, %swap3A_1608] {strides = array<i32>} : memref<32x128xf32, #tpu.memory_space<vmem>>, vector<16xf32>,
        tpu.vector_store %arg18[%swap3A_1607, %swap3A_1608], %add3A_1597 {strides = array<i32>} : memref<32x128xf32, #tpu.memory_space<vmem>>, vector<16xf32>,
      }
      %scan3A_28 = arith.constant 16 : i32
      %mul3A_29 = arith.constant 128 : i32
      %mul3A_30 = arith.muli %add3A, %mul3A_29 : i32
      %add3A_31 = arith.addi %mul3A_30, %scan3A_11 : i32
      "tpu.region"() ({
        %run_scoped3A = tpu.sem_alloc : memref<!tpu.dma_semaphore, #tpu.memory_space<semaphore_mem>>
        %dma_start3A = arith.constant 0 : i32
        %dma_start3A_32 = arith.constant 0 : i32
        %dma_start3A_33 = tpu.memref_slice %arg11[%add3A_31, %dma_start3A, %dma_start3A_32] : memref<4096x32x128xf32, #tpu.memory_space<hbm>> -> memref<1x32x128xf32, #tpu.memory_space<hbm>>
        %dma_start3A_34 = tpu.memref_squeeze %dma_start3A_33 : memref<1x32x128xf32, #tpu.memory_space<hbm>> -> memref<32x128xf32, #tpu.memory_space<hbm>>
        %dma_start3A_35 = arith.constant 0 : i32
        %dma_start3A_36 = arith.constant 0 : i32
        %dma_start3A_37 = tpu.memref_slice %arg11[%add3A_31, %dma_start3A_35, %dma_start3A_36] : memref<4096x32x128xf32, #tpu.memory_space<hbm>> -> memref<1x32x128xf32, #tpu.memory_space<hbm>>
        %dma_start3A_38 = tpu.memref_squeeze %dma_start3A_37 : memref<1x32x128xf32, #tpu.memory_space<hbm>> -> memref<32x128xf32, #tpu.memory_space<hbm>>
        tpu.enqueue_dma source(%arg18 : memref<32x128xf32, #tpu.memory_space<vmem>>) target(%dma_start3A_38 : memref<32x128xf32, #tpu.memory_space<hbm>>) target_semaphore(%run_scoped3A : memref<!tpu.dma_semaphore, #tpu.memory_space<semaphore_mem>>)
        %dma_wait3A = arith.constant 0 : i32
        %dma_wait3A_39 = arith.constant 0 : i32
        %dma_wait3A_40 = tpu.memref_slice %arg11[%add3A_31, %dma_wait3A, %dma_wait3A_39] : memref<4096x32x128xf32, #tpu.memory_space<hbm>> -> memref<1x32x128xf32, #tpu.memory_space<hbm>>
        %dma_wait3A_41 = tpu.memref_squeeze %dma_wait3A_40 : memref<1x32x128xf32, #tpu.memory_space<hbm>> -> memref<32x128xf32, #tpu.memory_space<hbm>>
        %dma_wait3A_42 = arith.constant 0 : i32
        %dma_wait3A_43 = arith.constant 0 : i32
        %dma_wait3A_44 = tpu.memref_slice %arg11[%add3A_31, %dma_wait3A_42, %dma_wait3A_43] : memref<4096x32x128xf32, #tpu.memory_space<hbm>> -> memref<1x32x128xf32, #tpu.memory_space<hbm>>
        %dma_wait3A_45 = tpu.memref_squeeze %dma_wait3A_44 : memref<1x32x128xf32, #tpu.memory_space<hbm>> -> memref<32x128xf32, #tpu.memory_space<hbm>>
        tpu.wait_dma2 semaphore(%run_scoped3A : memref<!tpu.dma_semaphore, #tpu.memory_space<semaphore_mem>>) src(%arg18 : memref<32x128xf32, #tpu.memory_space<vmem>>) dst(%dma_wait3A_45 : memref<32x128xf32, #tpu.memory_space<hbm>>)
        tpu.yield
      }) : () -> ()
    }
    %scan3A_10 = arith.constant 128 : i32
    return
  }
}

module attributes {stable_mosaic.version = 14 : i64} {
  func.func @_mlp_body(%arg0: i32, %arg1: memref<8x32x128xf32, #tpu.memory_space<vmem>>, %arg2: memref<32x64xf32, #tpu.memory_space<vmem>>, %arg3: memref<64x3xf32, #tpu.memory_space<vmem>>, %arg4: memref<8x128x3xf32, #tpu.memory_space<vmem>>) attributes {dimension_semantics = [#tpu.dimension_semantics<arbitrary>], iteration_bounds = array<i64: 512>, scalar_prefetch = 0 : i64, scratch_operands = 0 : i64, tpu.core_type = #tpu.core_type<tc>, window_params = [{transform_indices = @transform_0, window_bounds = array<i64: 8, 32, 128>}, {pipeline_mode = #tpu.pipeline_mode<synchronous>, transform_indices = @transform_1, window_bounds = array<i64: 32, 64>}, {pipeline_mode = #tpu.pipeline_mode<synchronous>, transform_indices = @transform_2, window_bounds = array<i64: 64, 3>}, {transform_indices = @transform_3, window_bounds = array<i64: 8, 128, 3>}]} {
    %get3A = arith.constant 0 : index
    %get3A_0 = arith.constant 0 : index
    %get3A_1 = vector.load %arg2[%get3A, %get3A_0] : memref<32x64xf32, #tpu.memory_space<vmem>>, vector<32x64xf32>
    %get3A_2 = arith.constant 0 : index
    %get3A_3 = arith.constant 0 : index
    %get3A_4 = vector.load %arg3[%get3A_2, %get3A_3] : memref<64x3xf32, #tpu.memory_space<vmem>>, vector<64x3xf32>
    %get3A_5 = arith.constant 0 : index
    %get3A_6 = arith.constant 0 : index
    %get3A_7 = arith.constant 0 : index
    %get3A_8 = vector.load %arg1[%get3A_5, %get3A_6, %get3A_7] : memref<8x32x128xf32, #tpu.memory_space<vmem>>, vector<1x32x128xf32>
    %get3A_9 = vector.shape_cast %get3A_8 : vector<1x32x128xf32> to vector<32x128xf32>
    %dot_general3A = arith.constant dense<0.000000e+00> : vector<128x64xf32>
    %dot_general3A_10 = tpu.matmul %get3A_9, %get3A_1, %dot_general3A {dimension_numbers = #tpu.dot_dimension_numbers<[0], [0], [1], [1], [0, 1, 1, 1], [], []>, transpose_lhs_hint = false} : vector<32x128xf32>, vector<32x64xf32>, vector<128x64xf32> -> vector<128x64xf32>
    %max3A = arith.constant 0.000000e+00 : f32
    %max3A_11 = vector.broadcast %max3A : f32 to vector<128x64xf32>
    %max3A_12 = arith.maximumf %dot_general3A_10, %max3A_11 : vector<128x64xf32>
    %dot_general3A_13 = arith.constant dense<0.000000e+00> : vector<128x3xf32>
    %dot_general3A_14 = tpu.matmul %max3A_12, %get3A_4, %dot_general3A_13 {dimension_numbers = #tpu.dot_dimension_numbers<[1], [0], [0], [1], [0, 0, 1, 1], [], []>, transpose_lhs_hint = false} : vector<128x64xf32>, vector<64x3xf32>, vector<128x3xf32> -> vector<128x3xf32>
    %neg3A = arith.constant 0.000000e+00 : f32
    %neg3A_15 = vector.broadcast %neg3A : f32 to vector<128x3xf32>
    %neg3A_16 = arith.subf %neg3A_15, %dot_general3A_14 : vector<128x3xf32>
    %exp3A = math.exp %neg3A_16 : vector<128x3xf32>
    %add3A = arith.constant 1.000000e+00 : f32
    %add3A_17 = vector.broadcast %add3A : f32 to vector<128x3xf32>
    %add3A_18 = arith.addf %add3A_17, %exp3A : vector<128x3xf32>
    %div3A = arith.constant 1.000000e+00 : f32
    %div3A_19 = vector.broadcast %div3A : f32 to vector<128x3xf32>
    %div3A_20 = arith.divf %div3A_19, %add3A_18 : vector<128x3xf32>
    %swap3A = arith.constant 0 : index
    %swap3A_21 = arith.constant 0 : index
    %swap3A_22 = arith.constant 0 : index
    %swap3A_23 = vector.load %arg4[%swap3A, %swap3A_21, %swap3A_22] : memref<8x128x3xf32, #tpu.memory_space<vmem>>, vector<1x128x3xf32>
    %swap3A_24 = vector.shape_cast %swap3A_23 : vector<1x128x3xf32> to vector<128x3xf32>
    %swap3A_25 = vector.shape_cast %div3A_20 : vector<128x3xf32> to vector<1x128x3xf32>
    tpu.vector_store %arg4[%swap3A, %swap3A_21, %swap3A_22], %swap3A_25 {strides = array<i32>} : memref<8x128x3xf32, #tpu.memory_space<vmem>>, vector<1x128x3xf32>,
    %get3A_26 = arith.constant 1 : index
    %get3A_27 = arith.constant 0 : index
    %get3A_28 = arith.constant 0 : index
    %get3A_29 = vector.load %arg1[%get3A_26, %get3A_27, %get3A_28] : memref<8x32x128xf32, #tpu.memory_space<vmem>>, vector<1x32x128xf32>
    %get3A_30 = vector.shape_cast %get3A_29 : vector<1x32x128xf32> to vector<32x128xf32>
    %dot_general3A_31 = arith.constant dense<0.000000e+00> : vector<128x64xf32>
    %dot_general3A_32 = tpu.matmul %get3A_30, %get3A_1, %dot_general3A_31 {dimension_numbers = #tpu.dot_dimension_numbers<[0], [0], [1], [1], [0, 1, 1, 1], [], []>, transpose_lhs_hint = false} : vector<32x128xf32>, vector<32x64xf32>, vector<128x64xf32> -> vector<128x64xf32>
    %max3A_33 = arith.constant 0.000000e+00 : f32
    %max3A_34 = vector.broadcast %max3A_33 : f32 to vector<128x64xf32>
    %max3A_35 = arith.maximumf %dot_general3A_32, %max3A_34 : vector<128x64xf32>
    %dot_general3A_36 = arith.constant dense<0.000000e+00> : vector<128x3xf32>
    %dot_general3A_37 = tpu.matmul %max3A_35, %get3A_4, %dot_general3A_36 {dimension_numbers = #tpu.dot_dimension_numbers<[1], [0], [0], [1], [0, 0, 1, 1], [], []>, transpose_lhs_hint = false} : vector<128x64xf32>, vector<64x3xf32>, vector<128x3xf32> -> vector<128x3xf32>
    %neg3A_38 = arith.constant 0.000000e+00 : f32
    %neg3A_39 = vector.broadcast %neg3A_38 : f32 to vector<128x3xf32>
    %neg3A_40 = arith.subf %neg3A_39, %dot_general3A_37 : vector<128x3xf32>
    %exp3A_41 = math.exp %neg3A_40 : vector<128x3xf32>
    %add3A_42 = arith.constant 1.000000e+00 : f32
    %add3A_43 = vector.broadcast %add3A_42 : f32 to vector<128x3xf32>
    %add3A_44 = arith.addf %add3A_43, %exp3A_41 : vector<128x3xf32>
    %div3A_45 = arith.constant 1.000000e+00 : f32
    %div3A_46 = vector.broadcast %div3A_45 : f32 to vector<128x3xf32>
    %div3A_47 = arith.divf %div3A_46, %add3A_44 : vector<128x3xf32>
    %swap3A_48 = arith.constant 1 : index
    %swap3A_49 = arith.constant 0 : index
    %swap3A_50 = arith.constant 0 : index
    %swap3A_51 = vector.load %arg4[%swap3A_48, %swap3A_49, %swap3A_50] : memref<8x128x3xf32, #tpu.memory_space<vmem>>, vector<1x128x3xf32>
    %swap3A_52 = vector.shape_cast %swap3A_51 : vector<1x128x3xf32> to vector<128x3xf32>
    %swap3A_53 = vector.shape_cast %div3A_47 : vector<128x3xf32> to vector<1x128x3xf32>
    tpu.vector_store %arg4[%swap3A_48, %swap3A_49, %swap3A_50], %swap3A_53 {strides = array<i32>} : memref<8x128x3xf32, #tpu.memory_space<vmem>>, vector<1x128x3xf32>,
    %get3A_54 = arith.constant 2 : index
    %get3A_55 = arith.constant 0 : index
    %get3A_56 = arith.constant 0 : index
    %get3A_57 = vector.load %arg1[%get3A_54, %get3A_55, %get3A_56] : memref<8x32x128xf32, #tpu.memory_space<vmem>>, vector<1x32x128xf32>
    %get3A_58 = vector.shape_cast %get3A_57 : vector<1x32x128xf32> to vector<32x128xf32>
    %dot_general3A_59 = arith.constant dense<0.000000e+00> : vector<128x64xf32>
    %dot_general3A_60 = tpu.matmul %get3A_58, %get3A_1, %dot_general3A_59 {dimension_numbers = #tpu.dot_dimension_numbers<[0], [0], [1], [1], [0, 1, 1, 1], [], []>, transpose_lhs_hint = false} : vector<32x128xf32>, vector<32x64xf32>, vector<128x64xf32> -> vector<128x64xf32>
    %max3A_61 = arith.constant 0.000000e+00 : f32
    %max3A_62 = vector.broadcast %max3A_61 : f32 to vector<128x64xf32>
    %max3A_63 = arith.maximumf %dot_general3A_60, %max3A_62 : vector<128x64xf32>
    %dot_general3A_64 = arith.constant dense<0.000000e+00> : vector<128x3xf32>
    %dot_general3A_65 = tpu.matmul %max3A_63, %get3A_4, %dot_general3A_64 {dimension_numbers = #tpu.dot_dimension_numbers<[1], [0], [0], [1], [0, 0, 1, 1], [], []>, transpose_lhs_hint = false} : vector<128x64xf32>, vector<64x3xf32>, vector<128x3xf32> -> vector<128x3xf32>
    %neg3A_66 = arith.constant 0.000000e+00 : f32
    %neg3A_67 = vector.broadcast %neg3A_66 : f32 to vector<128x3xf32>
    %neg3A_68 = arith.subf %neg3A_67, %dot_general3A_65 : vector<128x3xf32>
    %exp3A_69 = math.exp %neg3A_68 : vector<128x3xf32>
    %add3A_70 = arith.constant 1.000000e+00 : f32
    %add3A_71 = vector.broadcast %add3A_70 : f32 to vector<128x3xf32>
    %add3A_72 = arith.addf %add3A_71, %exp3A_69 : vector<128x3xf32>
    %div3A_73 = arith.constant 1.000000e+00 : f32
    %div3A_74 = vector.broadcast %div3A_73 : f32 to vector<128x3xf32>
    %div3A_75 = arith.divf %div3A_74, %add3A_72 : vector<128x3xf32>
    %swap3A_76 = arith.constant 2 : index
    %swap3A_77 = arith.constant 0 : index
    %swap3A_78 = arith.constant 0 : index
    %swap3A_79 = vector.load %arg4[%swap3A_76, %swap3A_77, %swap3A_78] : memref<8x128x3xf32, #tpu.memory_space<vmem>>, vector<1x128x3xf32>
    %swap3A_80 = vector.shape_cast %swap3A_79 : vector<1x128x3xf32> to vector<128x3xf32>
    %swap3A_81 = vector.shape_cast %div3A_75 : vector<128x3xf32> to vector<1x128x3xf32>
    tpu.vector_store %arg4[%swap3A_76, %swap3A_77, %swap3A_78], %swap3A_81 {strides = array<i32>} : memref<8x128x3xf32, #tpu.memory_space<vmem>>, vector<1x128x3xf32>,
    %get3A_82 = arith.constant 3 : index
    %get3A_83 = arith.constant 0 : index
    %get3A_84 = arith.constant 0 : index
    %get3A_85 = vector.load %arg1[%get3A_82, %get3A_83, %get3A_84] : memref<8x32x128xf32, #tpu.memory_space<vmem>>, vector<1x32x128xf32>
    %get3A_86 = vector.shape_cast %get3A_85 : vector<1x32x128xf32> to vector<32x128xf32>
    %dot_general3A_87 = arith.constant dense<0.000000e+00> : vector<128x64xf32>
    %dot_general3A_88 = tpu.matmul %get3A_86, %get3A_1, %dot_general3A_87 {dimension_numbers = #tpu.dot_dimension_numbers<[0], [0], [1], [1], [0, 1, 1, 1], [], []>, transpose_lhs_hint = false} : vector<32x128xf32>, vector<32x64xf32>, vector<128x64xf32> -> vector<128x64xf32>
    %max3A_89 = arith.constant 0.000000e+00 : f32
    %max3A_90 = vector.broadcast %max3A_89 : f32 to vector<128x64xf32>
    %max3A_91 = arith.maximumf %dot_general3A_88, %max3A_90 : vector<128x64xf32>
    %dot_general3A_92 = arith.constant dense<0.000000e+00> : vector<128x3xf32>
    %dot_general3A_93 = tpu.matmul %max3A_91, %get3A_4, %dot_general3A_92 {dimension_numbers = #tpu.dot_dimension_numbers<[1], [0], [0], [1], [0, 0, 1, 1], [], []>, transpose_lhs_hint = false} : vector<128x64xf32>, vector<64x3xf32>, vector<128x3xf32> -> vector<128x3xf32>
    %neg3A_94 = arith.constant 0.000000e+00 : f32
    %neg3A_95 = vector.broadcast %neg3A_94 : f32 to vector<128x3xf32>
    %neg3A_96 = arith.subf %neg3A_95, %dot_general3A_93 : vector<128x3xf32>
    %exp3A_97 = math.exp %neg3A_96 : vector<128x3xf32>
    %add3A_98 = arith.constant 1.000000e+00 : f32
    %add3A_99 = vector.broadcast %add3A_98 : f32 to vector<128x3xf32>
    %add3A_100 = arith.addf %add3A_99, %exp3A_97 : vector<128x3xf32>
    %div3A_101 = arith.constant 1.000000e+00 : f32
    %div3A_102 = vector.broadcast %div3A_101 : f32 to vector<128x3xf32>
    %div3A_103 = arith.divf %div3A_102, %add3A_100 : vector<128x3xf32>
    %swap3A_104 = arith.constant 3 : index
    %swap3A_105 = arith.constant 0 : index
    %swap3A_106 = arith.constant 0 : index
    %swap3A_107 = vector.load %arg4[%swap3A_104, %swap3A_105, %swap3A_106] : memref<8x128x3xf32, #tpu.memory_space<vmem>>, vector<1x128x3xf32>
    %swap3A_108 = vector.shape_cast %swap3A_107 : vector<1x128x3xf32> to vector<128x3xf32>
    %swap3A_109 = vector.shape_cast %div3A_103 : vector<128x3xf32> to vector<1x128x3xf32>
    tpu.vector_store %arg4[%swap3A_104, %swap3A_105, %swap3A_106], %swap3A_109 {strides = array<i32>} : memref<8x128x3xf32, #tpu.memory_space<vmem>>, vector<1x128x3xf32>,
    %get3A_110 = arith.constant 4 : index
    %get3A_111 = arith.constant 0 : index
    %get3A_112 = arith.constant 0 : index
    %get3A_113 = vector.load %arg1[%get3A_110, %get3A_111, %get3A_112] : memref<8x32x128xf32, #tpu.memory_space<vmem>>, vector<1x32x128xf32>
    %get3A_114 = vector.shape_cast %get3A_113 : vector<1x32x128xf32> to vector<32x128xf32>
    %dot_general3A_115 = arith.constant dense<0.000000e+00> : vector<128x64xf32>
    %dot_general3A_116 = tpu.matmul %get3A_114, %get3A_1, %dot_general3A_115 {dimension_numbers = #tpu.dot_dimension_numbers<[0], [0], [1], [1], [0, 1, 1, 1], [], []>, transpose_lhs_hint = false} : vector<32x128xf32>, vector<32x64xf32>, vector<128x64xf32> -> vector<128x64xf32>
    %max3A_117 = arith.constant 0.000000e+00 : f32
    %max3A_118 = vector.broadcast %max3A_117 : f32 to vector<128x64xf32>
    %max3A_119 = arith.maximumf %dot_general3A_116, %max3A_118 : vector<128x64xf32>
    %dot_general3A_120 = arith.constant dense<0.000000e+00> : vector<128x3xf32>
    %dot_general3A_121 = tpu.matmul %max3A_119, %get3A_4, %dot_general3A_120 {dimension_numbers = #tpu.dot_dimension_numbers<[1], [0], [0], [1], [0, 0, 1, 1], [], []>, transpose_lhs_hint = false} : vector<128x64xf32>, vector<64x3xf32>, vector<128x3xf32> -> vector<128x3xf32>
    %neg3A_122 = arith.constant 0.000000e+00 : f32
    %neg3A_123 = vector.broadcast %neg3A_122 : f32 to vector<128x3xf32>
    %neg3A_124 = arith.subf %neg3A_123, %dot_general3A_121 : vector<128x3xf32>
    %exp3A_125 = math.exp %neg3A_124 : vector<128x3xf32>
    %add3A_126 = arith.constant 1.000000e+00 : f32
    %add3A_127 = vector.broadcast %add3A_126 : f32 to vector<128x3xf32>
    %add3A_128 = arith.addf %add3A_127, %exp3A_125 : vector<128x3xf32>
    %div3A_129 = arith.constant 1.000000e+00 : f32
    %div3A_130 = vector.broadcast %div3A_129 : f32 to vector<128x3xf32>
    %div3A_131 = arith.divf %div3A_130, %add3A_128 : vector<128x3xf32>
    %swap3A_132 = arith.constant 4 : index
    %swap3A_133 = arith.constant 0 : index
    %swap3A_134 = arith.constant 0 : index
    %swap3A_135 = vector.load %arg4[%swap3A_132, %swap3A_133, %swap3A_134] : memref<8x128x3xf32, #tpu.memory_space<vmem>>, vector<1x128x3xf32>
    %swap3A_136 = vector.shape_cast %swap3A_135 : vector<1x128x3xf32> to vector<128x3xf32>
    %swap3A_137 = vector.shape_cast %div3A_131 : vector<128x3xf32> to vector<1x128x3xf32>
    tpu.vector_store %arg4[%swap3A_132, %swap3A_133, %swap3A_134], %swap3A_137 {strides = array<i32>} : memref<8x128x3xf32, #tpu.memory_space<vmem>>, vector<1x128x3xf32>,
    %get3A_138 = arith.constant 5 : index
    %get3A_139 = arith.constant 0 : index
    %get3A_140 = arith.constant 0 : index
    %get3A_141 = vector.load %arg1[%get3A_138, %get3A_139, %get3A_140] : memref<8x32x128xf32, #tpu.memory_space<vmem>>, vector<1x32x128xf32>
    %get3A_142 = vector.shape_cast %get3A_141 : vector<1x32x128xf32> to vector<32x128xf32>
    %dot_general3A_143 = arith.constant dense<0.000000e+00> : vector<128x64xf32>
    %dot_general3A_144 = tpu.matmul %get3A_142, %get3A_1, %dot_general3A_143 {dimension_numbers = #tpu.dot_dimension_numbers<[0], [0], [1], [1], [0, 1, 1, 1], [], []>, transpose_lhs_hint = false} : vector<32x128xf32>, vector<32x64xf32>, vector<128x64xf32> -> vector<128x64xf32>
    %max3A_145 = arith.constant 0.000000e+00 : f32
    %max3A_146 = vector.broadcast %max3A_145 : f32 to vector<128x64xf32>
    %max3A_147 = arith.maximumf %dot_general3A_144, %max3A_146 : vector<128x64xf32>
    %dot_general3A_148 = arith.constant dense<0.000000e+00> : vector<128x3xf32>
    %dot_general3A_149 = tpu.matmul %max3A_147, %get3A_4, %dot_general3A_148 {dimension_numbers = #tpu.dot_dimension_numbers<[1], [0], [0], [1], [0, 0, 1, 1], [], []>, transpose_lhs_hint = false} : vector<128x64xf32>, vector<64x3xf32>, vector<128x3xf32> -> vector<128x3xf32>
    %neg3A_150 = arith.constant 0.000000e+00 : f32
    %neg3A_151 = vector.broadcast %neg3A_150 : f32 to vector<128x3xf32>
    %neg3A_152 = arith.subf %neg3A_151, %dot_general3A_149 : vector<128x3xf32>
    %exp3A_153 = math.exp %neg3A_152 : vector<128x3xf32>
    %add3A_154 = arith.constant 1.000000e+00 : f32
    %add3A_155 = vector.broadcast %add3A_154 : f32 to vector<128x3xf32>
    %add3A_156 = arith.addf %add3A_155, %exp3A_153 : vector<128x3xf32>
    %div3A_157 = arith.constant 1.000000e+00 : f32
    %div3A_158 = vector.broadcast %div3A_157 : f32 to vector<128x3xf32>
    %div3A_159 = arith.divf %div3A_158, %add3A_156 : vector<128x3xf32>
    %swap3A_160 = arith.constant 5 : index
    %swap3A_161 = arith.constant 0 : index
    %swap3A_162 = arith.constant 0 : index
    %swap3A_163 = vector.load %arg4[%swap3A_160, %swap3A_161, %swap3A_162] : memref<8x128x3xf32, #tpu.memory_space<vmem>>, vector<1x128x3xf32>
    %swap3A_164 = vector.shape_cast %swap3A_163 : vector<1x128x3xf32> to vector<128x3xf32>
    %swap3A_165 = vector.shape_cast %div3A_159 : vector<128x3xf32> to vector<1x128x3xf32>
    tpu.vector_store %arg4[%swap3A_160, %swap3A_161, %swap3A_162], %swap3A_165 {strides = array<i32>} : memref<8x128x3xf32, #tpu.memory_space<vmem>>, vector<1x128x3xf32>,
    %get3A_166 = arith.constant 6 : index
    %get3A_167 = arith.constant 0 : index
    %get3A_168 = arith.constant 0 : index
    %get3A_169 = vector.load %arg1[%get3A_166, %get3A_167, %get3A_168] : memref<8x32x128xf32, #tpu.memory_space<vmem>>, vector<1x32x128xf32>
    %get3A_170 = vector.shape_cast %get3A_169 : vector<1x32x128xf32> to vector<32x128xf32>
    %dot_general3A_171 = arith.constant dense<0.000000e+00> : vector<128x64xf32>
    %dot_general3A_172 = tpu.matmul %get3A_170, %get3A_1, %dot_general3A_171 {dimension_numbers = #tpu.dot_dimension_numbers<[0], [0], [1], [1], [0, 1, 1, 1], [], []>, transpose_lhs_hint = false} : vector<32x128xf32>, vector<32x64xf32>, vector<128x64xf32> -> vector<128x64xf32>
    %max3A_173 = arith.constant 0.000000e+00 : f32
    %max3A_174 = vector.broadcast %max3A_173 : f32 to vector<128x64xf32>
    %max3A_175 = arith.maximumf %dot_general3A_172, %max3A_174 : vector<128x64xf32>
    %dot_general3A_176 = arith.constant dense<0.000000e+00> : vector<128x3xf32>
    %dot_general3A_177 = tpu.matmul %max3A_175, %get3A_4, %dot_general3A_176 {dimension_numbers = #tpu.dot_dimension_numbers<[1], [0], [0], [1], [0, 0, 1, 1], [], []>, transpose_lhs_hint = false} : vector<128x64xf32>, vector<64x3xf32>, vector<128x3xf32> -> vector<128x3xf32>
    %neg3A_178 = arith.constant 0.000000e+00 : f32
    %neg3A_179 = vector.broadcast %neg3A_178 : f32 to vector<128x3xf32>
    %neg3A_180 = arith.subf %neg3A_179, %dot_general3A_177 : vector<128x3xf32>
    %exp3A_181 = math.exp %neg3A_180 : vector<128x3xf32>
    %add3A_182 = arith.constant 1.000000e+00 : f32
    %add3A_183 = vector.broadcast %add3A_182 : f32 to vector<128x3xf32>
    %add3A_184 = arith.addf %add3A_183, %exp3A_181 : vector<128x3xf32>
    %div3A_185 = arith.constant 1.000000e+00 : f32
    %div3A_186 = vector.broadcast %div3A_185 : f32 to vector<128x3xf32>
    %div3A_187 = arith.divf %div3A_186, %add3A_184 : vector<128x3xf32>
    %swap3A_188 = arith.constant 6 : index
    %swap3A_189 = arith.constant 0 : index
    %swap3A_190 = arith.constant 0 : index
    %swap3A_191 = vector.load %arg4[%swap3A_188, %swap3A_189, %swap3A_190] : memref<8x128x3xf32, #tpu.memory_space<vmem>>, vector<1x128x3xf32>
    %swap3A_192 = vector.shape_cast %swap3A_191 : vector<1x128x3xf32> to vector<128x3xf32>
    %swap3A_193 = vector.shape_cast %div3A_187 : vector<128x3xf32> to vector<1x128x3xf32>
    tpu.vector_store %arg4[%swap3A_188, %swap3A_189, %swap3A_190], %swap3A_193 {strides = array<i32>} : memref<8x128x3xf32, #tpu.memory_space<vmem>>, vector<1x128x3xf32>,
    %get3A_194 = arith.constant 7 : index
    %get3A_195 = arith.constant 0 : index
    %get3A_196 = arith.constant 0 : index
    %get3A_197 = vector.load %arg1[%get3A_194, %get3A_195, %get3A_196] : memref<8x32x128xf32, #tpu.memory_space<vmem>>, vector<1x32x128xf32>
    %get3A_198 = vector.shape_cast %get3A_197 : vector<1x32x128xf32> to vector<32x128xf32>
    %dot_general3A_199 = arith.constant dense<0.000000e+00> : vector<128x64xf32>
    %dot_general3A_200 = tpu.matmul %get3A_198, %get3A_1, %dot_general3A_199 {dimension_numbers = #tpu.dot_dimension_numbers<[0], [0], [1], [1], [0, 1, 1, 1], [], []>, transpose_lhs_hint = false} : vector<32x128xf32>, vector<32x64xf32>, vector<128x64xf32> -> vector<128x64xf32>
    %max3A_201 = arith.constant 0.000000e+00 : f32
    %max3A_202 = vector.broadcast %max3A_201 : f32 to vector<128x64xf32>
    %max3A_203 = arith.maximumf %dot_general3A_200, %max3A_202 : vector<128x64xf32>
    %dot_general3A_204 = arith.constant dense<0.000000e+00> : vector<128x3xf32>
    %dot_general3A_205 = tpu.matmul %max3A_203, %get3A_4, %dot_general3A_204 {dimension_numbers = #tpu.dot_dimension_numbers<[1], [0], [0], [1], [0, 0, 1, 1], [], []>, transpose_lhs_hint = false} : vector<128x64xf32>, vector<64x3xf32>, vector<128x3xf32> -> vector<128x3xf32>
    %neg3A_206 = arith.constant 0.000000e+00 : f32
    %neg3A_207 = vector.broadcast %neg3A_206 : f32 to vector<128x3xf32>
    %neg3A_208 = arith.subf %neg3A_207, %dot_general3A_205 : vector<128x3xf32>
    %exp3A_209 = math.exp %neg3A_208 : vector<128x3xf32>
    %add3A_210 = arith.constant 1.000000e+00 : f32
    %add3A_211 = vector.broadcast %add3A_210 : f32 to vector<128x3xf32>
    %add3A_212 = arith.addf %add3A_211, %exp3A_209 : vector<128x3xf32>
    %div3A_213 = arith.constant 1.000000e+00 : f32
    %div3A_214 = vector.broadcast %div3A_213 : f32 to vector<128x3xf32>
    %div3A_215 = arith.divf %div3A_214, %add3A_212 : vector<128x3xf32>
    %swap3A_216 = arith.constant 7 : index
    %swap3A_217 = arith.constant 0 : index
    %swap3A_218 = arith.constant 0 : index
    %swap3A_219 = vector.load %arg4[%swap3A_216, %swap3A_217, %swap3A_218] : memref<8x128x3xf32, #tpu.memory_space<vmem>>, vector<1x128x3xf32>
    %swap3A_220 = vector.shape_cast %swap3A_219 : vector<1x128x3xf32> to vector<128x3xf32>
    %swap3A_221 = vector.shape_cast %div3A_215 : vector<128x3xf32> to vector<1x128x3xf32>
    tpu.vector_store %arg4[%swap3A_216, %swap3A_217, %swap3A_218], %swap3A_221 {strides = array<i32>} : memref<8x128x3xf32, #tpu.memory_space<vmem>>, vector<1x128x3xf32>,
    return
  }
  func.func @transform_0(%arg0: i32) -> (i32, i32, i32) {
    %c0_i32 = arith.constant 0 : i32
    %c0_i32_0 = arith.constant 0 : i32
    %c0_i32_1 = arith.constant 0 : i32
    return %arg0, %c0_i32, %c0_i32_0 : i32, i32, i32
  }
  func.func @transform_1(%arg0: i32) -> (i32, i32) {
    %c0_i32 = arith.constant 0 : i32
    %c0_i32_0 = arith.constant 0 : i32
    %c0_i32_1 = arith.constant 0 : i32
    return %c0_i32, %c0_i32_0 : i32, i32
  }
  func.func @transform_2(%arg0: i32) -> (i32, i32) {
    %c0_i32 = arith.constant 0 : i32
    %c0_i32_0 = arith.constant 0 : i32
    %c0_i32_1 = arith.constant 0 : i32
    return %c0_i32, %c0_i32_0 : i32, i32
  }
  func.func @transform_3(%arg0: i32) -> (i32, i32, i32) {
    %c0_i32 = arith.constant 0 : i32
    %c0_i32_0 = arith.constant 0 : i32
    %c0_i32_1 = arith.constant 0 : i32
    return %arg0, %c0_i32, %c0_i32_0 : i32, i32, i32
  }
}

</mosaic_0001>

<sc_bundles>
// kernel: kernel.4.cloned.1.call-start
scs
__scs_entry_jumppad:
0x0: {  	(pc) =	sbr.rel $0x88, $3  }
0x1: {  	(tag) =	ssettag $0x0;
	lr =	simm.s32 $0x1  }
0x2: {  	[smem:$0x3F9D] =	sst lr;
	_ =	strace $0xD0000000  }
0x3: {  	_ = 	snop  }
0x4: {  	_ = 	snop  }
0x5: {  	_ = 	snop  }
0x6: {  	_ = 	snop  }
0x7: {  	_ = 	snop  }
__scs_overlays_trampoline_lowered:
0x8: {  	[smem:$0x3FAC] =	sst s0  }
0x9: {  	[smem:$0x3FAD] =	sst s1  }
0xa: {  	[smem:$0x3FAE] =	sst s2  }
0xb: {  	[smem:$0x3FAF] =	sst s3  }
0xc: {  	[smem:$0x3FB0] =	sst s4  }
0xd: {  	[smem:$0x3FB1] =	sst s5  }
0xe: {  	[smem:$0x3FB2] =	sst s6  }
0xf: {  	[smem:$0x3FB3] =	sst s7  }
0x10: {  	[smem:$0x3FB4] =	sst s8  }
0x11: {  	[smem:$0x3FB5] =	sst s9;
	s0 =	simm.s32 @!p0 $0x0  }
0x12: {  	s1 =	sld [smem:$0x3F9B];
	s0 =	simm.s32 @p0 $0x1  }
0x13: {  	[smem:$0x3FB6] =	sst s0;
	s0 =	simm.s32 @!p1 $0x0  }
0x14: {  	s2 =	sld [smem:$0x3F9A];
	s0 =	simm.s32 @p1 $0x1  }
0x15: {  	[smem:$0x3FB7] =	sst s0;
	s0 =	simm.s32 @!p2 $0x0  }
0x16: {  	s3 =	sld [smem:$0x3FDB];
	s0 =	simm.s32 @p2 $0x1  }
0x17: {  	s4 =	simm.s32 $0x1BF5;
	[smem:$0x3FB9] =	sst s0  }
0x18: {  	s0 =	sld [smem:$0x3F9C];
	_ =	swait.ge [sflag:s4], $0x0  }
0x19: {  	s7 =	sld [smem:$0x3F9D]  }
0x1a: {  	s8 =	sadd.s32 $0xFFFFE003, lr  }
0x1b: {  	s9 =	sadd.s32 $0xFFFFFEF7, lr;
	s5 =	simm.s32 $0xFFFFFFFF;
	p2 =	slt.u32 s8, $0xFFFFF086  }
0x1c: {  	p1 =	slt.u32 s9, $0xF7A;
	s5 =	simm.s32 @!p2 $0x0  }
0x1d: {  	s5 =	simm.s32 @p1 $0x1;
	p0 =	seq.s32 s7, s2  }
0x1e: {  	s7 =	smul.u32 @!p0 $0xF7A, s2;
	p2 =	seq.s32 @!p0 s5, $0x0  }
0x1f: {  	s9 =	smul.u32 $0xF7A, s1;
	s8 =	simm.s32 @!p0 $0x1BF5;
	p2 =	por !p2, p0  }
0x20: {  	[sflag:s8] =	ssyncset.s32 @!p0 $0xFFFFF086;
	s6 =	sadd.s32 @!p0 s3, s7;
	s7 =	simm.s32 @!p0 $0x108  }
0x21: {  	s3 =	sadd.s32 s3, s9;
	s6 =	sadd.s32 @!p0 $0x88, s6;
	s7 =	simm.s32 @p2 $0x1082  }
0x22: {  	[simem:s7], [sflag:s8] =	dma.local @!p0 [hbm:s6], $0xF7A  }
0x23: {  	s9 =	sor.u32 $0xD0000000, s2;
	s6 =	simm.s32 $0x108;
	_ =	swait.ge @!p0 [sflag:s8], $0x0  }
0x24: {  	s3 =	sadd.s32 $0x88, s3;
	s6 =	simm.s32 @!p1 $0x1082;
	[sflag:s4] =	ssyncset.s32 $0xFFFFF086  }
0x25: {  	[simem:s6], [sflag:s4] =	dma.local [hbm:s3], $0xF7A  }
0x26: {  	[smem:$0x3F9D] =	sst s1;
	(tag) =	ssettag s2;
	_ =	strace s9  }
0x27: {  	s1 =	sld [smem:$0x3FAD]  }
0x28: {  	s2 =	sld [smem:$0x3FAE]  }
0x29: {  	s4 =	sld [smem:$0x3FB0]  }
0x2a: {  	p0 =	seq.s32 s5, $0x0;
	s5 =	sld [smem:$0x3FB1]  }
0x2b: {  	s6 =	sld [smem:$0x3FB2]  }
0x2c: {  	s7 =	sld [smem:$0x3FB3]  }
0x2d: {  	s3 =	simm.s32 $0x108;
	s8 =	sld [smem:$0x3FB4]  }
0x2e: {  	s3 =	simm.s32 @!p0 $0x1082;
	s9 =	sld [smem:$0x3FB5]  }
0x2f: {  	lr =	sadd.s32 s0, s3;
	s0 =	sld [smem:$0x3FAC]  }
0x30: {  	s3 =	sld [smem:$0x3FAF]  }
0x31: {  	[smem:$0x3FB8] =	sst s10  }
0x32: {  	s10 =	sld [smem:$0x3FB6];
	_ =	sdelay $0x3  }
0x33: {  	p0 =	seq.s32 s10, $0x1;
	s10 =	sld [smem:$0x3FB8];
	_ =	sdelay $0x3  }
0x34: {  	[smem:$0x3FB8] =	sst s10  }
0x35: {  	s10 =	sld [smem:$0x3FB7];
	_ =	sdelay $0x3  }
0x36: {  	p1 =	seq.s32 s10, $0x1;
	s10 =	sld [smem:$0x3FB8];
	_ =	sdelay $0x3  }
0x37: {  	[smem:$0x3FB8] =	sst s10  }
0x38: {  	s10 =	sld [smem:$0x3FB9]  }
0x39: {  	_ = 	snop;
	(pc) =	sbr.ind lr, $3  }
0x3a: {  	_ = 	snop  }
0x3b: {  	_ = 	snop  }
0x3c: {  	p2 =	seq.s32 s10, $0x1;
	s10 =	sld [smem:$0x3FB8]  }
0x3d: {  	_ =	shalt  }
0x3e: {  	_ =	shalt  }
0x3f: {  	_ =	shalt  }
0x40: {  	_ =	shalt  }
0x41: {  	_ =	shalt  }
0x42: {  	_ =	shalt  }
0x43: {  	_ =	shalt  }
0x44: {  	_ =	shalt  }
0x45: {  	_ =	shalt  }
0x46: {  	_ =	shalt  }
0x47: {  	_ =	shalt  }
0x48: {  	_ =	shalt  }
0x49: {  	_ =	shalt  }
0x4a: {  	_ =	shalt  }
0x4b: {  	_ =	shalt  }
0x4c: {  	_ =	shalt  }
0x4d: {  	_ =	shalt  }
0x4e: {  	_ =	shalt  }
0x4f: {  	_ =	shalt  }
0x50: {  	_ =	shalt  }
0x51: {  	_ =	shalt  }
0x52: {  	_ =	shalt  }
0x53: {  	_ =	shalt  }
0x54: {  	_ =	shalt  }
0x55: {  	_ =	shalt  }
0x56: {  	_ =	shalt  }
0x57: {  	_ =	shalt  }
0x58: {  	_ =	shalt  }
0x59: {  	_ =	shalt  }
0x5a: {  	_ =	shalt  }
0x5b: {  	_ =	shalt  }
0x5c: {  	_ =	shalt  }
0x5d: {  	_ =	shalt  }
0x5e: {  	_ =	shalt  }
0x5f: {  	_ =	shalt  }
0x60: {  	_ =	shalt  }
0x61: {  	_ =	shalt  }
0x62: {  	_ =	shalt  }
0x63: {  	_ =	shalt  }
0x64: {  	_ =	shalt  }
0x65: {  	_ =	shalt  }
0x66: {  	_ =	shalt  }
0x67: {  	_ =	shalt  }
0x68: {  	_ =	shalt  }
0x69: {  	_ =	shalt  }
0x6a: {  	_ =	shalt  }
0x6b: {  	_ =	shalt  }
0x6c: {  	_ =	shalt  }
0x6d: {  	_ =	shalt  }
0x6e: {  	_ =	shalt  }
0x6f: {  	_ =	shalt  }
0x70: {  	_ =	shalt  }
0x71: {  	_ =	shalt  }
0x72: {  	_ =	shalt  }
0x73: {  	_ =	shalt  }
0x74: {  	_ =	shalt  }
0x75: {  	_ =	shalt  }
0x76: {  	_ =	shalt  }
0x77: {  	_ =	shalt  }
0x78: {  	_ =	shalt  }
0x79: {  	_ =	shalt  }
0x7a: {  	_ =	shalt  }
0x7b: {  	_ =	shalt  }
0x7c: {  	_ =	shalt  }
0x7d: {  	_ =	shalt  }
0x7e: {  	_ =	shalt  }
0x7f: {  	_ =	shalt  }
0x80: {  	_ =	shalt  }
0x81: {  	_ =	shalt  }
0x82: {  	_ =	shalt  }
0x83: {  	_ =	shalt  }
0x84: {  	_ =	shalt  }
0x85: {  	_ =	shalt  }
0x86: {  	_ =	shalt  }
0x87: {  	_ =	shalt  }
.Lfunc_end0:
.L_simem_size_0:
called_computation.1_lowered:
.L_overlay_start_0:
0x88: {  	s2 =	sld [smem:$0x3FD9]  }
0x89: {  	s3 =	sld [smem:$0x3FFE];
	_ =	sdelay $0x1  }
0x8a: {  	s1 =	srdreg.scid  }
0x8b: {  	s0 =	sand.u32 $0x1, s1  }
0x8c: {  	s17 =	sshll.u32 s0, $0xA;
	s2 =	sadd.s32 s3, s2  }
0x8d: {  	s2 =	sadd.s32 s2, s17  }
0x8e: {  	[smem:$0x3FC4] =	sst s2  }
0x8f: {  	_ = 	snop  }
0x90: {  	s2 =	sld [smem:$0x3FD0];
	(tm) =	ssettm $0x1  }
0x91: {  	s18 =	sld [smem:$0x3FFB];
	_ =	sdelay $0x3  }
0x92: {  	_ =	strace s18  }
0x93: {  	s3 =	sld [smem:$0x3FFC];
	_ =	sdelay $0x3  }
0x94: {  	_ =	strace s3  }
0x95: {  	s3 =	sld [smem:$0x3FFD];
	_ =	sdelay $0x3  }
0x96: {  	_ =	strace s3  }
0x97: {  	_ =	strace $0x8FFFFFFF  }
0x98: {  	s19 =	sld [smem:$0x3FDB];
	_ =	sdelay $0x1  }
0x99: {  	s4 =	simm.s32 $_scs_section_size  }
0x9a: {  	s5 =	simm.s32 $_size__tile_overlayer_lowered;
	s6 =	simm.s32 $_tile_overlayer_lowered  }
0x9b: {  	s22 =	simm.s32 $0x1BFF;
	s21 =	sshll.u32 s6, $0x1;
	s3 =	sadd.s32 s4, s19  }
0x9c: {  	s7 =	simm.s32 $0x0;
	s20 =	sshll.u32 s5, $0x1;
	s5 =	sadd.s32 s21, s3  }
0x9d: {  	[timem:s7], [sflag:s22] =	dma.local [hbm:s5], s20  }
0x9e: {  	_ =	swait.ge [sflag:s22], s20  }
0x9f: {  	s4 =	ssub.s32 $0x0, s20;
	[sflag:s22] =	ssyncset.done $0x0  }
0xa0: {  	[sflag:s22] =	ssyncadd.s32 s4;
	_ =	sdelay $0x1  }
0xa1: {  	s23 =	simm.s32 $0x1B8B  }
0xa2: {  	_ =	swait.ge [sflag:s23], $0x1  }
0xa3: {  	[sflag:s23] =	ssyncset.done $0x0  }
0xa4: {  	s25 =	simm.s32 $0x1B8E;
	s24 =	sld [smem:$0x3FFE];
	[sflag:s23] =	ssyncadd.s32 $0xFFFFFFFF  }
0xa5: {  	s26 =	simm.s32 $execute0_lowered;
	[smem:$0x3FD2] =	sst s25  }
0xa6: {  	s5 =	sshll.u32 s26, $0x1;
	_ =	strace $0x80000049;
	[dreg:$0x1] =	wrdreg $0xFFFFFFFF  }
0xa7: {  	s28 =	simm.s32 $_size_execute0_lowered;
	s3 =	sadd.s32 s3, s5;
	[dreg:$0x0] =	wrdreg $0x0  }
0xa8: {  	s5 =	sshll.u32 s28, $0x1;
	[dreg:$0x2] =	wrdreg s3  }
0xa9: {  	[dreg:$0x3] =	wrdreg s5  }
0xaa: {  	[dreg:$0x4] =	wrdreg $0xC0  }
0xab: {  	_ =	task [dreg:s7], $0x5FFFF  }
0xac: {  	[dreg:$0x1] =	wrdreg $0xFFFFFFFF  }
0xad: {  	[dreg:$0x0] =	wrdreg $0x60  }
0xae: {  	[dreg:$0x2] =	wrdreg s24  }
0xaf: {  	[dreg:$0x3] =	wrdreg s2  }
0xb0: {  	[dreg:$0x4] =	wrdreg $0x9  }
0xb1: {  	_ =	task.clear_ibuf [dreg:s7], $0x5FFFF;
	_ =	strace $0x90000049  }
0xb2: {  	s29 =	simm.s32 $0x9;
	_ =	strace $0x8000004B  }
0xb3: {  	_ =	swait.ge [sflag:s29], $0x1  }
0xb4: {  	[sflag:s29] =	ssyncadd.s32 $0xFFFFFFFF  }
0xb5: {  	_ =	strace $0x9000004B  }
0xb6: {  	_ =	sfence  }
0xb7: {  	s30 =	sld [smem:$0x0];
	_ =	sdelay $0x2  }
0xb8: {  	s31 =	sshll.u32 s1, $0xD;
	s1 =	sshrl.u32 s1, $0x2  }
0xb9: {  	s3 =	sand.u32 $0x4000, s31;
	s1 =	sadd.s32 s1, s30  }
0xba: {  	s0 =	sor.u32 s3, s0;
	s1 =	sshll.u32 s1, $0x11  }
0xbb: {  	s0 =	sor.u32 s1, s0  }
0xbc: {  	s0 =	sadd.s32 $0x8F2B, s0  }
0xbd: {  	[sflag:s0] =	ssyncadd.remote.s32 $0x1  }
0xbe: {  	_ =	sfence.sel $0xFFFF  }
0xbf: {  	[dreg:$0x0] =	wrdreg $0xFFFFFFFF;
	(pc) =	sbr.abs _section_cstart, $3  }
0xc0: {  	[dreg:$0x1] =	wrdreg $0xFFFFFFFF  }
0xc1: {  	_ =	task.clear_ibuf [dreg:s7], $0x2FFFF;
	_ =	strace $0x9FFFFFFF  }
0xc2: {  	(tm) =	ssettm $0x7FFFFFFF  }
0xc3: {  	_ =	shalt  }
tec
execute0_lowered:
.L_overlay_start_1:
0x0: {  	(tag) =	ssettag $0x1  }
0x1: {  	s0 =	rddreg [dreg:$0x0]  }
0x2: {  	s1 =	rddreg [dreg:$0x1]  }
0x3: {  	s2 =	simm.s32 $0x0;
	s6 =	srdreg.scid;
	s31 =	stileid.u32  }
0x4: {  	s16 =	simm.s32 $0x11;
	s21 =	simm.s32 $0x80;
	s22 =	simm.s32 $0x100  }
0x5: {  	s23 =	simm.s32 $0x9980;
	[smem:$0x7FF] =	sst s2;
	s3 =	sadd.s32 $0x211C00, s0  }
0x6: {  	s24 =	simm.s32 $0x0;
	s4 =	sadd.s32 $0x201C00, s0;
	s5 =	sadd.s32 $0x101C00, s0  }
0x7: {  	s7 =	sadd.s32 $0x2400, s0;
	s8 =	sadd.s32 $0x2200, s0;
	s6 =	sand.u32 $0x1, s6  }
0x8: {  	s9 =	sadd.s32 $0x2000, s0;
	s10 =	sadd.s32 $0x1E00, s0;
	s11 =	sshll.u32 s6, $0x4  }
0x9: {  	_ =	strace $0x8000004A;
	s6 =	ssub.s32 $0x2, s6;
	s12 =	sor.u32 s31, s11  }
0xa: {  	[dreg:$0x3] =	wrdreg s7;
	s14 =	sshrl.u32 s6, $0x1;
	s13 =	sshll.u32 s12, $0x10  }
0xb: {  	s11 =	sadd.s32 $0x1C00, s0;
	s6 =	ssub.s32 s6, s14;
	s0 =	sadd.s32 s13, s0  }
0xc: {  	s12 =	sshll.u32 s12, $0xB;
	s14 =	smax.u32 s6, $0x1;
	s13 =	sadd.s32 $0x221C00, s0  }
.LBB2_1:
0xd: {  	s0 =	rddreg [dreg:$0x3];
	s6 =	simm.s32 $0xA980  }
0xe: {  	[tilespmem:s6], [sflag:$0x11] =	stream.linear.gather [hbm4b:s0+s2], $0x800, $0x38;
	[tilespmem:$0xD180] =	vst v63  }
0xf: {  	_ =	swait.ge [sflag:s16], $0x800  }
0x10: {  	[sflag:s16] =	ssyncset.done $0x0  }
0x11: {  	s28 =	simm.s32 $0xB180;
	[sflag:s16] =	ssyncadd.s32 $0xFFFFF800  }
0x12: {  	[tilespmem:s28], [sflag:$0x11] =	stream.linear.gather [hbm4b:s8+s2], $0x800, $0x38;
	[tilespmem:$0xD180] =	vst v63  }
0x13: {  	_ =	swait.ge [sflag:s16], $0x800  }
0x14: {  	[sflag:s16] =	ssyncset.done $0x0  }
0x15: {  	s29 =	simm.s32 $0xB980;
	[sflag:s16] =	ssyncadd.s32 $0xFFFFF800  }
0x16: {  	[tilespmem:s29], [sflag:$0x11] =	stream.linear.gather [hbm4b:s9+s2], $0x800, $0x38;
	[tilespmem:$0xD180] =	vst v63  }
0x17: {  	_ =	swait.ge [sflag:s16], $0x800  }
0x18: {  	[sflag:s16] =	ssyncset.done $0x0  }
0x19: {  	s30 =	simm.s32 $0xC180;
	[sflag:s16] =	ssyncadd.s32 $0xFFFFF800  }
0x1a: {  	[tilespmem:s30], [sflag:$0x11] =	stream.linear.gather [hbm4b:s10+s2], $0x800, $0x38;
	[tilespmem:$0xD180] =	vst v63  }
0x1b: {  	_ =	swait.ge [sflag:s16], $0x800  }
0x1c: {  	[sflag:s16] =	ssyncset.done $0x0  }
0x1d: {  	s31 =	simm.s32 $0xC980;
	[sflag:s16] =	ssyncadd.s32 $0xFFFFF800  }
0x1e: {  	[tilespmem:s31], [sflag:$0x11] =	stream.linear.gather [hbm4b:s11+s2], $0x800, $0x38;
	[tilespmem:$0xD180] =	vst v63  }
0x1f: {  	_ =	swait.ge [sflag:s16], $0x800  }
0x20: {  	[sflag:s16] =	ssyncset.done $0x0  }
0x21: {  	s25 =	simm.s32 $0x0;
	[sflag:s16] =	ssyncadd.s32 $0xFFFFF800  }
.LBB2_2:
0x22: {  	s0 =	sshll.u32 s25, $0x4  }
0x23: {  	s0 =	sadd.s32 s12, s0  }
0x24: {  	s26 =	simm.s32 $0x0;
	s6 =	sadd.s32 s3, s0  }
0x25: {  	[tilespmem:s26], [sflag:$0x11] =	stream.linear.gather [hbm4b:s6+s26], $0x80, $0x38;
	[tilespmem:$0xD180] =	vst v63  }
0x26: {  	_ =	swait.ge [sflag:s16], $0x80  }
0x27: {  	[sflag:s16] =	ssyncset.done $0x0  }
0x28: {  	s20 =	sadd.s32 s4, s0;
	[sflag:s16] =	ssyncadd.s32 $0xFFFFFF80  }
0x29: {  	[tilespmem:s21], [sflag:$0x11] =	stream.linear.gather [hbm4b:s20+s26], $0x80, $0x38;
	[tilespmem:$0xD180] =	vst v63  }
0x2a: {  	_ =	swait.ge [sflag:s16], $0x80  }
0x2b: {  	s29 =	simm.s32 $0x1;
	s28 =	simm.s32 $0x240;
	[sflag:s16] =	ssyncset.done $0x0  }
0x2c: {  	s30 =	simm.s32 $0xC980;
	s0 =	sadd.s32 s1, s0;
	[sflag:s16] =	ssyncadd.s32 $0xFFFFFF80  }
0x2d: {  	[tilespmem:s22], [sflag:$0x11] =	stream.linear.gather [hbm4b:s0+s26], $0x80, $0x38;
	[tilespmem:$0xD180] =	vst v63  }
0x2e: {  	s31 =	simm.s32 $0xC180;
	s15 =	simm.s32 $0xA980;
	_ =	swait.ge [sflag:s16], $0x80  }
0x2f: {  	s17 =	simm.s32 $0x240;
	s18 =	simm.s32 $0x0;
	[sflag:s16] =	ssyncset.done $0x0  }
0x30: {  	s6 =	simm.s32 $0xB180;
	s0 =	simm.s32 $0xB980;
	[sflag:s16] =	ssyncadd.s32 $0xFFFFFF80  }
.LBB2_3:
0x31: {  	v0 =	vld [tilespmem:$0x0]  }
0x32: {  	v1 =	vld [tilespmem:$0x80]  }
0x33: {  	v2 =	vld [tilespmem:$0x100];
	_ =	sdelay $0x2  }
0x34: {  	v3 =	vld [tilespmem:s15+$0x0]  }
0x35: {  	v0 =	vadd.f32 $1.000000000e+00, v0;
	v1 =	vadd.f32 $1.000000000e+00, v1  }
0x36: {  	v2 =	vadd.f32 $1.000000000e+00, v2  }
0x37: {  	v0 =	vmul.f32 $5.000000000e-01, v0;
	v1 =	vmul.f32 $5.000000000e-01, v1  }
0x38: {  	v2 =	vmul.f32 $5.000000000e-01, v2  }
0x39: {  	v12 =	vld [tilespmem:s31+$0x0];
	v0 =	vmul.f32 v0, v3;
	v4 =	vmul.f32 v1, v3  }
0x3a: {  	v5 =	vmul.f32 v2, v3;
	v1 =	vld [tilespmem:s6+$0x0]  }
0x3b: {  	v2 =	vld [tilespmem:s0+$0x0];
	v24 =	vtrunc.f32 v0;
	v7 =	vtrunc.f32 v4  }
0x3c: {  	v8 =	vtrunc.f32 v5;
	v6 =	vcvt.f32.s32 v24  }
0x3d: {  	v7 =	vcvt.f32.s32 v7;
	v8 =	vcvt.f32.s32 v8  }
0x3e: {  	vm0 =	veq.s32 v12, $0x0;
	v9 =	vcvt.s32.f32 v6  }
0x3f: {  	v10 =	vcvt.s32.f32 v7;
	v11 =	vcvt.s32.f32 v8;
	v13 =	vmul.u32 v7, v1  }
0x40: {  	v25 =	vmul.u32 v8, v2;
	v26 =	vadd.s32 $0x1, v6;
	v8 =	vadd.s32 $0x1, v8  }
0x41: {  	v7 =	vadd.s32 $0x1, v7;
	v8 =	vmul.u32 v2, v8;
	v9 =	vsub.f32 v0, v9  }
0x42: {  	v7 =	vmul.u32 v1, v7;
	v4 =	vsub.f32 v4, v10;
	v5 =	vsub.f32 v5, v11  }
0x43: {  	v14 =	vxor.u32 v6, v13;
	v16 =	vadd.s32 v6, v13;
	v34 =	vxor.u32 v26, v13  }
0x44: {  	v13 =	vadd.s32 v26, v13;
	v15 =	vxor.u32 v25, v14;
	v17 =	vadd.s32 v25, v16  }
0x45: {  	v27 =	vxor.u32 v14, v8;
	v29 =	vadd.s32 v16, v8;
	v30 =	vxor.u32 v6, v7  }
0x46: {  	v6 =	vadd.s32 v6, v7;
	v36 =	vxor.u32 v25, v34;
	v38 =	vadd.s32 v25, v13  }
0x47: {  	v0 =	vld [tilespmem:s30+$0x0];
	v13 =	vadd.s32 v13, v8;
	v40 =	vxor.u32 v26, v7;
	v7 =	vadd.s32 v26, v7  }
0x48: {  	v15 =	vand.u32 $0x7FFFF, v15;
	v12 =	vand.u32 $0x7FFFF, v27;
	v31 =	vxor.u32 v25, v30  }
0x49: {  	v32 =	vadd.s32 v25, v6;
	v6 =	vadd.s32 v8, v6;
	v37 =	vand.u32 $0x7FFFF, v36  }
0x4a: {  	[tilespmem:s17+$0xFFFFFF40] =	vst v9;
	v41 =	vxor.u32 v25, v40;
	v43 =	vadd.s32 v25, v7;
	v44 =	vxor.u32 v8, v40  }
0x4b: {  	[tilespmem:s17+$0xFFFFFFC0] =	vst v4;
	v7 =	vadd.s32 v8, v7;
	v28 =	vsel vm0, v15, v17;
	v12 =	vsel vm0, v12, v29  }
0x4c: {  	s19 =	sshra.s32 s18, $0x2;
	[tilespmem:s17+$0x40] =	vst v5;
	v16 =	vand.u32 $0x7FFFF, v31;
	v15 =	vxor.u32 v8, v30;
	v14 =	vadd.s32 v0, v28  }
0x4d: {  	v5 =	vsel vm0, v37, v38;
	v16 =	vsel vm0, v16, v32;
	v12 =	vadd.s32 v0, v12;
	[tilespmem:s19+$0x1980] =	vst v14  }
0x4e: {  	v42 =	vand.u32 $0x7FFFF, v41;
	v45 =	vand.u32 $0x7FFFF, v44;
	v33 =	vadd.s32 v0, v16;
	[tilespmem:s19+$0x1A00] =	vst v12  }
0x4f: {  	v15 =	vand.u32 $0x7FFFF, v15;
	v4 =	vsel vm0, v42, v43;
	v5 =	vadd.s32 v0, v5;
	[tilespmem:s19+$0x1A80] =	vst v33  }
0x50: {  	v6 =	vsel vm0, v15, v6;
	v15 =	vxor.u32 v34, v8;
	v4 =	vadd.s32 v0, v4;
	[tilespmem:s19+$0x1B80] =	vst v5  }
0x51: {  	v35 =	vadd.s32 v0, v6;
	v39 =	vand.u32 $0x7FFFF, v15;
	v5 =	vsel vm0, v45, v7;
	[tilespmem:s19+$0x1C80] =	vst v4  }
0x52: {  	v6 =	vsel vm0, v39, v13;
	[tilespmem:s19+$0x1B00] =	vst v35;
	v46 =	vadd.s32 v0, v5  }
0x53: {  	v6 =	vadd.s32 v0, v6;
	[tilespmem:s19+$0x1D00] =	vst v46  }
0x54: {  	[tilespmem:s19+$0x1C00] =	vst v6  }
0x55: {  	v4 =	vld [tilespmem:$0x10]  }
0x56: {  	v47 =	vld [tilespmem:$0x90]  }
0x57: {  	v6 =	vld [tilespmem:$0x110];
	_ =	sdelay $0x3  }
0x58: {  	v4 =	vadd.f32 $1.000000000e+00, v4  }
0x59: {  	v5 =	vadd.f32 $1.000000000e+00, v47;
	v6 =	vadd.f32 $1.000000000e+00, v6  }
0x5a: {  	v4 =	vmul.f32 $5.000000000e-01, v4  }
0x5b: {  	v5 =	vmul.f32 $5.000000000e-01, v5;
	v6 =	vmul.f32 $5.000000000e-01, v6  }
0x5c: {  	v4 =	vmul.f32 v4, v3  }
0x5d: {  	v5 =	vmul.f32 v5, v3;
	v6 =	vmul.f32 v6, v3  }
0x5e: {  	v48 =	vtrunc.f32 v4  }
0x5f: {  	v49 =	vtrunc.f32 v5;
	v50 =	vtrunc.f32 v6  }
0x60: {  	v7 =	vcvt.f32.s32 v48;
	v8 =	vcvt.f32.s32 v49  }
0x61: {  	v9 =	vcvt.f32.s32 v50  }
0x62: {  	v51 =	vcvt.s32.f32 v7;
	v52 =	vcvt.s32.f32 v8  }
0x63: {  	v53 =	vcvt.s32.f32 v9;
	v54 =	vmul.u32 v8, v1;
	v55 =	vadd.s32 $0x1, v7  }
0x64: {  	v56 =	vmul.u32 v9, v2;
	v9 =	vadd.s32 $0x1, v9;
	v8 =	vadd.s32 $0x1, v8  }
0x65: {  	v9 =	vmul.u32 v2, v9;
	v8 =	vmul.u32 v1, v8;
	v4 =	vsub.f32 v4, v51  }
0x66: {  	v5 =	vsub.f32 v5, v52;
	v6 =	vsub.f32 v6, v53;
	v57 =	vxor.u32 v7, v54  }
0x67: {  	v59 =	vadd.s32 v7, v54;
	v20 =	vxor.u32 v55, v54;
	v10 =	vadd.s32 v55, v54  }
0x68: {  	v58 =	vxor.u32 v56, v57;
	v60 =	vadd.s32 v56, v59;
	v13 =	vxor.u32 v57, v9  }
0x69: {  	v15 =	vadd.s32 v59, v9;
	v61 =	vxor.u32 v7, v8;
	v7 =	vadd.s32 v7, v8  }
0x6a: {  	v22 =	vxor.u32 v56, v20;
	v24 =	vadd.s32 v56, v10;
	v10 =	vadd.s32 v10, v9  }
0x6b: {  	v26 =	vxor.u32 v55, v8;
	v8 =	vadd.s32 v55, v8;
	v14 =	vand.u32 $0x7FFFF, v58  }
0x6c: {  	v13 =	vand.u32 $0x7FFFF, v13;
	v62 =	vxor.u32 v56, v61;
	v63 =	vadd.s32 v56, v7  }
0x6d: {  	v7 =	vadd.s32 v9, v7;
	v23 =	vand.u32 $0x7FFFF, v22;
	v28 =	vxor.u32 v56, v26  }
0x6e: {  	[tilespmem:s17+$0xFFFFFF50] =	vst v4;
	v30 =	vadd.s32 v56, v8;
	v14 =	vsel vm0, v14, v60;
	v13 =	vsel vm0, v13, v15  }
0x6f: {  	[tilespmem:s17+$0x50] =	vst v6;
	v16 =	vand.u32 $0x7FFFF, v62;
	v15 =	vxor.u32 v9, v61;
	v6 =	vsel vm0, v23, v24  }
0x70: {  	[tilespmem:s17+$0xFFFFFFD0] =	vst v5;
	v29 =	vand.u32 $0x7FFFF, v28;
	v14 =	vadd.s32 v0, v14;
	v13 =	vadd.s32 v0, v13  }
0x71: {  	v16 =	vsel vm0, v16, v63;
	v15 =	vand.u32 $0x7FFFF, v15;
	v6 =	vadd.s32 v0, v6;
	[tilespmem:s19+$0x1990] =	vst v14  }
0x72: {  	v5 =	vsel vm0, v29, v30;
	v7 =	vsel vm0, v15, v7;
	v15 =	vxor.u32 v20, v9;
	[tilespmem:s19+$0x1A10] =	vst v13  }
0x73: {  	v19 =	vadd.s32 v0, v16;
	[tilespmem:s19+$0x1B90] =	vst v6;
	v33 =	vadd.s32 v0, v5;
	v25 =	vand.u32 $0x7FFFF, v15  }
0x74: {  	v21 =	vadd.s32 v0, v7;
	[tilespmem:s19+$0x1A90] =	vst v19;
	v7 =	vsel vm0, v25, v10;
	v10 =	vxor.u32 v9, v26  }
0x75: {  	v32 =	vadd.s32 v9, v8;
	[tilespmem:s19+$0x1C90] =	vst v33;
	v31 =	vand.u32 $0x7FFFF, v10  }
0x76: {  	[tilespmem:s19+$0x1B10] =	vst v21;
	v27 =	vadd.s32 v0, v7;
	v34 =	vsel vm0, v31, v32  }
0x77: {  	[tilespmem:s19+$0x1C10] =	vst v27;
	v35 =	vadd.s32 v0, v34  }
0x78: {  	[tilespmem:s19+$0x1D10] =	vst v35  }
0x79: {  	v4 =	vld [tilespmem:$0x20]  }
0x7a: {  	v36 =	vld [tilespmem:$0xA0]  }
0x7b: {  	v37 =	vld [tilespmem:$0x120];
	_ =	sdelay $0x3  }
0x7c: {  	v4 =	vadd.f32 $1.000000000e+00, v4;
	v5 =	vadd.f32 $1.000000000e+00, v36  }
0x7d: {  	v6 =	vadd.f32 $1.000000000e+00, v37  }
0x7e: {  	v4 =	vmul.f32 $5.000000000e-01, v4;
	v5 =	vmul.f32 $5.000000000e-01, v5  }
0x7f: {  	v6 =	vmul.f32 $5.000000000e-01, v6  }
0x80: {  	v4 =	vmul.f32 v4, v3;
	v5 =	vmul.f32 v5, v3  }
0x81: {  	v6 =	vmul.f32 v6, v3  }
0x82: {  	v38 =	vtrunc.f32 v4;
	v39 =	vtrunc.f32 v5  }
0x83: {  	v40 =	vtrunc.f32 v6;
	v7 =	vcvt.f32.s32 v38  }
0x84: {  	v8 =	vcvt.f32.s32 v39;
	v9 =	vcvt.f32.s32 v40  }
0x85: {  	v41 =	vcvt.s32.f32 v7  }
0x86: {  	v42 =	vcvt.s32.f32 v8;
	v43 =	vcvt.s32.f32 v9;
	v44 =	vmul.u32 v8, v1  }
0x87: {  	v45 =	vadd.s32 $0x1, v7;
	v46 =	vmul.u32 v9, v2;
	v9 =	vadd.s32 $0x1, v9  }
0x88: {  	v8 =	vadd.s32 $0x1, v8;
	v9 =	vmul.u32 v2, v9;
	v4 =	vsub.f32 v4, v41  }
0x89: {  	v8 =	vmul.u32 v1, v8;
	v5 =	vsub.f32 v5, v42;
	v6 =	vsub.f32 v6, v43  }
0x8a: {  	v47 =	vxor.u32 v7, v44;
	v49 =	vadd.s32 v7, v44;
	v55 =	vxor.u32 v45, v44  }
0x8b: {  	v10 =	vadd.s32 v45, v44;
	v48 =	vxor.u32 v46, v47;
	v50 =	vadd.s32 v46, v49  }
0x8c: {  	v13 =	vxor.u32 v47, v9;
	v15 =	vadd.s32 v49, v9;
	v51 =	vxor.u32 v7, v8  }
0x8d: {  	v7 =	vadd.s32 v7, v8;
	v57 =	vxor.u32 v46, v55;
	v59 =	vadd.s32 v46, v10  }
0x8e: {  	v10 =	vadd.s32 v10, v9;
	v61 =	vxor.u32 v45, v8;
	v8 =	vadd.s32 v45, v8  }
0x8f: {  	v14 =	vand.u32 $0x7FFFF, v48;
	v13 =	vand.u32 $0x7FFFF, v13;
	v52 =	vxor.u32 v46, v51  }
0x90: {  	v53 =	vadd.s32 v46, v7;
	v7 =	vadd.s32 v9, v7;
	v58 =	vand.u32 $0x7FFFF, v57  }
0x91: {  	[tilespmem:s17+$0xFFFFFF60] =	vst v4;
	v63 =	vxor.u32 v46, v61;
	v14 =	vsel vm0, v14, v50;
	v13 =	vsel vm0, v13, v15  }
0x92: {  	[tilespmem:s17+$0x60] =	vst v6;
	v16 =	vand.u32 $0x7FFFF, v52;
	v15 =	vxor.u32 v9, v51;
	v6 =	vsel vm0, v58, v59  }
0x93: {  	[tilespmem:s17+$0xFFFFFFE0] =	vst v5;
	v14 =	vadd.s32 v0, v14;
	v13 =	vadd.s32 v0, v13;
	v16 =	vsel vm0, v16, v53  }
0x94: {  	v15 =	vand.u32 $0x7FFFF, v15;
	v6 =	vadd.s32 v0, v6;
	v54 =	vadd.s32 v0, v16;
	[tilespmem:s19+$0x19A0] =	vst v14  }
0x95: {  	v7 =	vsel vm0, v15, v7;
	v15 =	vxor.u32 v55, v9;
	[tilespmem:s19+$0x1A20] =	vst v13;
	v13 =	vand.u32 $0x7FFFF, v63  }
0x96: {  	v14 =	vadd.s32 v46, v8;
	[tilespmem:s19+$0x1BA0] =	vst v6;
	v56 =	vadd.s32 v0, v7;
	v60 =	vand.u32 $0x7FFFF, v15  }
0x97: {  	[tilespmem:s19+$0x1AA0] =	vst v54;
	v5 =	vsel vm0, v13, v14;
	v7 =	vsel vm0, v60, v10;
	v10 =	vxor.u32 v9, v61  }
0x98: {  	v16 =	vadd.s32 v9, v8;
	[tilespmem:s19+$0x1B20] =	vst v56;
	v17 =	vadd.s32 v0, v5;
	v15 =	vand.u32 $0x7FFFF, v10  }
0x99: {  	v62 =	vadd.s32 v0, v7;
	[tilespmem:s19+$0x1CA0] =	vst v17;
	v18 =	vsel vm0, v15, v16  }
0x9a: {  	[tilespmem:s19+$0x1C20] =	vst v62;
	v19 =	vadd.s32 v0, v18  }
0x9b: {  	[tilespmem:s19+$0x1D20] =	vst v19  }
0x9c: {  	v4 =	vld [tilespmem:$0x30]  }
0x9d: {  	v20 =	vld [tilespmem:$0xB0]  }
0x9e: {  	v21 =	vld [tilespmem:$0x130];
	_ =	sdelay $0x3  }
0x9f: {  	v4 =	vadd.f32 $1.000000000e+00, v4  }
0xa0: {  	v5 =	vadd.f32 $1.000000000e+00, v20;
	v6 =	vadd.f32 $1.000000000e+00, v21  }
0xa1: {  	v4 =	vmul.f32 $5.000000000e-01, v4  }
0xa2: {  	v5 =	vmul.f32 $5.000000000e-01, v5;
	v6 =	vmul.f32 $5.000000000e-01, v6  }
0xa3: {  	v4 =	vmul.f32 v4, v3  }
0xa4: {  	v5 =	vmul.f32 v5, v3;
	v6 =	vmul.f32 v6, v3  }
0xa5: {  	v22 =	vtrunc.f32 v4  }
0xa6: {  	v23 =	vtrunc.f32 v5;
	v24 =	vtrunc.f32 v6  }
0xa7: {  	v7 =	vcvt.f32.s32 v22;
	v8 =	vcvt.f32.s32 v23  }
0xa8: {  	v9 =	vcvt.f32.s32 v24  }
0xa9: {  	v25 =	vcvt.s32.f32 v7;
	v26 =	vcvt.s32.f32 v8  }
0xaa: {  	v27 =	vcvt.s32.f32 v9;
	v28 =	vmul.u32 v8, v1;
	v29 =	vadd.s32 $0x1, v7  }
0xab: {  	v30 =	vmul.u32 v9, v2;
	v9 =	vadd.s32 $0x1, v9;
	v8 =	vadd.s32 $0x1, v8  }
0xac: {  	v9 =	vmul.u32 v2, v9;
	v8 =	vmul.u32 v1, v8;
	v4 =	vsub.f32 v4, v25  }
0xad: {  	v5 =	vsub.f32 v5, v26;
	v6 =	vsub.f32 v6, v27;
	v31 =	vxor.u32 v7, v28  }
0xae: {  	v33 =	vadd.s32 v7, v28;
	v39 =	vxor.u32 v29, v28;
	v10 =	vadd.s32 v29, v28  }
0xaf: {  	v32 =	vxor.u32 v30, v31;
	v34 =	vadd.s32 v30, v33;
	v13 =	vxor.u32 v31, v9  }
0xb0: {  	v15 =	vadd.s32 v33, v9;
	v35 =	vxor.u32 v7, v8;
	v7 =	vadd.s32 v7, v8  }
0xb1: {  	v41 =	vxor.u32 v30, v39;
	v43 =	vadd.s32 v30, v10;
	v10 =	vadd.s32 v10, v9  }
0xb2: {  	v45 =	vxor.u32 v29, v8;
	v8 =	vadd.s32 v29, v8;
	v14 =	vand.u32 $0x7FFFF, v32  }
0xb3: {  	v13 =	vand.u32 $0x7FFFF, v13;
	v36 =	vxor.u32 v30, v35;
	v37 =	vadd.s32 v30, v7  }
0xb4: {  	v7 =	vadd.s32 v9, v7;
	v42 =	vand.u32 $0x7FFFF, v41;
	v47 =	vxor.u32 v30, v45  }
0xb5: {  	[tilespmem:s17+$0xFFFFFF70] =	vst v4;
	v49 =	vadd.s32 v30, v8;
	v14 =	vsel vm0, v14, v34;
	v13 =	vsel vm0, v13, v15  }
0xb6: {  	[tilespmem:s17+$0x70] =	vst v6;
	v16 =	vand.u32 $0x7FFFF, v36;
	v15 =	vxor.u32 v9, v35;
	v6 =	vsel vm0, v42, v43  }
0xb7: {  	[tilespmem:s17+$0xFFFFFFF0] =	vst v5;
	v48 =	vand.u32 $0x7FFFF, v47;
	v14 =	vadd.s32 v0, v14;
	v13 =	vadd.s32 v0, v13  }
0xb8: {  	v16 =	vsel vm0, v16, v37;
	v15 =	vand.u32 $0x7FFFF, v15;
	v6 =	vadd.s32 v0, v6;
	[tilespmem:s19+$0x19B0] =	vst v14  }
0xb9: {  	v5 =	vsel vm0, v48, v49;
	v7 =	vsel vm0, v15, v7;
	v15 =	vxor.u32 v39, v9;
	[tilespmem:s19+$0x1A30] =	vst v13  }
0xba: {  	v38 =	vadd.s32 v0, v16;
	[tilespmem:s19+$0x1BB0] =	vst v6;
	v52 =	vadd.s32 v0, v5;
	v44 =	vand.u32 $0x7FFFF, v15  }
0xbb: {  	v40 =	vadd.s32 v0, v7;
	[tilespmem:s19+$0x1AB0] =	vst v38;
	v7 =	vsel vm0, v44, v10;
	v10 =	vxor.u32 v9, v45  }
0xbc: {  	v51 =	vadd.s32 v9, v8;
	[tilespmem:s19+$0x1CB0] =	vst v52;
	v50 =	vand.u32 $0x7FFFF, v10  }
0xbd: {  	[tilespmem:s19+$0x1B30] =	vst v40;
	v46 =	vadd.s32 v0, v7;
	v53 =	vsel vm0, v50, v51  }
0xbe: {  	[tilespmem:s19+$0x1C30] =	vst v46;
	v54 =	vadd.s32 v0, v53  }
0xbf: {  	[tilespmem:s19+$0x1D30] =	vst v54  }
0xc0: {  	v4 =	vld [tilespmem:$0x40]  }
0xc1: {  	v55 =	vld [tilespmem:$0xC0]  }
0xc2: {  	v56 =	vld [tilespmem:$0x140];
	_ =	sdelay $0x3  }
0xc3: {  	v4 =	vadd.f32 $1.000000000e+00, v4  }
0xc4: {  	v5 =	vadd.f32 $1.000000000e+00, v55;
	v6 =	vadd.f32 $1.000000000e+00, v56  }
0xc5: {  	v4 =	vmul.f32 $5.000000000e-01, v4  }
0xc6: {  	v5 =	vmul.f32 $5.000000000e-01, v5;
	v6 =	vmul.f32 $5.000000000e-01, v6  }
0xc7: {  	v4 =	vmul.f32 v4, v3  }
0xc8: {  	v5 =	vmul.f32 v5, v3;
	v6 =	vmul.f32 v6, v3  }
0xc9: {  	v57 =	vtrunc.f32 v4  }
0xca: {  	v58 =	vtrunc.f32 v5;
	v59 =	vtrunc.f32 v6  }
0xcb: {  	v7 =	vcvt.f32.s32 v57;
	v8 =	vcvt.f32.s32 v58  }
0xcc: {  	v9 =	vcvt.f32.s32 v59  }
0xcd: {  	v60 =	vcvt.s32.f32 v7;
	v61 =	vcvt.s32.f32 v8  }
0xce: {  	v62 =	vcvt.s32.f32 v9;
	v63 =	vmul.u32 v8, v1;
	v20 =	vadd.s32 $0x1, v7  }
0xcf: {  	v21 =	vmul.u32 v9, v2;
	v9 =	vadd.s32 $0x1, v9;
	v8 =	vadd.s32 $0x1, v8  }
0xd0: {  	v9 =	vmul.u32 v2, v9;
	v8 =	vmul.u32 v1, v8;
	v4 =	vsub.f32 v4, v60  }
0xd1: {  	v5 =	vsub.f32 v5, v61;
	v6 =	vsub.f32 v6, v62;
	v22 =	vxor.u32 v7, v63  }
0xd2: {  	v24 =	vadd.s32 v7, v63;
	v30 =	vxor.u32 v20, v63;
	v10 =	vadd.s32 v20, v63  }
0xd3: {  	v23 =	vxor.u32 v21, v22;
	v25 =	vadd.s32 v21, v24;
	v13 =	vxor.u32 v22, v9  }
0xd4: {  	v15 =	vadd.s32 v24, v9;
	v26 =	vxor.u32 v7, v8;
	v7 =	vadd.s32 v7, v8  }
0xd5: {  	v32 =	vxor.u32 v21, v30;
	v34 =	vadd.s32 v21, v10;
	v10 =	vadd.s32 v10, v9  }
0xd6: {  	v36 =	vxor.u32 v20, v8;
	v8 =	vadd.s32 v20, v8;
	v14 =	vand.u32 $0x7FFFF, v23  }
0xd7: {  	v13 =	vand.u32 $0x7FFFF, v13;
	v27 =	vxor.u32 v21, v26;
	v28 =	vadd.s32 v21, v7  }
0xd8: {  	v7 =	vadd.s32 v9, v7;
	v33 =	vand.u32 $0x7FFFF, v32;
	v38 =	vxor.u32 v21, v36  }
0xd9: {  	[tilespmem:s17+$0xFFFFFF80] =	vst v4;
	v40 =	vadd.s32 v21, v8;
	v14 =	vsel vm0, v14, v25;
	v13 =	vsel vm0, v13, v15  }
0xda: {  	[tilespmem:s17+$0x80] =	vst v6;
	v16 =	vand.u32 $0x7FFFF, v27;
	v15 =	vxor.u32 v9, v26;
	v6 =	vsel vm0, v33, v34  }
0xdb: {  	[tilespmem:s17+$0x0] =	vst v5;
	v39 =	vand.u32 $0x7FFFF, v38;
	v14 =	vadd.s32 v0, v14;
	v13 =	vadd.s32 v0, v13  }
0xdc: {  	v16 =	vsel vm0, v16, v28;
	v15 =	vand.u32 $0x7FFFF, v15;
	v6 =	vadd.s32 v0, v6;
	[tilespmem:s19+$0x19C0] =	vst v14  }
0xdd: {  	v5 =	vsel vm0, v39, v40;
	v7 =	vsel vm0, v15, v7;
	v15 =	vxor.u32 v30, v9;
	[tilespmem:s19+$0x1A40] =	vst v13  }
0xde: {  	v29 =	vadd.s32 v0, v16;
	[tilespmem:s19+$0x1BC0] =	vst v6;
	v43 =	vadd.s32 v0, v5;
	v35 =	vand.u32 $0x7FFFF, v15  }
0xdf: {  	v31 =	vadd.s32 v0, v7;
	[tilespmem:s19+$0x1AC0] =	vst v29;
	v7 =	vsel vm0, v35, v10;
	v10 =	vxor.u32 v9, v36  }
0xe0: {  	v42 =	vadd.s32 v9, v8;
	[tilespmem:s19+$0x1CC0] =	vst v43;
	v41 =	vand.u32 $0x7FFFF, v10  }
0xe1: {  	[tilespmem:s19+$0x1B40] =	vst v31;
	v37 =	vadd.s32 v0, v7;
	v44 =	vsel vm0, v41, v42  }
0xe2: {  	[tilespmem:s19+$0x1C40] =	vst v37;
	v45 =	vadd.s32 v0, v44  }
0xe3: {  	[tilespmem:s19+$0x1D40] =	vst v45  }
0xe4: {  	v4 =	vld [tilespmem:$0x50]  }
0xe5: {  	v46 =	vld [tilespmem:$0xD0]  }
0xe6: {  	v47 =	vld [tilespmem:$0x150];
	_ =	sdelay $0x3  }
0xe7: {  	v4 =	vadd.f32 $1.000000000e+00, v4  }
0xe8: {  	v5 =	vadd.f32 $1.000000000e+00, v46;
	v6 =	vadd.f32 $1.000000000e+00, v47  }
0xe9: {  	v4 =	vmul.f32 $5.000000000e-01, v4  }
0xea: {  	v5 =	vmul.f32 $5.000000000e-01, v5;
	v6 =	vmul.f32 $5.000000000e-01, v6  }
0xeb: {  	v4 =	vmul.f32 v4, v3  }
0xec: {  	v5 =	vmul.f32 v5, v3;
	v6 =	vmul.f32 v6, v3  }
0xed: {  	v48 =	vtrunc.f32 v4  }
0xee: {  	v49 =	vtrunc.f32 v5;
	v50 =	vtrunc.f32 v6  }
0xef: {  	v7 =	vcvt.f32.s32 v48;
	v8 =	vcvt.f32.s32 v49  }
0xf0: {  	v9 =	vcvt.f32.s32 v50  }
0xf1: {  	v51 =	vcvt.s32.f32 v7;
	v52 =	vcvt.s32.f32 v8  }
0xf2: {  	v53 =	vcvt.s32.f32 v9;
	v54 =	vmul.u32 v8, v1;
	v55 =	vadd.s32 $0x1, v7  }
0xf3: {  	v56 =	vmul.u32 v9, v2;
	v9 =	vadd.s32 $0x1, v9;
	v8 =	vadd.s32 $0x1, v8  }
0xf4: {  	v9 =	vmul.u32 v2, v9;
	v8 =	vmul.u32 v1, v8;
	v4 =	vsub.f32 v4, v51  }
0xf5: {  	v5 =	vsub.f32 v5, v52;
	v6 =	vsub.f32 v6, v53;
	v57 =	vxor.u32 v7, v54  }
0xf6: {  	v59 =	vadd.s32 v7, v54;
	v21 =	vxor.u32 v55, v54;
	v10 =	vadd.s32 v55, v54  }
0xf7: {  	v58 =	vxor.u32 v56, v57;
	v60 =	vadd.s32 v56, v59;
	v13 =	vxor.u32 v57, v9  }
0xf8: {  	v15 =	vadd.s32 v59, v9;
	v61 =	vxor.u32 v7, v8;
	v7 =	vadd.s32 v7, v8  }
0xf9: {  	v23 =	vxor.u32 v56, v21;
	v25 =	vadd.s32 v56, v10;
	v10 =	vadd.s32 v10, v9  }
0xfa: {  	v27 =	vxor.u32 v55, v8;
	v8 =	vadd.s32 v55, v8;
	v14 =	vand.u32 $0x7FFFF, v58  }
0xfb: {  	v13 =	vand.u32 $0x7FFFF, v13;
	v62 =	vxor.u32 v56, v61;
	v63 =	vadd.s32 v56, v7  }
0xfc: {  	v7 =	vadd.s32 v9, v7;
	v24 =	vand.u32 $0x7FFFF, v23;
	v29 =	vxor.u32 v56, v27  }
0xfd: {  	[tilespmem:s17+$0xFFFFFF90] =	vst v4;
	v31 =	vadd.s32 v56, v8;
	v14 =	vsel vm0, v14, v60;
	v13 =	vsel vm0, v13, v15  }
0xfe: {  	[tilespmem:s17+$0x90] =	vst v6;
	v16 =	vand.u32 $0x7FFFF, v62;
	v15 =	vxor.u32 v9, v61;
	v6 =	vsel vm0, v24, v25  }
0xff: {  	[tilespmem:s17+$0x10] =	vst v5;
	v30 =	vand.u32 $0x7FFFF, v29;
	v14 =	vadd.s32 v0, v14;
	v13 =	vadd.s32 v0, v13  }
0x100: {  	v16 =	vsel vm0, v16, v63;
	v15 =	vand.u32 $0x7FFFF, v15;
	v6 =	vadd.s32 v0, v6;
	[tilespmem:s19+$0x19D0] =	vst v14  }
0x101: {  	v5 =	vsel vm0, v30, v31;
	v7 =	vsel vm0, v15, v7;
	v15 =	vxor.u32 v21, v9;
	[tilespmem:s19+$0x1A50] =	vst v13  }
0x102: {  	v20 =	vadd.s32 v0, v16;
	[tilespmem:s19+$0x1BD0] =	vst v6;
	v34 =	vadd.s32 v0, v5;
	v26 =	vand.u32 $0x7FFFF, v15  }
0x103: {  	v22 =	vadd.s32 v0, v7;
	[tilespmem:s19+$0x1AD0] =	vst v20;
	v7 =	vsel vm0, v26, v10;
	v10 =	vxor.u32 v9, v27  }
0x104: {  	v33 =	vadd.s32 v9, v8;
	[tilespmem:s19+$0x1CD0] =	vst v34;
	v32 =	vand.u32 $0x7FFFF, v10  }
0x105: {  	[tilespmem:s19+$0x1B50] =	vst v22;
	v28 =	vadd.s32 v0, v7;
	v35 =	vsel vm0, v32, v33  }
0x106: {  	[tilespmem:s19+$0x1C50] =	vst v28;
	v36 =	vadd.s32 v0, v35  }
0x107: {  	[tilespmem:s19+$0x1D50] =	vst v36  }
0x108: {  	v4 =	vld [tilespmem:$0x60]  }
0x109: {  	v37 =	vld [tilespmem:$0xE0]  }
0x10a: {  	v38 =	vld [tilespmem:$0x160];
	_ =	sdelay $0x3  }
0x10b: {  	v4 =	vadd.f32 $1.000000000e+00, v4;
	v5 =	vadd.f32 $1.000000000e+00, v37  }
0x10c: {  	v6 =	vadd.f32 $1.000000000e+00, v38  }
0x10d: {  	v4 =	vmul.f32 $5.000000000e-01, v4;
	v5 =	vmul.f32 $5.000000000e-01, v5  }
0x10e: {  	v6 =	vmul.f32 $5.000000000e-01, v6  }
0x10f: {  	v4 =	vmul.f32 v4, v3;
	v5 =	vmul.f32 v5, v3  }
0x110: {  	v6 =	vmul.f32 v6, v3  }
0x111: {  	v39 =	vtrunc.f32 v4;
	v40 =	vtrunc.f32 v5  }
0x112: {  	v41 =	vtrunc.f32 v6;
	v7 =	vcvt.f32.s32 v39  }
0x113: {  	v8 =	vcvt.f32.s32 v40;
	v9 =	vcvt.f32.s32 v41  }
0x114: {  	v42 =	vcvt.s32.f32 v7  }
0x115: {  	v43 =	vcvt.s32.f32 v8;
	v44 =	vmul.u32 v8, v1;
	v45 =	vcvt.s32.f32 v9  }
0x116: {  	v46 =	vmul.u32 v9, v2;
	v8 =	vadd.s32 $0x1, v8;
	v9 =	vadd.s32 $0x1, v9  }
0x117: {  	v8 =	vmul.u32 v1, v8;
	v9 =	vmul.u32 v2, v9;
	v4 =	vsub.f32 v4, v42  }
0x118: {  	v5 =	vsub.f32 v5, v43;
	v47 =	vxor.u32 v7, v44;
	v50 =	vadd.s32 v7, v44  }
0x119: {  	v6 =	vsub.f32 v6, v45;
	v48 =	vxor.u32 v46, v47;
	v51 =	vadd.s32 v46, v50  }
0x11a: {  	v13 =	vxor.u32 v47, v9;
	v52 =	vxor.u32 v7, v8;
	v18 =	vadd.s32 v7, v8  }
0x11b: {  	v14 =	vadd.s32 v50, v9;
	v7 =	vadd.s32 $0x1, v7;
	v49 =	vand.u32 $0x7FFFF, v48  }
0x11c: {  	v13 =	vand.u32 $0x7FFFF, v13;
	v53 =	vxor.u32 v46, v52;
	v19 =	vadd.s32 v46, v18  }
0x11d: {  	v55 =	vxor.u32 v9, v52;
	v56 =	vadd.s32 v9, v18;
	v59 =	vxor.u32 v7, v44  }
0x11e: {  	v10 =	vadd.s32 v7, v44;
	v18 =	vxor.u32 v7, v8;
	v7 =	vadd.s32 v7, v8  }
0x11f: {  	v17 =	vand.u32 $0x7FFFF, v53;
	v11 =	vsel vm0, v49, v51;
	v13 =	vsel vm0, v13, v14  }
0x120: {  	[tilespmem:s17+$0xFFFFFFA0] =	vst v4;
	v15 =	vand.u32 $0x7FFFF, v55;
	v61 =	vxor.u32 v46, v59;
	v63 =	vadd.s32 v46, v10  }
0x121: {  	[tilespmem:s17+$0x20] =	vst v5;
	v10 =	vadd.s32 v10, v9;
	v20 =	vxor.u32 v46, v18;
	v8 =	vadd.s32 v46, v7  }
0x122: {  	[tilespmem:s17+$0xA0] =	vst v6;
	v22 =	vxor.u32 v9, v18;
	v7 =	vadd.s32 v9, v7;
	v11 =	vadd.s32 v0, v11  }
0x123: {  	v54 =	vsel vm0, v17, v19;
	v13 =	vadd.s32 v0, v13;
	v58 =	vsel vm0, v15, v56;
	[tilespmem:s19+$0x19E0] =	vst v11  }
0x124: {  	v62 =	vand.u32 $0x7FFFF, v61;
	v15 =	vxor.u32 v59, v9;
	v57 =	vadd.s32 v0, v54;
	[tilespmem:s19+$0x1A60] =	vst v13  }
0x125: {  	v21 =	vand.u32 $0x7FFFF, v20;
	v60 =	vadd.s32 v0, v58;
	v6 =	vsel vm0, v62, v63;
	[tilespmem:s19+$0x1AE0] =	vst v57  }
0x126: {  	v23 =	vand.u32 $0x7FFFF, v22;
	v5 =	vsel vm0, v21, v8;
	v6 =	vadd.s32 v0, v6;
	[tilespmem:s19+$0x1B60] =	vst v60  }
0x127: {  	v17 =	vand.u32 $0x7FFFF, v15;
	v25 =	vsel vm0, v23, v7;
	v24 =	vadd.s32 v0, v5;
	[tilespmem:s19+$0x1BE0] =	vst v6  }
0x128: {  	v10 =	vsel vm0, v17, v10;
	v26 =	vadd.s32 v0, v25;
	[tilespmem:s19+$0x1CE0] =	vst v24  }
0x129: {  	v19 =	vadd.s32 v0, v10;
	[tilespmem:s19+$0x1D60] =	vst v26  }
0x12a: {  	[tilespmem:s19+$0x1C60] =	vst v19  }
0x12b: {  	v4 =	vld [tilespmem:$0x70]  }
0x12c: {  	v27 =	vld [tilespmem:$0xF0]  }
0x12d: {  	v28 =	vld [tilespmem:$0x170];
	_ =	sdelay $0x3  }
0x12e: {  	v4 =	vadd.f32 $1.000000000e+00, v4;
	v5 =	vadd.f32 $1.000000000e+00, v27  }
0x12f: {  	v6 =	vadd.f32 $1.000000000e+00, v28  }
0x130: {  	v4 =	vmul.f32 $5.000000000e-01, v4;
	v5 =	vmul.f32 $5.000000000e-01, v5  }
0x131: {  	v6 =	vmul.f32 $5.000000000e-01, v6  }
0x132: {  	v4 =	vmul.f32 v4, v3;
	v5 =	vmul.f32 v5, v3  }
0x133: {  	v3 =	vmul.f32 v6, v3  }
0x134: {  	v29 =	vtrunc.f32 v4;
	v30 =	vtrunc.f32 v5  }
0x135: {  	v31 =	vtrunc.f32 v3;
	v6 =	vcvt.f32.s32 v29  }
0x136: {  	v7 =	vcvt.f32.s32 v30;
	v8 =	vcvt.f32.s32 v31  }
0x137: {  	v32 =	vcvt.s32.f32 v6  }
0x138: {  	v33 =	vcvt.s32.f32 v7;
	v34 =	vmul.u32 v7, v1;
	v35 =	vcvt.s32.f32 v8  }
0x139: {  	v36 =	vmul.u32 v8, v2;
	v7 =	vadd.s32 $0x1, v7;
	v8 =	vadd.s32 $0x1, v8  }
0x13a: {  	v1 =	vmul.u32 v1, v7;
	v2 =	vmul.u32 v2, v8;
	v4 =	vsub.f32 v4, v32  }
0x13b: {  	v5 =	vsub.f32 v5, v33;
	v37 =	vxor.u32 v6, v34;
	v39 =	vadd.s32 v6, v34  }
0x13c: {  	v3 =	vsub.f32 v3, v35;
	v38 =	vxor.u32 v36, v37;
	v40 =	vadd.s32 v36, v39  }
0x13d: {  	v12 =	vxor.u32 v37, v2;
	v41 =	vxor.u32 v6, v1;
	v43 =	vadd.s32 v6, v1  }
0x13e: {  	v8 =	vadd.s32 v39, v2;
	v6 =	vadd.s32 $0x1, v6;
	v7 =	vand.u32 $0x7FFFF, v38  }
0x13f: {  	v12 =	vand.u32 $0x7FFFF, v12;
	v42 =	vxor.u32 v36, v41;
	v44 =	vadd.s32 v36, v43  }
0x140: {  	v46 =	vxor.u32 v2, v41;
	v47 =	vadd.s32 v2, v43;
	v50 =	vxor.u32 v6, v34  }
0x141: {  	v9 =	vadd.s32 v6, v34;
	v56 =	vxor.u32 v6, v1;
	v1 =	vadd.s32 v6, v1  }
0x142: {  	v14 =	vand.u32 $0x7FFFF, v42;
	v7 =	vsel vm0, v7, v40;
	v8 =	vsel vm0, v12, v8  }
0x143: {  	[tilespmem:s17+$0xFFFFFFB0] =	vst v4;
	v12 =	vand.u32 $0x7FFFF, v46;
	v52 =	vxor.u32 v36, v50;
	v54 =	vadd.s32 v36, v9  }
0x144: {  	[tilespmem:s17+$0x30] =	vst v5;
	v9 =	vadd.s32 v9, v2;
	v58 =	vxor.u32 v36, v56;
	v6 =	vadd.s32 v36, v1  }
0x145: {  	[tilespmem:s17+$0xB0] =	vst v3;
	v60 =	vxor.u32 v2, v56;
	v1 =	vadd.s32 v2, v1;
	v7 =	vadd.s32 v0, v7  }
0x146: {  	v45 =	vsel vm0, v14, v44;
	v8 =	vadd.s32 v0, v8;
	v49 =	vsel vm0, v12, v47;
	[tilespmem:s19+$0x19F0] =	vst v7  }
0x147: {  	v53 =	vand.u32 $0x7FFFF, v52;
	v12 =	vxor.u32 v50, v2;
	v48 =	vadd.s32 v0, v45;
	[tilespmem:s19+$0x1A70] =	vst v8  }
0x148: {  	v59 =	vand.u32 $0x7FFFF, v58;
	v51 =	vadd.s32 v0, v49;
	v3 =	vsel vm0, v53, v54;
	[tilespmem:s19+$0x1AF0] =	vst v48  }
0x149: {  	v55 =	vand.u32 $0x7FFFF, v12;
	v61 =	vsel vm0, v59, v6;
	v3 =	vadd.s32 v0, v3;
	[tilespmem:s19+$0x1B70] =	vst v51  }
0x14a: {  	v62 =	vand.u32 $0x7FFFF, v60;
	v7 =	vsel vm0, v55, v9;
	v63 =	vadd.s32 v0, v61;
	[tilespmem:s19+$0x1BF0] =	vst v3  }
0x14b: {  	v1 =	vsel vm0, v62, v1;
	v57 =	vadd.s32 v0, v7;
	[tilespmem:s19+$0x1CF0] =	vst v63  }
0x14c: {  	v0 =	vadd.s32 v0, v1;
	[tilespmem:s19+$0x1C70] =	vst v57  }
0x14d: {  	s20 =	sadd.s32 $0x1980, s19;
	s7 =	sadd.s32 $0x5980, s19;
	[tilespmem:s19+$0x1D70] =	vst v0  }
0x14e: {  	[tilespmem:s7], [sflag:s29] =	stream.indirect.gather [hbm4b:s5+s21], $0x1, s20, s21, $0xb8;
	[tilespmem:$0xD180] =	vst v63  }
0x14f: {  	s31 =	sadd.s32 $0x80, s31;
	s7 =	sadd.s32 $0x1A00, s19;
	s20 =	sadd.s32 $0x5A00, s19  }
0x150: {  	[tilespmem:s20], [sflag:s29] =	stream.indirect.gather [hbm4b:s5+s21], $0x1, s7, s21, $0xb8;
	[tilespmem:$0xD180] =	vst v63  }
0x151: {  	p0 =	sne.s32 s18, $0xF000;
	s7 =	sadd.s32 $0x1A80, s19;
	s20 =	sadd.s32 $0x5A80, s19  }
0x152: {  	[tilespmem:s20], [sflag:s29] =	stream.indirect.gather [hbm4b:s5+s21], $0x1, s7, s21, $0xb8;
	[tilespmem:$0xD180] =	vst v63  }
0x153: {  	s15 =	sadd.s32 $0x80, s15;
	s7 =	sadd.s32 $0x1B00, s19;
	s20 =	sadd.s32 $0x5B00, s19  }
0x154: {  	[tilespmem:s20], [sflag:s29] =	stream.indirect.gather [hbm4b:s5+s21], $0x1, s7, s21, $0xb8;
	[tilespmem:$0xD180] =	vst v63  }
0x155: {  	s18 =	sadd.s32 $0x1000, s18;
	s7 =	sadd.s32 $0x1B80, s19;
	s20 =	sadd.s32 $0x5B80, s19  }
0x156: {  	[tilespmem:s20], [sflag:s29] =	stream.indirect.gather [hbm4b:s5+s21], $0x1, s7, s21, $0xb8;
	[tilespmem:$0xD180] =	vst v63  }
0x157: {  	s0 =	sadd.s32 $0x80, s0;
	s7 =	sadd.s32 $0x1C00, s19;
	s20 =	sadd.s32 $0x5C00, s19  }
0x158: {  	[tilespmem:s20], [sflag:s29] =	stream.indirect.gather [hbm4b:s5+s21], $0x1, s7, s21, $0xb8;
	[tilespmem:$0xD180] =	vst v63  }
.Ltmp0:
0x159: {  	s7 =	sadd.s32 $0x1C80, s19;
	s20 =	sadd.s32 $0x5C80, s19;
	(pc) =	sbr.rel @p0 .LBB2_3-.Ltmp0, $4  }
0x15a: {  	[tilespmem:s20], [sflag:s29] =	stream.indirect.gather [hbm4b:s5+s21], $0x1, s7, s21, $0xb8;
	[tilespmem:$0xD180] =	vst v63  }
0x15b: {  	s6 =	sadd.s32 $0x80, s6;
	s20 =	sadd.s32 $0x1D00, s19;
	s19 =	sadd.s32 $0x5D00, s19  }
0x15c: {  	[tilespmem:s19], [sflag:s29] =	stream.indirect.gather [hbm4b:s5+s21], $0x1, s20, s21, $0xb8;
	[tilespmem:$0xD180] =	vst v63  }
0x15d: {  	s30 =	sadd.s32 $0x80, s30;
	s17 =	sadd.s32 $0x180, s17;
	s29 =	sadd.s32 $0x1, s29  }
0x15e: {  	s0 =	simm.s32 $0x9A00;
	s6 =	simm.s32 $0x5B80  }
.LBB2_5:
0x15f: {  	s7 =	sshra.s32 s26, $0x2  }
0x160: {  	s7 =	sadd.s32 $0x1, s7  }
0x161: {  	_ =	swait.ge [sflag:s7], $0x80  }
0x162: {  	[sflag:s7] =	ssyncset.done $0x0  }
0x163: {  	[sflag:s7] =	ssyncadd.s32 $0xFFFFFF80  }
0x164: {  	_ =	swait.ge [sflag:s7], $0x80  }
0x165: {  	[sflag:s7] =	ssyncset.done $0x0  }
0x166: {  	[sflag:s7] =	ssyncadd.s32 $0xFFFFFF80  }
0x167: {  	_ =	swait.ge [sflag:s7], $0x80  }
0x168: {  	[sflag:s7] =	ssyncset.done $0x0  }
0x169: {  	[sflag:s7] =	ssyncadd.s32 $0xFFFFFF80  }
0x16a: {  	_ =	swait.ge [sflag:s7], $0x80  }
0x16b: {  	[sflag:s7] =	ssyncset.done $0x0  }
0x16c: {  	[sflag:s7] =	ssyncadd.s32 $0xFFFFFF80  }
0x16d: {  	_ =	swait.ge [sflag:s7], $0x80  }
0x16e: {  	[sflag:s7] =	ssyncset.done $0x0  }
0x16f: {  	[sflag:s7] =	ssyncadd.s32 $0xFFFFFF80  }
0x170: {  	_ =	swait.ge [sflag:s7], $0x80  }
0x171: {  	[sflag:s7] =	ssyncset.done $0x0  }
0x172: {  	[sflag:s7] =	ssyncadd.s32 $0xFFFFFF80  }
0x173: {  	_ =	swait.ge [sflag:s7], $0x80  }
0x174: {  	[sflag:s7] =	ssyncset.done $0x0  }
0x175: {  	[sflag:s7] =	ssyncadd.s32 $0xFFFFFF80  }
0x176: {  	_ =	swait.ge [sflag:s7], $0x80  }
0x177: {  	[sflag:s7] =	ssyncset.done $0x0  }
0x178: {  	[sflag:s7] =	ssyncadd.s32 $0xFFFFFF80  }
0x179: {  	v0 =	vld [tilespmem:s28+$0xFFFFFF40]  }
0x17a: {  	v1 =	vld [tilespmem:s28+$0xFFFFFFC0]  }
0x17b: {  	v2 =	vld [tilespmem:s28+$0x40]  }
0x17c: {  	v5 =	vld [tilespmem:s6+$0xFFFFFE00]  }
0x17d: {  	v8 =	vld [tilespmem:s6+$0xFFFFFE80]  }
0x17e: {  	v11 =	vld [tilespmem:s6+$0xFFFFFF00]  }
0x17f: {  	v3 =	vsub.f32 $1.000000000e+00, v0;
	v4 =	vsub.f32 $1.000000000e+00, v1  }
0x180: {  	v13 =	vld [tilespmem:s6+$0xFFFFFF80]  }
0x181: {  	v6 =	vsub.f32 $1.000000000e+00, v2;
	v10 =	vshll.u32 v5, $0x10;
	v7 =	vmul.f32 v4, v3  }
0x182: {  	v5 =	vand.u32 $0xFFFF0000, v5;
	v19 =	vshll.u32 v8, $0x10;
	v8 =	vand.u32 $0xFFFF0000, v8  }
0x183: {  	v22 =	vld [tilespmem:s6+$0x0];
	v20 =	vshll.u32 v11, $0x10;
	v3 =	vmul.f32 v1, v3;
	v9 =	vmul.f32 v6, v7  }
0x184: {  	v21 =	vand.u32 $0xFFFF0000, v11;
	v4 =	vmul.f32 v4, v0;
	v7 =	vmul.f32 v7, v2  }
0x185: {  	v25 =	vld [tilespmem:s6+$0x80];
	v23 =	vshll.u32 v13, $0x10;
	v10 =	vmul.f32 v10, v9;
	v5 =	vmul.f32 v5, v9  }
0x186: {  	v24 =	vand.u32 $0xFFFF0000, v13;
	v12 =	vmul.f32 v6, v3;
	v9 =	vmul.f32 v19, v7  }
0x187: {  	v7 =	vmul.f32 v8, v7;
	v10 =	vadd.f32 $0.0e+00, v10;
	v5 =	vadd.f32 $0.0e+00, v5  }
0x188: {  	v28 =	vshll.u32 v22, $0x10;
	v3 =	vmul.f32 v2, v3;
	v8 =	vmul.f32 v20, v12  }
0x189: {  	v29 =	vld [tilespmem:s6+$0x100];
	v9 =	vadd.f32 v9, v10;
	v5 =	vadd.f32 v7, v5;
	v7 =	vmul.f32 v21, v12  }
0x18a: {  	v30 =	vshll.u32 v25, $0x10;
	v27 =	vmul.f32 v6, v4;
	v26 =	vmul.f32 v23, v3  }
0x18b: {  	v3 =	vmul.f32 v24, v3;
	v8 =	vadd.f32 v8, v9;
	v5 =	vadd.f32 v7, v5  }
0x18c: {  	v0 =	vmul.f32 v1, v0;
	v4 =	vmul.f32 v4, v2;
	v10 =	vand.u32 $0xFFFF0000, v22  }
0x18d: {  	v31 =	vld [tilespmem:s6+$0x180];
	v7 =	vadd.f32 v26, v8;
	v3 =	vadd.f32 v3, v5;
	v5 =	vmul.f32 v28, v27  }
0x18e: {  	v33 =	vand.u32 $0xFFFF0000, v25;
	v34 =	vshll.u32 v29, $0x10;
	v9 =	vmul.f32 v10, v27  }
0x18f: {  	v6 =	vmul.f32 v6, v0;
	v32 =	vmul.f32 v30, v4;
	v5 =	vadd.f32 v5, v7  }
0x190: {  	v0 =	vmul.f32 v2, v0;
	v4 =	vmul.f32 v33, v4;
	v3 =	vadd.f32 v9, v3  }
0x191: {  	v8 =	vand.u32 $0xFFFF0000, v29;
	v7 =	vmul.f32 v34, v6;
	v5 =	vadd.f32 v32, v5  }
0x192: {  	v37 =	vshll.u32 v31, $0x10;
	v36 =	vmul.f32 v8, v6;
	v35 =	vadd.f32 v4, v3  }
0x193: {  	v1 =	vand.u32 $0xFFFF0000, v31;
	v4 =	vmul.f32 v37, v0;
	v5 =	vadd.f32 v7, v5  }
0x194: {  	v0 =	vmul.f32 v1, v0;
	v2 =	vadd.f32 v36, v35  }
0x195: {  	v38 =	vadd.f32 v4, v5  }
0x196: {  	v0 =	vadd.f32 v0, v2  }
0x197: {  	[tilespmem:s0+$0xFFFFFF80] =	vst v38  }
0x198: {  	[tilespmem:s0+$0x0] =	vst v0  }
0x199: {  	v0 =	vld [tilespmem:s28+$0xFFFFFF50]  }
0x19a: {  	v1 =	vld [tilespmem:s28+$0xFFFFFFD0]  }
0x19b: {  	v39 =	vld [tilespmem:s28+$0x50]  }
0x19c: {  	v42 =	vld [tilespmem:s6+$0xFFFFFE10]  }
0x19d: {  	v45 =	vld [tilespmem:s6+$0xFFFFFE90]  }
0x19e: {  	v48 =	vld [tilespmem:s6+$0xFFFFFF10]  }
0x19f: {  	v40 =	vsub.f32 $1.000000000e+00, v0;
	v41 =	vsub.f32 $1.000000000e+00, v1  }
0x1a0: {  	v51 =	vld [tilespmem:s6+$0xFFFFFF90]  }
0x1a1: {  	v43 =	vsub.f32 $1.000000000e+00, v39;
	v47 =	vshll.u32 v42, $0x10;
	v44 =	vmul.f32 v41, v40  }
0x1a2: {  	v5 =	vand.u32 $0xFFFF0000, v42;
	v49 =	vshll.u32 v45, $0x10;
	v8 =	vand.u32 $0xFFFF0000, v45  }
0x1a3: {  	v54 =	vld [tilespmem:s6+$0x10];
	v52 =	vshll.u32 v48, $0x10;
	v3 =	vmul.f32 v1, v40;
	v46 =	vmul.f32 v43, v44  }
0x1a4: {  	v53 =	vand.u32 $0xFFFF0000, v48;
	v4 =	vmul.f32 v41, v0;
	v7 =	vmul.f32 v44, v39  }
0x1a5: {  	v57 =	vld [tilespmem:s6+$0x90];
	v55 =	vshll.u32 v51, $0x10;
	v10 =	vmul.f32 v47, v46;
	v5 =	vmul.f32 v5, v46  }
0x1a6: {  	v56 =	vand.u32 $0xFFFF0000, v51;
	v50 =	vmul.f32 v43, v3;
	v9 =	vmul.f32 v49, v7  }
0x1a7: {  	v7 =	vmul.f32 v8, v7;
	v10 =	vadd.f32 $0.0e+00, v10;
	v5 =	vadd.f32 $0.0e+00, v5  }
0x1a8: {  	v60 =	vshll.u32 v54, $0x10;
	v3 =	vmul.f32 v39, v3;
	v8 =	vmul.f32 v52, v50  }
0x1a9: {  	v61 =	vld [tilespmem:s6+$0x110];
	v9 =	vadd.f32 v9, v10;
	v5 =	vadd.f32 v7, v5;
	v7 =	vmul.f32 v53, v50  }
0x1aa: {  	v62 =	vshll.u32 v57, $0x10;
	v59 =	vmul.f32 v43, v4;
	v58 =	vmul.f32 v55, v3  }
0x1ab: {  	v3 =	vmul.f32 v56, v3;
	v8 =	vadd.f32 v8, v9;
	v5 =	vadd.f32 v7, v5  }
0x1ac: {  	v0 =	vmul.f32 v1, v0;
	v4 =	vmul.f32 v4, v39;
	v10 =	vand.u32 $0xFFFF0000, v54  }
0x1ad: {  	v63 =	vld [tilespmem:s6+$0x190];
	v7 =	vadd.f32 v58, v8;
	v3 =	vadd.f32 v3, v5;
	v5 =	vmul.f32 v60, v59  }
0x1ae: {  	v14 =	vand.u32 $0xFFFF0000, v57;
	v15 =	vshll.u32 v61, $0x10;
	v9 =	vmul.f32 v10, v59  }
0x1af: {  	v6 =	vmul.f32 v43, v0;
	v13 =	vmul.f32 v62, v4;
	v5 =	vadd.f32 v5, v7  }
0x1b0: {  	v0 =	vmul.f32 v39, v0;
	v4 =	vmul.f32 v14, v4;
	v3 =	vadd.f32 v9, v3  }
0x1b1: {  	v8 =	vand.u32 $0xFFFF0000, v61;
	v7 =	vmul.f32 v15, v6;
	v5 =	vadd.f32 v13, v5  }
0x1b2: {  	v18 =	vshll.u32 v63, $0x10;
	v17 =	vmul.f32 v8, v6;
	v16 =	vadd.f32 v4, v3  }
0x1b3: {  	v1 =	vand.u32 $0xFFFF0000, v63;
	v4 =	vmul.f32 v18, v0;
	v5 =	vadd.f32 v7, v5  }
0x1b4: {  	v0 =	vmul.f32 v1, v0;
	v2 =	vadd.f32 v17, v16  }
0x1b5: {  	v19 =	vadd.f32 v4, v5  }
0x1b6: {  	v0 =	vadd.f32 v0, v2  }
0x1b7: {  	[tilespmem:s0+$0xFFFFFF90] =	vst v19  }
0x1b8: {  	[tilespmem:s0+$0x10] =	vst v0  }
0x1b9: {  	v0 =	vld [tilespmem:s28+$0xFFFFFF60]  }
0x1ba: {  	v1 =	vld [tilespmem:s28+$0xFFFFFFE0]  }
0x1bb: {  	v20 =	vld [tilespmem:s28+$0x60]  }
0x1bc: {  	v23 =	vld [tilespmem:s6+$0xFFFFFE20]  }
0x1bd: {  	v26 =	vld [tilespmem:s6+$0xFFFFFEA0]  }
0x1be: {  	v29 =	vld [tilespmem:s6+$0xFFFFFF20]  }
0x1bf: {  	v21 =	vsub.f32 $1.000000000e+00, v0;
	v22 =	vsub.f32 $1.000000000e+00, v1  }
0x1c0: {  	v32 =	vld [tilespmem:s6+$0xFFFFFFA0]  }
0x1c1: {  	v24 =	vsub.f32 $1.000000000e+00, v20;
	v28 =	vshll.u32 v23, $0x10;
	v25 =	vmul.f32 v22, v21  }
0x1c2: {  	v5 =	vand.u32 $0xFFFF0000, v23;
	v30 =	vshll.u32 v26, $0x10;
	v8 =	vand.u32 $0xFFFF0000, v26  }
0x1c3: {  	v35 =	vld [tilespmem:s6+$0x20];
	v33 =	vshll.u32 v29, $0x10;
	v3 =	vmul.f32 v1, v21;
	v27 =	vmul.f32 v24, v25  }
0x1c4: {  	v34 =	vand.u32 $0xFFFF0000, v29;
	v4 =	vmul.f32 v22, v0;
	v7 =	vmul.f32 v25, v20  }
0x1c5: {  	v38 =	vld [tilespmem:s6+$0xA0];
	v36 =	vshll.u32 v32, $0x10;
	v10 =	vmul.f32 v28, v27;
	v5 =	vmul.f32 v5, v27  }
0x1c6: {  	v37 =	vand.u32 $0xFFFF0000, v32;
	v31 =	vmul.f32 v24, v3;
	v9 =	vmul.f32 v30, v7  }
0x1c7: {  	v7 =	vmul.f32 v8, v7;
	v10 =	vadd.f32 $0.0e+00, v10;
	v5 =	vadd.f32 $0.0e+00, v5  }
0x1c8: {  	v41 =	vshll.u32 v35, $0x10;
	v3 =	vmul.f32 v20, v3;
	v8 =	vmul.f32 v33, v31  }
0x1c9: {  	v42 =	vld [tilespmem:s6+$0x120];
	v9 =	vadd.f32 v9, v10;
	v5 =	vadd.f32 v7, v5;
	v7 =	vmul.f32 v34, v31  }
0x1ca: {  	v43 =	vshll.u32 v38, $0x10;
	v40 =	vmul.f32 v24, v4;
	v39 =	vmul.f32 v36, v3  }
0x1cb: {  	v3 =	vmul.f32 v37, v3;
	v8 =	vadd.f32 v8, v9;
	v5 =	vadd.f32 v7, v5  }
0x1cc: {  	v0 =	vmul.f32 v1, v0;
	v4 =	vmul.f32 v4, v20;
	v10 =	vand.u32 $0xFFFF0000, v35  }
0x1cd: {  	v44 =	vld [tilespmem:s6+$0x1A0];
	v7 =	vadd.f32 v39, v8;
	v3 =	vadd.f32 v3, v5;
	v5 =	vmul.f32 v41, v40  }
0x1ce: {  	v46 =	vand.u32 $0xFFFF0000, v38;
	v47 =	vshll.u32 v42, $0x10;
	v9 =	vmul.f32 v10, v40  }
0x1cf: {  	v6 =	vmul.f32 v24, v0;
	v45 =	vmul.f32 v43, v4;
	v5 =	vadd.f32 v5, v7  }
0x1d0: {  	v0 =	vmul.f32 v20, v0;
	v4 =	vmul.f32 v46, v4;
	v3 =	vadd.f32 v9, v3  }
0x1d1: {  	v8 =	vand.u32 $0xFFFF0000, v42;
	v7 =	vmul.f32 v47, v6;
	v5 =	vadd.f32 v45, v5  }
0x1d2: {  	v50 =	vshll.u32 v44, $0x10;
	v49 =	vmul.f32 v8, v6;
	v48 =	vadd.f32 v4, v3  }
0x1d3: {  	v1 =	vand.u32 $0xFFFF0000, v44;
	v4 =	vmul.f32 v50, v0;
	v5 =	vadd.f32 v7, v5  }
0x1d4: {  	v0 =	vmul.f32 v1, v0;
	v2 =	vadd.f32 v49, v48  }
0x1d5: {  	v51 =	vadd.f32 v4, v5  }
0x1d6: {  	v0 =	vadd.f32 v0, v2  }
0x1d7: {  	[tilespmem:s0+$0xFFFFFFA0] =	vst v51  }
0x1d8: {  	[tilespmem:s0+$0x20] =	vst v0  }
0x1d9: {  	v0 =	vld [tilespmem:s28+$0xFFFFFF70]  }
0x1da: {  	v1 =	vld [tilespmem:s28+$0xFFFFFFF0]  }
0x1db: {  	v52 =	vld [tilespmem:s28+$0x70]  }
0x1dc: {  	v55 =	vld [tilespmem:s6+$0xFFFFFE30]  }
0x1dd: {  	v58 =	vld [tilespmem:s6+$0xFFFFFEB0]  }
0x1de: {  	v61 =	vld [tilespmem:s6+$0xFFFFFF30]  }
0x1df: {  	v53 =	vsub.f32 $1.000000000e+00, v0;
	v54 =	vsub.f32 $1.000000000e+00, v1  }
0x1e0: {  	v16 =	vld [tilespmem:s6+$0xFFFFFFB0]  }
0x1e1: {  	v56 =	vsub.f32 $1.000000000e+00, v52;
	v60 =	vshll.u32 v55, $0x10;
	v57 =	vmul.f32 v54, v53  }
0x1e2: {  	v5 =	vand.u32 $0xFFFF0000, v55;
	v62 =	vshll.u32 v58, $0x10;
	v8 =	vand.u32 $0xFFFF0000, v58  }
0x1e3: {  	v19 =	vld [tilespmem:s6+$0x30];
	v17 =	vshll.u32 v61, $0x10;
	v3 =	vmul.f32 v1, v53;
	v59 =	vmul.f32 v56, v57  }
0x1e4: {  	v18 =	vand.u32 $0xFFFF0000, v61;
	v4 =	vmul.f32 v54, v0;
	v7 =	vmul.f32 v57, v52  }
0x1e5: {  	v22 =	vld [tilespmem:s6+$0xB0];
	v20 =	vshll.u32 v16, $0x10;
	v10 =	vmul.f32 v60, v59;
	v5 =	vmul.f32 v5, v59  }
0x1e6: {  	v21 =	vand.u32 $0xFFFF0000, v16;
	v63 =	vmul.f32 v56, v3;
	v9 =	vmul.f32 v62, v7  }
0x1e7: {  	v7 =	vmul.f32 v8, v7;
	v10 =	vadd.f32 $0.0e+00, v10;
	v5 =	vadd.f32 $0.0e+00, v5  }
0x1e8: {  	v25 =	vshll.u32 v19, $0x10;
	v3 =	vmul.f32 v52, v3;
	v8 =	vmul.f32 v17, v63  }
0x1e9: {  	v26 =	vld [tilespmem:s6+$0x130];
	v9 =	vadd.f32 v9, v10;
	v5 =	vadd.f32 v7, v5;
	v7 =	vmul.f32 v18, v63  }
0x1ea: {  	v27 =	vshll.u32 v22, $0x10;
	v24 =	vmul.f32 v56, v4;
	v23 =	vmul.f32 v20, v3  }
0x1eb: {  	v3 =	vmul.f32 v21, v3;
	v8 =	vadd.f32 v8, v9;
	v5 =	vadd.f32 v7, v5  }
0x1ec: {  	v0 =	vmul.f32 v1, v0;
	v4 =	vmul.f32 v4, v52;
	v10 =	vand.u32 $0xFFFF0000, v19  }
0x1ed: {  	v28 =	vld [tilespmem:s6+$0x1B0];
	v7 =	vadd.f32 v23, v8;
	v3 =	vadd.f32 v3, v5;
	v5 =	vmul.f32 v25, v24  }
0x1ee: {  	v30 =	vand.u32 $0xFFFF0000, v22;
	v31 =	vshll.u32 v26, $0x10;
	v9 =	vmul.f32 v10, v24  }
0x1ef: {  	v6 =	vmul.f32 v56, v0;
	v29 =	vmul.f32 v27, v4;
	v5 =	vadd.f32 v5, v7  }
0x1f0: {  	v0 =	vmul.f32 v52, v0;
	v4 =	vmul.f32 v30, v4;
	v3 =	vadd.f32 v9, v3  }
0x1f1: {  	v8 =	vand.u32 $0xFFFF0000, v26;
	v7 =	vmul.f32 v31, v6;
	v5 =	vadd.f32 v29, v5  }
0x1f2: {  	v34 =	vshll.u32 v28, $0x10;
	v33 =	vmul.f32 v8, v6;
	v32 =	vadd.f32 v4, v3  }
0x1f3: {  	v1 =	vand.u32 $0xFFFF0000, v28;
	v4 =	vmul.f32 v34, v0;
	v5 =	vadd.f32 v7, v5  }
0x1f4: {  	v0 =	vmul.f32 v1, v0;
	v2 =	vadd.f32 v33, v32  }
0x1f5: {  	v35 =	vadd.f32 v4, v5  }
0x1f6: {  	v0 =	vadd.f32 v0, v2  }
0x1f7: {  	[tilespmem:s0+$0xFFFFFFB0] =	vst v35  }
0x1f8: {  	[tilespmem:s0+$0x30] =	vst v0  }
0x1f9: {  	v0 =	vld [tilespmem:s28+$0xFFFFFF80]  }
0x1fa: {  	v1 =	vld [tilespmem:s28+$0x0]  }
0x1fb: {  	v36 =	vld [tilespmem:s28+$0x80]  }
0x1fc: {  	v39 =	vld [tilespmem:s6+$0xFFFFFE40]  }
0x1fd: {  	v42 =	vld [tilespmem:s6+$0xFFFFFEC0]  }
0x1fe: {  	v45 =	vld [tilespmem:s6+$0xFFFFFF40]  }
0x1ff: {  	v37 =	vsub.f32 $1.000000000e+00, v0;
	v38 =	vsub.f32 $1.000000000e+00, v1  }
0x200: {  	v48 =	vld [tilespmem:s6+$0xFFFFFFC0]  }
0x201: {  	v40 =	vsub.f32 $1.000000000e+00, v36;
	v44 =	vshll.u32 v39, $0x10;
	v41 =	vmul.f32 v38, v37  }
0x202: {  	v5 =	vand.u32 $0xFFFF0000, v39;
	v46 =	vshll.u32 v42, $0x10;
	v8 =	vand.u32 $0xFFFF0000, v42  }
0x203: {  	v51 =	vld [tilespmem:s6+$0x40];
	v49 =	vshll.u32 v45, $0x10;
	v3 =	vmul.f32 v1, v37;
	v43 =	vmul.f32 v40, v41  }
0x204: {  	v50 =	vand.u32 $0xFFFF0000, v45;
	v4 =	vmul.f32 v38, v0;
	v7 =	vmul.f32 v41, v36  }
0x205: {  	v54 =	vld [tilespmem:s6+$0xC0];
	v52 =	vshll.u32 v48, $0x10;
	v10 =	vmul.f32 v44, v43;
	v5 =	vmul.f32 v5, v43  }
0x206: {  	v53 =	vand.u32 $0xFFFF0000, v48;
	v47 =	vmul.f32 v40, v3;
	v9 =	vmul.f32 v46, v7  }
0x207: {  	v7 =	vmul.f32 v8, v7;
	v10 =	vadd.f32 $0.0e+00, v10;
	v5 =	vadd.f32 $0.0e+00, v5  }
0x208: {  	v57 =	vshll.u32 v51, $0x10;
	v3 =	vmul.f32 v36, v3;
	v8 =	vmul.f32 v49, v47  }
0x209: {  	v58 =	vld [tilespmem:s6+$0x140];
	v9 =	vadd.f32 v9, v10;
	v5 =	vadd.f32 v7, v5;
	v7 =	vmul.f32 v50, v47  }
0x20a: {  	v59 =	vshll.u32 v54, $0x10;
	v56 =	vmul.f32 v40, v4;
	v55 =	vmul.f32 v52, v3  }
0x20b: {  	v3 =	vmul.f32 v53, v3;
	v8 =	vadd.f32 v8, v9;
	v5 =	vadd.f32 v7, v5  }
0x20c: {  	v0 =	vmul.f32 v1, v0;
	v4 =	vmul.f32 v4, v36;
	v10 =	vand.u32 $0xFFFF0000, v51  }
0x20d: {  	v60 =	vld [tilespmem:s6+$0x1C0];
	v7 =	vadd.f32 v55, v8;
	v3 =	vadd.f32 v3, v5;
	v5 =	vmul.f32 v57, v56  }
0x20e: {  	v62 =	vand.u32 $0xFFFF0000, v54;
	v63 =	vshll.u32 v58, $0x10;
	v9 =	vmul.f32 v10, v56  }
0x20f: {  	v6 =	vmul.f32 v40, v0;
	v61 =	vmul.f32 v59, v4;
	v5 =	vadd.f32 v5, v7  }
0x210: {  	v0 =	vmul.f32 v36, v0;
	v4 =	vmul.f32 v62, v4;
	v3 =	vadd.f32 v9, v3  }
0x211: {  	v8 =	vand.u32 $0xFFFF0000, v58;
	v7 =	vmul.f32 v63, v6;
	v5 =	vadd.f32 v61, v5  }
0x212: {  	v14 =	vshll.u32 v60, $0x10;
	v13 =	vmul.f32 v8, v6;
	v12 =	vadd.f32 v4, v3  }
0x213: {  	v1 =	vand.u32 $0xFFFF0000, v60;
	v4 =	vmul.f32 v14, v0;
	v5 =	vadd.f32 v7, v5  }
0x214: {  	v0 =	vmul.f32 v1, v0;
	v2 =	vadd.f32 v13, v12  }
0x215: {  	v15 =	vadd.f32 v4, v5  }
0x216: {  	v0 =	vadd.f32 v0, v2  }
0x217: {  	[tilespmem:s0+$0xFFFFFFC0] =	vst v15  }
0x218: {  	[tilespmem:s0+$0x40] =	vst v0  }
0x219: {  	v0 =	vld [tilespmem:s28+$0xFFFFFF90]  }
0x21a: {  	v1 =	vld [tilespmem:s28+$0x10]  }
0x21b: {  	v16 =	vld [tilespmem:s28+$0x90]  }
0x21c: {  	v19 =	vld [tilespmem:s6+$0xFFFFFE50]  }
0x21d: {  	v22 =	vld [tilespmem:s6+$0xFFFFFED0]  }
0x21e: {  	v25 =	vld [tilespmem:s6+$0xFFFFFF50]  }
0x21f: {  	v17 =	vsub.f32 $1.000000000e+00, v0;
	v18 =	vsub.f32 $1.000000000e+00, v1  }
0x220: {  	v28 =	vld [tilespmem:s6+$0xFFFFFFD0]  }
0x221: {  	v20 =	vsub.f32 $1.000000000e+00, v16;
	v24 =	vshll.u32 v19, $0x10;
	v21 =	vmul.f32 v18, v17  }
0x222: {  	v5 =	vand.u32 $0xFFFF0000, v19;
	v26 =	vshll.u32 v22, $0x10;
	v8 =	vand.u32 $0xFFFF0000, v22  }
0x223: {  	v31 =	vld [tilespmem:s6+$0x50];
	v29 =	vshll.u32 v25, $0x10;
	v3 =	vmul.f32 v1, v17;
	v23 =	vmul.f32 v20, v21  }
0x224: {  	v30 =	vand.u32 $0xFFFF0000, v25;
	v4 =	vmul.f32 v18, v0;
	v7 =	vmul.f32 v21, v16  }
0x225: {  	v34 =	vld [tilespmem:s6+$0xD0];
	v32 =	vshll.u32 v28, $0x10;
	v10 =	vmul.f32 v24, v23;
	v5 =	vmul.f32 v5, v23  }
0x226: {  	v33 =	vand.u32 $0xFFFF0000, v28;
	v27 =	vmul.f32 v20, v3;
	v9 =	vmul.f32 v26, v7  }
0x227: {  	v7 =	vmul.f32 v8, v7;
	v10 =	vadd.f32 $0.0e+00, v10;
	v5 =	vadd.f32 $0.0e+00, v5  }
0x228: {  	v37 =	vshll.u32 v31, $0x10;
	v3 =	vmul.f32 v16, v3;
	v8 =	vmul.f32 v29, v27  }
0x229: {  	v38 =	vld [tilespmem:s6+$0x150];
	v9 =	vadd.f32 v9, v10;
	v5 =	vadd.f32 v7, v5;
	v7 =	vmul.f32 v30, v27  }
0x22a: {  	v39 =	vshll.u32 v34, $0x10;
	v36 =	vmul.f32 v20, v4;
	v35 =	vmul.f32 v32, v3  }
0x22b: {  	v3 =	vmul.f32 v33, v3;
	v8 =	vadd.f32 v8, v9;
	v5 =	vadd.f32 v7, v5  }
0x22c: {  	v0 =	vmul.f32 v1, v0;
	v4 =	vmul.f32 v4, v16;
	v10 =	vand.u32 $0xFFFF0000, v31  }
0x22d: {  	v40 =	vld [tilespmem:s6+$0x1D0];
	v7 =	vadd.f32 v35, v8;
	v3 =	vadd.f32 v3, v5;
	v5 =	vmul.f32 v37, v36  }
0x22e: {  	v42 =	vand.u32 $0xFFFF0000, v34;
	v43 =	vshll.u32 v38, $0x10;
	v9 =	vmul.f32 v10, v36  }
0x22f: {  	v6 =	vmul.f32 v20, v0;
	v41 =	vmul.f32 v39, v4;
	v5 =	vadd.f32 v5, v7  }
0x230: {  	v0 =	vmul.f32 v16, v0;
	v4 =	vmul.f32 v42, v4;
	v3 =	vadd.f32 v9, v3  }
0x231: {  	v8 =	vand.u32 $0xFFFF0000, v38;
	v7 =	vmul.f32 v43, v6;
	v5 =	vadd.f32 v41, v5  }
0x232: {  	v46 =	vshll.u32 v40, $0x10;
	v45 =	vmul.f32 v8, v6;
	v44 =	vadd.f32 v4, v3  }
0x233: {  	v1 =	vand.u32 $0xFFFF0000, v40;
	v4 =	vmul.f32 v46, v0;
	v5 =	vadd.f32 v7, v5  }
0x234: {  	v0 =	vmul.f32 v1, v0;
	v2 =	vadd.f32 v45, v44  }
0x235: {  	v47 =	vadd.f32 v4, v5  }
0x236: {  	v0 =	vadd.f32 v0, v2  }
0x237: {  	[tilespmem:s0+$0xFFFFFFD0] =	vst v47  }
0x238: {  	[tilespmem:s0+$0x50] =	vst v0  }
0x239: {  	v0 =	vld [tilespmem:s28+$0xFFFFFFA0]  }
0x23a: {  	v1 =	vld [tilespmem:s28+$0x20]  }
0x23b: {  	v48 =	vld [tilespmem:s28+$0xA0]  }
0x23c: {  	v51 =	vld [tilespmem:s6+$0xFFFFFE60]  }
0x23d: {  	v54 =	vld [tilespmem:s6+$0xFFFFFEE0]  }
0x23e: {  	v57 =	vld [tilespmem:s6+$0xFFFFFF60]  }
0x23f: {  	v49 =	vsub.f32 $1.000000000e+00, v0;
	v50 =	vsub.f32 $1.000000000e+00, v1  }
0x240: {  	v60 =	vld [tilespmem:s6+$0xFFFFFFE0]  }
0x241: {  	v52 =	vsub.f32 $1.000000000e+00, v48;
	v56 =	vshll.u32 v51, $0x10;
	v53 =	vmul.f32 v50, v49  }
0x242: {  	v5 =	vand.u32 $0xFFFF0000, v51;
	v58 =	vshll.u32 v54, $0x10;
	v8 =	vand.u32 $0xFFFF0000, v54  }
0x243: {  	v63 =	vld [tilespmem:s6+$0x60];
	v61 =	vshll.u32 v57, $0x10;
	v3 =	vmul.f32 v1, v49;
	v55 =	vmul.f32 v52, v53  }
0x244: {  	v62 =	vand.u32 $0xFFFF0000, v57;
	v4 =	vmul.f32 v50, v0;
	v7 =	vmul.f32 v53, v48  }
0x245: {  	v18 =	vld [tilespmem:s6+$0xE0];
	v16 =	vshll.u32 v60, $0x10;
	v10 =	vmul.f32 v56, v55;
	v5 =	vmul.f32 v5, v55  }
0x246: {  	v17 =	vand.u32 $0xFFFF0000, v60;
	v59 =	vmul.f32 v52, v3;
	v9 =	vmul.f32 v58, v7  }
0x247: {  	v7 =	vmul.f32 v8, v7;
	v10 =	vadd.f32 $0.0e+00, v10;
	v5 =	vadd.f32 $0.0e+00, v5  }
0x248: {  	v21 =	vshll.u32 v63, $0x10;
	v3 =	vmul.f32 v48, v3;
	v8 =	vmul.f32 v61, v59  }
0x249: {  	v22 =	vld [tilespmem:s6+$0x160];
	v9 =	vadd.f32 v9, v10;
	v5 =	vadd.f32 v7, v5;
	v7 =	vmul.f32 v62, v59  }
0x24a: {  	v23 =	vshll.u32 v18, $0x10;
	v20 =	vmul.f32 v52, v4;
	v19 =	vmul.f32 v16, v3  }
0x24b: {  	v3 =	vmul.f32 v17, v3;
	v8 =	vadd.f32 v8, v9;
	v5 =	vadd.f32 v7, v5  }
0x24c: {  	v0 =	vmul.f32 v1, v0;
	v4 =	vmul.f32 v4, v48;
	v10 =	vand.u32 $0xFFFF0000, v63  }
0x24d: {  	v24 =	vld [tilespmem:s6+$0x1E0];
	v7 =	vadd.f32 v19, v8;
	v3 =	vadd.f32 v3, v5;
	v5 =	vmul.f32 v21, v20  }
0x24e: {  	v26 =	vand.u32 $0xFFFF0000, v18;
	v27 =	vshll.u32 v22, $0x10;
	v9 =	vmul.f32 v10, v20  }
0x24f: {  	v6 =	vmul.f32 v52, v0;
	v25 =	vmul.f32 v23, v4;
	v5 =	vadd.f32 v5, v7  }
0x250: {  	v0 =	vmul.f32 v48, v0;
	v4 =	vmul.f32 v26, v4;
	v3 =	vadd.f32 v9, v3  }
0x251: {  	v8 =	vand.u32 $0xFFFF0000, v22;
	v7 =	vmul.f32 v27, v6;
	v5 =	vadd.f32 v25, v5  }
0x252: {  	v30 =	vshll.u32 v24, $0x10;
	v29 =	vmul.f32 v8, v6;
	v28 =	vadd.f32 v4, v3  }
0x253: {  	v1 =	vand.u32 $0xFFFF0000, v24;
	v4 =	vmul.f32 v30, v0;
	v5 =	vadd.f32 v7, v5  }
0x254: {  	v0 =	vmul.f32 v1, v0;
	v2 =	vadd.f32 v29, v28  }
0x255: {  	v31 =	vadd.f32 v4, v5  }
0x256: {  	v0 =	vadd.f32 v0, v2  }
0x257: {  	[tilespmem:s0+$0xFFFFFFE0] =	vst v31  }
0x258: {  	[tilespmem:s0+$0x60] =	vst v0  }
0x259: {  	v0 =	vld [tilespmem:s28+$0xFFFFFFB0]  }
0x25a: {  	v1 =	vld [tilespmem:s28+$0x30]  }
0x25b: {  	v32 =	vld [tilespmem:s28+$0xB0]  }
0x25c: {  	v35 =	vld [tilespmem:s6+$0xFFFFFE70]  }
0x25d: {  	v38 =	vld [tilespmem:s6+$0xFFFFFEF0]  }
0x25e: {  	v41 =	vld [tilespmem:s6+$0xFFFFFF70]  }
0x25f: {  	v33 =	vsub.f32 $1.000000000e+00, v0;
	v34 =	vsub.f32 $1.000000000e+00, v1  }
0x260: {  	v44 =	vld [tilespmem:s6+$0xFFFFFFF0]  }
0x261: {  	v36 =	vsub.f32 $1.000000000e+00, v32;
	v40 =	vshll.u32 v35, $0x10;
	v37 =	vmul.f32 v34, v33  }
0x262: {  	v5 =	vand.u32 $0xFFFF0000, v35;
	v42 =	vshll.u32 v38, $0x10;
	v8 =	vand.u32 $0xFFFF0000, v38  }
0x263: {  	v47 =	vld [tilespmem:s6+$0x70];
	v45 =	vshll.u32 v41, $0x10;
	v3 =	vmul.f32 v1, v33;
	v39 =	vmul.f32 v36, v37  }
0x264: {  	v46 =	vand.u32 $0xFFFF0000, v41;
	v4 =	vmul.f32 v34, v0;
	v7 =	vmul.f32 v37, v32  }
0x265: {  	v50 =	vld [tilespmem:s6+$0xF0];
	v48 =	vshll.u32 v44, $0x10;
	v10 =	vmul.f32 v40, v39;
	v5 =	vmul.f32 v5, v39  }
0x266: {  	v49 =	vand.u32 $0xFFFF0000, v44;
	v43 =	vmul.f32 v36, v3;
	v9 =	vmul.f32 v42, v7  }
0x267: {  	v7 =	vmul.f32 v8, v7;
	v10 =	vadd.f32 $0.0e+00, v10;
	v5 =	vadd.f32 $0.0e+00, v5  }
0x268: {  	v53 =	vshll.u32 v47, $0x10;
	v3 =	vmul.f32 v32, v3;
	v8 =	vmul.f32 v45, v43  }
0x269: {  	v54 =	vld [tilespmem:s6+$0x170];
	v9 =	vadd.f32 v9, v10;
	v5 =	vadd.f32 v7, v5;
	v7 =	vmul.f32 v46, v43  }
0x26a: {  	v55 =	vshll.u32 v50, $0x10;
	v52 =	vmul.f32 v36, v4;
	v51 =	vmul.f32 v48, v3  }
0x26b: {  	v3 =	vmul.f32 v49, v3;
	v8 =	vadd.f32 v8, v9;
	v5 =	vadd.f32 v7, v5  }
0x26c: {  	v0 =	vmul.f32 v1, v0;
	v4 =	vmul.f32 v4, v32;
	v10 =	vand.u32 $0xFFFF0000, v47  }
0x26d: {  	v56 =	vld [tilespmem:s6+$0x1F0];
	v7 =	vadd.f32 v51, v8;
	v3 =	vadd.f32 v3, v5;
	v5 =	vmul.f32 v53, v52  }
0x26e: {  	v58 =	vand.u32 $0xFFFF0000, v50;
	v59 =	vshll.u32 v54, $0x10;
	v9 =	vmul.f32 v10, v52  }
0x26f: {  	v6 =	vmul.f32 v36, v0;
	v57 =	vmul.f32 v55, v4;
	v5 =	vadd.f32 v5, v7  }
0x270: {  	v0 =	vmul.f32 v32, v0;
	v4 =	vmul.f32 v58, v4;
	v3 =	vadd.f32 v9, v3  }
0x271: {  	v8 =	vand.u32 $0xFFFF0000, v54;
	v7 =	vmul.f32 v59, v6;
	v5 =	vadd.f32 v57, v5  }
0x272: {  	v62 =	vshll.u32 v56, $0x10;
	v61 =	vmul.f32 v8, v6;
	v60 =	vadd.f32 v4, v3  }
0x273: {  	p0 =	sne.s32 s26, $0x3C;
	v1 =	vand.u32 $0xFFFF0000, v56;
	v4 =	vmul.f32 v62, v0;
	v5 =	vadd.f32 v7, v5  }
.Ltmp1:
0x274: {  	v0 =	vmul.f32 v1, v0;
	v2 =	vadd.f32 v61, v60;
	(pc) =	sbr.rel @p0 .LBB2_5-.Ltmp1, $4  }
0x275: {  	v63 =	vadd.f32 v4, v5  }
0x276: {  	v0 =	vadd.f32 v0, v2  }
0x277: {  	s26 =	sadd.s32 $0x4, s26;
	[tilespmem:s0+$0xFFFFFFF0] =	vst v63  }
0x278: {  	s6 =	sadd.s32 $0x400, s6;
	s28 =	sadd.s32 $0x180, s28;
	[tilespmem:s0+$0x70] =	vst v0;
	s0 =	sadd.s32 $0x100, s0  }
0x279: {  	s0 =	sshll.u32 s25, $0x9;
	s25 =	sadd.s32 $0x1, s25  }
0x27a: {  	p0 =	sne.s32 s25, $0x80  }
.Ltmp2:
0x27b: {  	s0 =	sadd.s32 s0, s13;
	(pc) =	sbr.rel @p0 .LBB2_2-.Ltmp2, $4  }
0x27c: {  	[hbm4b:s0+s2] =	stream.linear.scatter [tilespmem:s23], [sflag:$0x11], $0x1000, $0x38;
	[tilespmem:$0xD180] =	vst v63  }
0x27d: {  	_ =	swait.ge [sflag:s16], $0x1000  }
0x27e: {  	[sflag:s16] =	ssyncset.done $0x0  }
0x27f: {  	[sflag:s16] =	ssyncadd.s32 $0xFFFFF000  }
0x280: {  	s24 =	sadd.s32 $0x1, s24  }
0x281: {  	p0 =	sne.s32 s24, s14  }
.Ltmp3:
0x282: {  	_ = 	snop;
	(pc) =	sbr.rel @p0 .LBB2_1-.Ltmp3, $1  }
0x283: {  	_ =	sdelay $0x3  }
0x284: {  	_ =	sfence.sel $0x180000  }
0x285: {  	[bflag:$0x0] =	sbarrier.arrive $0xFFFF  }
0x286: {  	_ =	strace $0x9000004A  }
0x287: {  	s0 =	stileid.u32;
	[bflag:$0x2] =	sbarrier.arrive $0xFFFF  }
0x288: {  	p0 =	sne.s32 s0, $0x0;
	s0 =	rddreg [dreg:$0x2]  }
0x289: {  	s0 =	sadd.s32 @!p0 $0x100000, s0  }
0x28a: {  	[sflag:s0] =	ssyncadd.tile.s32 @!p0 $0x1;
	_ =	shalt  }
.Lfunc_end2:
_tile_overlayer_lowered:
.L_overlay_start_2:
0x28b: {  	(tag) =	ssettag $0x2  }
0x28c: {  	s0 =	rddreg [dreg:$0x0];
	s2 =	stileid.u32  }
0x28d: {  	s1 =	rddreg [dreg:$0x1];
	p0 =	sne.s32 s2, $0x0  }
0x28e: {  	s3 =	rddreg [dreg:$0x2];
	[bflag:$0x3] =	sbarrier.arrive $0xFFFF;
	s2 =	simm.s32 @!p0 $0x1C11  }
0x28f: {  	[timem:s3], [sflag:s2] =	dma.local @!p0 [hbm:s0], s1  }
0x290: {  	s0 =	simm.s32 @!p0 $0x11  }
0x291: {  	_ =	swait.ge @!p0 [sflag:s0], s1  }
0x292: {  	s1 =	ssub.s32 @!p0 $0x0, s1;
	[sflag:s0] =	ssyncset.done @!p0 $0x0  }
0x293: {  	[sflag:s0] =	ssyncadd.s32 @!p0 s1  }
0x294: {  	[bflag:$0x3] =	sbarrier.arrive $0xFFFF  }
0x295: {  	_ =	shalt  }

// kernel: sparse-core-data-format-call.cloned.1.call-start
scs
called_computation_lowered:
.L_overlay_start_0:
0x0: {  	s1 =	sld [smem:$0x3FD9]  }
0x1: {  	s2 =	sld [smem:$0x3FFE];
	_ =	sdelay $0x1  }
0x2: {  	s3 =	srdreg.scid  }
0x3: {  	s0 =	sand.u32 $0x1, s3  }
0x4: {  	s17 =	sshll.u32 s0, $0xA;
	s1 =	sadd.s32 s2, s1  }
0x5: {  	s1 =	sadd.s32 s1, s17  }
0x6: {  	[smem:$0x3FC4] =	sst s1  }
0x7: {  	_ = 	snop  }
0x8: {  	(tm) =	ssettm $0x1  }
0x9: {  	s18 =	sld [smem:$0x3FFB];
	_ =	sdelay $0x3  }
0xa: {  	_ =	strace s18  }
0xb: {  	s1 =	sld [smem:$0x3FFC];
	_ =	sdelay $0x3  }
0xc: {  	_ =	strace s1  }
0xd: {  	s1 =	sld [smem:$0x3FFD];
	_ =	sdelay $0x3  }
0xe: {  	_ =	strace s1  }
0xf: {  	_ =	strace $0x8FFFFFFF  }
0x10: {  	s19 =	sld [smem:$0x3FDB];
	_ =	sdelay $0x1  }
0x11: {  	s20 =	simm.s32 $_scs_section_size  }
0x12: {  	s4 =	simm.s32 $_size__tile_overlayer_lowered;
	s5 =	simm.s32 $_tile_overlayer_lowered  }
0x13: {  	s23 =	simm.s32 $0x1BFF;
	s22 =	sshll.u32 s5, $0x1;
	s1 =	sadd.s32 s20, s19  }
0x14: {  	s6 =	simm.s32 $0x0;
	s21 =	sshll.u32 s4, $0x1;
	s4 =	sadd.s32 s22, s1  }
0x15: {  	[timem:s6], [sflag:s23] =	dma.local [hbm:s4], s21  }
0x16: {  	_ =	swait.ge [sflag:s23], s21  }
0x17: {  	s2 =	ssub.s32 $0x0, s21;
	[sflag:s23] =	ssyncset.done $0x0  }
0x18: {  	[sflag:s23] =	ssyncadd.s32 s2;
	_ =	sdelay $0x1  }
0x19: {  	s24 =	simm.s32 $0x1B8B  }
0x1a: {  	_ =	swait.ge [sflag:s24], $0x1  }
0x1b: {  	[sflag:s24] =	ssyncset.done $0x0  }
0x1c: {  	s26 =	simm.s32 $0x1B8E;
	s25 =	sld [smem:$0x3FFE];
	[sflag:s24] =	ssyncadd.s32 $0xFFFFFFFF  }
0x1d: {  	s27 =	simm.s32 $execute0_lowered;
	[smem:$0x3FD2] =	sst s26  }
0x1e: {  	s4 =	sshll.u32 s27, $0x1;
	_ =	strace $0x80000046;
	[dreg:$0x1] =	wrdreg $0xFFFFFFFF  }
0x1f: {  	s28 =	simm.s32 $_size_execute0_lowered;
	s1 =	sadd.s32 s1, s4;
	[dreg:$0x0] =	wrdreg $0x0  }
0x20: {  	s4 =	sshll.u32 s28, $0x1;
	[dreg:$0x2] =	wrdreg s1  }
0x21: {  	[dreg:$0x3] =	wrdreg s4  }
0x22: {  	[dreg:$0x4] =	wrdreg $0xC0  }
0x23: {  	_ =	task [dreg:s6], $0x5FFFF  }
0x24: {  	[dreg:$0x1] =	wrdreg $0xFFFFFFFF  }
0x25: {  	[dreg:$0x0] =	wrdreg $0x60  }
0x26: {  	[dreg:$0x2] =	wrdreg s25  }
0x27: {  	[dreg:$0x3] =	wrdreg $0x9  }
0x28: {  	_ =	task.clear_ibuf [dreg:s6], $0x4FFFF;
	_ =	strace $0x90000046  }
0x29: {  	s29 =	simm.s32 $0x9;
	_ =	strace $0x80000048  }
0x2a: {  	_ =	swait.ge [sflag:s29], $0x1  }
0x2b: {  	[sflag:s29] =	ssyncadd.s32 $0xFFFFFFFF  }
0x2c: {  	_ =	strace $0x90000048  }
0x2d: {  	_ =	sfence  }
0x2e: {  	s30 =	sld [smem:$0x0];
	_ =	sdelay $0x2  }
0x2f: {  	s31 =	sshll.u32 s3, $0xD;
	s3 =	sshrl.u32 s3, $0x2  }
0x30: {  	s2 =	sand.u32 $0x4000, s31;
	s1 =	sadd.s32 s3, s30  }
0x31: {  	s0 =	sor.u32 s2, s0;
	s1 =	sshll.u32 s1, $0x11  }
0x32: {  	s0 =	sor.u32 s1, s0  }
0x33: {  	s0 =	sadd.s32 $0x8F2B, s0  }
0x34: {  	[sflag:s0] =	ssyncadd.remote.s32 $0x1  }
0x35: {  	_ =	sfence.sel $0xFFFF  }
0x36: {  	[dreg:$0x0] =	wrdreg $0xFFFFFFFF;
	(pc) =	sbr.abs _section_cstart, $3  }
0x37: {  	[dreg:$0x1] =	wrdreg $0xFFFFFFFF  }
0x38: {  	_ =	task.clear_ibuf [dreg:s6], $0x2FFFF;
	_ =	strace $0x9FFFFFFF  }
0x39: {  	(tm) =	ssettm $0x7FFFFFFF  }
tec
execute0_lowered:
.L_overlay_start_1:
0x0: {  	(tag) =	ssettag $0x1  }
0x1: {  	s0 =	stileid.u32;
	s1 =	srdreg.scid  }
0x2: {  	s7 =	rddreg [dreg:$0x0];
	s31 =	simm.s32 $0x2;
	s15 =	simm.s32 $0x0  }
0x3: {  	s9 =	simm.s32 $0x800;
	s2 =	sshll.u32 s0, $0x3;
	s1 =	sshll.u32 s1, $0x7  }
0x4: {  	s10 =	simm.s32 $0x80000;
	s1 =	sor.u32 s2, s1;
	s2 =	sand.u32 $0x1, s0  }
0x5: {  	s11 =	simm.s32 $0x0;
	s1 =	sand.u32 $0xF0, s1;
	s4 =	ssub.s32 $0x2, s2  }
0x6: {  	s16 =	simm.s32 $0x0;
	s3 =	ssub.s32 $0x1000, s1;
	s6 =	sshrl.u32 s4, $0x1  }
0x7: {  	s4 =	sand.u32 $0x1, s4;
	s5 =	sand.u32 $0xF0, s3;
	s8 =	sshrl.u32 s3, $0x8  }
0x8: {  	s3 =	rddreg [dreg:$0x1];
	p0 =	sne.s32 s5, $0x0;
	s5 =	simm.s32 $0x1  }
.Ltmp0:
0x9: {  	s6 =	sadd.s32 s4, s6;
	s5 =	simm.s32 @!p0 $0x0;
	(pc) =	sbr.rel .LBB1_1-.Ltmp0, $4  }
0xa: {  	_ =	strace $0x80000047;
	s4 =	simm.s32 $0x1;
	s5 =	sadd.s32 s5, s8  }
0xb: {  	s14 =	simm.s32 $0x0;
	[sflag:s4] =	ssyncpa.u1 $0x0;
	s5 =	smul.u32 s6, s5  }
0xc: {  	s13 =	smov.u32 s2;
	s12 =	smov.u32 s1;
	[sflag:s31] =	ssyncpa.u1 $0x0  }
0xd: {  	s6 =	sadd.s32 $0x1C00, s7;
	s7 =	sadd.s32 $0x101C00, s7;
	s8 =	sadd.s32 $0x1, s5  }
.LBB1_7:
0xe: {  	s17 =	sadd.s32 $0x100, s12  }
0xf: {  	s15 =	sadd.s32 $0x2, s13;
	s19 =	smov.u32 s13;
	p1 =	sgt.s32 s17, $0xFFF  }
0x10: {  	s19 =	smov.u32 @p1 s15  }
0x11: {  	s17 =	smov.u32 @p1 s1;
	p1 =	sgt.s32 s19, $0x1  }
0x12: {  	s19 =	smov.u32 @p1 s2;
	p1 =	sne.s32 s14, s8  }
.Ltmp1:
0x13: {  	p0 =	slt.u32 s14, $0x2;
	(pc) =	sbr.rel @!p1 .LBB1_8-.Ltmp1, $4  }
0x14: {  	s18 =	simm.s32 @!p0 $0x2  }
0x15: {  	s16 =	smov.u32 s13;
	s11 =	sadd.s32 $0x4000, s11;
	_ =	swait.ge @!p0 [sflag:s18], $0x4000  }
0x16: {  	s15 =	smov.u32 s12;
	[sflag:s18] =	ssyncset.done @!p0 $0x0;
	s12 =	smov.u32 s17  }
0x17: {  	s14 =	sadd.s32 $0x1, s14;
	[sflag:s18] =	ssyncadd.s32 @!p0 $0xFFFFC000;
	s13 =	smov.u32 s19  }
.LBB1_1:
0x18: {  	p0 =	sge.u32 s14, s5  }
0x19: {  	s31 =	sadd.s32 $0xFFFFFFFF, s14;
	s17 =	sxor.u32 @!p0 $0xFFFFFFFF, s14;
	s18 =	sshll.u32 @!p0 s13, $0x13  }
0x1a: {  	s19 =	sshll.u32 @!p0 s12, $0x7;
	s17 =	sshll.u32 @!p0 s17, $0xE;
	s18 =	sadd.s32 @!p0 s6, s18  }
0x1b: {  	s17 =	sand.u32 @!p0 $0x4000, s17;
	s18 =	sadd.s32 @!p0 s19, s18;
	s19 =	simm.s32 @!p0 $0x0  }
0x1c: {  	[tilespmem:s17], [sflag:$0x1] =	stream.linear.gather @!p0 [hbm4b:s18+s19], $0x4000, $0x38;
	[tilespmem:$0x10000] =	vst v63  }
0x1d: {  	p0 =	sge.u32 s31, s5  }
.Ltmp2:
0x1e: {  	_ = 	snop;
	(pc) =	sbr.rel @p0 .LBB1_7-.Ltmp2, $1  }
0x1f: {  	_ =	sdelay $0x3  }
0x20: {  	s18 =	sand.u32 $0x4000, s11  }
0x21: {  	_ =	swait.ge [sflag:s4], $0x4000;
	s20 =	sshll.u32 s14, $0xE;
	s17 =	sor.u32 $0x8040, s18  }
0x22: {  	s19 =	sor.u32 $0x40, s18;
	[sflag:s4] =	ssyncset.done $0x0;
	s31 =	sand.u32 $0x4000, s20  }
0x23: {  	s20 =	simm.s32 $0x0;
	[sflag:s4] =	ssyncadd.s32 $0xFFFFC000;
	s18 =	sor.u32 $0x8000, s31  }
.LBB1_3:
0x24: {  	v0 =	vmov s19;
	_ =	sdelay $0x3  }
0x25: {  	s22 =	simm.s32 $0x0  }
0x26: {  	v6 =	vld.idx.msk [tilespmem:v0+s22+$0x30 ss:$0x1], $0xffff  }
0x27: {  	v7 =	vld.idx.msk [tilespmem:v0+s22+$0xFFFFFFC0 ss:$0x1], $0xffff  }
0x28: {  	v5 =	vld.idx.msk [tilespmem:v0+s22+$0xFFFFFFD0 ss:$0x1], $0xffff  }
0x29: {  	v4 =	vld.idx.msk [tilespmem:v0+s22+$0xFFFFFFE0 ss:$0x1], $0xffff  }
0x2a: {  	v3 =	vld.idx.msk [tilespmem:v0+s22+$0xFFFFFFF0 ss:$0x1], $0xffff  }
0x2b: {  	v1 =	vld.idx.msk [tilespmem:v0+s22+$0x0 ss:$0x1], $0xffff  }
0x2c: {  	v2 =	vld.idx.msk [tilespmem:v0+s22+$0x10 ss:$0x1], $0xffff;
	[tilespmem:s17+$0x30] =	vst v6  }
0x2d: {  	s21 =	simm.s32 $0x80;
	s23 =	simm.s32 $0x400;
	[tilespmem:s17+$0xFFFFFFC0] =	vst v7;
	v6 =	vld.idx.msk [tilespmem:v0+s22+$0x20 ss:$0x1], $0xffff;
	s22 =	smov.u32 s17  }
.LBB1_4:
0x2e: {  	p0 =	sne.s32 s23, $0xE00;
	v7 =	vld.idx.msk [tilespmem:v0+s21+$0x30 ss:$0x1], $0xffff;
	[tilespmem:s22+$0xFFFFFFD0] =	vst v5  }
0x2f: {  	v8 =	vld.idx.msk [tilespmem:v0+s21+$0xFFFFFFC0 ss:$0x1], $0xffff;
	[tilespmem:s22+$0xFFFFFFE0] =	vst v4  }
0x30: {  	v5 =	vld.idx.msk [tilespmem:v0+s21+$0xFFFFFFD0 ss:$0x1], $0xffff;
	[tilespmem:s22+$0xFFFFFFF0] =	vst v3  }
.Ltmp3:
0x31: {  	v4 =	vld.idx.msk [tilespmem:v0+s21+$0xFFFFFFE0 ss:$0x1], $0xffff;
	[tilespmem:s22+$0x0] =	vst v1;
	(pc) =	sbr.rel @p0 .LBB1_4-.Ltmp3, $4  }
0x32: {  	v3 =	vld.idx.msk [tilespmem:v0+s21+$0xFFFFFFF0 ss:$0x1], $0xffff;
	[tilespmem:s22+$0x10] =	vst v2  }
0x33: {  	v1 =	vld.idx.msk [tilespmem:v0+s21+$0x0 ss:$0x1], $0xffff;
	[tilespmem:s22+$0x20] =	vst v6;
	s22 =	sadd.s32 $0x800, s22  }
0x34: {  	v2 =	vld.idx.msk [tilespmem:v0+s21+$0x10 ss:$0x1], $0xffff;
	[tilespmem:s22+$0x30] =	vst v7  }
0x35: {  	[tilespmem:s22+$0xFFFFFFC0] =	vst v8;
	v6 =	vld.idx.msk [tilespmem:v0+s21+$0x20 ss:$0x1], $0xffff;
	s21 =	sshra.s32 s23, $0x2;
	s23 =	sadd.s32 $0x200, s23  }
0x36: {  	_ =	sdelay $0x2  }
0x37: {  	[tilespmem:s22+$0xFFFFFFD0] =	vst v5  }
0x38: {  	v56 =	vld.idx.msk [tilespmem:v0+s21+$0x30 ss:$0x1], $0xffff;
	[tilespmem:s22+$0xFFFFFFE0] =	vst v4  }
0x39: {  	v57 =	vld.idx.msk [tilespmem:v0+s21+$0xFFFFFFC0 ss:$0x1], $0xffff;
	[tilespmem:s22+$0xFFFFFFF0] =	vst v3  }
0x3a: {  	v58 =	vld.idx.msk [tilespmem:v0+s21+$0xFFFFFFD0 ss:$0x1], $0xffff;
	[tilespmem:s22+$0x0] =	vst v1  }
0x3b: {  	v59 =	vld.idx.msk [tilespmem:v0+s21+$0xFFFFFFE0 ss:$0x1], $0xffff;
	[tilespmem:s22+$0x10] =	vst v2  }
0x3c: {  	v60 =	vld.idx.msk [tilespmem:v0+s21+$0xFFFFFFF0 ss:$0x1], $0xffff;
	s31 =	sadd.s32 $0x800, s22;
	[tilespmem:s22+$0x20] =	vst v6  }
0x3d: {  	v61 =	vld.idx.msk [tilespmem:v0+s21+$0x0 ss:$0x1], $0xffff;
	[tilespmem:s31+$0x30] =	vst v56  }
0x3e: {  	v62 =	vld.idx.msk [tilespmem:v0+s21+$0x10 ss:$0x1], $0xffff;
	s20 =	sadd.s32 $0x1, s20;
	[tilespmem:s31+$0xFFFFFFC0] =	vst v57  }
0x3f: {  	v63 =	vld.idx.msk [tilespmem:v0+s21+$0x20 ss:$0x1], $0xffff;
	p0 =	sne.s32 s20, $0x10;
	[tilespmem:s31+$0xFFFFFFD0] =	vst v58  }
.Ltmp4:
0x40: {  	[tilespmem:s31+$0xFFFFFFE0] =	vst v59;
	(pc) =	sbr.rel @p0 .LBB1_3-.Ltmp4, $4  }
0x41: {  	[tilespmem:s31+$0xFFFFFFF0] =	vst v60  }
0x42: {  	[tilespmem:s31+$0x0] =	vst v61  }
0x43: {  	[tilespmem:s31+$0x10] =	vst v62  }
0x44: {  	s17 =	sadd.s32 $0x80, s17;
	s19 =	sadd.s32 $0x400, s19;
	[tilespmem:s31+$0x20] =	vst v63  }
.Ltmp5:
0x45: {  	(pc) =	sbr.rel .LBB1_7-.Ltmp5, $4  }
0x46: {  	s16 =	sshll.u32 s16, $0x13;
	s15 =	sshll.u32 s15, $0x4  }
0x47: {  	s15 =	sand.u32 $0xFFF0, s15;
	s16 =	sadd.s32 s7, s16  }
0x48: {  	s15 =	sadd.s32 s15, s16  }
0x49: {  	[hbm4b:s15+s9] =	stream.strided.scatter [tilespmem:s18], [sflag:$0x2], $0x4000, s10, s9, $0x38;
	[tilespmem:$0x10000] =	vst v63  }
.LBB1_8:
0x4a: {  	_ =	sfence.sel $0x180000  }
0x4b: {  	s1 =	simm.s32 $0x1;
	[bflag:$0x0] =	sbarrier.arrive $0xFFFF  }
0x4c: {  	s31 =	simm.s32 $0x2;
	[sflag:s1] =	ssyncpa.u1 $0x1  }
0x4d: {  	[sflag:s31] =	ssyncpa.u1 $0x1  }
0x4e: {  	p0 =	sne.s32 s0, $0x0;
	_ =	strace $0x90000047  }
0x4f: {  	s0 =	sadd.s32 @!p0 $0x100000, s3;
	[bflag:$0x2] =	sbarrier.arrive $0xFFFF  }
0x50: {  	[sflag:s0] =	ssyncadd.tile.s32 @!p0 $0x1;
	_ =	shalt  }
.Lfunc_end1:
_tile_overlayer_lowered:
.L_overlay_start_2:
0x51: {  	(tag) =	ssettag $0x2  }
0x52: {  	s0 =	rddreg [dreg:$0x0];
	s2 =	stileid.u32  }
0x53: {  	s1 =	rddreg [dreg:$0x1];
	p0 =	sne.s32 s2, $0x0  }
0x54: {  	s3 =	rddreg [dreg:$0x2];
	[bflag:$0x3] =	sbarrier.arrive $0xFFFF;
	s2 =	simm.s32 @!p0 $0x1C01  }
0x55: {  	[timem:s3], [sflag:s2] =	dma.local @!p0 [hbm:s0], s1  }
0x56: {  	s0 =	simm.s32 @!p0 $0x1  }
0x57: {  	_ =	swait.ge @!p0 [sflag:s0], s1  }
0x58: {  	s1 =	ssub.s32 @!p0 $0x0, s1;
	[sflag:s0] =	ssyncset.done @!p0 $0x0  }
0x59: {  	[sflag:s0] =	ssyncadd.s32 @!p0 s1  }
0x5a: {  	[bflag:$0x3] =	sbarrier.arrive $0xFFFF  }
0x5b: {  	_ =	shalt  }

</sc_bundles>
